<compile_context>
chip_gen: v7x
topology: tpu7x:2x2x1
jax: 0.10.2.dev20260603
libtpu: 0.0.44.dev20260713+nightly
codegen_flags: <defaults>
</compile_context>

<pallas_src>
import functools

import jax
import jax.numpy as jnp
from jax import lax
from jax.experimental import pallas as pl
from jax.experimental.pallas import tpu as pltpu
from jax.experimental.pallas import tpu_sc as plsc

N_NODES = 100000
MEM_DIM = 128
MSG_DIM = 256
B = 16384

NC = 2
NS = 16
NW = NC * NS
B_PER_W = B // NW
NCHUNK = 4
CHUNK = B_PER_W // NCHUNK

_MESH = functools.partial(
    plsc.VectorSubcoreMesh, core_axis_name="c", subcore_axis_name="s"
)


def _worker_id():
  return lax.axis_index("s") * NC + lax.axis_index("c")


@functools.partial(
    pl.kernel,
    mesh=_MESH(),
    out_type=jax.ShapeDtypeStruct((B, MEM_DIM), jnp.float32),
    scratch_types=[
        pltpu.VMEM((NCHUNK, CHUNK), jnp.int32),
        pltpu.VMEM((B_PER_W, MEM_DIM), jnp.float32),
    ]
    + [pltpu.SemaphoreType.DMA] * 5,
)
def _sc_gather(mem_hbm, nids_hbm, out_hbm,
               idx_v, rows_v, s0, s1, s2, s3, ss):
  wid = _worker_id()
  base = wid * B_PER_W
  pltpu.sync_copy(nids_hbm.at[wid], idx_v)
  sems = (s0, s1, s2, s3)
  gathers = []
  for k in range(NCHUNK):
    gathers.append(
        pltpu.async_copy(
            mem_hbm.at[idx_v.at[k]],
            rows_v.at[pl.ds(k * CHUNK, CHUNK)],
            sems[k],
        )
    )
  stores = []
  for k in range(NCHUNK):
    gathers[k].wait()
    stores.append(
        pltpu.async_copy(
            rows_v.at[pl.ds(k * CHUNK, CHUNK)],
            out_hbm.at[pl.ds(base + k * CHUNK, CHUNK)],
            ss,
        )
    )
  for c in stores:
    c.wait()


_HALF = N_NODES // NC
_NPAIR = NS // 2
_PAIR_ROWS = 6256
_PAIR_LAST = _HALF - (_NPAIR - 1) * _PAIR_ROWS
_CC = 384
_SIZES = [_CC] * 16 + [_PAIR_ROWS - 16 * _CC]
_SIZES_LAST = [_CC] * 16 + [_PAIR_LAST - 16 * _CC]
_NROUND = len(_SIZES)
_OFFS = [k * _CC for k in range(_NROUND)]


@functools.partial(
    pl.kernel,
    mesh=_MESH(),
    out_type=jax.ShapeDtypeStruct((N_NODES, MEM_DIM), jnp.float32),
    scratch_types=[
        pltpu.VMEM((NCHUNK, CHUNK), jnp.int32),
        pltpu.VMEM((CHUNK,), jnp.float32),
        pltpu.VMEM_SHARED((2 * _NPAIR * _CC, MEM_DIM), jnp.float32),
        pltpu.SemaphoreType.DMA,
    ],
)
def _sc_copy_lu(mem_hbm, nids_hbm, tvals_hbm, lu_hbm, out_hbm,
                idx_v, tv_v, spmem, sl):
  c = lax.axis_index("c")
  s = lax.axis_index("s")
  wid = s * NC + c
  pltpu.sync_copy(nids_hbm.at[wid], idx_v)
  pltpu.sync_copy(tvals_hbm, tv_v)
  lu_writes = [
      pltpu.async_copy(tv_v, lu_hbm.at[idx_v.at[k]], sl)
      for k in range(NCHUNK)
  ]

  pair = s % _NPAIR
  is_prod = s < _NPAIR
  is_last = pair == _NPAIR - 1
  base = pl.multiple_of(c * _HALF + pair * _PAIR_ROWS, 8)

  def _slot(parity, size):
    off = pl.multiple_of((pair * 2 + parity) * _CC, 8)
    return spmem.at[pl.ds(off, size)]

  for r in range(_NROUND + 1):
    if r < _NROUND:
      sz, szl = _SIZES[r], _SIZES_LAST[r]

      @pl.when(jnp.logical_and(is_prod, jnp.logical_not(is_last)))
      def _(r=r, sz=sz):
        pltpu.sync_copy(mem_hbm.at[pl.ds(base + _OFFS[r], sz)],
                        _slot(r % 2, sz))

      @pl.when(jnp.logical_and(is_prod, is_last))
      def _(r=r, szl=szl):
        pltpu.sync_copy(mem_hbm.at[pl.ds(base + _OFFS[r], szl)],
                        _slot(r % 2, szl))

    if r >= 1:
      sz, szl = _SIZES[r - 1], _SIZES_LAST[r - 1]

      @pl.when(jnp.logical_and(jnp.logical_not(is_prod),
                               jnp.logical_not(is_last)))
      def _(r=r, sz=sz):
        pltpu.sync_copy(_slot((r - 1) % 2, sz),
                        out_hbm.at[pl.ds(base + _OFFS[r - 1], sz)])

      @pl.when(jnp.logical_and(jnp.logical_not(is_prod), is_last))
      def _(r=r, szl=szl):
        pltpu.sync_copy(_slot((r - 1) % 2, szl),
                        out_hbm.at[pl.ds(base + _OFFS[r - 1], szl)])

    plsc.subcore_barrier()

  for cp in lu_writes:
    cp.wait()


_BM = 1024
_GRID = B // _BM


def _gru_body(msg_ref, h_ref, wi_ref, wh_ref, bi_ref, bh_ref, out_ref):
  gi = (
      jnp.dot(msg_ref[...], wi_ref[...], preferred_element_type=jnp.float32)
      + bi_ref[...]
  )
  gh = (
      jnp.dot(h_ref[...], wh_ref[...], preferred_element_type=jnp.float32)
      + bh_ref[...]
  )
  H = MEM_DIM
  r = jax.nn.sigmoid(gi[:, :H] + gh[:, :H])
  z = jax.nn.sigmoid(gi[:, H : 2 * H] + gh[:, H : 2 * H])
  n = jnp.tanh(gi[:, 2 * H :] + r * gh[:, 2 * H :])
  out_ref[...] = (1.0 - z) * n + z * h_ref[...]


def _tc_gru(msg, h, wi_t, wh_t, bi, bh):
  return pl.pallas_call(
      _gru_body,
      grid=(_GRID,),
      in_specs=[
          pl.BlockSpec((_BM, MSG_DIM), lambda i: (i, 0)),
          pl.BlockSpec((_BM, MEM_DIM), lambda i: (i, 0)),
          pl.BlockSpec((MSG_DIM, 3 * MEM_DIM), lambda i: (0, 0)),
          pl.BlockSpec((MEM_DIM, 3 * MEM_DIM), lambda i: (0, 0)),
          pl.BlockSpec((1, 3 * MEM_DIM), lambda i: (0, 0)),
          pl.BlockSpec((1, 3 * MEM_DIM), lambda i: (0, 0)),
      ],
      out_specs=pl.BlockSpec((_BM, MEM_DIM), lambda i: (i, 0)),
      out_shape=jax.ShapeDtypeStruct((B, MEM_DIM), jnp.float32),
  )(msg, h, wi_t, wh_t, bi, bh)


@functools.partial(
    pl.kernel,
    mesh=_MESH(),
    out_type=(),
    scratch_types=[
        pltpu.VMEM((NCHUNK, CHUNK), jnp.int32),
        pltpu.VMEM((B_PER_W, MEM_DIM), jnp.float32),
    ]
    + [pltpu.SemaphoreType.DMA] * 5,
)
def _sc_scatter(nids_hbm, hnew_hbm, mem_hbm,
                idx_v, rows_v, s0, s1, s2, s3, ss):
  wid = _worker_id()
  base = wid * B_PER_W
  pltpu.sync_copy(nids_hbm.at[wid], idx_v)
  sems = (s0, s1, s2, s3)
  loads = []
  for k in range(NCHUNK):
    loads.append(
        pltpu.async_copy(
            hnew_hbm.at[pl.ds(base + k * CHUNK, CHUNK)],
            rows_v.at[pl.ds(k * CHUNK, CHUNK)],
            sems[k],
        )
    )
  scatters = []
  for k in range(NCHUNK):
    loads[k].wait()
    scatters.append(
        pltpu.async_copy(
            rows_v.at[pl.ds(k * CHUNK, CHUNK)],
            mem_hbm.at[idx_v.at[k]],
            ss,
        )
    )
  for c in scatters:
    c.wait()


def kernel(unique_nids, unique_msg, time, memory, last_update,
           W_ih, W_hh, b_ih, b_hh):
  nids3 = unique_nids.astype(jnp.int32).reshape(NW, NCHUNK, CHUNK)
  tvals = jnp.full((CHUNK,), time, dtype=jnp.float32)
  lu_ref = jax.new_ref(last_update)
  h = _sc_gather(memory, nids3)
  h_new = _tc_gru(
      unique_msg, h, W_ih.T, W_hh.T,
      b_ih.reshape(1, -1), b_hh.reshape(1, -1),
  )
  mem_copy = _sc_copy_lu(memory, nids3, tvals, lu_ref)
  mem_ref = jax.new_ref(mem_copy)
  _sc_scatter(nids3, h_new, mem_ref)
  return jax.freeze(mem_ref), jax.freeze(lu_ref)

# --- scband reference (transcript-rebuilt; emitter-appended) ---
"""Pipeline reference for scband-grumemory-updater-8881992368211 (READ-ONLY COPY).

The authoritative reference and input builder live on the scoring server;
editing this copy changes nothing except your own understanding.
"""

import jax, jax.numpy as jnp
import numpy as np

N_NODES = 100000
MEM_DIM = 128
MSG_DIM = 256
B = 16384


def setup_inputs(seed: int = 0) -> dict:
    key = jax.random.key(seed)
    k1, k2, k3, k4, k5, k6, k7 = jax.random.split(key, 7)
    # unique node ids (permutation slice guarantees uniqueness, matching 'unique_nids')
    unique_nids = jax.random.permutation(k1, N_NODES)[:B]
    unique_msg = jax.random.normal(k2, (B, MSG_DIM), dtype=jnp.float32)
    # Memory module state
    memory = jax.random.normal(k3, (N_NODES, MEM_DIM), dtype=jnp.float32) * 0.1
    last_update = jnp.zeros((N_NODES,), dtype=jnp.float32)
    # GRUCell parameters (torch layout: W_ih [3H, I], W_hh [3H, H], biases [3H])
    s = 1.0 / np.sqrt(MEM_DIM)
    W_ih = jax.random.uniform(k4, (3 * MEM_DIM, MSG_DIM), dtype=jnp.float32, minval=-s, maxval=s)
    W_hh = jax.random.uniform(k5, (3 * MEM_DIM, MEM_DIM), dtype=jnp.float32, minval=-s, maxval=s)
    b_ih = jax.random.uniform(k6, (3 * MEM_DIM,), dtype=jnp.float32, minval=-s, maxval=s)
    b_hh = jax.random.uniform(k7, (3 * MEM_DIM,), dtype=jnp.float32, minval=-s, maxval=s)
    time = 100
    return {"unique_nids": unique_nids, "unique_msg": unique_msg, "time": time,
            "memory": memory, "last_update": last_update,
            "W_ih": W_ih, "W_hh": W_hh, "b_ih": b_ih, "b_hh": b_hh}


def _gru_cell(x, h, W_ih, W_hh, b_ih, b_hh):
    gi = x @ W_ih.T + b_ih
    gh = h @ W_hh.T + b_hh
    i_r, i_z, i_n = jnp.split(gi, 3, axis=1)
    h_r, h_z, h_n = jnp.split(gh, 3, axis=1)
    r = jax.nn.sigmoid(i_r + h_r)
    z = jax.nn.sigmoid(i_z + h_z)
    n = jnp.tanh(i_n + r * h_n)
    return (1.0 - z) * n + z * h


def reference(unique_nids, unique_msg, time, memory, last_update, W_ih, W_hh, b_ih, b_hh):
    # GRUMemoryUpdater.get_updated_memory: clone memory, gather rows, GRU update, scatter back
    h = jnp.take(memory, unique_nids, axis=0)
    h_new = _gru_cell(unique_msg, h, W_ih, W_hh, b_ih, b_hh)
    updated_memory = memory.at[unique_nids].set(h_new)
    updated_last_update = last_update.at[unique_nids].set(jnp.float32(time))
    return (updated_memory, updated_last_update)

if __name__ == "__main__":
    import jax
    _d = setup_inputs()
    print(jax.jit(kernel)(*tuple(_d.values())))

</pallas_src>

<mosaic_0001>
#map = affine_map<(d0, d1) -> (0, 0)>
#map1 = affine_map<(d0, d1) -> (0, 0, 0)>
#map2 = affine_map<(d0, d1) -> (0)>
module attributes {stable_mosaic.version = 14 : i64} {
  func.func @new_body(%arg0: i32, %arg1: i32, %arg2: memref<100000x128xf32, #tpu.memory_space<hbm>>, %arg3: memref<32x4x128xi32, #tpu.memory_space<hbm>>, %arg4: memref<128xf32, #tpu.memory_space<hbm>>, %arg5: memref<100000xf32, #tpu.memory_space<hbm>>, %arg6: memref<100000x128xf32, #tpu.memory_space<hbm>>, %arg7: memref<100000xf32, #tpu.memory_space<hbm>>, %arg8: memref<4x128xi32, #tpu.memory_space<vmem>>, %arg9: memref<128xf32, #tpu.memory_space<vmem>>, %arg10: memref<6144x128xf32, #tpu.memory_space<vmem_shared>>, %arg11: memref<!tpu.dma_semaphore, #tpu.memory_space<semaphore_mem>>) attributes {dimension_semantics = [#tpu.dimension_semantics<core_parallel>, #tpu.dimension_semantics<subcore_parallel>], iteration_bounds = array<i64: 2, 16>, scalar_prefetch = 0 : i64, scratch_operands = 4 : i64, tpu.core_type = #tpu.core_type<sc_vector_subcore>, window_params = [{transform_indices = #map}, {transform_indices = #map1}, {transform_indices = #map2}, {transform_indices = #map2}, {transform_indices = #map}, {transform_indices = #map2}]} {
    %mul3A = arith.constant 2 : i32
    %mul3A_0 = arith.muli %arg1, %mul3A : i32
    %add3A = arith.addi %mul3A_0, %arg0 : i32
    "tpu.region"() ({
      %run_scoped3A = tpu.sem_alloc : memref<!tpu.dma_semaphore, #tpu.memory_space<semaphore_mem>>
      %dma_start3A_487 = arith.constant 0 : i32
      %dma_start3A_488 = arith.constant 0 : i32
      %dma_start3A_489 = tpu.memref_slice %arg3[%add3A, %dma_start3A_487, %dma_start3A_488] : memref<32x4x128xi32, #tpu.memory_space<hbm>> -> memref<1x4x128xi32, #tpu.memory_space<hbm>>
      %dma_start3A_490 = tpu.memref_squeeze %dma_start3A_489 : memref<1x4x128xi32, #tpu.memory_space<hbm>> -> memref<4x128xi32, #tpu.memory_space<hbm>>
      %dma_start3A_491 = arith.constant 0 : i32
      %dma_start3A_492 = arith.constant 0 : i32
      %dma_start3A_493 = tpu.memref_slice %arg3[%add3A, %dma_start3A_491, %dma_start3A_492] : memref<32x4x128xi32, #tpu.memory_space<hbm>> -> memref<1x4x128xi32, #tpu.memory_space<hbm>>
      %dma_start3A_494 = tpu.memref_squeeze %dma_start3A_493 : memref<1x4x128xi32, #tpu.memory_space<hbm>> -> memref<4x128xi32, #tpu.memory_space<hbm>>
      tpu.enqueue_dma source(%dma_start3A_494 : memref<4x128xi32, #tpu.memory_space<hbm>>) target(%arg8 : memref<4x128xi32, #tpu.memory_space<vmem>>) target_semaphore(%run_scoped3A : memref<!tpu.dma_semaphore, #tpu.memory_space<semaphore_mem>>)
      %dma_wait3A_495 = arith.constant 0 : i32
      %dma_wait3A_496 = arith.constant 0 : i32
      %dma_wait3A_497 = tpu.memref_slice %arg3[%add3A, %dma_wait3A_495, %dma_wait3A_496] : memref<32x4x128xi32, #tpu.memory_space<hbm>> -> memref<1x4x128xi32, #tpu.memory_space<hbm>>
      %dma_wait3A_498 = tpu.memref_squeeze %dma_wait3A_497 : memref<1x4x128xi32, #tpu.memory_space<hbm>> -> memref<4x128xi32, #tpu.memory_space<hbm>>
      %dma_wait3A_499 = arith.constant 0 : i32
      %dma_wait3A_500 = arith.constant 0 : i32
      %dma_wait3A_501 = tpu.memref_slice %arg3[%add3A, %dma_wait3A_499, %dma_wait3A_500] : memref<32x4x128xi32, #tpu.memory_space<hbm>> -> memref<1x4x128xi32, #tpu.memory_space<hbm>>
      %dma_wait3A_502 = tpu.memref_squeeze %dma_wait3A_501 : memref<1x4x128xi32, #tpu.memory_space<hbm>> -> memref<4x128xi32, #tpu.memory_space<hbm>>
      tpu.wait_dma2 semaphore(%run_scoped3A : memref<!tpu.dma_semaphore, #tpu.memory_space<semaphore_mem>>) src(%dma_wait3A_502 : memref<4x128xi32, #tpu.memory_space<hbm>>) dst(%arg8 : memref<4x128xi32, #tpu.memory_space<vmem>>)
      tpu.yield
    }) : () -> ()
    "tpu.region"() ({
      %run_scoped3A = tpu.sem_alloc : memref<!tpu.dma_semaphore, #tpu.memory_space<semaphore_mem>>
      tpu.enqueue_dma source(%arg4 : memref<128xf32, #tpu.memory_space<hbm>>) target(%arg9 : memref<128xf32, #tpu.memory_space<vmem>>) target_semaphore(%run_scoped3A : memref<!tpu.dma_semaphore, #tpu.memory_space<semaphore_mem>>)
      tpu.wait_dma2 semaphore(%run_scoped3A : memref<!tpu.dma_semaphore, #tpu.memory_space<semaphore_mem>>) src(%arg4 : memref<128xf32, #tpu.memory_space<hbm>>) dst(%arg9 : memref<128xf32, #tpu.memory_space<vmem>>)
      tpu.yield
    }) : () -> ()
    %dma_start3A = arith.constant 0 : i32
    %dma_start3A_1 = arith.constant 0 : i32
    %dma_start3A_2 = tpu.memref_slice %arg8[%dma_start3A, %dma_start3A_1] : memref<4x128xi32, #tpu.memory_space<vmem>> -> memref<1x128xi32, #tpu.memory_space<vmem>>
    %dma_start3A_3 = tpu.memref_squeeze %dma_start3A_2 : memref<1x128xi32, #tpu.memory_space<vmem>> -> memref<128xi32, #tpu.memory_space<vmem>>
    %dma_start3A_4 = arith.constant 0 : i32
    %dma_start3A_5 = tpu.memref_slice %arg5[%dma_start3A_4] : memref<100000xf32, #tpu.memory_space<hbm>> -> memref<100000xf32, #tpu.memory_space<hbm>>
    tpu.enqueue_indirect_dma source(%arg9 : memref<128xf32, #tpu.memory_space<vmem>>) target(%dma_start3A_5 : memref<100000xf32, #tpu.memory_space<hbm>>) offsets(%dma_start3A_3 : memref<128xi32, #tpu.memory_space<vmem>>) semaphore(%arg11 : memref<!tpu.dma_semaphore, #tpu.memory_space<semaphore_mem>>)
    %dma_start3A_6 = arith.constant 1 : i32
    %dma_start3A_7 = arith.constant 0 : i32
    %dma_start3A_8 = tpu.memref_slice %arg8[%dma_start3A_6, %dma_start3A_7] : memref<4x128xi32, #tpu.memory_space<vmem>> -> memref<1x128xi32, #tpu.memory_space<vmem>>
    %dma_start3A_9 = tpu.memref_squeeze %dma_start3A_8 : memref<1x128xi32, #tpu.memory_space<vmem>> -> memref<128xi32, #tpu.memory_space<vmem>>
    %dma_start3A_10 = arith.constant 0 : i32
    %dma_start3A_11 = tpu.memref_slice %arg5[%dma_start3A_10] : memref<100000xf32, #tpu.memory_space<hbm>> -> memref<100000xf32, #tpu.memory_space<hbm>>
    tpu.enqueue_indirect_dma source(%arg9 : memref<128xf32, #tpu.memory_space<vmem>>) target(%dma_start3A_11 : memref<100000xf32, #tpu.memory_space<hbm>>) offsets(%dma_start3A_9 : memref<128xi32, #tpu.memory_space<vmem>>) semaphore(%arg11 : memref<!tpu.dma_semaphore, #tpu.memory_space<semaphore_mem>>)
    %dma_start3A_12 = arith.constant 2 : i32
    %dma_start3A_13 = arith.constant 0 : i32
    %dma_start3A_14 = tpu.memref_slice %arg8[%dma_start3A_12, %dma_start3A_13] : memref<4x128xi32, #tpu.memory_space<vmem>> -> memref<1x128xi32, #tpu.memory_space<vmem>>
    %dma_start3A_15 = tpu.memref_squeeze %dma_start3A_14 : memref<1x128xi32, #tpu.memory_space<vmem>> -> memref<128xi32, #tpu.memory_space<vmem>>
    %dma_start3A_16 = arith.constant 0 : i32
    %dma_start3A_17 = tpu.memref_slice %arg5[%dma_start3A_16] : memref<100000xf32, #tpu.memory_space<hbm>> -> memref<100000xf32, #tpu.memory_space<hbm>>
    tpu.enqueue_indirect_dma source(%arg9 : memref<128xf32, #tpu.memory_space<vmem>>) target(%dma_start3A_17 : memref<100000xf32, #tpu.memory_space<hbm>>) offsets(%dma_start3A_15 : memref<128xi32, #tpu.memory_space<vmem>>) semaphore(%arg11 : memref<!tpu.dma_semaphore, #tpu.memory_space<semaphore_mem>>)
    %dma_start3A_18 = arith.constant 3 : i32
    %dma_start3A_19 = arith.constant 0 : i32
    %dma_start3A_20 = tpu.memref_slice %arg8[%dma_start3A_18, %dma_start3A_19] : memref<4x128xi32, #tpu.memory_space<vmem>> -> memref<1x128xi32, #tpu.memory_space<vmem>>
    %dma_start3A_21 = tpu.memref_squeeze %dma_start3A_20 : memref<1x128xi32, #tpu.memory_space<vmem>> -> memref<128xi32, #tpu.memory_space<vmem>>
    %dma_start3A_22 = arith.constant 0 : i32
    %dma_start3A_23 = tpu.memref_slice %arg5[%dma_start3A_22] : memref<100000xf32, #tpu.memory_space<hbm>> -> memref<100000xf32, #tpu.memory_space<hbm>>
    tpu.enqueue_indirect_dma source(%arg9 : memref<128xf32, #tpu.memory_space<vmem>>) target(%dma_start3A_23 : memref<100000xf32, #tpu.memory_space<hbm>>) offsets(%dma_start3A_21 : memref<128xi32, #tpu.memory_space<vmem>>) semaphore(%arg11 : memref<!tpu.dma_semaphore, #tpu.memory_space<semaphore_mem>>)
    %jit3A = arith.constant 8 : i32
    %eq3A = arith.constant 0 : i32
    %eq3A_24 = arith.cmpi eq, %jit3A, %eq3A : i32
    %jit3A_25 = arith.constant 1 : i32
    %select_n3A = arith.select %eq3A_24, %jit3A_25, %jit3A : i32
    %rem3A = arith.remsi %arg1, %select_n3A : i32
    %ne3A = arith.constant 0 : i32
    %ne3A_26 = arith.cmpi ne, %rem3A, %ne3A : i32
    %lt3A = arith.constant 0 : i32
    %lt3A_27 = arith.cmpi slt, %rem3A, %lt3A : i32
    %lt3A_28 = arith.constant 0 : i32
    %lt3A_29 = arith.cmpi slt, %select_n3A, %lt3A_28 : i32
    %ne3A_30 = arith.xori %lt3A_27, %lt3A_29 : i1
    %and3A = arith.andi %ne3A_30, %ne3A_26 : i1
    %add3A_31 = arith.addi %rem3A, %select_n3A : i32
    %select_n3A_32 = arith.select %and3A, %add3A_31, %rem3A : i32
    %lt3A_33 = arith.constant 8 : i32
    %lt3A_34 = arith.cmpi slt, %arg1, %lt3A_33 : i32
    %eq3A_35 = arith.constant 7 : i32
    %eq3A_36 = arith.cmpi eq, %select_n3A_32, %eq3A_35 : i32
    %mul3A_37 = arith.constant 50000 : i32
    %mul3A_38 = arith.muli %arg0, %mul3A_37 : i32
    %mul3A_39 = arith.constant 6256 : i32
    %mul3A_40 = arith.muli %select_n3A_32, %mul3A_39 : i32
    %add3A_41 = arith.addi %mul3A_38, %mul3A_40 : i32
    %multiple_of3A = tpu.assume_multiple %add3A_41, 8 : i32
    %not3A = arith.constant true
    %not3A_42 = arith.xori %eq3A_36, %not3A : i1
    %and3A_43 = arith.andi %lt3A_34, %not3A_42 : i1
    %convert_element_type3A = arith.extui %and3A_43 : i1 to i32
    %cond3A = arith.constant 0 : i32
    %cond3A_44 = arith.cmpi ne, %convert_element_type3A, %cond3A : i32
    scf.if %cond3A_44 {
      %add3A_487 = arith.constant 0 : i32
      %add3A_488 = arith.addi %multiple_of3A, %add3A_487 : i32
      %mul3A_489 = arith.constant 2 : i32
      %mul3A_490 = arith.muli %select_n3A_32, %mul3A_489 : i32
      %add3A_491 = arith.constant 0 : i32
      %add3A_492 = arith.addi %mul3A_490, %add3A_491 : i32
      %mul3A_493 = arith.constant 384 : i32
      %mul3A_494 = arith.muli %add3A_492, %mul3A_493 : i32
      %multiple_of3A_495 = tpu.assume_multiple %mul3A_494, 8 : i32
      "tpu.region"() ({
        %run_scoped3A = tpu.sem_alloc : memref<!tpu.dma_semaphore, #tpu.memory_space<semaphore_mem>>
        %dma_start3A_496 = arith.constant 0 : i32
        %dma_start3A_497 = tpu.memref_slice %arg10[%multiple_of3A_495, %dma_start3A_496] : memref<6144x128xf32, #tpu.memory_space<vmem_shared>> -> memref<384x128xf32, #tpu.memory_space<vmem_shared>>
        %dma_start3A_498 = arith.constant 0 : i32
        %dma_start3A_499 = tpu.memref_slice %arg2[%add3A_488, %dma_start3A_498] : memref<100000x128xf32, #tpu.memory_space<hbm>> -> memref<384x128xf32, #tpu.memory_space<hbm>>
        tpu.enqueue_dma source(%dma_start3A_499 : memref<384x128xf32, #tpu.memory_space<hbm>>) target(%dma_start3A_497 : memref<384x128xf32, #tpu.memory_space<vmem_shared>>) target_semaphore(%run_scoped3A : memref<!tpu.dma_semaphore, #tpu.memory_space<semaphore_mem>>)
        %dma_wait3A_500 = arith.constant 0 : i32
        %dma_wait3A_501 = tpu.memref_slice %arg10[%multiple_of3A_495, %dma_wait3A_500] : memref<6144x128xf32, #tpu.memory_space<vmem_shared>> -> memref<384x128xf32, #tpu.memory_space<vmem_shared>>
        %dma_wait3A_502 = arith.constant 0 : i32
        %dma_wait3A_503 = tpu.memref_slice %arg2[%add3A_488, %dma_wait3A_502] : memref<100000x128xf32, #tpu.memory_space<hbm>> -> memref<384x128xf32, #tpu.memory_space<hbm>>
        tpu.wait_dma2 semaphore(%run_scoped3A : memref<!tpu.dma_semaphore, #tpu.memory_space<semaphore_mem>>) src(%dma_wait3A_503 : memref<384x128xf32, #tpu.memory_space<hbm>>) dst(%dma_wait3A_501 : memref<384x128xf32, #tpu.memory_space<vmem_shared>>)
        tpu.yield
      }) : () -> ()
    } else {
    }
    %and3A_45 = arith.andi %lt3A_34, %eq3A_36 : i1
    %convert_element_type3A_46 = arith.extui %and3A_45 : i1 to i32
    %cond3A_47 = arith.constant 0 : i32
    %cond3A_48 = arith.cmpi ne, %convert_element_type3A_46, %cond3A_47 : i32
    scf.if %cond3A_48 {
      %add3A_487 = arith.constant 0 : i32
      %add3A_488 = arith.addi %multiple_of3A, %add3A_487 : i32
      %mul3A_489 = arith.constant 2 : i32
      %mul3A_490 = arith.muli %select_n3A_32, %mul3A_489 : i32
      %add3A_491 = arith.constant 0 : i32
      %add3A_492 = arith.addi %mul3A_490, %add3A_491 : i32
      %mul3A_493 = arith.constant 384 : i32
      %mul3A_494 = arith.muli %add3A_492, %mul3A_493 : i32
      %multiple_of3A_495 = tpu.assume_multiple %mul3A_494, 8 : i32
      "tpu.region"() ({
        %run_scoped3A = tpu.sem_alloc : memref<!tpu.dma_semaphore, #tpu.memory_space<semaphore_mem>>
        %dma_start3A_496 = arith.constant 0 : i32
        %dma_start3A_497 = tpu.memref_slice %arg10[%multiple_of3A_495, %dma_start3A_496] : memref<6144x128xf32, #tpu.memory_space<vmem_shared>> -> memref<384x128xf32, #tpu.memory_space<vmem_shared>>
        %dma_start3A_498 = arith.constant 0 : i32
        %dma_start3A_499 = tpu.memref_slice %arg2[%add3A_488, %dma_start3A_498] : memref<100000x128xf32, #tpu.memory_space<hbm>> -> memref<384x128xf32, #tpu.memory_space<hbm>>
        tpu.enqueue_dma source(%dma_start3A_499 : memref<384x128xf32, #tpu.memory_space<hbm>>) target(%dma_start3A_497 : memref<384x128xf32, #tpu.memory_space<vmem_shared>>) target_semaphore(%run_scoped3A : memref<!tpu.dma_semaphore, #tpu.memory_space<semaphore_mem>>)
        %dma_wait3A_500 = arith.constant 0 : i32
        %dma_wait3A_501 = tpu.memref_slice %arg10[%multiple_of3A_495, %dma_wait3A_500] : memref<6144x128xf32, #tpu.memory_space<vmem_shared>> -> memref<384x128xf32, #tpu.memory_space<vmem_shared>>
        %dma_wait3A_502 = arith.constant 0 : i32
        %dma_wait3A_503 = tpu.memref_slice %arg2[%add3A_488, %dma_wait3A_502] : memref<100000x128xf32, #tpu.memory_space<hbm>> -> memref<384x128xf32, #tpu.memory_space<hbm>>
        tpu.wait_dma2 semaphore(%run_scoped3A : memref<!tpu.dma_semaphore, #tpu.memory_space<semaphore_mem>>) src(%dma_wait3A_503 : memref<384x128xf32, #tpu.memory_space<hbm>>) dst(%dma_wait3A_501 : memref<384x128xf32, #tpu.memory_space<vmem_shared>>)
        tpu.yield
      }) : () -> ()
    } else {
    }
    %barrier3A = arith.constant 0 : index
    tpu.barrier barrier_id(%barrier3A)
    %not3A_49 = arith.constant true
    %not3A_50 = arith.xori %eq3A_36, %not3A_49 : i1
    %and3A_51 = arith.andi %lt3A_34, %not3A_50 : i1
    %convert_element_type3A_52 = arith.extui %and3A_51 : i1 to i32
    %cond3A_53 = arith.constant 0 : i32
    %cond3A_54 = arith.cmpi ne, %convert_element_type3A_52, %cond3A_53 : i32
    scf.if %cond3A_54 {
      %add3A_487 = arith.constant 384 : i32
      %add3A_488 = arith.addi %multiple_of3A, %add3A_487 : i32
      %mul3A_489 = arith.constant 2 : i32
      %mul3A_490 = arith.muli %select_n3A_32, %mul3A_489 : i32
      %add3A_491 = arith.constant 1 : i32
      %add3A_492 = arith.addi %mul3A_490, %add3A_491 : i32
      %mul3A_493 = arith.constant 384 : i32
      %mul3A_494 = arith.muli %add3A_492, %mul3A_493 : i32
      %multiple_of3A_495 = tpu.assume_multiple %mul3A_494, 8 : i32
      "tpu.region"() ({
        %run_scoped3A = tpu.sem_alloc : memref<!tpu.dma_semaphore, #tpu.memory_space<semaphore_mem>>
        %dma_start3A_496 = arith.constant 0 : i32
        %dma_start3A_497 = tpu.memref_slice %arg10[%multiple_of3A_495, %dma_start3A_496] : memref<6144x128xf32, #tpu.memory_space<vmem_shared>> -> memref<384x128xf32, #tpu.memory_space<vmem_shared>>
        %dma_start3A_498 = arith.constant 0 : i32
        %dma_start3A_499 = tpu.memref_slice %arg2[%add3A_488, %dma_start3A_498] : memref<100000x128xf32, #tpu.memory_space<hbm>> -> memref<384x128xf32, #tpu.memory_space<hbm>>
        tpu.enqueue_dma source(%dma_start3A_499 : memref<384x128xf32, #tpu.memory_space<hbm>>) target(%dma_start3A_497 : memref<384x128xf32, #tpu.memory_space<vmem_shared>>) target_semaphore(%run_scoped3A : memref<!tpu.dma_semaphore, #tpu.memory_space<semaphore_mem>>)
        %dma_wait3A_500 = arith.constant 0 : i32
        %dma_wait3A_501 = tpu.memref_slice %arg10[%multiple_of3A_495, %dma_wait3A_500] : memref<6144x128xf32, #tpu.memory_space<vmem_shared>> -> memref<384x128xf32, #tpu.memory_space<vmem_shared>>
        %dma_wait3A_502 = arith.constant 0 : i32
        %dma_wait3A_503 = tpu.memref_slice %arg2[%add3A_488, %dma_wait3A_502] : memref<100000x128xf32, #tpu.memory_space<hbm>> -> memref<384x128xf32, #tpu.memory_space<hbm>>
        tpu.wait_dma2 semaphore(%run_scoped3A : memref<!tpu.dma_semaphore, #tpu.memory_space<semaphore_mem>>) src(%dma_wait3A_503 : memref<384x128xf32, #tpu.memory_space<hbm>>) dst(%dma_wait3A_501 : memref<384x128xf32, #tpu.memory_space<vmem_shared>>)
        tpu.yield
      }) : () -> ()
    } else {
    }
    %and3A_55 = arith.andi %lt3A_34, %eq3A_36 : i1
    %convert_element_type3A_56 = arith.extui %and3A_55 : i1 to i32
    %cond3A_57 = arith.constant 0 : i32
    %cond3A_58 = arith.cmpi ne, %convert_element_type3A_56, %cond3A_57 : i32
    scf.if %cond3A_58 {
      %add3A_487 = arith.constant 384 : i32
      %add3A_488 = arith.addi %multiple_of3A, %add3A_487 : i32
      %mul3A_489 = arith.constant 2 : i32
      %mul3A_490 = arith.muli %select_n3A_32, %mul3A_489 : i32
      %add3A_491 = arith.constant 1 : i32
      %add3A_492 = arith.addi %mul3A_490, %add3A_491 : i32
      %mul3A_493 = arith.constant 384 : i32
      %mul3A_494 = arith.muli %add3A_492, %mul3A_493 : i32
      %multiple_of3A_495 = tpu.assume_multiple %mul3A_494, 8 : i32
      "tpu.region"() ({
        %run_scoped3A = tpu.sem_alloc : memref<!tpu.dma_semaphore, #tpu.memory_space<semaphore_mem>>
        %dma_start3A_496 = arith.constant 0 : i32
        %dma_start3A_497 = tpu.memref_slice %arg10[%multiple_of3A_495, %dma_start3A_496] : memref<6144x128xf32, #tpu.memory_space<vmem_shared>> -> memref<384x128xf32, #tpu.memory_space<vmem_shared>>
        %dma_start3A_498 = arith.constant 0 : i32
        %dma_start3A_499 = tpu.memref_slice %arg2[%add3A_488, %dma_start3A_498] : memref<100000x128xf32, #tpu.memory_space<hbm>> -> memref<384x128xf32, #tpu.memory_space<hbm>>
        tpu.enqueue_dma source(%dma_start3A_499 : memref<384x128xf32, #tpu.memory_space<hbm>>) target(%dma_start3A_497 : memref<384x128xf32, #tpu.memory_space<vmem_shared>>) target_semaphore(%run_scoped3A : memref<!tpu.dma_semaphore, #tpu.memory_space<semaphore_mem>>)
        %dma_wait3A_500 = arith.constant 0 : i32
        %dma_wait3A_501 = tpu.memref_slice %arg10[%multiple_of3A_495, %dma_wait3A_500] : memref<6144x128xf32, #tpu.memory_space<vmem_shared>> -> memref<384x128xf32, #tpu.memory_space<vmem_shared>>
        %dma_wait3A_502 = arith.constant 0 : i32
        %dma_wait3A_503 = tpu.memref_slice %arg2[%add3A_488, %dma_wait3A_502] : memref<100000x128xf32, #tpu.memory_space<hbm>> -> memref<384x128xf32, #tpu.memory_space<hbm>>
        tpu.wait_dma2 semaphore(%run_scoped3A : memref<!tpu.dma_semaphore, #tpu.memory_space<semaphore_mem>>) src(%dma_wait3A_503 : memref<384x128xf32, #tpu.memory_space<hbm>>) dst(%dma_wait3A_501 : memref<384x128xf32, #tpu.memory_space<vmem_shared>>)
        tpu.yield
      }) : () -> ()
    } else {
    }
    %not3A_59 = arith.constant true
    %not3A_60 = arith.xori %lt3A_34, %not3A_59 : i1
    %not3A_61 = arith.constant true
    %not3A_62 = arith.xori %eq3A_36, %not3A_61 : i1
    %and3A_63 = arith.andi %not3A_60, %not3A_62 : i1
    %convert_element_type3A_64 = arith.extui %and3A_63 : i1 to i32
    %cond3A_65 = arith.constant 0 : i32
    %cond3A_66 = arith.cmpi ne, %convert_element_type3A_64, %cond3A_65 : i32
    scf.if %cond3A_66 {
      %mul3A_487 = arith.constant 2 : i32
      %mul3A_488 = arith.muli %select_n3A_32, %mul3A_487 : i32
      %add3A_489 = arith.constant 0 : i32
      %add3A_490 = arith.addi %mul3A_488, %add3A_489 : i32
      %mul3A_491 = arith.constant 384 : i32
      %mul3A_492 = arith.muli %add3A_490, %mul3A_491 : i32
      %multiple_of3A_493 = tpu.assume_multiple %mul3A_492, 8 : i32
      %add3A_494 = arith.constant 0 : i32
      %add3A_495 = arith.addi %multiple_of3A, %add3A_494 : i32
      "tpu.region"() ({
        %run_scoped3A = tpu.sem_alloc : memref<!tpu.dma_semaphore, #tpu.memory_space<semaphore_mem>>
        %dma_start3A_496 = arith.constant 0 : i32
        %dma_start3A_497 = tpu.memref_slice %arg6[%add3A_495, %dma_start3A_496] : memref<100000x128xf32, #tpu.memory_space<hbm>> -> memref<384x128xf32, #tpu.memory_space<hbm>>
        %dma_start3A_498 = arith.constant 0 : i32
        %dma_start3A_499 = tpu.memref_slice %arg10[%multiple_of3A_493, %dma_start3A_498] : memref<6144x128xf32, #tpu.memory_space<vmem_shared>> -> memref<384x128xf32, #tpu.memory_space<vmem_shared>>
        tpu.enqueue_dma source(%dma_start3A_499 : memref<384x128xf32, #tpu.memory_space<vmem_shared>>) target(%dma_start3A_497 : memref<384x128xf32, #tpu.memory_space<hbm>>) target_semaphore(%run_scoped3A : memref<!tpu.dma_semaphore, #tpu.memory_space<semaphore_mem>>)
        %dma_wait3A_500 = arith.constant 0 : i32
        %dma_wait3A_501 = tpu.memref_slice %arg6[%add3A_495, %dma_wait3A_500] : memref<100000x128xf32, #tpu.memory_space<hbm>> -> memref<384x128xf32, #tpu.memory_space<hbm>>
        %dma_wait3A_502 = arith.constant 0 : i32
        %dma_wait3A_503 = tpu.memref_slice %arg10[%multiple_of3A_493, %dma_wait3A_502] : memref<6144x128xf32, #tpu.memory_space<vmem_shared>> -> memref<384x128xf32, #tpu.memory_space<vmem_shared>>
        tpu.wait_dma2 semaphore(%run_scoped3A : memref<!tpu.dma_semaphore, #tpu.memory_space<semaphore_mem>>) src(%dma_wait3A_503 : memref<384x128xf32, #tpu.memory_space<vmem_shared>>) dst(%dma_wait3A_501 : memref<384x128xf32, #tpu.memory_space<hbm>>)
        tpu.yield
      }) : () -> ()
    } else {
    }
    %not3A_67 = arith.constant true
    %not3A_68 = arith.xori %lt3A_34, %not3A_67 : i1
    %and3A_69 = arith.andi %not3A_68, %eq3A_36 : i1
    %convert_element_type3A_70 = arith.extui %and3A_69 : i1 to i32
    %cond3A_71 = arith.constant 0 : i32
    %cond3A_72 = arith.cmpi ne, %convert_element_type3A_70, %cond3A_71 : i32
    scf.if %cond3A_72 {
      %mul3A_487 = arith.constant 2 : i32
      %mul3A_488 = arith.muli %select_n3A_32, %mul3A_487 : i32
      %add3A_489 = arith.constant 0 : i32
      %add3A_490 = arith.addi %mul3A_488, %add3A_489 : i32
      %mul3A_491 = arith.constant 384 : i32
      %mul3A_492 = arith.muli %add3A_490, %mul3A_491 : i32
      %multiple_of3A_493 = tpu.assume_multiple %mul3A_492, 8 : i32
      %add3A_494 = arith.constant 0 : i32
      %add3A_495 = arith.addi %multiple_of3A, %add3A_494 : i32
      "tpu.region"() ({
        %run_scoped3A = tpu.sem_alloc : memref<!tpu.dma_semaphore, #tpu.memory_space<semaphore_mem>>
        %dma_start3A_496 = arith.constant 0 : i32
        %dma_start3A_497 = tpu.memref_slice %arg6[%add3A_495, %dma_start3A_496] : memref<100000x128xf32, #tpu.memory_space<hbm>> -> memref<384x128xf32, #tpu.memory_space<hbm>>
        %dma_start3A_498 = arith.constant 0 : i32
        %dma_start3A_499 = tpu.memref_slice %arg10[%multiple_of3A_493, %dma_start3A_498] : memref<6144x128xf32, #tpu.memory_space<vmem_shared>> -> memref<384x128xf32, #tpu.memory_space<vmem_shared>>
        tpu.enqueue_dma source(%dma_start3A_499 : memref<384x128xf32, #tpu.memory_space<vmem_shared>>) target(%dma_start3A_497 : memref<384x128xf32, #tpu.memory_space<hbm>>) target_semaphore(%run_scoped3A : memref<!tpu.dma_semaphore, #tpu.memory_space<semaphore_mem>>)
        %dma_wait3A_500 = arith.constant 0 : i32
        %dma_wait3A_501 = tpu.memref_slice %arg6[%add3A_495, %dma_wait3A_500] : memref<100000x128xf32, #tpu.memory_space<hbm>> -> memref<384x128xf32, #tpu.memory_space<hbm>>
        %dma_wait3A_502 = arith.constant 0 : i32
        %dma_wait3A_503 = tpu.memref_slice %arg10[%multiple_of3A_493, %dma_wait3A_502] : memref<6144x128xf32, #tpu.memory_space<vmem_shared>> -> memref<384x128xf32, #tpu.memory_space<vmem_shared>>
        tpu.wait_dma2 semaphore(%run_scoped3A : memref<!tpu.dma_semaphore, #tpu.memory_space<semaphore_mem>>) src(%dma_wait3A_503 : memref<384x128xf32, #tpu.memory_space<vmem_shared>>) dst(%dma_wait3A_501 : memref<384x128xf32, #tpu.memory_space<hbm>>)
        tpu.yield
      }) : () -> ()
    } else {
    }
    %barrier3A_73 = arith.constant 0 : index
    tpu.barrier barrier_id(%barrier3A_73)
    %not3A_74 = arith.constant true
    %not3A_75 = arith.xori %eq3A_36, %not3A_74 : i1
    %and3A_76 = arith.andi %lt3A_34, %not3A_75 : i1
    %convert_element_type3A_77 = arith.extui %and3A_76 : i1 to i32
    %cond3A_78 = arith.constant 0 : i32
    %cond3A_79 = arith.cmpi ne, %convert_element_type3A_77, %cond3A_78 : i32
    scf.if %cond3A_79 {
      %add3A_487 = arith.constant 768 : i32
      %add3A_488 = arith.addi %multiple_of3A, %add3A_487 : i32
      %mul3A_489 = arith.constant 2 : i32
      %mul3A_490 = arith.muli %select_n3A_32, %mul3A_489 : i32
      %add3A_491 = arith.constant 0 : i32
      %add3A_492 = arith.addi %mul3A_490, %add3A_491 : i32
      %mul3A_493 = arith.constant 384 : i32
      %mul3A_494 = arith.muli %add3A_492, %mul3A_493 : i32
      %multiple_of3A_495 = tpu.assume_multiple %mul3A_494, 8 : i32
      "tpu.region"() ({
        %run_scoped3A = tpu.sem_alloc : memref<!tpu.dma_semaphore, #tpu.memory_space<semaphore_mem>>
        %dma_start3A_496 = arith.constant 0 : i32
        %dma_start3A_497 = tpu.memref_slice %arg10[%multiple_of3A_495, %dma_start3A_496] : memref<6144x128xf32, #tpu.memory_space<vmem_shared>> -> memref<384x128xf32, #tpu.memory_space<vmem_shared>>
        %dma_start3A_498 = arith.constant 0 : i32
        %dma_start3A_499 = tpu.memref_slice %arg2[%add3A_488, %dma_start3A_498] : memref<100000x128xf32, #tpu.memory_space<hbm>> -> memref<384x128xf32, #tpu.memory_space<hbm>>
        tpu.enqueue_dma source(%dma_start3A_499 : memref<384x128xf32, #tpu.memory_space<hbm>>) target(%dma_start3A_497 : memref<384x128xf32, #tpu.memory_space<vmem_shared>>) target_semaphore(%run_scoped3A : memref<!tpu.dma_semaphore, #tpu.memory_space<semaphore_mem>>)
        %dma_wait3A_500 = arith.constant 0 : i32
        %dma_wait3A_501 = tpu.memref_slice %arg10[%multiple_of3A_495, %dma_wait3A_500] : memref<6144x128xf32, #tpu.memory_space<vmem_shared>> -> memref<384x128xf32, #tpu.memory_space<vmem_shared>>
        %dma_wait3A_502 = arith.constant 0 : i32
        %dma_wait3A_503 = tpu.memref_slice %arg2[%add3A_488, %dma_wait3A_502] : memref<100000x128xf32, #tpu.memory_space<hbm>> -> memref<384x128xf32, #tpu.memory_space<hbm>>
        tpu.wait_dma2 semaphore(%run_scoped3A : memref<!tpu.dma_semaphore, #tpu.memory_space<semaphore_mem>>) src(%dma_wait3A_503 : memref<384x128xf32, #tpu.memory_space<hbm>>) dst(%dma_wait3A_501 : memref<384x128xf32, #tpu.memory_space<vmem_shared>>)
        tpu.yield
      }) : () -> ()
    } else {
    }
    %and3A_80 = arith.andi %lt3A_34, %eq3A_36 : i1
    %convert_element_type3A_81 = arith.extui %and3A_80 : i1 to i32
    %cond3A_82 = arith.constant 0 : i32
    %cond3A_83 = arith.cmpi ne, %convert_element_type3A_81, %cond3A_82 : i32
    scf.if %cond3A_83 {
      %add3A_487 = arith.constant 768 : i32
      %add3A_488 = arith.addi %multiple_of3A, %add3A_487 : i32
      %mul3A_489 = arith.constant 2 : i32
      %mul3A_490 = arith.muli %select_n3A_32, %mul3A_489 : i32
      %add3A_491 = arith.constant 0 : i32
      %add3A_492 = arith.addi %mul3A_490, %add3A_491 : i32
      %mul3A_493 = arith.constant 384 : i32
      %mul3A_494 = arith.muli %add3A_492, %mul3A_493 : i32
      %multiple_of3A_495 = tpu.assume_multiple %mul3A_494, 8 : i32
      "tpu.region"() ({
        %run_scoped3A = tpu.sem_alloc : memref<!tpu.dma_semaphore, #tpu.memory_space<semaphore_mem>>
        %dma_start3A_496 = arith.constant 0 : i32
        %dma_start3A_497 = tpu.memref_slice %arg10[%multiple_of3A_495, %dma_start3A_496] : memref<6144x128xf32, #tpu.memory_space<vmem_shared>> -> memref<384x128xf32, #tpu.memory_space<vmem_shared>>
        %dma_start3A_498 = arith.constant 0 : i32
        %dma_start3A_499 = tpu.memref_slice %arg2[%add3A_488, %dma_start3A_498] : memref<100000x128xf32, #tpu.memory_space<hbm>> -> memref<384x128xf32, #tpu.memory_space<hbm>>
        tpu.enqueue_dma source(%dma_start3A_499 : memref<384x128xf32, #tpu.memory_space<hbm>>) target(%dma_start3A_497 : memref<384x128xf32, #tpu.memory_space<vmem_shared>>) target_semaphore(%run_scoped3A : memref<!tpu.dma_semaphore, #tpu.memory_space<semaphore_mem>>)
        %dma_wait3A_500 = arith.constant 0 : i32
        %dma_wait3A_501 = tpu.memref_slice %arg10[%multiple_of3A_495, %dma_wait3A_500] : memref<6144x128xf32, #tpu.memory_space<vmem_shared>> -> memref<384x128xf32, #tpu.memory_space<vmem_shared>>
        %dma_wait3A_502 = arith.constant 0 : i32
        %dma_wait3A_503 = tpu.memref_slice %arg2[%add3A_488, %dma_wait3A_502] : memref<100000x128xf32, #tpu.memory_space<hbm>> -> memref<384x128xf32, #tpu.memory_space<hbm>>
        tpu.wait_dma2 semaphore(%run_scoped3A : memref<!tpu.dma_semaphore, #tpu.memory_space<semaphore_mem>>) src(%dma_wait3A_503 : memref<384x128xf32, #tpu.memory_space<hbm>>) dst(%dma_wait3A_501 : memref<384x128xf32, #tpu.memory_space<vmem_shared>>)
        tpu.yield
      }) : () -> ()
    } else {
    }
    %not3A_84 = arith.constant true
    %not3A_85 = arith.xori %lt3A_34, %not3A_84 : i1
    %not3A_86 = arith.constant true
    %not3A_87 = arith.xori %eq3A_36, %not3A_86 : i1
    %and3A_88 = arith.andi %not3A_85, %not3A_87 : i1
    %convert_element_type3A_89 = arith.extui %and3A_88 : i1 to i32
    %cond3A_90 = arith.constant 0 : i32
    %cond3A_91 = arith.cmpi ne, %convert_element_type3A_89, %cond3A_90 : i32
    scf.if %cond3A_91 {
      %mul3A_487 = arith.constant 2 : i32
      %mul3A_488 = arith.muli %select_n3A_32, %mul3A_487 : i32
      %add3A_489 = arith.constant 1 : i32
      %add3A_490 = arith.addi %mul3A_488, %add3A_489 : i32
      %mul3A_491 = arith.constant 384 : i32
      %mul3A_492 = arith.muli %add3A_490, %mul3A_491 : i32
      %multiple_of3A_493 = tpu.assume_multiple %mul3A_492, 8 : i32
      %add3A_494 = arith.constant 384 : i32
      %add3A_495 = arith.addi %multiple_of3A, %add3A_494 : i32
      "tpu.region"() ({
        %run_scoped3A = tpu.sem_alloc : memref<!tpu.dma_semaphore, #tpu.memory_space<semaphore_mem>>
        %dma_start3A_496 = arith.constant 0 : i32
        %dma_start3A_497 = tpu.memref_slice %arg6[%add3A_495, %dma_start3A_496] : memref<100000x128xf32, #tpu.memory_space<hbm>> -> memref<384x128xf32, #tpu.memory_space<hbm>>
        %dma_start3A_498 = arith.constant 0 : i32
        %dma_start3A_499 = tpu.memref_slice %arg10[%multiple_of3A_493, %dma_start3A_498] : memref<6144x128xf32, #tpu.memory_space<vmem_shared>> -> memref<384x128xf32, #tpu.memory_space<vmem_shared>>
        tpu.enqueue_dma source(%dma_start3A_499 : memref<384x128xf32, #tpu.memory_space<vmem_shared>>) target(%dma_start3A_497 : memref<384x128xf32, #tpu.memory_space<hbm>>) target_semaphore(%run_scoped3A : memref<!tpu.dma_semaphore, #tpu.memory_space<semaphore_mem>>)
        %dma_wait3A_500 = arith.constant 0 : i32
        %dma_wait3A_501 = tpu.memref_slice %arg6[%add3A_495, %dma_wait3A_500] : memref<100000x128xf32, #tpu.memory_space<hbm>> -> memref<384x128xf32, #tpu.memory_space<hbm>>
        %dma_wait3A_502 = arith.constant 0 : i32
        %dma_wait3A_503 = tpu.memref_slice %arg10[%multiple_of3A_493, %dma_wait3A_502] : memref<6144x128xf32, #tpu.memory_space<vmem_shared>> -> memref<384x128xf32, #tpu.memory_space<vmem_shared>>
        tpu.wait_dma2 semaphore(%run_scoped3A : memref<!tpu.dma_semaphore, #tpu.memory_space<semaphore_mem>>) src(%dma_wait3A_503 : memref<384x128xf32, #tpu.memory_space<vmem_shared>>) dst(%dma_wait3A_501 : memref<384x128xf32, #tpu.memory_space<hbm>>)
        tpu.yield
      }) : () -> ()
    } else {
    }
    %not3A_92 = arith.constant true
    %not3A_93 = arith.xori %lt3A_34, %not3A_92 : i1
    %and3A_94 = arith.andi %not3A_93, %eq3A_36 : i1
    %convert_element_type3A_95 = arith.extui %and3A_94 : i1 to i32
    %cond3A_96 = arith.constant 0 : i32
    %cond3A_97 = arith.cmpi ne, %convert_element_type3A_95, %cond3A_96 : i32
    scf.if %cond3A_97 {
      %mul3A_487 = arith.constant 2 : i32
      %mul3A_488 = arith.muli %select_n3A_32, %mul3A_487 : i32
      %add3A_489 = arith.constant 1 : i32
      %add3A_490 = arith.addi %mul3A_488, %add3A_489 : i32
      %mul3A_491 = arith.constant 384 : i32
      %mul3A_492 = arith.muli %add3A_490, %mul3A_491 : i32
      %multiple_of3A_493 = tpu.assume_multiple %mul3A_492, 8 : i32
      %add3A_494 = arith.constant 384 : i32
      %add3A_495 = arith.addi %multiple_of3A, %add3A_494 : i32
      "tpu.region"() ({
        %run_scoped3A = tpu.sem_alloc : memref<!tpu.dma_semaphore, #tpu.memory_space<semaphore_mem>>
        %dma_start3A_496 = arith.constant 0 : i32
        %dma_start3A_497 = tpu.memref_slice %arg6[%add3A_495, %dma_start3A_496] : memref<100000x128xf32, #tpu.memory_space<hbm>> -> memref<384x128xf32, #tpu.memory_space<hbm>>
        %dma_start3A_498 = arith.constant 0 : i32
        %dma_start3A_499 = tpu.memref_slice %arg10[%multiple_of3A_493, %dma_start3A_498] : memref<6144x128xf32, #tpu.memory_space<vmem_shared>> -> memref<384x128xf32, #tpu.memory_space<vmem_shared>>
        tpu.enqueue_dma source(%dma_start3A_499 : memref<384x128xf32, #tpu.memory_space<vmem_shared>>) target(%dma_start3A_497 : memref<384x128xf32, #tpu.memory_space<hbm>>) target_semaphore(%run_scoped3A : memref<!tpu.dma_semaphore, #tpu.memory_space<semaphore_mem>>)
        %dma_wait3A_500 = arith.constant 0 : i32
        %dma_wait3A_501 = tpu.memref_slice %arg6[%add3A_495, %dma_wait3A_500] : memref<100000x128xf32, #tpu.memory_space<hbm>> -> memref<384x128xf32, #tpu.memory_space<hbm>>
        %dma_wait3A_502 = arith.constant 0 : i32
        %dma_wait3A_503 = tpu.memref_slice %arg10[%multiple_of3A_493, %dma_wait3A_502] : memref<6144x128xf32, #tpu.memory_space<vmem_shared>> -> memref<384x128xf32, #tpu.memory_space<vmem_shared>>
        tpu.wait_dma2 semaphore(%run_scoped3A : memref<!tpu.dma_semaphore, #tpu.memory_space<semaphore_mem>>) src(%dma_wait3A_503 : memref<384x128xf32, #tpu.memory_space<vmem_shared>>) dst(%dma_wait3A_501 : memref<384x128xf32, #tpu.memory_space<hbm>>)
        tpu.yield
      }) : () -> ()
    } else {
    }
    %barrier3A_98 = arith.constant 0 : index
    tpu.barrier barrier_id(%barrier3A_98)
    %not3A_99 = arith.constant true
    %not3A_100 = arith.xori %eq3A_36, %not3A_99 : i1
    %and3A_101 = arith.andi %lt3A_34, %not3A_100 : i1
    %convert_element_type3A_102 = arith.extui %and3A_101 : i1 to i32
    %cond3A_103 = arith.constant 0 : i32
    %cond3A_104 = arith.cmpi ne, %convert_element_type3A_102, %cond3A_103 : i32
    scf.if %cond3A_104 {
      %add3A_487 = arith.constant 1152 : i32
      %add3A_488 = arith.addi %multiple_of3A, %add3A_487 : i32
      %mul3A_489 = arith.constant 2 : i32
      %mul3A_490 = arith.muli %select_n3A_32, %mul3A_489 : i32
      %add3A_491 = arith.constant 1 : i32
      %add3A_492 = arith.addi %mul3A_490, %add3A_491 : i32
      %mul3A_493 = arith.constant 384 : i32
      %mul3A_494 = arith.muli %add3A_492, %mul3A_493 : i32
      %multiple_of3A_495 = tpu.assume_multiple %mul3A_494, 8 : i32
      "tpu.region"() ({
        %run_scoped3A = tpu.sem_alloc : memref<!tpu.dma_semaphore, #tpu.memory_space<semaphore_mem>>
        %dma_start3A_496 = arith.constant 0 : i32
        %dma_start3A_497 = tpu.memref_slice %arg10[%multiple_of3A_495, %dma_start3A_496] : memref<6144x128xf32, #tpu.memory_space<vmem_shared>> -> memref<384x128xf32, #tpu.memory_space<vmem_shared>>
        %dma_start3A_498 = arith.constant 0 : i32
        %dma_start3A_499 = tpu.memref_slice %arg2[%add3A_488, %dma_start3A_498] : memref<100000x128xf32, #tpu.memory_space<hbm>> -> memref<384x128xf32, #tpu.memory_space<hbm>>
        tpu.enqueue_dma source(%dma_start3A_499 : memref<384x128xf32, #tpu.memory_space<hbm>>) target(%dma_start3A_497 : memref<384x128xf32, #tpu.memory_space<vmem_shared>>) target_semaphore(%run_scoped3A : memref<!tpu.dma_semaphore, #tpu.memory_space<semaphore_mem>>)
        %dma_wait3A_500 = arith.constant 0 : i32
        %dma_wait3A_501 = tpu.memref_slice %arg10[%multiple_of3A_495, %dma_wait3A_500] : memref<6144x128xf32, #tpu.memory_space<vmem_shared>> -> memref<384x128xf32, #tpu.memory_space<vmem_shared>>
        %dma_wait3A_502 = arith.constant 0 : i32
        %dma_wait3A_503 = tpu.memref_slice %arg2[%add3A_488, %dma_wait3A_502] : memref<100000x128xf32, #tpu.memory_space<hbm>> -> memref<384x128xf32, #tpu.memory_space<hbm>>
        tpu.wait_dma2 semaphore(%run_scoped3A : memref<!tpu.dma_semaphore, #tpu.memory_space<semaphore_mem>>) src(%dma_wait3A_503 : memref<384x128xf32, #tpu.memory_space<hbm>>) dst(%dma_wait3A_501 : memref<384x128xf32, #tpu.memory_space<vmem_shared>>)
        tpu.yield
      }) : () -> ()
    } else {
    }
    %and3A_105 = arith.andi %lt3A_34, %eq3A_36 : i1
    %convert_element_type3A_106 = arith.extui %and3A_105 : i1 to i32
    %cond3A_107 = arith.constant 0 : i32
    %cond3A_108 = arith.cmpi ne, %convert_element_type3A_106, %cond3A_107 : i32
    scf.if %cond3A_108 {
      %add3A_487 = arith.constant 1152 : i32
      %add3A_488 = arith.addi %multiple_of3A, %add3A_487 : i32
      %mul3A_489 = arith.constant 2 : i32
      %mul3A_490 = arith.muli %select_n3A_32, %mul3A_489 : i32
      %add3A_491 = arith.constant 1 : i32
      %add3A_492 = arith.addi %mul3A_490, %add3A_491 : i32
      %mul3A_493 = arith.constant 384 : i32
      %mul3A_494 = arith.muli %add3A_492, %mul3A_493 : i32
      %multiple_of3A_495 = tpu.assume_multiple %mul3A_494, 8 : i32
      "tpu.region"() ({
        %run_scoped3A = tpu.sem_alloc : memref<!tpu.dma_semaphore, #tpu.memory_space<semaphore_mem>>
        %dma_start3A_496 = arith.constant 0 : i32
        %dma_start3A_497 = tpu.memref_slice %arg10[%multiple_of3A_495, %dma_start3A_496] : memref<6144x128xf32, #tpu.memory_space<vmem_shared>> -> memref<384x128xf32, #tpu.memory_space<vmem_shared>>
        %dma_start3A_498 = arith.constant 0 : i32
        %dma_start3A_499 = tpu.memref_slice %arg2[%add3A_488, %dma_start3A_498] : memref<100000x128xf32, #tpu.memory_space<hbm>> -> memref<384x128xf32, #tpu.memory_space<hbm>>
        tpu.enqueue_dma source(%dma_start3A_499 : memref<384x128xf32, #tpu.memory_space<hbm>>) target(%dma_start3A_497 : memref<384x128xf32, #tpu.memory_space<vmem_shared>>) target_semaphore(%run_scoped3A : memref<!tpu.dma_semaphore, #tpu.memory_space<semaphore_mem>>)
        %dma_wait3A_500 = arith.constant 0 : i32
        %dma_wait3A_501 = tpu.memref_slice %arg10[%multiple_of3A_495, %dma_wait3A_500] : memref<6144x128xf32, #tpu.memory_space<vmem_shared>> -> memref<384x128xf32, #tpu.memory_space<vmem_shared>>
        %dma_wait3A_502 = arith.constant 0 : i32
        %dma_wait3A_503 = tpu.memref_slice %arg2[%add3A_488, %dma_wait3A_502] : memref<100000x128xf32, #tpu.memory_space<hbm>> -> memref<384x128xf32, #tpu.memory_space<hbm>>
        tpu.wait_dma2 semaphore(%run_scoped3A : memref<!tpu.dma_semaphore, #tpu.memory_space<semaphore_mem>>) src(%dma_wait3A_503 : memref<384x128xf32, #tpu.memory_space<hbm>>) dst(%dma_wait3A_501 : memref<384x128xf32, #tpu.memory_space<vmem_shared>>)
        tpu.yield
      }) : () -> ()
    } else {
    }
    %not3A_109 = arith.constant true
    %not3A_110 = arith.xori %lt3A_34, %not3A_109 : i1
    %not3A_111 = arith.constant true
    %not3A_112 = arith.xori %eq3A_36, %not3A_111 : i1
    %and3A_113 = arith.andi %not3A_110, %not3A_112 : i1
    %convert_element_type3A_114 = arith.extui %and3A_113 : i1 to i32
    %cond3A_115 = arith.constant 0 : i32
    %cond3A_116 = arith.cmpi ne, %convert_element_type3A_114, %cond3A_115 : i32
    scf.if %cond3A_116 {
      %mul3A_487 = arith.constant 2 : i32
      %mul3A_488 = arith.muli %select_n3A_32, %mul3A_487 : i32
      %add3A_489 = arith.constant 0 : i32
      %add3A_490 = arith.addi %mul3A_488, %add3A_489 : i32
      %mul3A_491 = arith.constant 384 : i32
      %mul3A_492 = arith.muli %add3A_490, %mul3A_491 : i32
      %multiple_of3A_493 = tpu.assume_multiple %mul3A_492, 8 : i32
      %add3A_494 = arith.constant 768 : i32
      %add3A_495 = arith.addi %multiple_of3A, %add3A_494 : i32
      "tpu.region"() ({
        %run_scoped3A = tpu.sem_alloc : memref<!tpu.dma_semaphore, #tpu.memory_space<semaphore_mem>>
        %dma_start3A_496 = arith.constant 0 : i32
        %dma_start3A_497 = tpu.memref_slice %arg6[%add3A_495, %dma_start3A_496] : memref<100000x128xf32, #tpu.memory_space<hbm>> -> memref<384x128xf32, #tpu.memory_space<hbm>>
        %dma_start3A_498 = arith.constant 0 : i32
        %dma_start3A_499 = tpu.memref_slice %arg10[%multiple_of3A_493, %dma_start3A_498] : memref<6144x128xf32, #tpu.memory_space<vmem_shared>> -> memref<384x128xf32, #tpu.memory_space<vmem_shared>>
        tpu.enqueue_dma source(%dma_start3A_499 : memref<384x128xf32, #tpu.memory_space<vmem_shared>>) target(%dma_start3A_497 : memref<384x128xf32, #tpu.memory_space<hbm>>) target_semaphore(%run_scoped3A : memref<!tpu.dma_semaphore, #tpu.memory_space<semaphore_mem>>)
        %dma_wait3A_500 = arith.constant 0 : i32
        %dma_wait3A_501 = tpu.memref_slice %arg6[%add3A_495, %dma_wait3A_500] : memref<100000x128xf32, #tpu.memory_space<hbm>> -> memref<384x128xf32, #tpu.memory_space<hbm>>
        %dma_wait3A_502 = arith.constant 0 : i32
        %dma_wait3A_503 = tpu.memref_slice %arg10[%multiple_of3A_493, %dma_wait3A_502] : memref<6144x128xf32, #tpu.memory_space<vmem_shared>> -> memref<384x128xf32, #tpu.memory_space<vmem_shared>>
        tpu.wait_dma2 semaphore(%run_scoped3A : memref<!tpu.dma_semaphore, #tpu.memory_space<semaphore_mem>>) src(%dma_wait3A_503 : memref<384x128xf32, #tpu.memory_space<vmem_shared>>) dst(%dma_wait3A_501 : memref<384x128xf32, #tpu.memory_space<hbm>>)
        tpu.yield
      }) : () -> ()
    } else {
    }
    %not3A_117 = arith.constant true
    %not3A_118 = arith.xori %lt3A_34, %not3A_117 : i1
    %and3A_119 = arith.andi %not3A_118, %eq3A_36 : i1
    %convert_element_type3A_120 = arith.extui %and3A_119 : i1 to i32
    %cond3A_121 = arith.constant 0 : i32
    %cond3A_122 = arith.cmpi ne, %convert_element_type3A_120, %cond3A_121 : i32
    scf.if %cond3A_122 {
      %mul3A_487 = arith.constant 2 : i32
      %mul3A_488 = arith.muli %select_n3A_32, %mul3A_487 : i32
      %add3A_489 = arith.constant 0 : i32
      %add3A_490 = arith.addi %mul3A_488, %add3A_489 : i32
      %mul3A_491 = arith.constant 384 : i32
      %mul3A_492 = arith.muli %add3A_490, %mul3A_491 : i32
      %multiple_of3A_493 = tpu.assume_multiple %mul3A_492, 8 : i32
      %add3A_494 = arith.constant 768 : i32
      %add3A_495 = arith.addi %multiple_of3A, %add3A_494 : i32
      "tpu.region"() ({
        %run_scoped3A = tpu.sem_alloc : memref<!tpu.dma_semaphore, #tpu.memory_space<semaphore_mem>>
        %dma_start3A_496 = arith.constant 0 : i32
        %dma_start3A_497 = tpu.memref_slice %arg6[%add3A_495, %dma_start3A_496] : memref<100000x128xf32, #tpu.memory_space<hbm>> -> memref<384x128xf32, #tpu.memory_space<hbm>>
        %dma_start3A_498 = arith.constant 0 : i32
        %dma_start3A_499 = tpu.memref_slice %arg10[%multiple_of3A_493, %dma_start3A_498] : memref<6144x128xf32, #tpu.memory_space<vmem_shared>> -> memref<384x128xf32, #tpu.memory_space<vmem_shared>>
        tpu.enqueue_dma source(%dma_start3A_499 : memref<384x128xf32, #tpu.memory_space<vmem_shared>>) target(%dma_start3A_497 : memref<384x128xf32, #tpu.memory_space<hbm>>) target_semaphore(%run_scoped3A : memref<!tpu.dma_semaphore, #tpu.memory_space<semaphore_mem>>)
        %dma_wait3A_500 = arith.constant 0 : i32
        %dma_wait3A_501 = tpu.memref_slice %arg6[%add3A_495, %dma_wait3A_500] : memref<100000x128xf32, #tpu.memory_space<hbm>> -> memref<384x128xf32, #tpu.memory_space<hbm>>
        %dma_wait3A_502 = arith.constant 0 : i32
        %dma_wait3A_503 = tpu.memref_slice %arg10[%multiple_of3A_493, %dma_wait3A_502] : memref<6144x128xf32, #tpu.memory_space<vmem_shared>> -> memref<384x128xf32, #tpu.memory_space<vmem_shared>>
        tpu.wait_dma2 semaphore(%run_scoped3A : memref<!tpu.dma_semaphore, #tpu.memory_space<semaphore_mem>>) src(%dma_wait3A_503 : memref<384x128xf32, #tpu.memory_space<vmem_shared>>) dst(%dma_wait3A_501 : memref<384x128xf32, #tpu.memory_space<hbm>>)
        tpu.yield
      }) : () -> ()
    } else {
    }
    %barrier3A_123 = arith.constant 0 : index
    tpu.barrier barrier_id(%barrier3A_123)
    %not3A_124 = arith.constant true
    %not3A_125 = arith.xori %eq3A_36, %not3A_124 : i1
    %and3A_126 = arith.andi %lt3A_34, %not3A_125 : i1
    %convert_element_type3A_127 = arith.extui %and3A_126 : i1 to i32
    %cond3A_128 = arith.constant 0 : i32
    %cond3A_129 = arith.cmpi ne, %convert_element_type3A_127, %cond3A_128 : i32
    scf.if %cond3A_129 {
      %add3A_487 = arith.constant 1536 : i32
      %add3A_488 = arith.addi %multiple_of3A, %add3A_487 : i32
      %mul3A_489 = arith.constant 2 : i32
      %mul3A_490 = arith.muli %select_n3A_32, %mul3A_489 : i32
      %add3A_491 = arith.constant 0 : i32
      %add3A_492 = arith.addi %mul3A_490, %add3A_491 : i32
      %mul3A_493 = arith.constant 384 : i32
      %mul3A_494 = arith.muli %add3A_492, %mul3A_493 : i32
      %multiple_of3A_495 = tpu.assume_multiple %mul3A_494, 8 : i32
      "tpu.region"() ({
        %run_scoped3A = tpu.sem_alloc : memref<!tpu.dma_semaphore, #tpu.memory_space<semaphore_mem>>
        %dma_start3A_496 = arith.constant 0 : i32
        %dma_start3A_497 = tpu.memref_slice %arg10[%multiple_of3A_495, %dma_start3A_496] : memref<6144x128xf32, #tpu.memory_space<vmem_shared>> -> memref<384x128xf32, #tpu.memory_space<vmem_shared>>
        %dma_start3A_498 = arith.constant 0 : i32
        %dma_start3A_499 = tpu.memref_slice %arg2[%add3A_488, %dma_start3A_498] : memref<100000x128xf32, #tpu.memory_space<hbm>> -> memref<384x128xf32, #tpu.memory_space<hbm>>
        tpu.enqueue_dma source(%dma_start3A_499 : memref<384x128xf32, #tpu.memory_space<hbm>>) target(%dma_start3A_497 : memref<384x128xf32, #tpu.memory_space<vmem_shared>>) target_semaphore(%run_scoped3A : memref<!tpu.dma_semaphore, #tpu.memory_space<semaphore_mem>>)
        %dma_wait3A_500 = arith.constant 0 : i32
        %dma_wait3A_501 = tpu.memref_slice %arg10[%multiple_of3A_495, %dma_wait3A_500] : memref<6144x128xf32, #tpu.memory_space<vmem_shared>> -> memref<384x128xf32, #tpu.memory_space<vmem_shared>>
        %dma_wait3A_502 = arith.constant 0 : i32
        %dma_wait3A_503 = tpu.memref_slice %arg2[%add3A_488, %dma_wait3A_502] : memref<100000x128xf32, #tpu.memory_space<hbm>> -> memref<384x128xf32, #tpu.memory_space<hbm>>
        tpu.wait_dma2 semaphore(%run_scoped3A : memref<!tpu.dma_semaphore, #tpu.memory_space<semaphore_mem>>) src(%dma_wait3A_503 : memref<384x128xf32, #tpu.memory_space<hbm>>) dst(%dma_wait3A_501 : memref<384x128xf32, #tpu.memory_space<vmem_shared>>)
        tpu.yield
      }) : () -> ()
    } else {
    }
    %and3A_130 = arith.andi %lt3A_34, %eq3A_36 : i1
    %convert_element_type3A_131 = arith.extui %and3A_130 : i1 to i32
    %cond3A_132 = arith.constant 0 : i32
    %cond3A_133 = arith.cmpi ne, %convert_element_type3A_131, %cond3A_132 : i32
    scf.if %cond3A_133 {
      %add3A_487 = arith.constant 1536 : i32
      %add3A_488 = arith.addi %multiple_of3A, %add3A_487 : i32
      %mul3A_489 = arith.constant 2 : i32
      %mul3A_490 = arith.muli %select_n3A_32, %mul3A_489 : i32
      %add3A_491 = arith.constant 0 : i32
      %add3A_492 = arith.addi %mul3A_490, %add3A_491 : i32
      %mul3A_493 = arith.constant 384 : i32
      %mul3A_494 = arith.muli %add3A_492, %mul3A_493 : i32
      %multiple_of3A_495 = tpu.assume_multiple %mul3A_494, 8 : i32
      "tpu.region"() ({
        %run_scoped3A = tpu.sem_alloc : memref<!tpu.dma_semaphore, #tpu.memory_space<semaphore_mem>>
        %dma_start3A_496 = arith.constant 0 : i32
        %dma_start3A_497 = tpu.memref_slice %arg10[%multiple_of3A_495, %dma_start3A_496] : memref<6144x128xf32, #tpu.memory_space<vmem_shared>> -> memref<384x128xf32, #tpu.memory_space<vmem_shared>>
        %dma_start3A_498 = arith.constant 0 : i32
        %dma_start3A_499 = tpu.memref_slice %arg2[%add3A_488, %dma_start3A_498] : memref<100000x128xf32, #tpu.memory_space<hbm>> -> memref<384x128xf32, #tpu.memory_space<hbm>>
        tpu.enqueue_dma source(%dma_start3A_499 : memref<384x128xf32, #tpu.memory_space<hbm>>) target(%dma_start3A_497 : memref<384x128xf32, #tpu.memory_space<vmem_shared>>) target_semaphore(%run_scoped3A : memref<!tpu.dma_semaphore, #tpu.memory_space<semaphore_mem>>)
        %dma_wait3A_500 = arith.constant 0 : i32
        %dma_wait3A_501 = tpu.memref_slice %arg10[%multiple_of3A_495, %dma_wait3A_500] : memref<6144x128xf32, #tpu.memory_space<vmem_shared>> -> memref<384x128xf32, #tpu.memory_space<vmem_shared>>
        %dma_wait3A_502 = arith.constant 0 : i32
        %dma_wait3A_503 = tpu.memref_slice %arg2[%add3A_488, %dma_wait3A_502] : memref<100000x128xf32, #tpu.memory_space<hbm>> -> memref<384x128xf32, #tpu.memory_space<hbm>>
        tpu.wait_dma2 semaphore(%run_scoped3A : memref<!tpu.dma_semaphore, #tpu.memory_space<semaphore_mem>>) src(%dma_wait3A_503 : memref<384x128xf32, #tpu.memory_space<hbm>>) dst(%dma_wait3A_501 : memref<384x128xf32, #tpu.memory_space<vmem_shared>>)
        tpu.yield
      }) : () -> ()
    } else {
    }
    %not3A_134 = arith.constant true
    %not3A_135 = arith.xori %lt3A_34, %not3A_134 : i1
    %not3A_136 = arith.constant true
    %not3A_137 = arith.xori %eq3A_36, %not3A_136 : i1
    %and3A_138 = arith.andi %not3A_135, %not3A_137 : i1
    %convert_element_type3A_139 = arith.extui %and3A_138 : i1 to i32
    %cond3A_140 = arith.constant 0 : i32
    %cond3A_141 = arith.cmpi ne, %convert_element_type3A_139, %cond3A_140 : i32
    scf.if %cond3A_141 {
      %mul3A_487 = arith.constant 2 : i32
      %mul3A_488 = arith.muli %select_n3A_32, %mul3A_487 : i32
      %add3A_489 = arith.constant 1 : i32
      %add3A_490 = arith.addi %mul3A_488, %add3A_489 : i32
      %mul3A_491 = arith.constant 384 : i32
      %mul3A_492 = arith.muli %add3A_490, %mul3A_491 : i32
      %multiple_of3A_493 = tpu.assume_multiple %mul3A_492, 8 : i32
      %add3A_494 = arith.constant 1152 : i32
      %add3A_495 = arith.addi %multiple_of3A, %add3A_494 : i32
      "tpu.region"() ({
        %run_scoped3A = tpu.sem_alloc : memref<!tpu.dma_semaphore, #tpu.memory_space<semaphore_mem>>
        %dma_start3A_496 = arith.constant 0 : i32
        %dma_start3A_497 = tpu.memref_slice %arg6[%add3A_495, %dma_start3A_496] : memref<100000x128xf32, #tpu.memory_space<hbm>> -> memref<384x128xf32, #tpu.memory_space<hbm>>
        %dma_start3A_498 = arith.constant 0 : i32
        %dma_start3A_499 = tpu.memref_slice %arg10[%multiple_of3A_493, %dma_start3A_498] : memref<6144x128xf32, #tpu.memory_space<vmem_shared>> -> memref<384x128xf32, #tpu.memory_space<vmem_shared>>
        tpu.enqueue_dma source(%dma_start3A_499 : memref<384x128xf32, #tpu.memory_space<vmem_shared>>) target(%dma_start3A_497 : memref<384x128xf32, #tpu.memory_space<hbm>>) target_semaphore(%run_scoped3A : memref<!tpu.dma_semaphore, #tpu.memory_space<semaphore_mem>>)
        %dma_wait3A_500 = arith.constant 0 : i32
        %dma_wait3A_501 = tpu.memref_slice %arg6[%add3A_495, %dma_wait3A_500] : memref<100000x128xf32, #tpu.memory_space<hbm>> -> memref<384x128xf32, #tpu.memory_space<hbm>>
        %dma_wait3A_502 = arith.constant 0 : i32
        %dma_wait3A_503 = tpu.memref_slice %arg10[%multiple_of3A_493, %dma_wait3A_502] : memref<6144x128xf32, #tpu.memory_space<vmem_shared>> -> memref<384x128xf32, #tpu.memory_space<vmem_shared>>
        tpu.wait_dma2 semaphore(%run_scoped3A : memref<!tpu.dma_semaphore, #tpu.memory_space<semaphore_mem>>) src(%dma_wait3A_503 : memref<384x128xf32, #tpu.memory_space<vmem_shared>>) dst(%dma_wait3A_501 : memref<384x128xf32, #tpu.memory_space<hbm>>)
        tpu.yield
      }) : () -> ()
    } else {
    }
    %not3A_142 = arith.constant true
    %not3A_143 = arith.xori %lt3A_34, %not3A_142 : i1
    %and3A_144 = arith.andi %not3A_143, %eq3A_36 : i1
    %convert_element_type3A_145 = arith.extui %and3A_144 : i1 to i32
    %cond3A_146 = arith.constant 0 : i32
    %cond3A_147 = arith.cmpi ne, %convert_element_type3A_145, %cond3A_146 : i32
    scf.if %cond3A_147 {
      %mul3A_487 = arith.constant 2 : i32
      %mul3A_488 = arith.muli %select_n3A_32, %mul3A_487 : i32
      %add3A_489 = arith.constant 1 : i32
      %add3A_490 = arith.addi %mul3A_488, %add3A_489 : i32
      %mul3A_491 = arith.constant 384 : i32
      %mul3A_492 = arith.muli %add3A_490, %mul3A_491 : i32
      %multiple_of3A_493 = tpu.assume_multiple %mul3A_492, 8 : i32
      %add3A_494 = arith.constant 1152 : i32
      %add3A_495 = arith.addi %multiple_of3A, %add3A_494 : i32
      "tpu.region"() ({
        %run_scoped3A = tpu.sem_alloc : memref<!tpu.dma_semaphore, #tpu.memory_space<semaphore_mem>>
        %dma_start3A_496 = arith.constant 0 : i32
        %dma_start3A_497 = tpu.memref_slice %arg6[%add3A_495, %dma_start3A_496] : memref<100000x128xf32, #tpu.memory_space<hbm>> -> memref<384x128xf32, #tpu.memory_space<hbm>>
        %dma_start3A_498 = arith.constant 0 : i32
        %dma_start3A_499 = tpu.memref_slice %arg10[%multiple_of3A_493, %dma_start3A_498] : memref<6144x128xf32, #tpu.memory_space<vmem_shared>> -> memref<384x128xf32, #tpu.memory_space<vmem_shared>>
        tpu.enqueue_dma source(%dma_start3A_499 : memref<384x128xf32, #tpu.memory_space<vmem_shared>>) target(%dma_start3A_497 : memref<384x128xf32, #tpu.memory_space<hbm>>) target_semaphore(%run_scoped3A : memref<!tpu.dma_semaphore, #tpu.memory_space<semaphore_mem>>)
        %dma_wait3A_500 = arith.constant 0 : i32
        %dma_wait3A_501 = tpu.memref_slice %arg6[%add3A_495, %dma_wait3A_500] : memref<100000x128xf32, #tpu.memory_space<hbm>> -> memref<384x128xf32, #tpu.memory_space<hbm>>
        %dma_wait3A_502 = arith.constant 0 : i32
        %dma_wait3A_503 = tpu.memref_slice %arg10[%multiple_of3A_493, %dma_wait3A_502] : memref<6144x128xf32, #tpu.memory_space<vmem_shared>> -> memref<384x128xf32, #tpu.memory_space<vmem_shared>>
        tpu.wait_dma2 semaphore(%run_scoped3A : memref<!tpu.dma_semaphore, #tpu.memory_space<semaphore_mem>>) src(%dma_wait3A_503 : memref<384x128xf32, #tpu.memory_space<vmem_shared>>) dst(%dma_wait3A_501 : memref<384x128xf32, #tpu.memory_space<hbm>>)
        tpu.yield
      }) : () -> ()
    } else {
    }
    %barrier3A_148 = arith.constant 0 : index
    tpu.barrier barrier_id(%barrier3A_148)
    %not3A_149 = arith.constant true
    %not3A_150 = arith.xori %eq3A_36, %not3A_149 : i1
    %and3A_151 = arith.andi %lt3A_34, %not3A_150 : i1
    %convert_element_type3A_152 = arith.extui %and3A_151 : i1 to i32
    %cond3A_153 = arith.constant 0 : i32
    %cond3A_154 = arith.cmpi ne, %convert_element_type3A_152, %cond3A_153 : i32
    scf.if %cond3A_154 {
      %add3A_487 = arith.constant 1920 : i32
      %add3A_488 = arith.addi %multiple_of3A, %add3A_487 : i32
      %mul3A_489 = arith.constant 2 : i32
      %mul3A_490 = arith.muli %select_n3A_32, %mul3A_489 : i32
      %add3A_491 = arith.constant 1 : i32
      %add3A_492 = arith.addi %mul3A_490, %add3A_491 : i32
      %mul3A_493 = arith.constant 384 : i32
      %mul3A_494 = arith.muli %add3A_492, %mul3A_493 : i32
      %multiple_of3A_495 = tpu.assume_multiple %mul3A_494, 8 : i32
      "tpu.region"() ({
        %run_scoped3A = tpu.sem_alloc : memref<!tpu.dma_semaphore, #tpu.memory_space<semaphore_mem>>
        %dma_start3A_496 = arith.constant 0 : i32
        %dma_start3A_497 = tpu.memref_slice %arg10[%multiple_of3A_495, %dma_start3A_496] : memref<6144x128xf32, #tpu.memory_space<vmem_shared>> -> memref<384x128xf32, #tpu.memory_space<vmem_shared>>
        %dma_start3A_498 = arith.constant 0 : i32
        %dma_start3A_499 = tpu.memref_slice %arg2[%add3A_488, %dma_start3A_498] : memref<100000x128xf32, #tpu.memory_space<hbm>> -> memref<384x128xf32, #tpu.memory_space<hbm>>
        tpu.enqueue_dma source(%dma_start3A_499 : memref<384x128xf32, #tpu.memory_space<hbm>>) target(%dma_start3A_497 : memref<384x128xf32, #tpu.memory_space<vmem_shared>>) target_semaphore(%run_scoped3A : memref<!tpu.dma_semaphore, #tpu.memory_space<semaphore_mem>>)
        %dma_wait3A_500 = arith.constant 0 : i32
        %dma_wait3A_501 = tpu.memref_slice %arg10[%multiple_of3A_495, %dma_wait3A_500] : memref<6144x128xf32, #tpu.memory_space<vmem_shared>> -> memref<384x128xf32, #tpu.memory_space<vmem_shared>>
        %dma_wait3A_502 = arith.constant 0 : i32
        %dma_wait3A_503 = tpu.memref_slice %arg2[%add3A_488, %dma_wait3A_502] : memref<100000x128xf32, #tpu.memory_space<hbm>> -> memref<384x128xf32, #tpu.memory_space<hbm>>
        tpu.wait_dma2 semaphore(%run_scoped3A : memref<!tpu.dma_semaphore, #tpu.memory_space<semaphore_mem>>) src(%dma_wait3A_503 : memref<384x128xf32, #tpu.memory_space<hbm>>) dst(%dma_wait3A_501 : memref<384x128xf32, #tpu.memory_space<vmem_shared>>)
        tpu.yield
      }) : () -> ()
    } else {
    }
    %and3A_155 = arith.andi %lt3A_34, %eq3A_36 : i1
    %convert_element_type3A_156 = arith.extui %and3A_155 : i1 to i32
    %cond3A_157 = arith.constant 0 : i32
    %cond3A_158 = arith.cmpi ne, %convert_element_type3A_156, %cond3A_157 : i32
    scf.if %cond3A_158 {
      %add3A_487 = arith.constant 1920 : i32
      %add3A_488 = arith.addi %multiple_of3A, %add3A_487 : i32
      %mul3A_489 = arith.constant 2 : i32
      %mul3A_490 = arith.muli %select_n3A_32, %mul3A_489 : i32
      %add3A_491 = arith.constant 1 : i32
      %add3A_492 = arith.addi %mul3A_490, %add3A_491 : i32
      %mul3A_493 = arith.constant 384 : i32
      %mul3A_494 = arith.muli %add3A_492, %mul3A_493 : i32
      %multiple_of3A_495 = tpu.assume_multiple %mul3A_494, 8 : i32
      "tpu.region"() ({
        %run_scoped3A = tpu.sem_alloc : memref<!tpu.dma_semaphore, #tpu.memory_space<semaphore_mem>>
        %dma_start3A_496 = arith.constant 0 : i32
        %dma_start3A_497 = tpu.memref_slice %arg10[%multiple_of3A_495, %dma_start3A_496] : memref<6144x128xf32, #tpu.memory_space<vmem_shared>> -> memref<384x128xf32, #tpu.memory_space<vmem_shared>>
        %dma_start3A_498 = arith.constant 0 : i32
        %dma_start3A_499 = tpu.memref_slice %arg2[%add3A_488, %dma_start3A_498] : memref<100000x128xf32, #tpu.memory_space<hbm>> -> memref<384x128xf32, #tpu.memory_space<hbm>>
        tpu.enqueue_dma source(%dma_start3A_499 : memref<384x128xf32, #tpu.memory_space<hbm>>) target(%dma_start3A_497 : memref<384x128xf32, #tpu.memory_space<vmem_shared>>) target_semaphore(%run_scoped3A : memref<!tpu.dma_semaphore, #tpu.memory_space<semaphore_mem>>)
        %dma_wait3A_500 = arith.constant 0 : i32
        %dma_wait3A_501 = tpu.memref_slice %arg10[%multiple_of3A_495, %dma_wait3A_500] : memref<6144x128xf32, #tpu.memory_space<vmem_shared>> -> memref<384x128xf32, #tpu.memory_space<vmem_shared>>
        %dma_wait3A_502 = arith.constant 0 : i32
        %dma_wait3A_503 = tpu.memref_slice %arg2[%add3A_488, %dma_wait3A_502] : memref<100000x128xf32, #tpu.memory_space<hbm>> -> memref<384x128xf32, #tpu.memory_space<hbm>>
        tpu.wait_dma2 semaphore(%run_scoped3A : memref<!tpu.dma_semaphore, #tpu.memory_space<semaphore_mem>>) src(%dma_wait3A_503 : memref<384x128xf32, #tpu.memory_space<hbm>>) dst(%dma_wait3A_501 : memref<384x128xf32, #tpu.memory_space<vmem_shared>>)
        tpu.yield
      }) : () -> ()
    } else {
    }
    %not3A_159 = arith.constant true
    %not3A_160 = arith.xori %lt3A_34, %not3A_159 : i1
    %not3A_161 = arith.constant true
    %not3A_162 = arith.xori %eq3A_36, %not3A_161 : i1
    %and3A_163 = arith.andi %not3A_160, %not3A_162 : i1
    %convert_element_type3A_164 = arith.extui %and3A_163 : i1 to i32
    %cond3A_165 = arith.constant 0 : i32
    %cond3A_166 = arith.cmpi ne, %convert_element_type3A_164, %cond3A_165 : i32
    scf.if %cond3A_166 {
      %mul3A_487 = arith.constant 2 : i32
      %mul3A_488 = arith.muli %select_n3A_32, %mul3A_487 : i32
      %add3A_489 = arith.constant 0 : i32
      %add3A_490 = arith.addi %mul3A_488, %add3A_489 : i32
      %mul3A_491 = arith.constant 384 : i32
      %mul3A_492 = arith.muli %add3A_490, %mul3A_491 : i32
      %multiple_of3A_493 = tpu.assume_multiple %mul3A_492, 8 : i32
      %add3A_494 = arith.constant 1536 : i32
      %add3A_495 = arith.addi %multiple_of3A, %add3A_494 : i32
      "tpu.region"() ({
        %run_scoped3A = tpu.sem_alloc : memref<!tpu.dma_semaphore, #tpu.memory_space<semaphore_mem>>
        %dma_start3A_496 = arith.constant 0 : i32
        %dma_start3A_497 = tpu.memref_slice %arg6[%add3A_495, %dma_start3A_496] : memref<100000x128xf32, #tpu.memory_space<hbm>> -> memref<384x128xf32, #tpu.memory_space<hbm>>
        %dma_start3A_498 = arith.constant 0 : i32
        %dma_start3A_499 = tpu.memref_slice %arg10[%multiple_of3A_493, %dma_start3A_498] : memref<6144x128xf32, #tpu.memory_space<vmem_shared>> -> memref<384x128xf32, #tpu.memory_space<vmem_shared>>
        tpu.enqueue_dma source(%dma_start3A_499 : memref<384x128xf32, #tpu.memory_space<vmem_shared>>) target(%dma_start3A_497 : memref<384x128xf32, #tpu.memory_space<hbm>>) target_semaphore(%run_scoped3A : memref<!tpu.dma_semaphore, #tpu.memory_space<semaphore_mem>>)
        %dma_wait3A_500 = arith.constant 0 : i32
        %dma_wait3A_501 = tpu.memref_slice %arg6[%add3A_495, %dma_wait3A_500] : memref<100000x128xf32, #tpu.memory_space<hbm>> -> memref<384x128xf32, #tpu.memory_space<hbm>>
        %dma_wait3A_502 = arith.constant 0 : i32
        %dma_wait3A_503 = tpu.memref_slice %arg10[%multiple_of3A_493, %dma_wait3A_502] : memref<6144x128xf32, #tpu.memory_space<vmem_shared>> -> memref<384x128xf32, #tpu.memory_space<vmem_shared>>
        tpu.wait_dma2 semaphore(%run_scoped3A : memref<!tpu.dma_semaphore, #tpu.memory_space<semaphore_mem>>) src(%dma_wait3A_503 : memref<384x128xf32, #tpu.memory_space<vmem_shared>>) dst(%dma_wait3A_501 : memref<384x128xf32, #tpu.memory_space<hbm>>)
        tpu.yield
      }) : () -> ()
    } else {
    }
    %not3A_167 = arith.constant true
    %not3A_168 = arith.xori %lt3A_34, %not3A_167 : i1
    %and3A_169 = arith.andi %not3A_168, %eq3A_36 : i1
    %convert_element_type3A_170 = arith.extui %and3A_169 : i1 to i32
    %cond3A_171 = arith.constant 0 : i32
    %cond3A_172 = arith.cmpi ne, %convert_element_type3A_170, %cond3A_171 : i32
    scf.if %cond3A_172 {
      %mul3A_487 = arith.constant 2 : i32
      %mul3A_488 = arith.muli %select_n3A_32, %mul3A_487 : i32
      %add3A_489 = arith.constant 0 : i32
      %add3A_490 = arith.addi %mul3A_488, %add3A_489 : i32
      %mul3A_491 = arith.constant 384 : i32
      %mul3A_492 = arith.muli %add3A_490, %mul3A_491 : i32
      %multiple_of3A_493 = tpu.assume_multiple %mul3A_492, 8 : i32
      %add3A_494 = arith.constant 1536 : i32
      %add3A_495 = arith.addi %multiple_of3A, %add3A_494 : i32
      "tpu.region"() ({
        %run_scoped3A = tpu.sem_alloc : memref<!tpu.dma_semaphore, #tpu.memory_space<semaphore_mem>>
        %dma_start3A_496 = arith.constant 0 : i32
        %dma_start3A_497 = tpu.memref_slice %arg6[%add3A_495, %dma_start3A_496] : memref<100000x128xf32, #tpu.memory_space<hbm>> -> memref<384x128xf32, #tpu.memory_space<hbm>>
        %dma_start3A_498 = arith.constant 0 : i32
        %dma_start3A_499 = tpu.memref_slice %arg10[%multiple_of3A_493, %dma_start3A_498] : memref<6144x128xf32, #tpu.memory_space<vmem_shared>> -> memref<384x128xf32, #tpu.memory_space<vmem_shared>>
        tpu.enqueue_dma source(%dma_start3A_499 : memref<384x128xf32, #tpu.memory_space<vmem_shared>>) target(%dma_start3A_497 : memref<384x128xf32, #tpu.memory_space<hbm>>) target_semaphore(%run_scoped3A : memref<!tpu.dma_semaphore, #tpu.memory_space<semaphore_mem>>)
        %dma_wait3A_500 = arith.constant 0 : i32
        %dma_wait3A_501 = tpu.memref_slice %arg6[%add3A_495, %dma_wait3A_500] : memref<100000x128xf32, #tpu.memory_space<hbm>> -> memref<384x128xf32, #tpu.memory_space<hbm>>
        %dma_wait3A_502 = arith.constant 0 : i32
        %dma_wait3A_503 = tpu.memref_slice %arg10[%multiple_of3A_493, %dma_wait3A_502] : memref<6144x128xf32, #tpu.memory_space<vmem_shared>> -> memref<384x128xf32, #tpu.memory_space<vmem_shared>>
        tpu.wait_dma2 semaphore(%run_scoped3A : memref<!tpu.dma_semaphore, #tpu.memory_space<semaphore_mem>>) src(%dma_wait3A_503 : memref<384x128xf32, #tpu.memory_space<vmem_shared>>) dst(%dma_wait3A_501 : memref<384x128xf32, #tpu.memory_space<hbm>>)
        tpu.yield
      }) : () -> ()
    } else {
    }
    %barrier3A_173 = arith.constant 0 : index
    tpu.barrier barrier_id(%barrier3A_173)
    %not3A_174 = arith.constant true
    %not3A_175 = arith.xori %eq3A_36, %not3A_174 : i1
    %and3A_176 = arith.andi %lt3A_34, %not3A_175 : i1
    %convert_element_type3A_177 = arith.extui %and3A_176 : i1 to i32
    %cond3A_178 = arith.constant 0 : i32
    %cond3A_179 = arith.cmpi ne, %convert_element_type3A_177, %cond3A_178 : i32
    scf.if %cond3A_179 {
      %add3A_487 = arith.constant 2304 : i32
      %add3A_488 = arith.addi %multiple_of3A, %add3A_487 : i32
      %mul3A_489 = arith.constant 2 : i32
      %mul3A_490 = arith.muli %select_n3A_32, %mul3A_489 : i32
      %add3A_491 = arith.constant 0 : i32
      %add3A_492 = arith.addi %mul3A_490, %add3A_491 : i32
      %mul3A_493 = arith.constant 384 : i32
      %mul3A_494 = arith.muli %add3A_492, %mul3A_493 : i32
      %multiple_of3A_495 = tpu.assume_multiple %mul3A_494, 8 : i32
      "tpu.region"() ({
        %run_scoped3A = tpu.sem_alloc : memref<!tpu.dma_semaphore, #tpu.memory_space<semaphore_mem>>
        %dma_start3A_496 = arith.constant 0 : i32
        %dma_start3A_497 = tpu.memref_slice %arg10[%multiple_of3A_495, %dma_start3A_496] : memref<6144x128xf32, #tpu.memory_space<vmem_shared>> -> memref<384x128xf32, #tpu.memory_space<vmem_shared>>
        %dma_start3A_498 = arith.constant 0 : i32
        %dma_start3A_499 = tpu.memref_slice %arg2[%add3A_488, %dma_start3A_498] : memref<100000x128xf32, #tpu.memory_space<hbm>> -> memref<384x128xf32, #tpu.memory_space<hbm>>
        tpu.enqueue_dma source(%dma_start3A_499 : memref<384x128xf32, #tpu.memory_space<hbm>>) target(%dma_start3A_497 : memref<384x128xf32, #tpu.memory_space<vmem_shared>>) target_semaphore(%run_scoped3A : memref<!tpu.dma_semaphore, #tpu.memory_space<semaphore_mem>>)
        %dma_wait3A_500 = arith.constant 0 : i32
        %dma_wait3A_501 = tpu.memref_slice %arg10[%multiple_of3A_495, %dma_wait3A_500] : memref<6144x128xf32, #tpu.memory_space<vmem_shared>> -> memref<384x128xf32, #tpu.memory_space<vmem_shared>>
        %dma_wait3A_502 = arith.constant 0 : i32
        %dma_wait3A_503 = tpu.memref_slice %arg2[%add3A_488, %dma_wait3A_502] : memref<100000x128xf32, #tpu.memory_space<hbm>> -> memref<384x128xf32, #tpu.memory_space<hbm>>
        tpu.wait_dma2 semaphore(%run_scoped3A : memref<!tpu.dma_semaphore, #tpu.memory_space<semaphore_mem>>) src(%dma_wait3A_503 : memref<384x128xf32, #tpu.memory_space<hbm>>) dst(%dma_wait3A_501 : memref<384x128xf32, #tpu.memory_space<vmem_shared>>)
        tpu.yield
      }) : () -> ()
    } else {
    }
    %and3A_180 = arith.andi %lt3A_34, %eq3A_36 : i1
    %convert_element_type3A_181 = arith.extui %and3A_180 : i1 to i32
    %cond3A_182 = arith.constant 0 : i32
    %cond3A_183 = arith.cmpi ne, %convert_element_type3A_181, %cond3A_182 : i32
    scf.if %cond3A_183 {
      %add3A_487 = arith.constant 2304 : i32
      %add3A_488 = arith.addi %multiple_of3A, %add3A_487 : i32
      %mul3A_489 = arith.constant 2 : i32
      %mul3A_490 = arith.muli %select_n3A_32, %mul3A_489 : i32
      %add3A_491 = arith.constant 0 : i32
      %add3A_492 = arith.addi %mul3A_490, %add3A_491 : i32
      %mul3A_493 = arith.constant 384 : i32
      %mul3A_494 = arith.muli %add3A_492, %mul3A_493 : i32
      %multiple_of3A_495 = tpu.assume_multiple %mul3A_494, 8 : i32
      "tpu.region"() ({
        %run_scoped3A = tpu.sem_alloc : memref<!tpu.dma_semaphore, #tpu.memory_space<semaphore_mem>>
        %dma_start3A_496 = arith.constant 0 : i32
        %dma_start3A_497 = tpu.memref_slice %arg10[%multiple_of3A_495, %dma_start3A_496] : memref<6144x128xf32, #tpu.memory_space<vmem_shared>> -> memref<384x128xf32, #tpu.memory_space<vmem_shared>>
        %dma_start3A_498 = arith.constant 0 : i32
        %dma_start3A_499 = tpu.memref_slice %arg2[%add3A_488, %dma_start3A_498] : memref<100000x128xf32, #tpu.memory_space<hbm>> -> memref<384x128xf32, #tpu.memory_space<hbm>>
        tpu.enqueue_dma source(%dma_start3A_499 : memref<384x128xf32, #tpu.memory_space<hbm>>) target(%dma_start3A_497 : memref<384x128xf32, #tpu.memory_space<vmem_shared>>) target_semaphore(%run_scoped3A : memref<!tpu.dma_semaphore, #tpu.memory_space<semaphore_mem>>)
        %dma_wait3A_500 = arith.constant 0 : i32
        %dma_wait3A_501 = tpu.memref_slice %arg10[%multiple_of3A_495, %dma_wait3A_500] : memref<6144x128xf32, #tpu.memory_space<vmem_shared>> -> memref<384x128xf32, #tpu.memory_space<vmem_shared>>
        %dma_wait3A_502 = arith.constant 0 : i32
        %dma_wait3A_503 = tpu.memref_slice %arg2[%add3A_488, %dma_wait3A_502] : memref<100000x128xf32, #tpu.memory_space<hbm>> -> memref<384x128xf32, #tpu.memory_space<hbm>>
        tpu.wait_dma2 semaphore(%run_scoped3A : memref<!tpu.dma_semaphore, #tpu.memory_space<semaphore_mem>>) src(%dma_wait3A_503 : memref<384x128xf32, #tpu.memory_space<hbm>>) dst(%dma_wait3A_501 : memref<384x128xf32, #tpu.memory_space<vmem_shared>>)
        tpu.yield
      }) : () -> ()
    } else {
    }
    %not3A_184 = arith.constant true
    %not3A_185 = arith.xori %lt3A_34, %not3A_184 : i1
    %not3A_186 = arith.constant true
    %not3A_187 = arith.xori %eq3A_36, %not3A_186 : i1
    %and3A_188 = arith.andi %not3A_185, %not3A_187 : i1
    %convert_element_type3A_189 = arith.extui %and3A_188 : i1 to i32
    %cond3A_190 = arith.constant 0 : i32
    %cond3A_191 = arith.cmpi ne, %convert_element_type3A_189, %cond3A_190 : i32
    scf.if %cond3A_191 {
      %mul3A_487 = arith.constant 2 : i32
      %mul3A_488 = arith.muli %select_n3A_32, %mul3A_487 : i32
      %add3A_489 = arith.constant 1 : i32
      %add3A_490 = arith.addi %mul3A_488, %add3A_489 : i32
      %mul3A_491 = arith.constant 384 : i32
      %mul3A_492 = arith.muli %add3A_490, %mul3A_491 : i32
      %multiple_of3A_493 = tpu.assume_multiple %mul3A_492, 8 : i32
      %add3A_494 = arith.constant 1920 : i32
      %add3A_495 = arith.addi %multiple_of3A, %add3A_494 : i32
      "tpu.region"() ({
        %run_scoped3A = tpu.sem_alloc : memref<!tpu.dma_semaphore, #tpu.memory_space<semaphore_mem>>
        %dma_start3A_496 = arith.constant 0 : i32
        %dma_start3A_497 = tpu.memref_slice %arg6[%add3A_495, %dma_start3A_496] : memref<100000x128xf32, #tpu.memory_space<hbm>> -> memref<384x128xf32, #tpu.memory_space<hbm>>
        %dma_start3A_498 = arith.constant 0 : i32
        %dma_start3A_499 = tpu.memref_slice %arg10[%multiple_of3A_493, %dma_start3A_498] : memref<6144x128xf32, #tpu.memory_space<vmem_shared>> -> memref<384x128xf32, #tpu.memory_space<vmem_shared>>
        tpu.enqueue_dma source(%dma_start3A_499 : memref<384x128xf32, #tpu.memory_space<vmem_shared>>) target(%dma_start3A_497 : memref<384x128xf32, #tpu.memory_space<hbm>>) target_semaphore(%run_scoped3A : memref<!tpu.dma_semaphore, #tpu.memory_space<semaphore_mem>>)
        %dma_wait3A_500 = arith.constant 0 : i32
        %dma_wait3A_501 = tpu.memref_slice %arg6[%add3A_495, %dma_wait3A_500] : memref<100000x128xf32, #tpu.memory_space<hbm>> -> memref<384x128xf32, #tpu.memory_space<hbm>>
        %dma_wait3A_502 = arith.constant 0 : i32
        %dma_wait3A_503 = tpu.memref_slice %arg10[%multiple_of3A_493, %dma_wait3A_502] : memref<6144x128xf32, #tpu.memory_space<vmem_shared>> -> memref<384x128xf32, #tpu.memory_space<vmem_shared>>
        tpu.wait_dma2 semaphore(%run_scoped3A : memref<!tpu.dma_semaphore, #tpu.memory_space<semaphore_mem>>) src(%dma_wait3A_503 : memref<384x128xf32, #tpu.memory_space<vmem_shared>>) dst(%dma_wait3A_501 : memref<384x128xf32, #tpu.memory_space<hbm>>)
        tpu.yield
      }) : () -> ()
    } else {
    }
    %not3A_192 = arith.constant true
    %not3A_193 = arith.xori %lt3A_34, %not3A_192 : i1
    %and3A_194 = arith.andi %not3A_193, %eq3A_36 : i1
    %convert_element_type3A_195 = arith.extui %and3A_194 : i1 to i32
    %cond3A_196 = arith.constant 0 : i32
    %cond3A_197 = arith.cmpi ne, %convert_element_type3A_195, %cond3A_196 : i32
    scf.if %cond3A_197 {
      %mul3A_487 = arith.constant 2 : i32
      %mul3A_488 = arith.muli %select_n3A_32, %mul3A_487 : i32
      %add3A_489 = arith.constant 1 : i32
      %add3A_490 = arith.addi %mul3A_488, %add3A_489 : i32
      %mul3A_491 = arith.constant 384 : i32
      %mul3A_492 = arith.muli %add3A_490, %mul3A_491 : i32
      %multiple_of3A_493 = tpu.assume_multiple %mul3A_492, 8 : i32
      %add3A_494 = arith.constant 1920 : i32
      %add3A_495 = arith.addi %multiple_of3A, %add3A_494 : i32
      "tpu.region"() ({
        %run_scoped3A = tpu.sem_alloc : memref<!tpu.dma_semaphore, #tpu.memory_space<semaphore_mem>>
        %dma_start3A_496 = arith.constant 0 : i32
        %dma_start3A_497 = tpu.memref_slice %arg6[%add3A_495, %dma_start3A_496] : memref<100000x128xf32, #tpu.memory_space<hbm>> -> memref<384x128xf32, #tpu.memory_space<hbm>>
        %dma_start3A_498 = arith.constant 0 : i32
        %dma_start3A_499 = tpu.memref_slice %arg10[%multiple_of3A_493, %dma_start3A_498] : memref<6144x128xf32, #tpu.memory_space<vmem_shared>> -> memref<384x128xf32, #tpu.memory_space<vmem_shared>>
        tpu.enqueue_dma source(%dma_start3A_499 : memref<384x128xf32, #tpu.memory_space<vmem_shared>>) target(%dma_start3A_497 : memref<384x128xf32, #tpu.memory_space<hbm>>) target_semaphore(%run_scoped3A : memref<!tpu.dma_semaphore, #tpu.memory_space<semaphore_mem>>)
        %dma_wait3A_500 = arith.constant 0 : i32
        %dma_wait3A_501 = tpu.memref_slice %arg6[%add3A_495, %dma_wait3A_500] : memref<100000x128xf32, #tpu.memory_space<hbm>> -> memref<384x128xf32, #tpu.memory_space<hbm>>
        %dma_wait3A_502 = arith.constant 0 : i32
        %dma_wait3A_503 = tpu.memref_slice %arg10[%multiple_of3A_493, %dma_wait3A_502] : memref<6144x128xf32, #tpu.memory_space<vmem_shared>> -> memref<384x128xf32, #tpu.memory_space<vmem_shared>>
        tpu.wait_dma2 semaphore(%run_scoped3A : memref<!tpu.dma_semaphore, #tpu.memory_space<semaphore_mem>>) src(%dma_wait3A_503 : memref<384x128xf32, #tpu.memory_space<vmem_shared>>) dst(%dma_wait3A_501 : memref<384x128xf32, #tpu.memory_space<hbm>>)
        tpu.yield
      }) : () -> ()
    } else {
    }
    %barrier3A_198 = arith.constant 0 : index
    tpu.barrier barrier_id(%barrier3A_198)
    %not3A_199 = arith.constant true
    %not3A_200 = arith.xori %eq3A_36, %not3A_199 : i1
    %and3A_201 = arith.andi %lt3A_34, %not3A_200 : i1
    %convert_element_type3A_202 = arith.extui %and3A_201 : i1 to i32
    %cond3A_203 = arith.constant 0 : i32
    %cond3A_204 = arith.cmpi ne, %convert_element_type3A_202, %cond3A_203 : i32
    scf.if %cond3A_204 {
      %add3A_487 = arith.constant 2688 : i32
      %add3A_488 = arith.addi %multiple_of3A, %add3A_487 : i32
      %mul3A_489 = arith.constant 2 : i32
      %mul3A_490 = arith.muli %select_n3A_32, %mul3A_489 : i32
      %add3A_491 = arith.constant 1 : i32
      %add3A_492 = arith.addi %mul3A_490, %add3A_491 : i32
      %mul3A_493 = arith.constant 384 : i32
      %mul3A_494 = arith.muli %add3A_492, %mul3A_493 : i32
      %multiple_of3A_495 = tpu.assume_multiple %mul3A_494, 8 : i32
      "tpu.region"() ({
        %run_scoped3A = tpu.sem_alloc : memref<!tpu.dma_semaphore, #tpu.memory_space<semaphore_mem>>
        %dma_start3A_496 = arith.constant 0 : i32
        %dma_start3A_497 = tpu.memref_slice %arg10[%multiple_of3A_495, %dma_start3A_496] : memref<6144x128xf32, #tpu.memory_space<vmem_shared>> -> memref<384x128xf32, #tpu.memory_space<vmem_shared>>
        %dma_start3A_498 = arith.constant 0 : i32
        %dma_start3A_499 = tpu.memref_slice %arg2[%add3A_488, %dma_start3A_498] : memref<100000x128xf32, #tpu.memory_space<hbm>> -> memref<384x128xf32, #tpu.memory_space<hbm>>
        tpu.enqueue_dma source(%dma_start3A_499 : memref<384x128xf32, #tpu.memory_space<hbm>>) target(%dma_start3A_497 : memref<384x128xf32, #tpu.memory_space<vmem_shared>>) target_semaphore(%run_scoped3A : memref<!tpu.dma_semaphore, #tpu.memory_space<semaphore_mem>>)
        %dma_wait3A_500 = arith.constant 0 : i32
        %dma_wait3A_501 = tpu.memref_slice %arg10[%multiple_of3A_495, %dma_wait3A_500] : memref<6144x128xf32, #tpu.memory_space<vmem_shared>> -> memref<384x128xf32, #tpu.memory_space<vmem_shared>>
        %dma_wait3A_502 = arith.constant 0 : i32
        %dma_wait3A_503 = tpu.memref_slice %arg2[%add3A_488, %dma_wait3A_502] : memref<100000x128xf32, #tpu.memory_space<hbm>> -> memref<384x128xf32, #tpu.memory_space<hbm>>
        tpu.wait_dma2 semaphore(%run_scoped3A : memref<!tpu.dma_semaphore, #tpu.memory_space<semaphore_mem>>) src(%dma_wait3A_503 : memref<384x128xf32, #tpu.memory_space<hbm>>) dst(%dma_wait3A_501 : memref<384x128xf32, #tpu.memory_space<vmem_shared>>)
        tpu.yield
      }) : () -> ()
    } else {
    }
    %and3A_205 = arith.andi %lt3A_34, %eq3A_36 : i1
    %convert_element_type3A_206 = arith.extui %and3A_205 : i1 to i32
    %cond3A_207 = arith.constant 0 : i32
    %cond3A_208 = arith.cmpi ne, %convert_element_type3A_206, %cond3A_207 : i32
    scf.if %cond3A_208 {
      %add3A_487 = arith.constant 2688 : i32
      %add3A_488 = arith.addi %multiple_of3A, %add3A_487 : i32
      %mul3A_489 = arith.constant 2 : i32
      %mul3A_490 = arith.muli %select_n3A_32, %mul3A_489 : i32
      %add3A_491 = arith.constant 1 : i32
      %add3A_492 = arith.addi %mul3A_490, %add3A_491 : i32
      %mul3A_493 = arith.constant 384 : i32
      %mul3A_494 = arith.muli %add3A_492, %mul3A_493 : i32
      %multiple_of3A_495 = tpu.assume_multiple %mul3A_494, 8 : i32
      "tpu.region"() ({
        %run_scoped3A = tpu.sem_alloc : memref<!tpu.dma_semaphore, #tpu.memory_space<semaphore_mem>>
        %dma_start3A_496 = arith.constant 0 : i32
        %dma_start3A_497 = tpu.memref_slice %arg10[%multiple_of3A_495, %dma_start3A_496] : memref<6144x128xf32, #tpu.memory_space<vmem_shared>> -> memref<384x128xf32, #tpu.memory_space<vmem_shared>>
        %dma_start3A_498 = arith.constant 0 : i32
        %dma_start3A_499 = tpu.memref_slice %arg2[%add3A_488, %dma_start3A_498] : memref<100000x128xf32, #tpu.memory_space<hbm>> -> memref<384x128xf32, #tpu.memory_space<hbm>>
        tpu.enqueue_dma source(%dma_start3A_499 : memref<384x128xf32, #tpu.memory_space<hbm>>) target(%dma_start3A_497 : memref<384x128xf32, #tpu.memory_space<vmem_shared>>) target_semaphore(%run_scoped3A : memref<!tpu.dma_semaphore, #tpu.memory_space<semaphore_mem>>)
        %dma_wait3A_500 = arith.constant 0 : i32
        %dma_wait3A_501 = tpu.memref_slice %arg10[%multiple_of3A_495, %dma_wait3A_500] : memref<6144x128xf32, #tpu.memory_space<vmem_shared>> -> memref<384x128xf32, #tpu.memory_space<vmem_shared>>
        %dma_wait3A_502 = arith.constant 0 : i32
        %dma_wait3A_503 = tpu.memref_slice %arg2[%add3A_488, %dma_wait3A_502] : memref<100000x128xf32, #tpu.memory_space<hbm>> -> memref<384x128xf32, #tpu.memory_space<hbm>>
        tpu.wait_dma2 semaphore(%run_scoped3A : memref<!tpu.dma_semaphore, #tpu.memory_space<semaphore_mem>>) src(%dma_wait3A_503 : memref<384x128xf32, #tpu.memory_space<hbm>>) dst(%dma_wait3A_501 : memref<384x128xf32, #tpu.memory_space<vmem_shared>>)
        tpu.yield
      }) : () -> ()
    } else {
    }
    %not3A_209 = arith.constant true
    %not3A_210 = arith.xori %lt3A_34, %not3A_209 : i1
    %not3A_211 = arith.constant true
    %not3A_212 = arith.xori %eq3A_36, %not3A_211 : i1
    %and3A_213 = arith.andi %not3A_210, %not3A_212 : i1
    %convert_element_type3A_214 = arith.extui %and3A_213 : i1 to i32
    %cond3A_215 = arith.constant 0 : i32
    %cond3A_216 = arith.cmpi ne, %convert_element_type3A_214, %cond3A_215 : i32
    scf.if %cond3A_216 {
      %mul3A_487 = arith.constant 2 : i32
      %mul3A_488 = arith.muli %select_n3A_32, %mul3A_487 : i32
      %add3A_489 = arith.constant 0 : i32
      %add3A_490 = arith.addi %mul3A_488, %add3A_489 : i32
      %mul3A_491 = arith.constant 384 : i32
      %mul3A_492 = arith.muli %add3A_490, %mul3A_491 : i32
      %multiple_of3A_493 = tpu.assume_multiple %mul3A_492, 8 : i32
      %add3A_494 = arith.constant 2304 : i32
      %add3A_495 = arith.addi %multiple_of3A, %add3A_494 : i32
      "tpu.region"() ({
        %run_scoped3A = tpu.sem_alloc : memref<!tpu.dma_semaphore, #tpu.memory_space<semaphore_mem>>
        %dma_start3A_496 = arith.constant 0 : i32
        %dma_start3A_497 = tpu.memref_slice %arg6[%add3A_495, %dma_start3A_496] : memref<100000x128xf32, #tpu.memory_space<hbm>> -> memref<384x128xf32, #tpu.memory_space<hbm>>
        %dma_start3A_498 = arith.constant 0 : i32
        %dma_start3A_499 = tpu.memref_slice %arg10[%multiple_of3A_493, %dma_start3A_498] : memref<6144x128xf32, #tpu.memory_space<vmem_shared>> -> memref<384x128xf32, #tpu.memory_space<vmem_shared>>
        tpu.enqueue_dma source(%dma_start3A_499 : memref<384x128xf32, #tpu.memory_space<vmem_shared>>) target(%dma_start3A_497 : memref<384x128xf32, #tpu.memory_space<hbm>>) target_semaphore(%run_scoped3A : memref<!tpu.dma_semaphore, #tpu.memory_space<semaphore_mem>>)
        %dma_wait3A_500 = arith.constant 0 : i32
        %dma_wait3A_501 = tpu.memref_slice %arg6[%add3A_495, %dma_wait3A_500] : memref<100000x128xf32, #tpu.memory_space<hbm>> -> memref<384x128xf32, #tpu.memory_space<hbm>>
        %dma_wait3A_502 = arith.constant 0 : i32
        %dma_wait3A_503 = tpu.memref_slice %arg10[%multiple_of3A_493, %dma_wait3A_502] : memref<6144x128xf32, #tpu.memory_space<vmem_shared>> -> memref<384x128xf32, #tpu.memory_space<vmem_shared>>
        tpu.wait_dma2 semaphore(%run_scoped3A : memref<!tpu.dma_semaphore, #tpu.memory_space<semaphore_mem>>) src(%dma_wait3A_503 : memref<384x128xf32, #tpu.memory_space<vmem_shared>>) dst(%dma_wait3A_501 : memref<384x128xf32, #tpu.memory_space<hbm>>)
        tpu.yield
      }) : () -> ()
    } else {
    }
    %not3A_217 = arith.constant true
    %not3A_218 = arith.xori %lt3A_34, %not3A_217 : i1
    %and3A_219 = arith.andi %not3A_218, %eq3A_36 : i1
    %convert_element_type3A_220 = arith.extui %and3A_219 : i1 to i32
    %cond3A_221 = arith.constant 0 : i32
    %cond3A_222 = arith.cmpi ne, %convert_element_type3A_220, %cond3A_221 : i32
    scf.if %cond3A_222 {
      %mul3A_487 = arith.constant 2 : i32
      %mul3A_488 = arith.muli %select_n3A_32, %mul3A_487 : i32
      %add3A_489 = arith.constant 0 : i32
      %add3A_490 = arith.addi %mul3A_488, %add3A_489 : i32
      %mul3A_491 = arith.constant 384 : i32
      %mul3A_492 = arith.muli %add3A_490, %mul3A_491 : i32
      %multiple_of3A_493 = tpu.assume_multiple %mul3A_492, 8 : i32
      %add3A_494 = arith.constant 2304 : i32
      %add3A_495 = arith.addi %multiple_of3A, %add3A_494 : i32
      "tpu.region"() ({
        %run_scoped3A = tpu.sem_alloc : memref<!tpu.dma_semaphore, #tpu.memory_space<semaphore_mem>>
        %dma_start3A_496 = arith.constant 0 : i32
        %dma_start3A_497 = tpu.memref_slice %arg6[%add3A_495, %dma_start3A_496] : memref<100000x128xf32, #tpu.memory_space<hbm>> -> memref<384x128xf32, #tpu.memory_space<hbm>>
        %dma_start3A_498 = arith.constant 0 : i32
        %dma_start3A_499 = tpu.memref_slice %arg10[%multiple_of3A_493, %dma_start3A_498] : memref<6144x128xf32, #tpu.memory_space<vmem_shared>> -> memref<384x128xf32, #tpu.memory_space<vmem_shared>>
        tpu.enqueue_dma source(%dma_start3A_499 : memref<384x128xf32, #tpu.memory_space<vmem_shared>>) target(%dma_start3A_497 : memref<384x128xf32, #tpu.memory_space<hbm>>) target_semaphore(%run_scoped3A : memref<!tpu.dma_semaphore, #tpu.memory_space<semaphore_mem>>)
        %dma_wait3A_500 = arith.constant 0 : i32
        %dma_wait3A_501 = tpu.memref_slice %arg6[%add3A_495, %dma_wait3A_500] : memref<100000x128xf32, #tpu.memory_space<hbm>> -> memref<384x128xf32, #tpu.memory_space<hbm>>
        %dma_wait3A_502 = arith.constant 0 : i32
        %dma_wait3A_503 = tpu.memref_slice %arg10[%multiple_of3A_493, %dma_wait3A_502] : memref<6144x128xf32, #tpu.memory_space<vmem_shared>> -> memref<384x128xf32, #tpu.memory_space<vmem_shared>>
        tpu.wait_dma2 semaphore(%run_scoped3A : memref<!tpu.dma_semaphore, #tpu.memory_space<semaphore_mem>>) src(%dma_wait3A_503 : memref<384x128xf32, #tpu.memory_space<vmem_shared>>) dst(%dma_wait3A_501 : memref<384x128xf32, #tpu.memory_space<hbm>>)
        tpu.yield
      }) : () -> ()
    } else {
    }
    %barrier3A_223 = arith.constant 0 : index
    tpu.barrier barrier_id(%barrier3A_223)
    %not3A_224 = arith.constant true
    %not3A_225 = arith.xori %eq3A_36, %not3A_224 : i1
    %and3A_226 = arith.andi %lt3A_34, %not3A_225 : i1
    %convert_element_type3A_227 = arith.extui %and3A_226 : i1 to i32
    %cond3A_228 = arith.constant 0 : i32
    %cond3A_229 = arith.cmpi ne, %convert_element_type3A_227, %cond3A_228 : i32
    scf.if %cond3A_229 {
      %add3A_487 = arith.constant 3072 : i32
      %add3A_488 = arith.addi %multiple_of3A, %add3A_487 : i32
      %mul3A_489 = arith.constant 2 : i32
      %mul3A_490 = arith.muli %select_n3A_32, %mul3A_489 : i32
      %add3A_491 = arith.constant 0 : i32
      %add3A_492 = arith.addi %mul3A_490, %add3A_491 : i32
      %mul3A_493 = arith.constant 384 : i32
      %mul3A_494 = arith.muli %add3A_492, %mul3A_493 : i32
      %multiple_of3A_495 = tpu.assume_multiple %mul3A_494, 8 : i32
      "tpu.region"() ({
        %run_scoped3A = tpu.sem_alloc : memref<!tpu.dma_semaphore, #tpu.memory_space<semaphore_mem>>
        %dma_start3A_496 = arith.constant 0 : i32
        %dma_start3A_497 = tpu.memref_slice %arg10[%multiple_of3A_495, %dma_start3A_496] : memref<6144x128xf32, #tpu.memory_space<vmem_shared>> -> memref<384x128xf32, #tpu.memory_space<vmem_shared>>
        %dma_start3A_498 = arith.constant 0 : i32
        %dma_start3A_499 = tpu.memref_slice %arg2[%add3A_488, %dma_start3A_498] : memref<100000x128xf32, #tpu.memory_space<hbm>> -> memref<384x128xf32, #tpu.memory_space<hbm>>
        tpu.enqueue_dma source(%dma_start3A_499 : memref<384x128xf32, #tpu.memory_space<hbm>>) target(%dma_start3A_497 : memref<384x128xf32, #tpu.memory_space<vmem_shared>>) target_semaphore(%run_scoped3A : memref<!tpu.dma_semaphore, #tpu.memory_space<semaphore_mem>>)
        %dma_wait3A_500 = arith.constant 0 : i32
        %dma_wait3A_501 = tpu.memref_slice %arg10[%multiple_of3A_495, %dma_wait3A_500] : memref<6144x128xf32, #tpu.memory_space<vmem_shared>> -> memref<384x128xf32, #tpu.memory_space<vmem_shared>>
        %dma_wait3A_502 = arith.constant 0 : i32
        %dma_wait3A_503 = tpu.memref_slice %arg2[%add3A_488, %dma_wait3A_502] : memref<100000x128xf32, #tpu.memory_space<hbm>> -> memref<384x128xf32, #tpu.memory_space<hbm>>
        tpu.wait_dma2 semaphore(%run_scoped3A : memref<!tpu.dma_semaphore, #tpu.memory_space<semaphore_mem>>) src(%dma_wait3A_503 : memref<384x128xf32, #tpu.memory_space<hbm>>) dst(%dma_wait3A_501 : memref<384x128xf32, #tpu.memory_space<vmem_shared>>)
        tpu.yield
      }) : () -> ()
    } else {
    }
    %and3A_230 = arith.andi %lt3A_34, %eq3A_36 : i1
    %convert_element_type3A_231 = arith.extui %and3A_230 : i1 to i32
    %cond3A_232 = arith.constant 0 : i32
    %cond3A_233 = arith.cmpi ne, %convert_element_type3A_231, %cond3A_232 : i32
    scf.if %cond3A_233 {
      %add3A_487 = arith.constant 3072 : i32
      %add3A_488 = arith.addi %multiple_of3A, %add3A_487 : i32
      %mul3A_489 = arith.constant 2 : i32
      %mul3A_490 = arith.muli %select_n3A_32, %mul3A_489 : i32
      %add3A_491 = arith.constant 0 : i32
      %add3A_492 = arith.addi %mul3A_490, %add3A_491 : i32
      %mul3A_493 = arith.constant 384 : i32
      %mul3A_494 = arith.muli %add3A_492, %mul3A_493 : i32
      %multiple_of3A_495 = tpu.assume_multiple %mul3A_494, 8 : i32
      "tpu.region"() ({
        %run_scoped3A = tpu.sem_alloc : memref<!tpu.dma_semaphore, #tpu.memory_space<semaphore_mem>>
        %dma_start3A_496 = arith.constant 0 : i32
        %dma_start3A_497 = tpu.memref_slice %arg10[%multiple_of3A_495, %dma_start3A_496] : memref<6144x128xf32, #tpu.memory_space<vmem_shared>> -> memref<384x128xf32, #tpu.memory_space<vmem_shared>>
        %dma_start3A_498 = arith.constant 0 : i32
        %dma_start3A_499 = tpu.memref_slice %arg2[%add3A_488, %dma_start3A_498] : memref<100000x128xf32, #tpu.memory_space<hbm>> -> memref<384x128xf32, #tpu.memory_space<hbm>>
        tpu.enqueue_dma source(%dma_start3A_499 : memref<384x128xf32, #tpu.memory_space<hbm>>) target(%dma_start3A_497 : memref<384x128xf32, #tpu.memory_space<vmem_shared>>) target_semaphore(%run_scoped3A : memref<!tpu.dma_semaphore, #tpu.memory_space<semaphore_mem>>)
        %dma_wait3A_500 = arith.constant 0 : i32
        %dma_wait3A_501 = tpu.memref_slice %arg10[%multiple_of3A_495, %dma_wait3A_500] : memref<6144x128xf32, #tpu.memory_space<vmem_shared>> -> memref<384x128xf32, #tpu.memory_space<vmem_shared>>
        %dma_wait3A_502 = arith.constant 0 : i32
        %dma_wait3A_503 = tpu.memref_slice %arg2[%add3A_488, %dma_wait3A_502] : memref<100000x128xf32, #tpu.memory_space<hbm>> -> memref<384x128xf32, #tpu.memory_space<hbm>>
        tpu.wait_dma2 semaphore(%run_scoped3A : memref<!tpu.dma_semaphore, #tpu.memory_space<semaphore_mem>>) src(%dma_wait3A_503 : memref<384x128xf32, #tpu.memory_space<hbm>>) dst(%dma_wait3A_501 : memref<384x128xf32, #tpu.memory_space<vmem_shared>>)
        tpu.yield
      }) : () -> ()
    } else {
    }
    %not3A_234 = arith.constant true
    %not3A_235 = arith.xori %lt3A_34, %not3A_234 : i1
    %not3A_236 = arith.constant true
    %not3A_237 = arith.xori %eq3A_36, %not3A_236 : i1
    %and3A_238 = arith.andi %not3A_235, %not3A_237 : i1
    %convert_element_type3A_239 = arith.extui %and3A_238 : i1 to i32
    %cond3A_240 = arith.constant 0 : i32
    %cond3A_241 = arith.cmpi ne, %convert_element_type3A_239, %cond3A_240 : i32
    scf.if %cond3A_241 {
      %mul3A_487 = arith.constant 2 : i32
      %mul3A_488 = arith.muli %select_n3A_32, %mul3A_487 : i32
      %add3A_489 = arith.constant 1 : i32
      %add3A_490 = arith.addi %mul3A_488, %add3A_489 : i32
      %mul3A_491 = arith.constant 384 : i32
      %mul3A_492 = arith.muli %add3A_490, %mul3A_491 : i32
      %multiple_of3A_493 = tpu.assume_multiple %mul3A_492, 8 : i32
      %add3A_494 = arith.constant 2688 : i32
      %add3A_495 = arith.addi %multiple_of3A, %add3A_494 : i32
      "tpu.region"() ({
        %run_scoped3A = tpu.sem_alloc : memref<!tpu.dma_semaphore, #tpu.memory_space<semaphore_mem>>
        %dma_start3A_496 = arith.constant 0 : i32
        %dma_start3A_497 = tpu.memref_slice %arg6[%add3A_495, %dma_start3A_496] : memref<100000x128xf32, #tpu.memory_space<hbm>> -> memref<384x128xf32, #tpu.memory_space<hbm>>
        %dma_start3A_498 = arith.constant 0 : i32
        %dma_start3A_499 = tpu.memref_slice %arg10[%multiple_of3A_493, %dma_start3A_498] : memref<6144x128xf32, #tpu.memory_space<vmem_shared>> -> memref<384x128xf32, #tpu.memory_space<vmem_shared>>
        tpu.enqueue_dma source(%dma_start3A_499 : memref<384x128xf32, #tpu.memory_space<vmem_shared>>) target(%dma_start3A_497 : memref<384x128xf32, #tpu.memory_space<hbm>>) target_semaphore(%run_scoped3A : memref<!tpu.dma_semaphore, #tpu.memory_space<semaphore_mem>>)
        %dma_wait3A_500 = arith.constant 0 : i32
        %dma_wait3A_501 = tpu.memref_slice %arg6[%add3A_495, %dma_wait3A_500] : memref<100000x128xf32, #tpu.memory_space<hbm>> -> memref<384x128xf32, #tpu.memory_space<hbm>>
        %dma_wait3A_502 = arith.constant 0 : i32
        %dma_wait3A_503 = tpu.memref_slice %arg10[%multiple_of3A_493, %dma_wait3A_502] : memref<6144x128xf32, #tpu.memory_space<vmem_shared>> -> memref<384x128xf32, #tpu.memory_space<vmem_shared>>
        tpu.wait_dma2 semaphore(%run_scoped3A : memref<!tpu.dma_semaphore, #tpu.memory_space<semaphore_mem>>) src(%dma_wait3A_503 : memref<384x128xf32, #tpu.memory_space<vmem_shared>>) dst(%dma_wait3A_501 : memref<384x128xf32, #tpu.memory_space<hbm>>)
        tpu.yield
      }) : () -> ()
    } else {
    }
    %not3A_242 = arith.constant true
    %not3A_243 = arith.xori %lt3A_34, %not3A_242 : i1
    %and3A_244 = arith.andi %not3A_243, %eq3A_36 : i1
    %convert_element_type3A_245 = arith.extui %and3A_244 : i1 to i32
    %cond3A_246 = arith.constant 0 : i32
    %cond3A_247 = arith.cmpi ne, %convert_element_type3A_245, %cond3A_246 : i32
    scf.if %cond3A_247 {
      %mul3A_487 = arith.constant 2 : i32
      %mul3A_488 = arith.muli %select_n3A_32, %mul3A_487 : i32
      %add3A_489 = arith.constant 1 : i32
      %add3A_490 = arith.addi %mul3A_488, %add3A_489 : i32
      %mul3A_491 = arith.constant 384 : i32
      %mul3A_492 = arith.muli %add3A_490, %mul3A_491 : i32
      %multiple_of3A_493 = tpu.assume_multiple %mul3A_492, 8 : i32
      %add3A_494 = arith.constant 2688 : i32
      %add3A_495 = arith.addi %multiple_of3A, %add3A_494 : i32
      "tpu.region"() ({
        %run_scoped3A = tpu.sem_alloc : memref<!tpu.dma_semaphore, #tpu.memory_space<semaphore_mem>>
        %dma_start3A_496 = arith.constant 0 : i32
        %dma_start3A_497 = tpu.memref_slice %arg6[%add3A_495, %dma_start3A_496] : memref<100000x128xf32, #tpu.memory_space<hbm>> -> memref<384x128xf32, #tpu.memory_space<hbm>>
        %dma_start3A_498 = arith.constant 0 : i32
        %dma_start3A_499 = tpu.memref_slice %arg10[%multiple_of3A_493, %dma_start3A_498] : memref<6144x128xf32, #tpu.memory_space<vmem_shared>> -> memref<384x128xf32, #tpu.memory_space<vmem_shared>>
        tpu.enqueue_dma source(%dma_start3A_499 : memref<384x128xf32, #tpu.memory_space<vmem_shared>>) target(%dma_start3A_497 : memref<384x128xf32, #tpu.memory_space<hbm>>) target_semaphore(%run_scoped3A : memref<!tpu.dma_semaphore, #tpu.memory_space<semaphore_mem>>)
        %dma_wait3A_500 = arith.constant 0 : i32
        %dma_wait3A_501 = tpu.memref_slice %arg6[%add3A_495, %dma_wait3A_500] : memref<100000x128xf32, #tpu.memory_space<hbm>> -> memref<384x128xf32, #tpu.memory_space<hbm>>
        %dma_wait3A_502 = arith.constant 0 : i32
        %dma_wait3A_503 = tpu.memref_slice %arg10[%multiple_of3A_493, %dma_wait3A_502] : memref<6144x128xf32, #tpu.memory_space<vmem_shared>> -> memref<384x128xf32, #tpu.memory_space<vmem_shared>>
        tpu.wait_dma2 semaphore(%run_scoped3A : memref<!tpu.dma_semaphore, #tpu.memory_space<semaphore_mem>>) src(%dma_wait3A_503 : memref<384x128xf32, #tpu.memory_space<vmem_shared>>) dst(%dma_wait3A_501 : memref<384x128xf32, #tpu.memory_space<hbm>>)
        tpu.yield
      }) : () -> ()
    } else {
    }
    %barrier3A_248 = arith.constant 0 : index
    tpu.barrier barrier_id(%barrier3A_248)
    %not3A_249 = arith.constant true
    %not3A_250 = arith.xori %eq3A_36, %not3A_249 : i1
    %and3A_251 = arith.andi %lt3A_34, %not3A_250 : i1
    %convert_element_type3A_252 = arith.extui %and3A_251 : i1 to i32
    %cond3A_253 = arith.constant 0 : i32
    %cond3A_254 = arith.cmpi ne, %convert_element_type3A_252, %cond3A_253 : i32
    scf.if %cond3A_254 {
      %add3A_487 = arith.constant 3456 : i32
      %add3A_488 = arith.addi %multiple_of3A, %add3A_487 : i32
      %mul3A_489 = arith.constant 2 : i32
      %mul3A_490 = arith.muli %select_n3A_32, %mul3A_489 : i32
      %add3A_491 = arith.constant 1 : i32
      %add3A_492 = arith.addi %mul3A_490, %add3A_491 : i32
      %mul3A_493 = arith.constant 384 : i32
      %mul3A_494 = arith.muli %add3A_492, %mul3A_493 : i32
      %multiple_of3A_495 = tpu.assume_multiple %mul3A_494, 8 : i32
      "tpu.region"() ({
        %run_scoped3A = tpu.sem_alloc : memref<!tpu.dma_semaphore, #tpu.memory_space<semaphore_mem>>
        %dma_start3A_496 = arith.constant 0 : i32
        %dma_start3A_497 = tpu.memref_slice %arg10[%multiple_of3A_495, %dma_start3A_496] : memref<6144x128xf32, #tpu.memory_space<vmem_shared>> -> memref<384x128xf32, #tpu.memory_space<vmem_shared>>
        %dma_start3A_498 = arith.constant 0 : i32
        %dma_start3A_499 = tpu.memref_slice %arg2[%add3A_488, %dma_start3A_498] : memref<100000x128xf32, #tpu.memory_space<hbm>> -> memref<384x128xf32, #tpu.memory_space<hbm>>
        tpu.enqueue_dma source(%dma_start3A_499 : memref<384x128xf32, #tpu.memory_space<hbm>>) target(%dma_start3A_497 : memref<384x128xf32, #tpu.memory_space<vmem_shared>>) target_semaphore(%run_scoped3A : memref<!tpu.dma_semaphore, #tpu.memory_space<semaphore_mem>>)
        %dma_wait3A_500 = arith.constant 0 : i32
        %dma_wait3A_501 = tpu.memref_slice %arg10[%multiple_of3A_495, %dma_wait3A_500] : memref<6144x128xf32, #tpu.memory_space<vmem_shared>> -> memref<384x128xf32, #tpu.memory_space<vmem_shared>>
        %dma_wait3A_502 = arith.constant 0 : i32
        %dma_wait3A_503 = tpu.memref_slice %arg2[%add3A_488, %dma_wait3A_502] : memref<100000x128xf32, #tpu.memory_space<hbm>> -> memref<384x128xf32, #tpu.memory_space<hbm>>
        tpu.wait_dma2 semaphore(%run_scoped3A : memref<!tpu.dma_semaphore, #tpu.memory_space<semaphore_mem>>) src(%dma_wait3A_503 : memref<384x128xf32, #tpu.memory_space<hbm>>) dst(%dma_wait3A_501 : memref<384x128xf32, #tpu.memory_space<vmem_shared>>)
        tpu.yield
      }) : () -> ()
    } else {
    }
    %and3A_255 = arith.andi %lt3A_34, %eq3A_36 : i1
    %convert_element_type3A_256 = arith.extui %and3A_255 : i1 to i32
    %cond3A_257 = arith.constant 0 : i32
    %cond3A_258 = arith.cmpi ne, %convert_element_type3A_256, %cond3A_257 : i32
    scf.if %cond3A_258 {
      %add3A_487 = arith.constant 3456 : i32
      %add3A_488 = arith.addi %multiple_of3A, %add3A_487 : i32
      %mul3A_489 = arith.constant 2 : i32
      %mul3A_490 = arith.muli %select_n3A_32, %mul3A_489 : i32
      %add3A_491 = arith.constant 1 : i32
      %add3A_492 = arith.addi %mul3A_490, %add3A_491 : i32
      %mul3A_493 = arith.constant 384 : i32
      %mul3A_494 = arith.muli %add3A_492, %mul3A_493 : i32
      %multiple_of3A_495 = tpu.assume_multiple %mul3A_494, 8 : i32
      "tpu.region"() ({
        %run_scoped3A = tpu.sem_alloc : memref<!tpu.dma_semaphore, #tpu.memory_space<semaphore_mem>>
        %dma_start3A_496 = arith.constant 0 : i32
        %dma_start3A_497 = tpu.memref_slice %arg10[%multiple_of3A_495, %dma_start3A_496] : memref<6144x128xf32, #tpu.memory_space<vmem_shared>> -> memref<384x128xf32, #tpu.memory_space<vmem_shared>>
        %dma_start3A_498 = arith.constant 0 : i32
        %dma_start3A_499 = tpu.memref_slice %arg2[%add3A_488, %dma_start3A_498] : memref<100000x128xf32, #tpu.memory_space<hbm>> -> memref<384x128xf32, #tpu.memory_space<hbm>>
        tpu.enqueue_dma source(%dma_start3A_499 : memref<384x128xf32, #tpu.memory_space<hbm>>) target(%dma_start3A_497 : memref<384x128xf32, #tpu.memory_space<vmem_shared>>) target_semaphore(%run_scoped3A : memref<!tpu.dma_semaphore, #tpu.memory_space<semaphore_mem>>)
        %dma_wait3A_500 = arith.constant 0 : i32
        %dma_wait3A_501 = tpu.memref_slice %arg10[%multiple_of3A_495, %dma_wait3A_500] : memref<6144x128xf32, #tpu.memory_space<vmem_shared>> -> memref<384x128xf32, #tpu.memory_space<vmem_shared>>
        %dma_wait3A_502 = arith.constant 0 : i32
        %dma_wait3A_503 = tpu.memref_slice %arg2[%add3A_488, %dma_wait3A_502] : memref<100000x128xf32, #tpu.memory_space<hbm>> -> memref<384x128xf32, #tpu.memory_space<hbm>>
        tpu.wait_dma2 semaphore(%run_scoped3A : memref<!tpu.dma_semaphore, #tpu.memory_space<semaphore_mem>>) src(%dma_wait3A_503 : memref<384x128xf32, #tpu.memory_space<hbm>>) dst(%dma_wait3A_501 : memref<384x128xf32, #tpu.memory_space<vmem_shared>>)
        tpu.yield
      }) : () -> ()
    } else {
    }
    %not3A_259 = arith.constant true
    %not3A_260 = arith.xori %lt3A_34, %not3A_259 : i1
    %not3A_261 = arith.constant true
    %not3A_262 = arith.xori %eq3A_36, %not3A_261 : i1
    %and3A_263 = arith.andi %not3A_260, %not3A_262 : i1
    %convert_element_type3A_264 = arith.extui %and3A_263 : i1 to i32
    %cond3A_265 = arith.constant 0 : i32
    %cond3A_266 = arith.cmpi ne, %convert_element_type3A_264, %cond3A_265 : i32
    scf.if %cond3A_266 {
      %mul3A_487 = arith.constant 2 : i32
      %mul3A_488 = arith.muli %select_n3A_32, %mul3A_487 : i32
      %add3A_489 = arith.constant 0 : i32
      %add3A_490 = arith.addi %mul3A_488, %add3A_489 : i32
      %mul3A_491 = arith.constant 384 : i32
      %mul3A_492 = arith.muli %add3A_490, %mul3A_491 : i32
      %multiple_of3A_493 = tpu.assume_multiple %mul3A_492, 8 : i32
      %add3A_494 = arith.constant 3072 : i32
      %add3A_495 = arith.addi %multiple_of3A, %add3A_494 : i32
      "tpu.region"() ({
        %run_scoped3A = tpu.sem_alloc : memref<!tpu.dma_semaphore, #tpu.memory_space<semaphore_mem>>
        %dma_start3A_496 = arith.constant 0 : i32
        %dma_start3A_497 = tpu.memref_slice %arg6[%add3A_495, %dma_start3A_496] : memref<100000x128xf32, #tpu.memory_space<hbm>> -> memref<384x128xf32, #tpu.memory_space<hbm>>
        %dma_start3A_498 = arith.constant 0 : i32
        %dma_start3A_499 = tpu.memref_slice %arg10[%multiple_of3A_493, %dma_start3A_498] : memref<6144x128xf32, #tpu.memory_space<vmem_shared>> -> memref<384x128xf32, #tpu.memory_space<vmem_shared>>
        tpu.enqueue_dma source(%dma_start3A_499 : memref<384x128xf32, #tpu.memory_space<vmem_shared>>) target(%dma_start3A_497 : memref<384x128xf32, #tpu.memory_space<hbm>>) target_semaphore(%run_scoped3A : memref<!tpu.dma_semaphore, #tpu.memory_space<semaphore_mem>>)
        %dma_wait3A_500 = arith.constant 0 : i32
        %dma_wait3A_501 = tpu.memref_slice %arg6[%add3A_495, %dma_wait3A_500] : memref<100000x128xf32, #tpu.memory_space<hbm>> -> memref<384x128xf32, #tpu.memory_space<hbm>>
        %dma_wait3A_502 = arith.constant 0 : i32
        %dma_wait3A_503 = tpu.memref_slice %arg10[%multiple_of3A_493, %dma_wait3A_502] : memref<6144x128xf32, #tpu.memory_space<vmem_shared>> -> memref<384x128xf32, #tpu.memory_space<vmem_shared>>
        tpu.wait_dma2 semaphore(%run_scoped3A : memref<!tpu.dma_semaphore, #tpu.memory_space<semaphore_mem>>) src(%dma_wait3A_503 : memref<384x128xf32, #tpu.memory_space<vmem_shared>>) dst(%dma_wait3A_501 : memref<384x128xf32, #tpu.memory_space<hbm>>)
        tpu.yield
      }) : () -> ()
    } else {
    }
    %not3A_267 = arith.constant true
    %not3A_268 = arith.xori %lt3A_34, %not3A_267 : i1
    %and3A_269 = arith.andi %not3A_268, %eq3A_36 : i1
    %convert_element_type3A_270 = arith.extui %and3A_269 : i1 to i32
    %cond3A_271 = arith.constant 0 : i32
    %cond3A_272 = arith.cmpi ne, %convert_element_type3A_270, %cond3A_271 : i32
    scf.if %cond3A_272 {
      %mul3A_487 = arith.constant 2 : i32
      %mul3A_488 = arith.muli %select_n3A_32, %mul3A_487 : i32
      %add3A_489 = arith.constant 0 : i32
      %add3A_490 = arith.addi %mul3A_488, %add3A_489 : i32
      %mul3A_491 = arith.constant 384 : i32
      %mul3A_492 = arith.muli %add3A_490, %mul3A_491 : i32
      %multiple_of3A_493 = tpu.assume_multiple %mul3A_492, 8 : i32
      %add3A_494 = arith.constant 3072 : i32
      %add3A_495 = arith.addi %multiple_of3A, %add3A_494 : i32
      "tpu.region"() ({
        %run_scoped3A = tpu.sem_alloc : memref<!tpu.dma_semaphore, #tpu.memory_space<semaphore_mem>>
        %dma_start3A_496 = arith.constant 0 : i32
        %dma_start3A_497 = tpu.memref_slice %arg6[%add3A_495, %dma_start3A_496] : memref<100000x128xf32, #tpu.memory_space<hbm>> -> memref<384x128xf32, #tpu.memory_space<hbm>>
        %dma_start3A_498 = arith.constant 0 : i32
        %dma_start3A_499 = tpu.memref_slice %arg10[%multiple_of3A_493, %dma_start3A_498] : memref<6144x128xf32, #tpu.memory_space<vmem_shared>> -> memref<384x128xf32, #tpu.memory_space<vmem_shared>>
        tpu.enqueue_dma source(%dma_start3A_499 : memref<384x128xf32, #tpu.memory_space<vmem_shared>>) target(%dma_start3A_497 : memref<384x128xf32, #tpu.memory_space<hbm>>) target_semaphore(%run_scoped3A : memref<!tpu.dma_semaphore, #tpu.memory_space<semaphore_mem>>)
        %dma_wait3A_500 = arith.constant 0 : i32
        %dma_wait3A_501 = tpu.memref_slice %arg6[%add3A_495, %dma_wait3A_500] : memref<100000x128xf32, #tpu.memory_space<hbm>> -> memref<384x128xf32, #tpu.memory_space<hbm>>
        %dma_wait3A_502 = arith.constant 0 : i32
        %dma_wait3A_503 = tpu.memref_slice %arg10[%multiple_of3A_493, %dma_wait3A_502] : memref<6144x128xf32, #tpu.memory_space<vmem_shared>> -> memref<384x128xf32, #tpu.memory_space<vmem_shared>>
        tpu.wait_dma2 semaphore(%run_scoped3A : memref<!tpu.dma_semaphore, #tpu.memory_space<semaphore_mem>>) src(%dma_wait3A_503 : memref<384x128xf32, #tpu.memory_space<vmem_shared>>) dst(%dma_wait3A_501 : memref<384x128xf32, #tpu.memory_space<hbm>>)
        tpu.yield
      }) : () -> ()
    } else {
    }
    %barrier3A_273 = arith.constant 0 : index
    tpu.barrier barrier_id(%barrier3A_273)
    %not3A_274 = arith.constant true
    %not3A_275 = arith.xori %eq3A_36, %not3A_274 : i1
    %and3A_276 = arith.andi %lt3A_34, %not3A_275 : i1
    %convert_element_type3A_277 = arith.extui %and3A_276 : i1 to i32
    %cond3A_278 = arith.constant 0 : i32
    %cond3A_279 = arith.cmpi ne, %convert_element_type3A_277, %cond3A_278 : i32
    scf.if %cond3A_279 {
      %add3A_487 = arith.constant 3840 : i32
      %add3A_488 = arith.addi %multiple_of3A, %add3A_487 : i32
      %mul3A_489 = arith.constant 2 : i32
      %mul3A_490 = arith.muli %select_n3A_32, %mul3A_489 : i32
      %add3A_491 = arith.constant 0 : i32
      %add3A_492 = arith.addi %mul3A_490, %add3A_491 : i32
      %mul3A_493 = arith.constant 384 : i32
      %mul3A_494 = arith.muli %add3A_492, %mul3A_493 : i32
      %multiple_of3A_495 = tpu.assume_multiple %mul3A_494, 8 : i32
      "tpu.region"() ({
        %run_scoped3A = tpu.sem_alloc : memref<!tpu.dma_semaphore, #tpu.memory_space<semaphore_mem>>
        %dma_start3A_496 = arith.constant 0 : i32
        %dma_start3A_497 = tpu.memref_slice %arg10[%multiple_of3A_495, %dma_start3A_496] : memref<6144x128xf32, #tpu.memory_space<vmem_shared>> -> memref<384x128xf32, #tpu.memory_space<vmem_shared>>
        %dma_start3A_498 = arith.constant 0 : i32
        %dma_start3A_499 = tpu.memref_slice %arg2[%add3A_488, %dma_start3A_498] : memref<100000x128xf32, #tpu.memory_space<hbm>> -> memref<384x128xf32, #tpu.memory_space<hbm>>
        tpu.enqueue_dma source(%dma_start3A_499 : memref<384x128xf32, #tpu.memory_space<hbm>>) target(%dma_start3A_497 : memref<384x128xf32, #tpu.memory_space<vmem_shared>>) target_semaphore(%run_scoped3A : memref<!tpu.dma_semaphore, #tpu.memory_space<semaphore_mem>>)
        %dma_wait3A_500 = arith.constant 0 : i32
        %dma_wait3A_501 = tpu.memref_slice %arg10[%multiple_of3A_495, %dma_wait3A_500] : memref<6144x128xf32, #tpu.memory_space<vmem_shared>> -> memref<384x128xf32, #tpu.memory_space<vmem_shared>>
        %dma_wait3A_502 = arith.constant 0 : i32
        %dma_wait3A_503 = tpu.memref_slice %arg2[%add3A_488, %dma_wait3A_502] : memref<100000x128xf32, #tpu.memory_space<hbm>> -> memref<384x128xf32, #tpu.memory_space<hbm>>
        tpu.wait_dma2 semaphore(%run_scoped3A : memref<!tpu.dma_semaphore, #tpu.memory_space<semaphore_mem>>) src(%dma_wait3A_503 : memref<384x128xf32, #tpu.memory_space<hbm>>) dst(%dma_wait3A_501 : memref<384x128xf32, #tpu.memory_space<vmem_shared>>)
        tpu.yield
      }) : () -> ()
    } else {
    }
    %and3A_280 = arith.andi %lt3A_34, %eq3A_36 : i1
    %convert_element_type3A_281 = arith.extui %and3A_280 : i1 to i32
    %cond3A_282 = arith.constant 0 : i32
    %cond3A_283 = arith.cmpi ne, %convert_element_type3A_281, %cond3A_282 : i32
    scf.if %cond3A_283 {
      %add3A_487 = arith.constant 3840 : i32
      %add3A_488 = arith.addi %multiple_of3A, %add3A_487 : i32
      %mul3A_489 = arith.constant 2 : i32
      %mul3A_490 = arith.muli %select_n3A_32, %mul3A_489 : i32
      %add3A_491 = arith.constant 0 : i32
      %add3A_492 = arith.addi %mul3A_490, %add3A_491 : i32
      %mul3A_493 = arith.constant 384 : i32
      %mul3A_494 = arith.muli %add3A_492, %mul3A_493 : i32
      %multiple_of3A_495 = tpu.assume_multiple %mul3A_494, 8 : i32
      "tpu.region"() ({
        %run_scoped3A = tpu.sem_alloc : memref<!tpu.dma_semaphore, #tpu.memory_space<semaphore_mem>>
        %dma_start3A_496 = arith.constant 0 : i32
        %dma_start3A_497 = tpu.memref_slice %arg10[%multiple_of3A_495, %dma_start3A_496] : memref<6144x128xf32, #tpu.memory_space<vmem_shared>> -> memref<384x128xf32, #tpu.memory_space<vmem_shared>>
        %dma_start3A_498 = arith.constant 0 : i32
        %dma_start3A_499 = tpu.memref_slice %arg2[%add3A_488, %dma_start3A_498] : memref<100000x128xf32, #tpu.memory_space<hbm>> -> memref<384x128xf32, #tpu.memory_space<hbm>>
        tpu.enqueue_dma source(%dma_start3A_499 : memref<384x128xf32, #tpu.memory_space<hbm>>) target(%dma_start3A_497 : memref<384x128xf32, #tpu.memory_space<vmem_shared>>) target_semaphore(%run_scoped3A : memref<!tpu.dma_semaphore, #tpu.memory_space<semaphore_mem>>)
        %dma_wait3A_500 = arith.constant 0 : i32
        %dma_wait3A_501 = tpu.memref_slice %arg10[%multiple_of3A_495, %dma_wait3A_500] : memref<6144x128xf32, #tpu.memory_space<vmem_shared>> -> memref<384x128xf32, #tpu.memory_space<vmem_shared>>
        %dma_wait3A_502 = arith.constant 0 : i32
        %dma_wait3A_503 = tpu.memref_slice %arg2[%add3A_488, %dma_wait3A_502] : memref<100000x128xf32, #tpu.memory_space<hbm>> -> memref<384x128xf32, #tpu.memory_space<hbm>>
        tpu.wait_dma2 semaphore(%run_scoped3A : memref<!tpu.dma_semaphore, #tpu.memory_space<semaphore_mem>>) src(%dma_wait3A_503 : memref<384x128xf32, #tpu.memory_space<hbm>>) dst(%dma_wait3A_501 : memref<384x128xf32, #tpu.memory_space<vmem_shared>>)
        tpu.yield
      }) : () -> ()
    } else {
    }
    %not3A_284 = arith.constant true
    %not3A_285 = arith.xori %lt3A_34, %not3A_284 : i1
    %not3A_286 = arith.constant true
    %not3A_287 = arith.xori %eq3A_36, %not3A_286 : i1
    %and3A_288 = arith.andi %not3A_285, %not3A_287 : i1
    %convert_element_type3A_289 = arith.extui %and3A_288 : i1 to i32
    %cond3A_290 = arith.constant 0 : i32
    %cond3A_291 = arith.cmpi ne, %convert_element_type3A_289, %cond3A_290 : i32
    scf.if %cond3A_291 {
      %mul3A_487 = arith.constant 2 : i32
      %mul3A_488 = arith.muli %select_n3A_32, %mul3A_487 : i32
      %add3A_489 = arith.constant 1 : i32
      %add3A_490 = arith.addi %mul3A_488, %add3A_489 : i32
      %mul3A_491 = arith.constant 384 : i32
      %mul3A_492 = arith.muli %add3A_490, %mul3A_491 : i32
      %multiple_of3A_493 = tpu.assume_multiple %mul3A_492, 8 : i32
      %add3A_494 = arith.constant 3456 : i32
      %add3A_495 = arith.addi %multiple_of3A, %add3A_494 : i32
      "tpu.region"() ({
        %run_scoped3A = tpu.sem_alloc : memref<!tpu.dma_semaphore, #tpu.memory_space<semaphore_mem>>
        %dma_start3A_496 = arith.constant 0 : i32
        %dma_start3A_497 = tpu.memref_slice %arg6[%add3A_495, %dma_start3A_496] : memref<100000x128xf32, #tpu.memory_space<hbm>> -> memref<384x128xf32, #tpu.memory_space<hbm>>
        %dma_start3A_498 = arith.constant 0 : i32
        %dma_start3A_499 = tpu.memref_slice %arg10[%multiple_of3A_493, %dma_start3A_498] : memref<6144x128xf32, #tpu.memory_space<vmem_shared>> -> memref<384x128xf32, #tpu.memory_space<vmem_shared>>
        tpu.enqueue_dma source(%dma_start3A_499 : memref<384x128xf32, #tpu.memory_space<vmem_shared>>) target(%dma_start3A_497 : memref<384x128xf32, #tpu.memory_space<hbm>>) target_semaphore(%run_scoped3A : memref<!tpu.dma_semaphore, #tpu.memory_space<semaphore_mem>>)
        %dma_wait3A_500 = arith.constant 0 : i32
        %dma_wait3A_501 = tpu.memref_slice %arg6[%add3A_495, %dma_wait3A_500] : memref<100000x128xf32, #tpu.memory_space<hbm>> -> memref<384x128xf32, #tpu.memory_space<hbm>>
        %dma_wait3A_502 = arith.constant 0 : i32
        %dma_wait3A_503 = tpu.memref_slice %arg10[%multiple_of3A_493, %dma_wait3A_502] : memref<6144x128xf32, #tpu.memory_space<vmem_shared>> -> memref<384x128xf32, #tpu.memory_space<vmem_shared>>
        tpu.wait_dma2 semaphore(%run_scoped3A : memref<!tpu.dma_semaphore, #tpu.memory_space<semaphore_mem>>) src(%dma_wait3A_503 : memref<384x128xf32, #tpu.memory_space<vmem_shared>>) dst(%dma_wait3A_501 : memref<384x128xf32, #tpu.memory_space<hbm>>)
        tpu.yield
      }) : () -> ()
    } else {
    }
    %not3A_292 = arith.constant true
    %not3A_293 = arith.xori %lt3A_34, %not3A_292 : i1
    %and3A_294 = arith.andi %not3A_293, %eq3A_36 : i1
    %convert_element_type3A_295 = arith.extui %and3A_294 : i1 to i32
    %cond3A_296 = arith.constant 0 : i32
    %cond3A_297 = arith.cmpi ne, %convert_element_type3A_295, %cond3A_296 : i32
    scf.if %cond3A_297 {
      %mul3A_487 = arith.constant 2 : i32
      %mul3A_488 = arith.muli %select_n3A_32, %mul3A_487 : i32
      %add3A_489 = arith.constant 1 : i32
      %add3A_490 = arith.addi %mul3A_488, %add3A_489 : i32
      %mul3A_491 = arith.constant 384 : i32
      %mul3A_492 = arith.muli %add3A_490, %mul3A_491 : i32
      %multiple_of3A_493 = tpu.assume_multiple %mul3A_492, 8 : i32
      %add3A_494 = arith.constant 3456 : i32
      %add3A_495 = arith.addi %multiple_of3A, %add3A_494 : i32
      "tpu.region"() ({
        %run_scoped3A = tpu.sem_alloc : memref<!tpu.dma_semaphore, #tpu.memory_space<semaphore_mem>>
        %dma_start3A_496 = arith.constant 0 : i32
        %dma_start3A_497 = tpu.memref_slice %arg6[%add3A_495, %dma_start3A_496] : memref<100000x128xf32, #tpu.memory_space<hbm>> -> memref<384x128xf32, #tpu.memory_space<hbm>>
        %dma_start3A_498 = arith.constant 0 : i32
        %dma_start3A_499 = tpu.memref_slice %arg10[%multiple_of3A_493, %dma_start3A_498] : memref<6144x128xf32, #tpu.memory_space<vmem_shared>> -> memref<384x128xf32, #tpu.memory_space<vmem_shared>>
        tpu.enqueue_dma source(%dma_start3A_499 : memref<384x128xf32, #tpu.memory_space<vmem_shared>>) target(%dma_start3A_497 : memref<384x128xf32, #tpu.memory_space<hbm>>) target_semaphore(%run_scoped3A : memref<!tpu.dma_semaphore, #tpu.memory_space<semaphore_mem>>)
        %dma_wait3A_500 = arith.constant 0 : i32
        %dma_wait3A_501 = tpu.memref_slice %arg6[%add3A_495, %dma_wait3A_500] : memref<100000x128xf32, #tpu.memory_space<hbm>> -> memref<384x128xf32, #tpu.memory_space<hbm>>
        %dma_wait3A_502 = arith.constant 0 : i32
        %dma_wait3A_503 = tpu.memref_slice %arg10[%multiple_of3A_493, %dma_wait3A_502] : memref<6144x128xf32, #tpu.memory_space<vmem_shared>> -> memref<384x128xf32, #tpu.memory_space<vmem_shared>>
        tpu.wait_dma2 semaphore(%run_scoped3A : memref<!tpu.dma_semaphore, #tpu.memory_space<semaphore_mem>>) src(%dma_wait3A_503 : memref<384x128xf32, #tpu.memory_space<vmem_shared>>) dst(%dma_wait3A_501 : memref<384x128xf32, #tpu.memory_space<hbm>>)
        tpu.yield
      }) : () -> ()
    } else {
    }
    %barrier3A_298 = arith.constant 0 : index
    tpu.barrier barrier_id(%barrier3A_298)
    %not3A_299 = arith.constant true
    %not3A_300 = arith.xori %eq3A_36, %not3A_299 : i1
    %and3A_301 = arith.andi %lt3A_34, %not3A_300 : i1
    %convert_element_type3A_302 = arith.extui %and3A_301 : i1 to i32
    %cond3A_303 = arith.constant 0 : i32
    %cond3A_304 = arith.cmpi ne, %convert_element_type3A_302, %cond3A_303 : i32
    scf.if %cond3A_304 {
      %add3A_487 = arith.constant 4224 : i32
      %add3A_488 = arith.addi %multiple_of3A, %add3A_487 : i32
      %mul3A_489 = arith.constant 2 : i32
      %mul3A_490 = arith.muli %select_n3A_32, %mul3A_489 : i32
      %add3A_491 = arith.constant 1 : i32
      %add3A_492 = arith.addi %mul3A_490, %add3A_491 : i32
      %mul3A_493 = arith.constant 384 : i32
      %mul3A_494 = arith.muli %add3A_492, %mul3A_493 : i32
      %multiple_of3A_495 = tpu.assume_multiple %mul3A_494, 8 : i32
      "tpu.region"() ({
        %run_scoped3A = tpu.sem_alloc : memref<!tpu.dma_semaphore, #tpu.memory_space<semaphore_mem>>
        %dma_start3A_496 = arith.constant 0 : i32
        %dma_start3A_497 = tpu.memref_slice %arg10[%multiple_of3A_495, %dma_start3A_496] : memref<6144x128xf32, #tpu.memory_space<vmem_shared>> -> memref<384x128xf32, #tpu.memory_space<vmem_shared>>
        %dma_start3A_498 = arith.constant 0 : i32
        %dma_start3A_499 = tpu.memref_slice %arg2[%add3A_488, %dma_start3A_498] : memref<100000x128xf32, #tpu.memory_space<hbm>> -> memref<384x128xf32, #tpu.memory_space<hbm>>
        tpu.enqueue_dma source(%dma_start3A_499 : memref<384x128xf32, #tpu.memory_space<hbm>>) target(%dma_start3A_497 : memref<384x128xf32, #tpu.memory_space<vmem_shared>>) target_semaphore(%run_scoped3A : memref<!tpu.dma_semaphore, #tpu.memory_space<semaphore_mem>>)
        %dma_wait3A_500 = arith.constant 0 : i32
        %dma_wait3A_501 = tpu.memref_slice %arg10[%multiple_of3A_495, %dma_wait3A_500] : memref<6144x128xf32, #tpu.memory_space<vmem_shared>> -> memref<384x128xf32, #tpu.memory_space<vmem_shared>>
        %dma_wait3A_502 = arith.constant 0 : i32
        %dma_wait3A_503 = tpu.memref_slice %arg2[%add3A_488, %dma_wait3A_502] : memref<100000x128xf32, #tpu.memory_space<hbm>> -> memref<384x128xf32, #tpu.memory_space<hbm>>
        tpu.wait_dma2 semaphore(%run_scoped3A : memref<!tpu.dma_semaphore, #tpu.memory_space<semaphore_mem>>) src(%dma_wait3A_503 : memref<384x128xf32, #tpu.memory_space<hbm>>) dst(%dma_wait3A_501 : memref<384x128xf32, #tpu.memory_space<vmem_shared>>)
        tpu.yield
      }) : () -> ()
    } else {
    }
    %and3A_305 = arith.andi %lt3A_34, %eq3A_36 : i1
    %convert_element_type3A_306 = arith.extui %and3A_305 : i1 to i32
    %cond3A_307 = arith.constant 0 : i32
    %cond3A_308 = arith.cmpi ne, %convert_element_type3A_306, %cond3A_307 : i32
    scf.if %cond3A_308 {
      %add3A_487 = arith.constant 4224 : i32
      %add3A_488 = arith.addi %multiple_of3A, %add3A_487 : i32
      %mul3A_489 = arith.constant 2 : i32
      %mul3A_490 = arith.muli %select_n3A_32, %mul3A_489 : i32
      %add3A_491 = arith.constant 1 : i32
      %add3A_492 = arith.addi %mul3A_490, %add3A_491 : i32
      %mul3A_493 = arith.constant 384 : i32
      %mul3A_494 = arith.muli %add3A_492, %mul3A_493 : i32
      %multiple_of3A_495 = tpu.assume_multiple %mul3A_494, 8 : i32
      "tpu.region"() ({
        %run_scoped3A = tpu.sem_alloc : memref<!tpu.dma_semaphore, #tpu.memory_space<semaphore_mem>>
        %dma_start3A_496 = arith.constant 0 : i32
        %dma_start3A_497 = tpu.memref_slice %arg10[%multiple_of3A_495, %dma_start3A_496] : memref<6144x128xf32, #tpu.memory_space<vmem_shared>> -> memref<384x128xf32, #tpu.memory_space<vmem_shared>>
        %dma_start3A_498 = arith.constant 0 : i32
        %dma_start3A_499 = tpu.memref_slice %arg2[%add3A_488, %dma_start3A_498] : memref<100000x128xf32, #tpu.memory_space<hbm>> -> memref<384x128xf32, #tpu.memory_space<hbm>>
        tpu.enqueue_dma source(%dma_start3A_499 : memref<384x128xf32, #tpu.memory_space<hbm>>) target(%dma_start3A_497 : memref<384x128xf32, #tpu.memory_space<vmem_shared>>) target_semaphore(%run_scoped3A : memref<!tpu.dma_semaphore, #tpu.memory_space<semaphore_mem>>)
        %dma_wait3A_500 = arith.constant 0 : i32
        %dma_wait3A_501 = tpu.memref_slice %arg10[%multiple_of3A_495, %dma_wait3A_500] : memref<6144x128xf32, #tpu.memory_space<vmem_shared>> -> memref<384x128xf32, #tpu.memory_space<vmem_shared>>
        %dma_wait3A_502 = arith.constant 0 : i32
        %dma_wait3A_503 = tpu.memref_slice %arg2[%add3A_488, %dma_wait3A_502] : memref<100000x128xf32, #tpu.memory_space<hbm>> -> memref<384x128xf32, #tpu.memory_space<hbm>>
        tpu.wait_dma2 semaphore(%run_scoped3A : memref<!tpu.dma_semaphore, #tpu.memory_space<semaphore_mem>>) src(%dma_wait3A_503 : memref<384x128xf32, #tpu.memory_space<hbm>>) dst(%dma_wait3A_501 : memref<384x128xf32, #tpu.memory_space<vmem_shared>>)
        tpu.yield
      }) : () -> ()
    } else {
    }
    %not3A_309 = arith.constant true
    %not3A_310 = arith.xori %lt3A_34, %not3A_309 : i1
    %not3A_311 = arith.constant true
    %not3A_312 = arith.xori %eq3A_36, %not3A_311 : i1
    %and3A_313 = arith.andi %not3A_310, %not3A_312 : i1
    %convert_element_type3A_314 = arith.extui %and3A_313 : i1 to i32
    %cond3A_315 = arith.constant 0 : i32
    %cond3A_316 = arith.cmpi ne, %convert_element_type3A_314, %cond3A_315 : i32
    scf.if %cond3A_316 {
      %mul3A_487 = arith.constant 2 : i32
      %mul3A_488 = arith.muli %select_n3A_32, %mul3A_487 : i32
      %add3A_489 = arith.constant 0 : i32
      %add3A_490 = arith.addi %mul3A_488, %add3A_489 : i32
      %mul3A_491 = arith.constant 384 : i32
      %mul3A_492 = arith.muli %add3A_490, %mul3A_491 : i32
      %multiple_of3A_493 = tpu.assume_multiple %mul3A_492, 8 : i32
      %add3A_494 = arith.constant 3840 : i32
      %add3A_495 = arith.addi %multiple_of3A, %add3A_494 : i32
      "tpu.region"() ({
        %run_scoped3A = tpu.sem_alloc : memref<!tpu.dma_semaphore, #tpu.memory_space<semaphore_mem>>
        %dma_start3A_496 = arith.constant 0 : i32
        %dma_start3A_497 = tpu.memref_slice %arg6[%add3A_495, %dma_start3A_496] : memref<100000x128xf32, #tpu.memory_space<hbm>> -> memref<384x128xf32, #tpu.memory_space<hbm>>
        %dma_start3A_498 = arith.constant 0 : i32
        %dma_start3A_499 = tpu.memref_slice %arg10[%multiple_of3A_493, %dma_start3A_498] : memref<6144x128xf32, #tpu.memory_space<vmem_shared>> -> memref<384x128xf32, #tpu.memory_space<vmem_shared>>
        tpu.enqueue_dma source(%dma_start3A_499 : memref<384x128xf32, #tpu.memory_space<vmem_shared>>) target(%dma_start3A_497 : memref<384x128xf32, #tpu.memory_space<hbm>>) target_semaphore(%run_scoped3A : memref<!tpu.dma_semaphore, #tpu.memory_space<semaphore_mem>>)
        %dma_wait3A_500 = arith.constant 0 : i32
        %dma_wait3A_501 = tpu.memref_slice %arg6[%add3A_495, %dma_wait3A_500] : memref<100000x128xf32, #tpu.memory_space<hbm>> -> memref<384x128xf32, #tpu.memory_space<hbm>>
        %dma_wait3A_502 = arith.constant 0 : i32
        %dma_wait3A_503 = tpu.memref_slice %arg10[%multiple_of3A_493, %dma_wait3A_502] : memref<6144x128xf32, #tpu.memory_space<vmem_shared>> -> memref<384x128xf32, #tpu.memory_space<vmem_shared>>
        tpu.wait_dma2 semaphore(%run_scoped3A : memref<!tpu.dma_semaphore, #tpu.memory_space<semaphore_mem>>) src(%dma_wait3A_503 : memref<384x128xf32, #tpu.memory_space<vmem_shared>>) dst(%dma_wait3A_501 : memref<384x128xf32, #tpu.memory_space<hbm>>)
        tpu.yield
      }) : () -> ()
    } else {
    }
    %not3A_317 = arith.constant true
    %not3A_318 = arith.xori %lt3A_34, %not3A_317 : i1
    %and3A_319 = arith.andi %not3A_318, %eq3A_36 : i1
    %convert_element_type3A_320 = arith.extui %and3A_319 : i1 to i32
    %cond3A_321 = arith.constant 0 : i32
    %cond3A_322 = arith.cmpi ne, %convert_element_type3A_320, %cond3A_321 : i32
    scf.if %cond3A_322 {
      %mul3A_487 = arith.constant 2 : i32
      %mul3A_488 = arith.muli %select_n3A_32, %mul3A_487 : i32
      %add3A_489 = arith.constant 0 : i32
      %add3A_490 = arith.addi %mul3A_488, %add3A_489 : i32
      %mul3A_491 = arith.constant 384 : i32
      %mul3A_492 = arith.muli %add3A_490, %mul3A_491 : i32
      %multiple_of3A_493 = tpu.assume_multiple %mul3A_492, 8 : i32
      %add3A_494 = arith.constant 3840 : i32
      %add3A_495 = arith.addi %multiple_of3A, %add3A_494 : i32
      "tpu.region"() ({
        %run_scoped3A = tpu.sem_alloc : memref<!tpu.dma_semaphore, #tpu.memory_space<semaphore_mem>>
        %dma_start3A_496 = arith.constant 0 : i32
        %dma_start3A_497 = tpu.memref_slice %arg6[%add3A_495, %dma_start3A_496] : memref<100000x128xf32, #tpu.memory_space<hbm>> -> memref<384x128xf32, #tpu.memory_space<hbm>>
        %dma_start3A_498 = arith.constant 0 : i32
        %dma_start3A_499 = tpu.memref_slice %arg10[%multiple_of3A_493, %dma_start3A_498] : memref<6144x128xf32, #tpu.memory_space<vmem_shared>> -> memref<384x128xf32, #tpu.memory_space<vmem_shared>>
        tpu.enqueue_dma source(%dma_start3A_499 : memref<384x128xf32, #tpu.memory_space<vmem_shared>>) target(%dma_start3A_497 : memref<384x128xf32, #tpu.memory_space<hbm>>) target_semaphore(%run_scoped3A : memref<!tpu.dma_semaphore, #tpu.memory_space<semaphore_mem>>)
        %dma_wait3A_500 = arith.constant 0 : i32
        %dma_wait3A_501 = tpu.memref_slice %arg6[%add3A_495, %dma_wait3A_500] : memref<100000x128xf32, #tpu.memory_space<hbm>> -> memref<384x128xf32, #tpu.memory_space<hbm>>
        %dma_wait3A_502 = arith.constant 0 : i32
        %dma_wait3A_503 = tpu.memref_slice %arg10[%multiple_of3A_493, %dma_wait3A_502] : memref<6144x128xf32, #tpu.memory_space<vmem_shared>> -> memref<384x128xf32, #tpu.memory_space<vmem_shared>>
        tpu.wait_dma2 semaphore(%run_scoped3A : memref<!tpu.dma_semaphore, #tpu.memory_space<semaphore_mem>>) src(%dma_wait3A_503 : memref<384x128xf32, #tpu.memory_space<vmem_shared>>) dst(%dma_wait3A_501 : memref<384x128xf32, #tpu.memory_space<hbm>>)
        tpu.yield
      }) : () -> ()
    } else {
    }
    %barrier3A_323 = arith.constant 0 : index
    tpu.barrier barrier_id(%barrier3A_323)
    %not3A_324 = arith.constant true
    %not3A_325 = arith.xori %eq3A_36, %not3A_324 : i1
    %and3A_326 = arith.andi %lt3A_34, %not3A_325 : i1
    %convert_element_type3A_327 = arith.extui %and3A_326 : i1 to i32
    %cond3A_328 = arith.constant 0 : i32
    %cond3A_329 = arith.cmpi ne, %convert_element_type3A_327, %cond3A_328 : i32
    scf.if %cond3A_329 {
      %add3A_487 = arith.constant 4608 : i32
      %add3A_488 = arith.addi %multiple_of3A, %add3A_487 : i32
      %mul3A_489 = arith.constant 2 : i32
      %mul3A_490 = arith.muli %select_n3A_32, %mul3A_489 : i32
      %add3A_491 = arith.constant 0 : i32
      %add3A_492 = arith.addi %mul3A_490, %add3A_491 : i32
      %mul3A_493 = arith.constant 384 : i32
      %mul3A_494 = arith.muli %add3A_492, %mul3A_493 : i32
      %multiple_of3A_495 = tpu.assume_multiple %mul3A_494, 8 : i32
      "tpu.region"() ({
        %run_scoped3A = tpu.sem_alloc : memref<!tpu.dma_semaphore, #tpu.memory_space<semaphore_mem>>
        %dma_start3A_496 = arith.constant 0 : i32
        %dma_start3A_497 = tpu.memref_slice %arg10[%multiple_of3A_495, %dma_start3A_496] : memref<6144x128xf32, #tpu.memory_space<vmem_shared>> -> memref<384x128xf32, #tpu.memory_space<vmem_shared>>
        %dma_start3A_498 = arith.constant 0 : i32
        %dma_start3A_499 = tpu.memref_slice %arg2[%add3A_488, %dma_start3A_498] : memref<100000x128xf32, #tpu.memory_space<hbm>> -> memref<384x128xf32, #tpu.memory_space<hbm>>
        tpu.enqueue_dma source(%dma_start3A_499 : memref<384x128xf32, #tpu.memory_space<hbm>>) target(%dma_start3A_497 : memref<384x128xf32, #tpu.memory_space<vmem_shared>>) target_semaphore(%run_scoped3A : memref<!tpu.dma_semaphore, #tpu.memory_space<semaphore_mem>>)
        %dma_wait3A_500 = arith.constant 0 : i32
        %dma_wait3A_501 = tpu.memref_slice %arg10[%multiple_of3A_495, %dma_wait3A_500] : memref<6144x128xf32, #tpu.memory_space<vmem_shared>> -> memref<384x128xf32, #tpu.memory_space<vmem_shared>>
        %dma_wait3A_502 = arith.constant 0 : i32
        %dma_wait3A_503 = tpu.memref_slice %arg2[%add3A_488, %dma_wait3A_502] : memref<100000x128xf32, #tpu.memory_space<hbm>> -> memref<384x128xf32, #tpu.memory_space<hbm>>
        tpu.wait_dma2 semaphore(%run_scoped3A : memref<!tpu.dma_semaphore, #tpu.memory_space<semaphore_mem>>) src(%dma_wait3A_503 : memref<384x128xf32, #tpu.memory_space<hbm>>) dst(%dma_wait3A_501 : memref<384x128xf32, #tpu.memory_space<vmem_shared>>)
        tpu.yield
      }) : () -> ()
    } else {
    }
    %and3A_330 = arith.andi %lt3A_34, %eq3A_36 : i1
    %convert_element_type3A_331 = arith.extui %and3A_330 : i1 to i32
    %cond3A_332 = arith.constant 0 : i32
    %cond3A_333 = arith.cmpi ne, %convert_element_type3A_331, %cond3A_332 : i32
    scf.if %cond3A_333 {
      %add3A_487 = arith.constant 4608 : i32
      %add3A_488 = arith.addi %multiple_of3A, %add3A_487 : i32
      %mul3A_489 = arith.constant 2 : i32
      %mul3A_490 = arith.muli %select_n3A_32, %mul3A_489 : i32
      %add3A_491 = arith.constant 0 : i32
      %add3A_492 = arith.addi %mul3A_490, %add3A_491 : i32
      %mul3A_493 = arith.constant 384 : i32
      %mul3A_494 = arith.muli %add3A_492, %mul3A_493 : i32
      %multiple_of3A_495 = tpu.assume_multiple %mul3A_494, 8 : i32
      "tpu.region"() ({
        %run_scoped3A = tpu.sem_alloc : memref<!tpu.dma_semaphore, #tpu.memory_space<semaphore_mem>>
        %dma_start3A_496 = arith.constant 0 : i32
        %dma_start3A_497 = tpu.memref_slice %arg10[%multiple_of3A_495, %dma_start3A_496] : memref<6144x128xf32, #tpu.memory_space<vmem_shared>> -> memref<384x128xf32, #tpu.memory_space<vmem_shared>>
        %dma_start3A_498 = arith.constant 0 : i32
        %dma_start3A_499 = tpu.memref_slice %arg2[%add3A_488, %dma_start3A_498] : memref<100000x128xf32, #tpu.memory_space<hbm>> -> memref<384x128xf32, #tpu.memory_space<hbm>>
        tpu.enqueue_dma source(%dma_start3A_499 : memref<384x128xf32, #tpu.memory_space<hbm>>) target(%dma_start3A_497 : memref<384x128xf32, #tpu.memory_space<vmem_shared>>) target_semaphore(%run_scoped3A : memref<!tpu.dma_semaphore, #tpu.memory_space<semaphore_mem>>)
        %dma_wait3A_500 = arith.constant 0 : i32
        %dma_wait3A_501 = tpu.memref_slice %arg10[%multiple_of3A_495, %dma_wait3A_500] : memref<6144x128xf32, #tpu.memory_space<vmem_shared>> -> memref<384x128xf32, #tpu.memory_space<vmem_shared>>
        %dma_wait3A_502 = arith.constant 0 : i32
        %dma_wait3A_503 = tpu.memref_slice %arg2[%add3A_488, %dma_wait3A_502] : memref<100000x128xf32, #tpu.memory_space<hbm>> -> memref<384x128xf32, #tpu.memory_space<hbm>>
        tpu.wait_dma2 semaphore(%run_scoped3A : memref<!tpu.dma_semaphore, #tpu.memory_space<semaphore_mem>>) src(%dma_wait3A_503 : memref<384x128xf32, #tpu.memory_space<hbm>>) dst(%dma_wait3A_501 : memref<384x128xf32, #tpu.memory_space<vmem_shared>>)
        tpu.yield
      }) : () -> ()
    } else {
    }
    %not3A_334 = arith.constant true
    %not3A_335 = arith.xori %lt3A_34, %not3A_334 : i1
    %not3A_336 = arith.constant true
    %not3A_337 = arith.xori %eq3A_36, %not3A_336 : i1
    %and3A_338 = arith.andi %not3A_335, %not3A_337 : i1
    %convert_element_type3A_339 = arith.extui %and3A_338 : i1 to i32
    %cond3A_340 = arith.constant 0 : i32
    %cond3A_341 = arith.cmpi ne, %convert_element_type3A_339, %cond3A_340 : i32
    scf.if %cond3A_341 {
      %mul3A_487 = arith.constant 2 : i32
      %mul3A_488 = arith.muli %select_n3A_32, %mul3A_487 : i32
      %add3A_489 = arith.constant 1 : i32
      %add3A_490 = arith.addi %mul3A_488, %add3A_489 : i32
      %mul3A_491 = arith.constant 384 : i32
      %mul3A_492 = arith.muli %add3A_490, %mul3A_491 : i32
      %multiple_of3A_493 = tpu.assume_multiple %mul3A_492, 8 : i32
      %add3A_494 = arith.constant 4224 : i32
      %add3A_495 = arith.addi %multiple_of3A, %add3A_494 : i32
      "tpu.region"() ({
        %run_scoped3A = tpu.sem_alloc : memref<!tpu.dma_semaphore, #tpu.memory_space<semaphore_mem>>
        %dma_start3A_496 = arith.constant 0 : i32
        %dma_start3A_497 = tpu.memref_slice %arg6[%add3A_495, %dma_start3A_496] : memref<100000x128xf32, #tpu.memory_space<hbm>> -> memref<384x128xf32, #tpu.memory_space<hbm>>
        %dma_start3A_498 = arith.constant 0 : i32
        %dma_start3A_499 = tpu.memref_slice %arg10[%multiple_of3A_493, %dma_start3A_498] : memref<6144x128xf32, #tpu.memory_space<vmem_shared>> -> memref<384x128xf32, #tpu.memory_space<vmem_shared>>
        tpu.enqueue_dma source(%dma_start3A_499 : memref<384x128xf32, #tpu.memory_space<vmem_shared>>) target(%dma_start3A_497 : memref<384x128xf32, #tpu.memory_space<hbm>>) target_semaphore(%run_scoped3A : memref<!tpu.dma_semaphore, #tpu.memory_space<semaphore_mem>>)
        %dma_wait3A_500 = arith.constant 0 : i32
        %dma_wait3A_501 = tpu.memref_slice %arg6[%add3A_495, %dma_wait3A_500] : memref<100000x128xf32, #tpu.memory_space<hbm>> -> memref<384x128xf32, #tpu.memory_space<hbm>>
        %dma_wait3A_502 = arith.constant 0 : i32
        %dma_wait3A_503 = tpu.memref_slice %arg10[%multiple_of3A_493, %dma_wait3A_502] : memref<6144x128xf32, #tpu.memory_space<vmem_shared>> -> memref<384x128xf32, #tpu.memory_space<vmem_shared>>
        tpu.wait_dma2 semaphore(%run_scoped3A : memref<!tpu.dma_semaphore, #tpu.memory_space<semaphore_mem>>) src(%dma_wait3A_503 : memref<384x128xf32, #tpu.memory_space<vmem_shared>>) dst(%dma_wait3A_501 : memref<384x128xf32, #tpu.memory_space<hbm>>)
        tpu.yield
      }) : () -> ()
    } else {
    }
    %not3A_342 = arith.constant true
    %not3A_343 = arith.xori %lt3A_34, %not3A_342 : i1
    %and3A_344 = arith.andi %not3A_343, %eq3A_36 : i1
    %convert_element_type3A_345 = arith.extui %and3A_344 : i1 to i32
    %cond3A_346 = arith.constant 0 : i32
    %cond3A_347 = arith.cmpi ne, %convert_element_type3A_345, %cond3A_346 : i32
    scf.if %cond3A_347 {
      %mul3A_487 = arith.constant 2 : i32
      %mul3A_488 = arith.muli %select_n3A_32, %mul3A_487 : i32
      %add3A_489 = arith.constant 1 : i32
      %add3A_490 = arith.addi %mul3A_488, %add3A_489 : i32
      %mul3A_491 = arith.constant 384 : i32
      %mul3A_492 = arith.muli %add3A_490, %mul3A_491 : i32
      %multiple_of3A_493 = tpu.assume_multiple %mul3A_492, 8 : i32
      %add3A_494 = arith.constant 4224 : i32
      %add3A_495 = arith.addi %multiple_of3A, %add3A_494 : i32
      "tpu.region"() ({
        %run_scoped3A = tpu.sem_alloc : memref<!tpu.dma_semaphore, #tpu.memory_space<semaphore_mem>>
        %dma_start3A_496 = arith.constant 0 : i32
        %dma_start3A_497 = tpu.memref_slice %arg6[%add3A_495, %dma_start3A_496] : memref<100000x128xf32, #tpu.memory_space<hbm>> -> memref<384x128xf32, #tpu.memory_space<hbm>>
        %dma_start3A_498 = arith.constant 0 : i32
        %dma_start3A_499 = tpu.memref_slice %arg10[%multiple_of3A_493, %dma_start3A_498] : memref<6144x128xf32, #tpu.memory_space<vmem_shared>> -> memref<384x128xf32, #tpu.memory_space<vmem_shared>>
        tpu.enqueue_dma source(%dma_start3A_499 : memref<384x128xf32, #tpu.memory_space<vmem_shared>>) target(%dma_start3A_497 : memref<384x128xf32, #tpu.memory_space<hbm>>) target_semaphore(%run_scoped3A : memref<!tpu.dma_semaphore, #tpu.memory_space<semaphore_mem>>)
        %dma_wait3A_500 = arith.constant 0 : i32
        %dma_wait3A_501 = tpu.memref_slice %arg6[%add3A_495, %dma_wait3A_500] : memref<100000x128xf32, #tpu.memory_space<hbm>> -> memref<384x128xf32, #tpu.memory_space<hbm>>
        %dma_wait3A_502 = arith.constant 0 : i32
        %dma_wait3A_503 = tpu.memref_slice %arg10[%multiple_of3A_493, %dma_wait3A_502] : memref<6144x128xf32, #tpu.memory_space<vmem_shared>> -> memref<384x128xf32, #tpu.memory_space<vmem_shared>>
        tpu.wait_dma2 semaphore(%run_scoped3A : memref<!tpu.dma_semaphore, #tpu.memory_space<semaphore_mem>>) src(%dma_wait3A_503 : memref<384x128xf32, #tpu.memory_space<vmem_shared>>) dst(%dma_wait3A_501 : memref<384x128xf32, #tpu.memory_space<hbm>>)
        tpu.yield
      }) : () -> ()
    } else {
    }
    %barrier3A_348 = arith.constant 0 : index
    tpu.barrier barrier_id(%barrier3A_348)
    %not3A_349 = arith.constant true
    %not3A_350 = arith.xori %eq3A_36, %not3A_349 : i1
    %and3A_351 = arith.andi %lt3A_34, %not3A_350 : i1
    %convert_element_type3A_352 = arith.extui %and3A_351 : i1 to i32
    %cond3A_353 = arith.constant 0 : i32
    %cond3A_354 = arith.cmpi ne, %convert_element_type3A_352, %cond3A_353 : i32
    scf.if %cond3A_354 {
      %add3A_487 = arith.constant 4992 : i32
      %add3A_488 = arith.addi %multiple_of3A, %add3A_487 : i32
      %mul3A_489 = arith.constant 2 : i32
      %mul3A_490 = arith.muli %select_n3A_32, %mul3A_489 : i32
      %add3A_491 = arith.constant 1 : i32
      %add3A_492 = arith.addi %mul3A_490, %add3A_491 : i32
      %mul3A_493 = arith.constant 384 : i32
      %mul3A_494 = arith.muli %add3A_492, %mul3A_493 : i32
      %multiple_of3A_495 = tpu.assume_multiple %mul3A_494, 8 : i32
      "tpu.region"() ({
        %run_scoped3A = tpu.sem_alloc : memref<!tpu.dma_semaphore, #tpu.memory_space<semaphore_mem>>
        %dma_start3A_496 = arith.constant 0 : i32
        %dma_start3A_497 = tpu.memref_slice %arg10[%multiple_of3A_495, %dma_start3A_496] : memref<6144x128xf32, #tpu.memory_space<vmem_shared>> -> memref<384x128xf32, #tpu.memory_space<vmem_shared>>
        %dma_start3A_498 = arith.constant 0 : i32
        %dma_start3A_499 = tpu.memref_slice %arg2[%add3A_488, %dma_start3A_498] : memref<100000x128xf32, #tpu.memory_space<hbm>> -> memref<384x128xf32, #tpu.memory_space<hbm>>
        tpu.enqueue_dma source(%dma_start3A_499 : memref<384x128xf32, #tpu.memory_space<hbm>>) target(%dma_start3A_497 : memref<384x128xf32, #tpu.memory_space<vmem_shared>>) target_semaphore(%run_scoped3A : memref<!tpu.dma_semaphore, #tpu.memory_space<semaphore_mem>>)
        %dma_wait3A_500 = arith.constant 0 : i32
        %dma_wait3A_501 = tpu.memref_slice %arg10[%multiple_of3A_495, %dma_wait3A_500] : memref<6144x128xf32, #tpu.memory_space<vmem_shared>> -> memref<384x128xf32, #tpu.memory_space<vmem_shared>>
        %dma_wait3A_502 = arith.constant 0 : i32
        %dma_wait3A_503 = tpu.memref_slice %arg2[%add3A_488, %dma_wait3A_502] : memref<100000x128xf32, #tpu.memory_space<hbm>> -> memref<384x128xf32, #tpu.memory_space<hbm>>
        tpu.wait_dma2 semaphore(%run_scoped3A : memref<!tpu.dma_semaphore, #tpu.memory_space<semaphore_mem>>) src(%dma_wait3A_503 : memref<384x128xf32, #tpu.memory_space<hbm>>) dst(%dma_wait3A_501 : memref<384x128xf32, #tpu.memory_space<vmem_shared>>)
        tpu.yield
      }) : () -> ()
    } else {
    }
    %and3A_355 = arith.andi %lt3A_34, %eq3A_36 : i1
    %convert_element_type3A_356 = arith.extui %and3A_355 : i1 to i32
    %cond3A_357 = arith.constant 0 : i32
    %cond3A_358 = arith.cmpi ne, %convert_element_type3A_356, %cond3A_357 : i32
    scf.if %cond3A_358 {
      %add3A_487 = arith.constant 4992 : i32
      %add3A_488 = arith.addi %multiple_of3A, %add3A_487 : i32
      %mul3A_489 = arith.constant 2 : i32
      %mul3A_490 = arith.muli %select_n3A_32, %mul3A_489 : i32
      %add3A_491 = arith.constant 1 : i32
      %add3A_492 = arith.addi %mul3A_490, %add3A_491 : i32
      %mul3A_493 = arith.constant 384 : i32
      %mul3A_494 = arith.muli %add3A_492, %mul3A_493 : i32
      %multiple_of3A_495 = tpu.assume_multiple %mul3A_494, 8 : i32
      "tpu.region"() ({
        %run_scoped3A = tpu.sem_alloc : memref<!tpu.dma_semaphore, #tpu.memory_space<semaphore_mem>>
        %dma_start3A_496 = arith.constant 0 : i32
        %dma_start3A_497 = tpu.memref_slice %arg10[%multiple_of3A_495, %dma_start3A_496] : memref<6144x128xf32, #tpu.memory_space<vmem_shared>> -> memref<384x128xf32, #tpu.memory_space<vmem_shared>>
        %dma_start3A_498 = arith.constant 0 : i32
        %dma_start3A_499 = tpu.memref_slice %arg2[%add3A_488, %dma_start3A_498] : memref<100000x128xf32, #tpu.memory_space<hbm>> -> memref<384x128xf32, #tpu.memory_space<hbm>>
        tpu.enqueue_dma source(%dma_start3A_499 : memref<384x128xf32, #tpu.memory_space<hbm>>) target(%dma_start3A_497 : memref<384x128xf32, #tpu.memory_space<vmem_shared>>) target_semaphore(%run_scoped3A : memref<!tpu.dma_semaphore, #tpu.memory_space<semaphore_mem>>)
        %dma_wait3A_500 = arith.constant 0 : i32
        %dma_wait3A_501 = tpu.memref_slice %arg10[%multiple_of3A_495, %dma_wait3A_500] : memref<6144x128xf32, #tpu.memory_space<vmem_shared>> -> memref<384x128xf32, #tpu.memory_space<vmem_shared>>
        %dma_wait3A_502 = arith.constant 0 : i32
        %dma_wait3A_503 = tpu.memref_slice %arg2[%add3A_488, %dma_wait3A_502] : memref<100000x128xf32, #tpu.memory_space<hbm>> -> memref<384x128xf32, #tpu.memory_space<hbm>>
        tpu.wait_dma2 semaphore(%run_scoped3A : memref<!tpu.dma_semaphore, #tpu.memory_space<semaphore_mem>>) src(%dma_wait3A_503 : memref<384x128xf32, #tpu.memory_space<hbm>>) dst(%dma_wait3A_501 : memref<384x128xf32, #tpu.memory_space<vmem_shared>>)
        tpu.yield
      }) : () -> ()
    } else {
    }
    %not3A_359 = arith.constant true
    %not3A_360 = arith.xori %lt3A_34, %not3A_359 : i1
    %not3A_361 = arith.constant true
    %not3A_362 = arith.xori %eq3A_36, %not3A_361 : i1
    %and3A_363 = arith.andi %not3A_360, %not3A_362 : i1
    %convert_element_type3A_364 = arith.extui %and3A_363 : i1 to i32
    %cond3A_365 = arith.constant 0 : i32
    %cond3A_366 = arith.cmpi ne, %convert_element_type3A_364, %cond3A_365 : i32
    scf.if %cond3A_366 {
      %mul3A_487 = arith.constant 2 : i32
      %mul3A_488 = arith.muli %select_n3A_32, %mul3A_487 : i32
      %add3A_489 = arith.constant 0 : i32
      %add3A_490 = arith.addi %mul3A_488, %add3A_489 : i32
      %mul3A_491 = arith.constant 384 : i32
      %mul3A_492 = arith.muli %add3A_490, %mul3A_491 : i32
      %multiple_of3A_493 = tpu.assume_multiple %mul3A_492, 8 : i32
      %add3A_494 = arith.constant 4608 : i32
      %add3A_495 = arith.addi %multiple_of3A, %add3A_494 : i32
      "tpu.region"() ({
        %run_scoped3A = tpu.sem_alloc : memref<!tpu.dma_semaphore, #tpu.memory_space<semaphore_mem>>
        %dma_start3A_496 = arith.constant 0 : i32
        %dma_start3A_497 = tpu.memref_slice %arg6[%add3A_495, %dma_start3A_496] : memref<100000x128xf32, #tpu.memory_space<hbm>> -> memref<384x128xf32, #tpu.memory_space<hbm>>
        %dma_start3A_498 = arith.constant 0 : i32
        %dma_start3A_499 = tpu.memref_slice %arg10[%multiple_of3A_493, %dma_start3A_498] : memref<6144x128xf32, #tpu.memory_space<vmem_shared>> -> memref<384x128xf32, #tpu.memory_space<vmem_shared>>
        tpu.enqueue_dma source(%dma_start3A_499 : memref<384x128xf32, #tpu.memory_space<vmem_shared>>) target(%dma_start3A_497 : memref<384x128xf32, #tpu.memory_space<hbm>>) target_semaphore(%run_scoped3A : memref<!tpu.dma_semaphore, #tpu.memory_space<semaphore_mem>>)
        %dma_wait3A_500 = arith.constant 0 : i32
        %dma_wait3A_501 = tpu.memref_slice %arg6[%add3A_495, %dma_wait3A_500] : memref<100000x128xf32, #tpu.memory_space<hbm>> -> memref<384x128xf32, #tpu.memory_space<hbm>>
        %dma_wait3A_502 = arith.constant 0 : i32
        %dma_wait3A_503 = tpu.memref_slice %arg10[%multiple_of3A_493, %dma_wait3A_502] : memref<6144x128xf32, #tpu.memory_space<vmem_shared>> -> memref<384x128xf32, #tpu.memory_space<vmem_shared>>
        tpu.wait_dma2 semaphore(%run_scoped3A : memref<!tpu.dma_semaphore, #tpu.memory_space<semaphore_mem>>) src(%dma_wait3A_503 : memref<384x128xf32, #tpu.memory_space<vmem_shared>>) dst(%dma_wait3A_501 : memref<384x128xf32, #tpu.memory_space<hbm>>)
        tpu.yield
      }) : () -> ()
    } else {
    }
    %not3A_367 = arith.constant true
    %not3A_368 = arith.xori %lt3A_34, %not3A_367 : i1
    %and3A_369 = arith.andi %not3A_368, %eq3A_36 : i1
    %convert_element_type3A_370 = arith.extui %and3A_369 : i1 to i32
    %cond3A_371 = arith.constant 0 : i32
    %cond3A_372 = arith.cmpi ne, %convert_element_type3A_370, %cond3A_371 : i32
    scf.if %cond3A_372 {
      %mul3A_487 = arith.constant 2 : i32
      %mul3A_488 = arith.muli %select_n3A_32, %mul3A_487 : i32
      %add3A_489 = arith.constant 0 : i32
      %add3A_490 = arith.addi %mul3A_488, %add3A_489 : i32
      %mul3A_491 = arith.constant 384 : i32
      %mul3A_492 = arith.muli %add3A_490, %mul3A_491 : i32
      %multiple_of3A_493 = tpu.assume_multiple %mul3A_492, 8 : i32
      %add3A_494 = arith.constant 4608 : i32
      %add3A_495 = arith.addi %multiple_of3A, %add3A_494 : i32
      "tpu.region"() ({
        %run_scoped3A = tpu.sem_alloc : memref<!tpu.dma_semaphore, #tpu.memory_space<semaphore_mem>>
        %dma_start3A_496 = arith.constant 0 : i32
        %dma_start3A_497 = tpu.memref_slice %arg6[%add3A_495, %dma_start3A_496] : memref<100000x128xf32, #tpu.memory_space<hbm>> -> memref<384x128xf32, #tpu.memory_space<hbm>>
        %dma_start3A_498 = arith.constant 0 : i32
        %dma_start3A_499 = tpu.memref_slice %arg10[%multiple_of3A_493, %dma_start3A_498] : memref<6144x128xf32, #tpu.memory_space<vmem_shared>> -> memref<384x128xf32, #tpu.memory_space<vmem_shared>>
        tpu.enqueue_dma source(%dma_start3A_499 : memref<384x128xf32, #tpu.memory_space<vmem_shared>>) target(%dma_start3A_497 : memref<384x128xf32, #tpu.memory_space<hbm>>) target_semaphore(%run_scoped3A : memref<!tpu.dma_semaphore, #tpu.memory_space<semaphore_mem>>)
        %dma_wait3A_500 = arith.constant 0 : i32
        %dma_wait3A_501 = tpu.memref_slice %arg6[%add3A_495, %dma_wait3A_500] : memref<100000x128xf32, #tpu.memory_space<hbm>> -> memref<384x128xf32, #tpu.memory_space<hbm>>
        %dma_wait3A_502 = arith.constant 0 : i32
        %dma_wait3A_503 = tpu.memref_slice %arg10[%multiple_of3A_493, %dma_wait3A_502] : memref<6144x128xf32, #tpu.memory_space<vmem_shared>> -> memref<384x128xf32, #tpu.memory_space<vmem_shared>>
        tpu.wait_dma2 semaphore(%run_scoped3A : memref<!tpu.dma_semaphore, #tpu.memory_space<semaphore_mem>>) src(%dma_wait3A_503 : memref<384x128xf32, #tpu.memory_space<vmem_shared>>) dst(%dma_wait3A_501 : memref<384x128xf32, #tpu.memory_space<hbm>>)
        tpu.yield
      }) : () -> ()
    } else {
    }
    %barrier3A_373 = arith.constant 0 : index
    tpu.barrier barrier_id(%barrier3A_373)
    %not3A_374 = arith.constant true
    %not3A_375 = arith.xori %eq3A_36, %not3A_374 : i1
    %and3A_376 = arith.andi %lt3A_34, %not3A_375 : i1
    %convert_element_type3A_377 = arith.extui %and3A_376 : i1 to i32
    %cond3A_378 = arith.constant 0 : i32
    %cond3A_379 = arith.cmpi ne, %convert_element_type3A_377, %cond3A_378 : i32
    scf.if %cond3A_379 {
      %add3A_487 = arith.constant 5376 : i32
      %add3A_488 = arith.addi %multiple_of3A, %add3A_487 : i32
      %mul3A_489 = arith.constant 2 : i32
      %mul3A_490 = arith.muli %select_n3A_32, %mul3A_489 : i32
      %add3A_491 = arith.constant 0 : i32
      %add3A_492 = arith.addi %mul3A_490, %add3A_491 : i32
      %mul3A_493 = arith.constant 384 : i32
      %mul3A_494 = arith.muli %add3A_492, %mul3A_493 : i32
      %multiple_of3A_495 = tpu.assume_multiple %mul3A_494, 8 : i32
      "tpu.region"() ({
        %run_scoped3A = tpu.sem_alloc : memref<!tpu.dma_semaphore, #tpu.memory_space<semaphore_mem>>
        %dma_start3A_496 = arith.constant 0 : i32
        %dma_start3A_497 = tpu.memref_slice %arg10[%multiple_of3A_495, %dma_start3A_496] : memref<6144x128xf32, #tpu.memory_space<vmem_shared>> -> memref<384x128xf32, #tpu.memory_space<vmem_shared>>
        %dma_start3A_498 = arith.constant 0 : i32
        %dma_start3A_499 = tpu.memref_slice %arg2[%add3A_488, %dma_start3A_498] : memref<100000x128xf32, #tpu.memory_space<hbm>> -> memref<384x128xf32, #tpu.memory_space<hbm>>
        tpu.enqueue_dma source(%dma_start3A_499 : memref<384x128xf32, #tpu.memory_space<hbm>>) target(%dma_start3A_497 : memref<384x128xf32, #tpu.memory_space<vmem_shared>>) target_semaphore(%run_scoped3A : memref<!tpu.dma_semaphore, #tpu.memory_space<semaphore_mem>>)
        %dma_wait3A_500 = arith.constant 0 : i32
        %dma_wait3A_501 = tpu.memref_slice %arg10[%multiple_of3A_495, %dma_wait3A_500] : memref<6144x128xf32, #tpu.memory_space<vmem_shared>> -> memref<384x128xf32, #tpu.memory_space<vmem_shared>>
        %dma_wait3A_502 = arith.constant 0 : i32
        %dma_wait3A_503 = tpu.memref_slice %arg2[%add3A_488, %dma_wait3A_502] : memref<100000x128xf32, #tpu.memory_space<hbm>> -> memref<384x128xf32, #tpu.memory_space<hbm>>
        tpu.wait_dma2 semaphore(%run_scoped3A : memref<!tpu.dma_semaphore, #tpu.memory_space<semaphore_mem>>) src(%dma_wait3A_503 : memref<384x128xf32, #tpu.memory_space<hbm>>) dst(%dma_wait3A_501 : memref<384x128xf32, #tpu.memory_space<vmem_shared>>)
        tpu.yield
      }) : () -> ()
    } else {
    }
    %and3A_380 = arith.andi %lt3A_34, %eq3A_36 : i1
    %convert_element_type3A_381 = arith.extui %and3A_380 : i1 to i32
    %cond3A_382 = arith.constant 0 : i32
    %cond3A_383 = arith.cmpi ne, %convert_element_type3A_381, %cond3A_382 : i32
    scf.if %cond3A_383 {
      %add3A_487 = arith.constant 5376 : i32
      %add3A_488 = arith.addi %multiple_of3A, %add3A_487 : i32
      %mul3A_489 = arith.constant 2 : i32
      %mul3A_490 = arith.muli %select_n3A_32, %mul3A_489 : i32
      %add3A_491 = arith.constant 0 : i32
      %add3A_492 = arith.addi %mul3A_490, %add3A_491 : i32
      %mul3A_493 = arith.constant 384 : i32
      %mul3A_494 = arith.muli %add3A_492, %mul3A_493 : i32
      %multiple_of3A_495 = tpu.assume_multiple %mul3A_494, 8 : i32
      "tpu.region"() ({
        %run_scoped3A = tpu.sem_alloc : memref<!tpu.dma_semaphore, #tpu.memory_space<semaphore_mem>>
        %dma_start3A_496 = arith.constant 0 : i32
        %dma_start3A_497 = tpu.memref_slice %arg10[%multiple_of3A_495, %dma_start3A_496] : memref<6144x128xf32, #tpu.memory_space<vmem_shared>> -> memref<384x128xf32, #tpu.memory_space<vmem_shared>>
        %dma_start3A_498 = arith.constant 0 : i32
        %dma_start3A_499 = tpu.memref_slice %arg2[%add3A_488, %dma_start3A_498] : memref<100000x128xf32, #tpu.memory_space<hbm>> -> memref<384x128xf32, #tpu.memory_space<hbm>>
        tpu.enqueue_dma source(%dma_start3A_499 : memref<384x128xf32, #tpu.memory_space<hbm>>) target(%dma_start3A_497 : memref<384x128xf32, #tpu.memory_space<vmem_shared>>) target_semaphore(%run_scoped3A : memref<!tpu.dma_semaphore, #tpu.memory_space<semaphore_mem>>)
        %dma_wait3A_500 = arith.constant 0 : i32
        %dma_wait3A_501 = tpu.memref_slice %arg10[%multiple_of3A_495, %dma_wait3A_500] : memref<6144x128xf32, #tpu.memory_space<vmem_shared>> -> memref<384x128xf32, #tpu.memory_space<vmem_shared>>
        %dma_wait3A_502 = arith.constant 0 : i32
        %dma_wait3A_503 = tpu.memref_slice %arg2[%add3A_488, %dma_wait3A_502] : memref<100000x128xf32, #tpu.memory_space<hbm>> -> memref<384x128xf32, #tpu.memory_space<hbm>>
        tpu.wait_dma2 semaphore(%run_scoped3A : memref<!tpu.dma_semaphore, #tpu.memory_space<semaphore_mem>>) src(%dma_wait3A_503 : memref<384x128xf32, #tpu.memory_space<hbm>>) dst(%dma_wait3A_501 : memref<384x128xf32, #tpu.memory_space<vmem_shared>>)
        tpu.yield
      }) : () -> ()
    } else {
    }
    %not3A_384 = arith.constant true
    %not3A_385 = arith.xori %lt3A_34, %not3A_384 : i1
    %not3A_386 = arith.constant true
    %not3A_387 = arith.xori %eq3A_36, %not3A_386 : i1
    %and3A_388 = arith.andi %not3A_385, %not3A_387 : i1
    %convert_element_type3A_389 = arith.extui %and3A_388 : i1 to i32
    %cond3A_390 = arith.constant 0 : i32
    %cond3A_391 = arith.cmpi ne, %convert_element_type3A_389, %cond3A_390 : i32
    scf.if %cond3A_391 {
      %mul3A_487 = arith.constant 2 : i32
      %mul3A_488 = arith.muli %select_n3A_32, %mul3A_487 : i32
      %add3A_489 = arith.constant 1 : i32
      %add3A_490 = arith.addi %mul3A_488, %add3A_489 : i32
      %mul3A_491 = arith.constant 384 : i32
      %mul3A_492 = arith.muli %add3A_490, %mul3A_491 : i32
      %multiple_of3A_493 = tpu.assume_multiple %mul3A_492, 8 : i32
      %add3A_494 = arith.constant 4992 : i32
      %add3A_495 = arith.addi %multiple_of3A, %add3A_494 : i32
      "tpu.region"() ({
        %run_scoped3A = tpu.sem_alloc : memref<!tpu.dma_semaphore, #tpu.memory_space<semaphore_mem>>
        %dma_start3A_496 = arith.constant 0 : i32
        %dma_start3A_497 = tpu.memref_slice %arg6[%add3A_495, %dma_start3A_496] : memref<100000x128xf32, #tpu.memory_space<hbm>> -> memref<384x128xf32, #tpu.memory_space<hbm>>
        %dma_start3A_498 = arith.constant 0 : i32
        %dma_start3A_499 = tpu.memref_slice %arg10[%multiple_of3A_493, %dma_start3A_498] : memref<6144x128xf32, #tpu.memory_space<vmem_shared>> -> memref<384x128xf32, #tpu.memory_space<vmem_shared>>
        tpu.enqueue_dma source(%dma_start3A_499 : memref<384x128xf32, #tpu.memory_space<vmem_shared>>) target(%dma_start3A_497 : memref<384x128xf32, #tpu.memory_space<hbm>>) target_semaphore(%run_scoped3A : memref<!tpu.dma_semaphore, #tpu.memory_space<semaphore_mem>>)
        %dma_wait3A_500 = arith.constant 0 : i32
        %dma_wait3A_501 = tpu.memref_slice %arg6[%add3A_495, %dma_wait3A_500] : memref<100000x128xf32, #tpu.memory_space<hbm>> -> memref<384x128xf32, #tpu.memory_space<hbm>>
        %dma_wait3A_502 = arith.constant 0 : i32
        %dma_wait3A_503 = tpu.memref_slice %arg10[%multiple_of3A_493, %dma_wait3A_502] : memref<6144x128xf32, #tpu.memory_space<vmem_shared>> -> memref<384x128xf32, #tpu.memory_space<vmem_shared>>
        tpu.wait_dma2 semaphore(%run_scoped3A : memref<!tpu.dma_semaphore, #tpu.memory_space<semaphore_mem>>) src(%dma_wait3A_503 : memref<384x128xf32, #tpu.memory_space<vmem_shared>>) dst(%dma_wait3A_501 : memref<384x128xf32, #tpu.memory_space<hbm>>)
        tpu.yield
      }) : () -> ()
    } else {
    }
    %not3A_392 = arith.constant true
    %not3A_393 = arith.xori %lt3A_34, %not3A_392 : i1
    %and3A_394 = arith.andi %not3A_393, %eq3A_36 : i1
    %convert_element_type3A_395 = arith.extui %and3A_394 : i1 to i32
    %cond3A_396 = arith.constant 0 : i32
    %cond3A_397 = arith.cmpi ne, %convert_element_type3A_395, %cond3A_396 : i32
    scf.if %cond3A_397 {
      %mul3A_487 = arith.constant 2 : i32
      %mul3A_488 = arith.muli %select_n3A_32, %mul3A_487 : i32
      %add3A_489 = arith.constant 1 : i32
      %add3A_490 = arith.addi %mul3A_488, %add3A_489 : i32
      %mul3A_491 = arith.constant 384 : i32
      %mul3A_492 = arith.muli %add3A_490, %mul3A_491 : i32
      %multiple_of3A_493 = tpu.assume_multiple %mul3A_492, 8 : i32
      %add3A_494 = arith.constant 4992 : i32
      %add3A_495 = arith.addi %multiple_of3A, %add3A_494 : i32
      "tpu.region"() ({
        %run_scoped3A = tpu.sem_alloc : memref<!tpu.dma_semaphore, #tpu.memory_space<semaphore_mem>>
        %dma_start3A_496 = arith.constant 0 : i32
        %dma_start3A_497 = tpu.memref_slice %arg6[%add3A_495, %dma_start3A_496] : memref<100000x128xf32, #tpu.memory_space<hbm>> -> memref<384x128xf32, #tpu.memory_space<hbm>>
        %dma_start3A_498 = arith.constant 0 : i32
        %dma_start3A_499 = tpu.memref_slice %arg10[%multiple_of3A_493, %dma_start3A_498] : memref<6144x128xf32, #tpu.memory_space<vmem_shared>> -> memref<384x128xf32, #tpu.memory_space<vmem_shared>>
        tpu.enqueue_dma source(%dma_start3A_499 : memref<384x128xf32, #tpu.memory_space<vmem_shared>>) target(%dma_start3A_497 : memref<384x128xf32, #tpu.memory_space<hbm>>) target_semaphore(%run_scoped3A : memref<!tpu.dma_semaphore, #tpu.memory_space<semaphore_mem>>)
        %dma_wait3A_500 = arith.constant 0 : i32
        %dma_wait3A_501 = tpu.memref_slice %arg6[%add3A_495, %dma_wait3A_500] : memref<100000x128xf32, #tpu.memory_space<hbm>> -> memref<384x128xf32, #tpu.memory_space<hbm>>
        %dma_wait3A_502 = arith.constant 0 : i32
        %dma_wait3A_503 = tpu.memref_slice %arg10[%multiple_of3A_493, %dma_wait3A_502] : memref<6144x128xf32, #tpu.memory_space<vmem_shared>> -> memref<384x128xf32, #tpu.memory_space<vmem_shared>>
        tpu.wait_dma2 semaphore(%run_scoped3A : memref<!tpu.dma_semaphore, #tpu.memory_space<semaphore_mem>>) src(%dma_wait3A_503 : memref<384x128xf32, #tpu.memory_space<vmem_shared>>) dst(%dma_wait3A_501 : memref<384x128xf32, #tpu.memory_space<hbm>>)
        tpu.yield
      }) : () -> ()
    } else {
    }
    %barrier3A_398 = arith.constant 0 : index
    tpu.barrier barrier_id(%barrier3A_398)
    %not3A_399 = arith.constant true
    %not3A_400 = arith.xori %eq3A_36, %not3A_399 : i1
    %and3A_401 = arith.andi %lt3A_34, %not3A_400 : i1
    %convert_element_type3A_402 = arith.extui %and3A_401 : i1 to i32
    %cond3A_403 = arith.constant 0 : i32
    %cond3A_404 = arith.cmpi ne, %convert_element_type3A_402, %cond3A_403 : i32
    scf.if %cond3A_404 {
      %add3A_487 = arith.constant 5760 : i32
      %add3A_488 = arith.addi %multiple_of3A, %add3A_487 : i32
      %mul3A_489 = arith.constant 2 : i32
      %mul3A_490 = arith.muli %select_n3A_32, %mul3A_489 : i32
      %add3A_491 = arith.constant 1 : i32
      %add3A_492 = arith.addi %mul3A_490, %add3A_491 : i32
      %mul3A_493 = arith.constant 384 : i32
      %mul3A_494 = arith.muli %add3A_492, %mul3A_493 : i32
      %multiple_of3A_495 = tpu.assume_multiple %mul3A_494, 8 : i32
      "tpu.region"() ({
        %run_scoped3A = tpu.sem_alloc : memref<!tpu.dma_semaphore, #tpu.memory_space<semaphore_mem>>
        %dma_start3A_496 = arith.constant 0 : i32
        %dma_start3A_497 = tpu.memref_slice %arg10[%multiple_of3A_495, %dma_start3A_496] : memref<6144x128xf32, #tpu.memory_space<vmem_shared>> -> memref<384x128xf32, #tpu.memory_space<vmem_shared>>
        %dma_start3A_498 = arith.constant 0 : i32
        %dma_start3A_499 = tpu.memref_slice %arg2[%add3A_488, %dma_start3A_498] : memref<100000x128xf32, #tpu.memory_space<hbm>> -> memref<384x128xf32, #tpu.memory_space<hbm>>
        tpu.enqueue_dma source(%dma_start3A_499 : memref<384x128xf32, #tpu.memory_space<hbm>>) target(%dma_start3A_497 : memref<384x128xf32, #tpu.memory_space<vmem_shared>>) target_semaphore(%run_scoped3A : memref<!tpu.dma_semaphore, #tpu.memory_space<semaphore_mem>>)
        %dma_wait3A_500 = arith.constant 0 : i32
        %dma_wait3A_501 = tpu.memref_slice %arg10[%multiple_of3A_495, %dma_wait3A_500] : memref<6144x128xf32, #tpu.memory_space<vmem_shared>> -> memref<384x128xf32, #tpu.memory_space<vmem_shared>>
        %dma_wait3A_502 = arith.constant 0 : i32
        %dma_wait3A_503 = tpu.memref_slice %arg2[%add3A_488, %dma_wait3A_502] : memref<100000x128xf32, #tpu.memory_space<hbm>> -> memref<384x128xf32, #tpu.memory_space<hbm>>
        tpu.wait_dma2 semaphore(%run_scoped3A : memref<!tpu.dma_semaphore, #tpu.memory_space<semaphore_mem>>) src(%dma_wait3A_503 : memref<384x128xf32, #tpu.memory_space<hbm>>) dst(%dma_wait3A_501 : memref<384x128xf32, #tpu.memory_space<vmem_shared>>)
        tpu.yield
      }) : () -> ()
    } else {
    }
    %and3A_405 = arith.andi %lt3A_34, %eq3A_36 : i1
    %convert_element_type3A_406 = arith.extui %and3A_405 : i1 to i32
    %cond3A_407 = arith.constant 0 : i32
    %cond3A_408 = arith.cmpi ne, %convert_element_type3A_406, %cond3A_407 : i32
    scf.if %cond3A_408 {
      %add3A_487 = arith.constant 5760 : i32
      %add3A_488 = arith.addi %multiple_of3A, %add3A_487 : i32
      %mul3A_489 = arith.constant 2 : i32
      %mul3A_490 = arith.muli %select_n3A_32, %mul3A_489 : i32
      %add3A_491 = arith.constant 1 : i32
      %add3A_492 = arith.addi %mul3A_490, %add3A_491 : i32
      %mul3A_493 = arith.constant 384 : i32
      %mul3A_494 = arith.muli %add3A_492, %mul3A_493 : i32
      %multiple_of3A_495 = tpu.assume_multiple %mul3A_494, 8 : i32
      "tpu.region"() ({
        %run_scoped3A = tpu.sem_alloc : memref<!tpu.dma_semaphore, #tpu.memory_space<semaphore_mem>>
        %dma_start3A_496 = arith.constant 0 : i32
        %dma_start3A_497 = tpu.memref_slice %arg10[%multiple_of3A_495, %dma_start3A_496] : memref<6144x128xf32, #tpu.memory_space<vmem_shared>> -> memref<384x128xf32, #tpu.memory_space<vmem_shared>>
        %dma_start3A_498 = arith.constant 0 : i32
        %dma_start3A_499 = tpu.memref_slice %arg2[%add3A_488, %dma_start3A_498] : memref<100000x128xf32, #tpu.memory_space<hbm>> -> memref<384x128xf32, #tpu.memory_space<hbm>>
        tpu.enqueue_dma source(%dma_start3A_499 : memref<384x128xf32, #tpu.memory_space<hbm>>) target(%dma_start3A_497 : memref<384x128xf32, #tpu.memory_space<vmem_shared>>) target_semaphore(%run_scoped3A : memref<!tpu.dma_semaphore, #tpu.memory_space<semaphore_mem>>)
        %dma_wait3A_500 = arith.constant 0 : i32
        %dma_wait3A_501 = tpu.memref_slice %arg10[%multiple_of3A_495, %dma_wait3A_500] : memref<6144x128xf32, #tpu.memory_space<vmem_shared>> -> memref<384x128xf32, #tpu.memory_space<vmem_shared>>
        %dma_wait3A_502 = arith.constant 0 : i32
        %dma_wait3A_503 = tpu.memref_slice %arg2[%add3A_488, %dma_wait3A_502] : memref<100000x128xf32, #tpu.memory_space<hbm>> -> memref<384x128xf32, #tpu.memory_space<hbm>>
        tpu.wait_dma2 semaphore(%run_scoped3A : memref<!tpu.dma_semaphore, #tpu.memory_space<semaphore_mem>>) src(%dma_wait3A_503 : memref<384x128xf32, #tpu.memory_space<hbm>>) dst(%dma_wait3A_501 : memref<384x128xf32, #tpu.memory_space<vmem_shared>>)
        tpu.yield
      }) : () -> ()
    } else {
    }
    %not3A_409 = arith.constant true
    %not3A_410 = arith.xori %lt3A_34, %not3A_409 : i1
    %not3A_411 = arith.constant true
    %not3A_412 = arith.xori %eq3A_36, %not3A_411 : i1
    %and3A_413 = arith.andi %not3A_410, %not3A_412 : i1
    %convert_element_type3A_414 = arith.extui %and3A_413 : i1 to i32
    %cond3A_415 = arith.constant 0 : i32
    %cond3A_416 = arith.cmpi ne, %convert_element_type3A_414, %cond3A_415 : i32
    scf.if %cond3A_416 {
      %mul3A_487 = arith.constant 2 : i32
      %mul3A_488 = arith.muli %select_n3A_32, %mul3A_487 : i32
      %add3A_489 = arith.constant 0 : i32
      %add3A_490 = arith.addi %mul3A_488, %add3A_489 : i32
      %mul3A_491 = arith.constant 384 : i32
      %mul3A_492 = arith.muli %add3A_490, %mul3A_491 : i32
      %multiple_of3A_493 = tpu.assume_multiple %mul3A_492, 8 : i32
      %add3A_494 = arith.constant 5376 : i32
      %add3A_495 = arith.addi %multiple_of3A, %add3A_494 : i32
      "tpu.region"() ({
        %run_scoped3A = tpu.sem_alloc : memref<!tpu.dma_semaphore, #tpu.memory_space<semaphore_mem>>
        %dma_start3A_496 = arith.constant 0 : i32
        %dma_start3A_497 = tpu.memref_slice %arg6[%add3A_495, %dma_start3A_496] : memref<100000x128xf32, #tpu.memory_space<hbm>> -> memref<384x128xf32, #tpu.memory_space<hbm>>
        %dma_start3A_498 = arith.constant 0 : i32
        %dma_start3A_499 = tpu.memref_slice %arg10[%multiple_of3A_493, %dma_start3A_498] : memref<6144x128xf32, #tpu.memory_space<vmem_shared>> -> memref<384x128xf32, #tpu.memory_space<vmem_shared>>
        tpu.enqueue_dma source(%dma_start3A_499 : memref<384x128xf32, #tpu.memory_space<vmem_shared>>) target(%dma_start3A_497 : memref<384x128xf32, #tpu.memory_space<hbm>>) target_semaphore(%run_scoped3A : memref<!tpu.dma_semaphore, #tpu.memory_space<semaphore_mem>>)
        %dma_wait3A_500 = arith.constant 0 : i32
        %dma_wait3A_501 = tpu.memref_slice %arg6[%add3A_495, %dma_wait3A_500] : memref<100000x128xf32, #tpu.memory_space<hbm>> -> memref<384x128xf32, #tpu.memory_space<hbm>>
        %dma_wait3A_502 = arith.constant 0 : i32
        %dma_wait3A_503 = tpu.memref_slice %arg10[%multiple_of3A_493, %dma_wait3A_502] : memref<6144x128xf32, #tpu.memory_space<vmem_shared>> -> memref<384x128xf32, #tpu.memory_space<vmem_shared>>
        tpu.wait_dma2 semaphore(%run_scoped3A : memref<!tpu.dma_semaphore, #tpu.memory_space<semaphore_mem>>) src(%dma_wait3A_503 : memref<384x128xf32, #tpu.memory_space<vmem_shared>>) dst(%dma_wait3A_501 : memref<384x128xf32, #tpu.memory_space<hbm>>)
        tpu.yield
      }) : () -> ()
    } else {
    }
    %not3A_417 = arith.constant true
    %not3A_418 = arith.xori %lt3A_34, %not3A_417 : i1
    %and3A_419 = arith.andi %not3A_418, %eq3A_36 : i1
    %convert_element_type3A_420 = arith.extui %and3A_419 : i1 to i32
    %cond3A_421 = arith.constant 0 : i32
    %cond3A_422 = arith.cmpi ne, %convert_element_type3A_420, %cond3A_421 : i32
    scf.if %cond3A_422 {
      %mul3A_487 = arith.constant 2 : i32
      %mul3A_488 = arith.muli %select_n3A_32, %mul3A_487 : i32
      %add3A_489 = arith.constant 0 : i32
      %add3A_490 = arith.addi %mul3A_488, %add3A_489 : i32
      %mul3A_491 = arith.constant 384 : i32
      %mul3A_492 = arith.muli %add3A_490, %mul3A_491 : i32
      %multiple_of3A_493 = tpu.assume_multiple %mul3A_492, 8 : i32
      %add3A_494 = arith.constant 5376 : i32
      %add3A_495 = arith.addi %multiple_of3A, %add3A_494 : i32
      "tpu.region"() ({
        %run_scoped3A = tpu.sem_alloc : memref<!tpu.dma_semaphore, #tpu.memory_space<semaphore_mem>>
        %dma_start3A_496 = arith.constant 0 : i32
        %dma_start3A_497 = tpu.memref_slice %arg6[%add3A_495, %dma_start3A_496] : memref<100000x128xf32, #tpu.memory_space<hbm>> -> memref<384x128xf32, #tpu.memory_space<hbm>>
        %dma_start3A_498 = arith.constant 0 : i32
        %dma_start3A_499 = tpu.memref_slice %arg10[%multiple_of3A_493, %dma_start3A_498] : memref<6144x128xf32, #tpu.memory_space<vmem_shared>> -> memref<384x128xf32, #tpu.memory_space<vmem_shared>>
        tpu.enqueue_dma source(%dma_start3A_499 : memref<384x128xf32, #tpu.memory_space<vmem_shared>>) target(%dma_start3A_497 : memref<384x128xf32, #tpu.memory_space<hbm>>) target_semaphore(%run_scoped3A : memref<!tpu.dma_semaphore, #tpu.memory_space<semaphore_mem>>)
        %dma_wait3A_500 = arith.constant 0 : i32
        %dma_wait3A_501 = tpu.memref_slice %arg6[%add3A_495, %dma_wait3A_500] : memref<100000x128xf32, #tpu.memory_space<hbm>> -> memref<384x128xf32, #tpu.memory_space<hbm>>
        %dma_wait3A_502 = arith.constant 0 : i32
        %dma_wait3A_503 = tpu.memref_slice %arg10[%multiple_of3A_493, %dma_wait3A_502] : memref<6144x128xf32, #tpu.memory_space<vmem_shared>> -> memref<384x128xf32, #tpu.memory_space<vmem_shared>>
        tpu.wait_dma2 semaphore(%run_scoped3A : memref<!tpu.dma_semaphore, #tpu.memory_space<semaphore_mem>>) src(%dma_wait3A_503 : memref<384x128xf32, #tpu.memory_space<vmem_shared>>) dst(%dma_wait3A_501 : memref<384x128xf32, #tpu.memory_space<hbm>>)
        tpu.yield
      }) : () -> ()
    } else {
    }
    %barrier3A_423 = arith.constant 0 : index
    tpu.barrier barrier_id(%barrier3A_423)
    %not3A_424 = arith.constant true
    %not3A_425 = arith.xori %eq3A_36, %not3A_424 : i1
    %and3A_426 = arith.andi %lt3A_34, %not3A_425 : i1
    %convert_element_type3A_427 = arith.extui %and3A_426 : i1 to i32
    %cond3A_428 = arith.constant 0 : i32
    %cond3A_429 = arith.cmpi ne, %convert_element_type3A_427, %cond3A_428 : i32
    scf.if %cond3A_429 {
      %add3A_487 = arith.constant 6144 : i32
      %add3A_488 = arith.addi %multiple_of3A, %add3A_487 : i32
      %mul3A_489 = arith.constant 2 : i32
      %mul3A_490 = arith.muli %select_n3A_32, %mul3A_489 : i32
      %add3A_491 = arith.constant 0 : i32
      %add3A_492 = arith.addi %mul3A_490, %add3A_491 : i32
      %mul3A_493 = arith.constant 384 : i32
      %mul3A_494 = arith.muli %add3A_492, %mul3A_493 : i32
      %multiple_of3A_495 = tpu.assume_multiple %mul3A_494, 8 : i32
      "tpu.region"() ({
        %run_scoped3A = tpu.sem_alloc : memref<!tpu.dma_semaphore, #tpu.memory_space<semaphore_mem>>
        %dma_start3A_496 = arith.constant 0 : i32
        %dma_start3A_497 = tpu.memref_slice %arg10[%multiple_of3A_495, %dma_start3A_496] : memref<6144x128xf32, #tpu.memory_space<vmem_shared>> -> memref<112x128xf32, #tpu.memory_space<vmem_shared>>
        %dma_start3A_498 = arith.constant 0 : i32
        %dma_start3A_499 = tpu.memref_slice %arg2[%add3A_488, %dma_start3A_498] : memref<100000x128xf32, #tpu.memory_space<hbm>> -> memref<112x128xf32, #tpu.memory_space<hbm>>
        tpu.enqueue_dma source(%dma_start3A_499 : memref<112x128xf32, #tpu.memory_space<hbm>>) target(%dma_start3A_497 : memref<112x128xf32, #tpu.memory_space<vmem_shared>>) target_semaphore(%run_scoped3A : memref<!tpu.dma_semaphore, #tpu.memory_space<semaphore_mem>>)
        %dma_wait3A_500 = arith.constant 0 : i32
        %dma_wait3A_501 = tpu.memref_slice %arg10[%multiple_of3A_495, %dma_wait3A_500] : memref<6144x128xf32, #tpu.memory_space<vmem_shared>> -> memref<112x128xf32, #tpu.memory_space<vmem_shared>>
        %dma_wait3A_502 = arith.constant 0 : i32
        %dma_wait3A_503 = tpu.memref_slice %arg2[%add3A_488, %dma_wait3A_502] : memref<100000x128xf32, #tpu.memory_space<hbm>> -> memref<112x128xf32, #tpu.memory_space<hbm>>
        tpu.wait_dma2 semaphore(%run_scoped3A : memref<!tpu.dma_semaphore, #tpu.memory_space<semaphore_mem>>) src(%dma_wait3A_503 : memref<112x128xf32, #tpu.memory_space<hbm>>) dst(%dma_wait3A_501 : memref<112x128xf32, #tpu.memory_space<vmem_shared>>)
        tpu.yield
      }) : () -> ()
    } else {
    }
    %and3A_430 = arith.andi %lt3A_34, %eq3A_36 : i1
    %convert_element_type3A_431 = arith.extui %and3A_430 : i1 to i32
    %cond3A_432 = arith.constant 0 : i32
    %cond3A_433 = arith.cmpi ne, %convert_element_type3A_431, %cond3A_432 : i32
    scf.if %cond3A_433 {
      %add3A_487 = arith.constant 6144 : i32
      %add3A_488 = arith.addi %multiple_of3A, %add3A_487 : i32
      %mul3A_489 = arith.constant 2 : i32
      %mul3A_490 = arith.muli %select_n3A_32, %mul3A_489 : i32
      %add3A_491 = arith.constant 0 : i32
      %add3A_492 = arith.addi %mul3A_490, %add3A_491 : i32
      %mul3A_493 = arith.constant 384 : i32
      %mul3A_494 = arith.muli %add3A_492, %mul3A_493 : i32
      %multiple_of3A_495 = tpu.assume_multiple %mul3A_494, 8 : i32
      "tpu.region"() ({
        %run_scoped3A = tpu.sem_alloc : memref<!tpu.dma_semaphore, #tpu.memory_space<semaphore_mem>>
        %dma_start3A_496 = arith.constant 0 : i32
        %dma_start3A_497 = tpu.memref_slice %arg10[%multiple_of3A_495, %dma_start3A_496] : memref<6144x128xf32, #tpu.memory_space<vmem_shared>> -> memref<64x128xf32, #tpu.memory_space<vmem_shared>>
        %dma_start3A_498 = arith.constant 0 : i32
        %dma_start3A_499 = tpu.memref_slice %arg2[%add3A_488, %dma_start3A_498] : memref<100000x128xf32, #tpu.memory_space<hbm>> -> memref<64x128xf32, #tpu.memory_space<hbm>>
        tpu.enqueue_dma source(%dma_start3A_499 : memref<64x128xf32, #tpu.memory_space<hbm>>) target(%dma_start3A_497 : memref<64x128xf32, #tpu.memory_space<vmem_shared>>) target_semaphore(%run_scoped3A : memref<!tpu.dma_semaphore, #tpu.memory_space<semaphore_mem>>)
        %dma_wait3A_500 = arith.constant 0 : i32
        %dma_wait3A_501 = tpu.memref_slice %arg10[%multiple_of3A_495, %dma_wait3A_500] : memref<6144x128xf32, #tpu.memory_space<vmem_shared>> -> memref<64x128xf32, #tpu.memory_space<vmem_shared>>
        %dma_wait3A_502 = arith.constant 0 : i32
        %dma_wait3A_503 = tpu.memref_slice %arg2[%add3A_488, %dma_wait3A_502] : memref<100000x128xf32, #tpu.memory_space<hbm>> -> memref<64x128xf32, #tpu.memory_space<hbm>>
        tpu.wait_dma2 semaphore(%run_scoped3A : memref<!tpu.dma_semaphore, #tpu.memory_space<semaphore_mem>>) src(%dma_wait3A_503 : memref<64x128xf32, #tpu.memory_space<hbm>>) dst(%dma_wait3A_501 : memref<64x128xf32, #tpu.memory_space<vmem_shared>>)
        tpu.yield
      }) : () -> ()
    } else {
    }
    %not3A_434 = arith.constant true
    %not3A_435 = arith.xori %lt3A_34, %not3A_434 : i1
    %not3A_436 = arith.constant true
    %not3A_437 = arith.xori %eq3A_36, %not3A_436 : i1
    %and3A_438 = arith.andi %not3A_435, %not3A_437 : i1
    %convert_element_type3A_439 = arith.extui %and3A_438 : i1 to i32
    %cond3A_440 = arith.constant 0 : i32
    %cond3A_441 = arith.cmpi ne, %convert_element_type3A_439, %cond3A_440 : i32
    scf.if %cond3A_441 {
      %mul3A_487 = arith.constant 2 : i32
      %mul3A_488 = arith.muli %select_n3A_32, %mul3A_487 : i32
      %add3A_489 = arith.constant 1 : i32
      %add3A_490 = arith.addi %mul3A_488, %add3A_489 : i32
      %mul3A_491 = arith.constant 384 : i32
      %mul3A_492 = arith.muli %add3A_490, %mul3A_491 : i32
      %multiple_of3A_493 = tpu.assume_multiple %mul3A_492, 8 : i32
      %add3A_494 = arith.constant 5760 : i32
      %add3A_495 = arith.addi %multiple_of3A, %add3A_494 : i32
      "tpu.region"() ({
        %run_scoped3A = tpu.sem_alloc : memref<!tpu.dma_semaphore, #tpu.memory_space<semaphore_mem>>
        %dma_start3A_496 = arith.constant 0 : i32
        %dma_start3A_497 = tpu.memref_slice %arg6[%add3A_495, %dma_start3A_496] : memref<100000x128xf32, #tpu.memory_space<hbm>> -> memref<384x128xf32, #tpu.memory_space<hbm>>
        %dma_start3A_498 = arith.constant 0 : i32
        %dma_start3A_499 = tpu.memref_slice %arg10[%multiple_of3A_493, %dma_start3A_498] : memref<6144x128xf32, #tpu.memory_space<vmem_shared>> -> memref<384x128xf32, #tpu.memory_space<vmem_shared>>
        tpu.enqueue_dma source(%dma_start3A_499 : memref<384x128xf32, #tpu.memory_space<vmem_shared>>) target(%dma_start3A_497 : memref<384x128xf32, #tpu.memory_space<hbm>>) target_semaphore(%run_scoped3A : memref<!tpu.dma_semaphore, #tpu.memory_space<semaphore_mem>>)
        %dma_wait3A_500 = arith.constant 0 : i32
        %dma_wait3A_501 = tpu.memref_slice %arg6[%add3A_495, %dma_wait3A_500] : memref<100000x128xf32, #tpu.memory_space<hbm>> -> memref<384x128xf32, #tpu.memory_space<hbm>>
        %dma_wait3A_502 = arith.constant 0 : i32
        %dma_wait3A_503 = tpu.memref_slice %arg10[%multiple_of3A_493, %dma_wait3A_502] : memref<6144x128xf32, #tpu.memory_space<vmem_shared>> -> memref<384x128xf32, #tpu.memory_space<vmem_shared>>
        tpu.wait_dma2 semaphore(%run_scoped3A : memref<!tpu.dma_semaphore, #tpu.memory_space<semaphore_mem>>) src(%dma_wait3A_503 : memref<384x128xf32, #tpu.memory_space<vmem_shared>>) dst(%dma_wait3A_501 : memref<384x128xf32, #tpu.memory_space<hbm>>)
        tpu.yield
      }) : () -> ()
    } else {
    }
    %not3A_442 = arith.constant true
    %not3A_443 = arith.xori %lt3A_34, %not3A_442 : i1
    %and3A_444 = arith.andi %not3A_443, %eq3A_36 : i1
    %convert_element_type3A_445 = arith.extui %and3A_444 : i1 to i32
    %cond3A_446 = arith.constant 0 : i32
    %cond3A_447 = arith.cmpi ne, %convert_element_type3A_445, %cond3A_446 : i32
    scf.if %cond3A_447 {
      %mul3A_487 = arith.constant 2 : i32
      %mul3A_488 = arith.muli %select_n3A_32, %mul3A_487 : i32
      %add3A_489 = arith.constant 1 : i32
      %add3A_490 = arith.addi %mul3A_488, %add3A_489 : i32
      %mul3A_491 = arith.constant 384 : i32
      %mul3A_492 = arith.muli %add3A_490, %mul3A_491 : i32
      %multiple_of3A_493 = tpu.assume_multiple %mul3A_492, 8 : i32
      %add3A_494 = arith.constant 5760 : i32
      %add3A_495 = arith.addi %multiple_of3A, %add3A_494 : i32
      "tpu.region"() ({
        %run_scoped3A = tpu.sem_alloc : memref<!tpu.dma_semaphore, #tpu.memory_space<semaphore_mem>>
        %dma_start3A_496 = arith.constant 0 : i32
        %dma_start3A_497 = tpu.memref_slice %arg6[%add3A_495, %dma_start3A_496] : memref<100000x128xf32, #tpu.memory_space<hbm>> -> memref<384x128xf32, #tpu.memory_space<hbm>>
        %dma_start3A_498 = arith.constant 0 : i32
        %dma_start3A_499 = tpu.memref_slice %arg10[%multiple_of3A_493, %dma_start3A_498] : memref<6144x128xf32, #tpu.memory_space<vmem_shared>> -> memref<384x128xf32, #tpu.memory_space<vmem_shared>>
        tpu.enqueue_dma source(%dma_start3A_499 : memref<384x128xf32, #tpu.memory_space<vmem_shared>>) target(%dma_start3A_497 : memref<384x128xf32, #tpu.memory_space<hbm>>) target_semaphore(%run_scoped3A : memref<!tpu.dma_semaphore, #tpu.memory_space<semaphore_mem>>)
        %dma_wait3A_500 = arith.constant 0 : i32
        %dma_wait3A_501 = tpu.memref_slice %arg6[%add3A_495, %dma_wait3A_500] : memref<100000x128xf32, #tpu.memory_space<hbm>> -> memref<384x128xf32, #tpu.memory_space<hbm>>
        %dma_wait3A_502 = arith.constant 0 : i32
        %dma_wait3A_503 = tpu.memref_slice %arg10[%multiple_of3A_493, %dma_wait3A_502] : memref<6144x128xf32, #tpu.memory_space<vmem_shared>> -> memref<384x128xf32, #tpu.memory_space<vmem_shared>>
        tpu.wait_dma2 semaphore(%run_scoped3A : memref<!tpu.dma_semaphore, #tpu.memory_space<semaphore_mem>>) src(%dma_wait3A_503 : memref<384x128xf32, #tpu.memory_space<vmem_shared>>) dst(%dma_wait3A_501 : memref<384x128xf32, #tpu.memory_space<hbm>>)
        tpu.yield
      }) : () -> ()
    } else {
    }
    %barrier3A_448 = arith.constant 0 : index
    tpu.barrier barrier_id(%barrier3A_448)
    %not3A_449 = arith.constant true
    %not3A_450 = arith.xori %lt3A_34, %not3A_449 : i1
    %not3A_451 = arith.constant true
    %not3A_452 = arith.xori %eq3A_36, %not3A_451 : i1
    %and3A_453 = arith.andi %not3A_450, %not3A_452 : i1
    %convert_element_type3A_454 = arith.extui %and3A_453 : i1 to i32
    %cond3A_455 = arith.constant 0 : i32
    %cond3A_456 = arith.cmpi ne, %convert_element_type3A_454, %cond3A_455 : i32
    scf.if %cond3A_456 {
      %mul3A_487 = arith.constant 2 : i32
      %mul3A_488 = arith.muli %select_n3A_32, %mul3A_487 : i32
      %add3A_489 = arith.constant 0 : i32
      %add3A_490 = arith.addi %mul3A_488, %add3A_489 : i32
      %mul3A_491 = arith.constant 384 : i32
      %mul3A_492 = arith.muli %add3A_490, %mul3A_491 : i32
      %multiple_of3A_493 = tpu.assume_multiple %mul3A_492, 8 : i32
      %add3A_494 = arith.constant 6144 : i32
      %add3A_495 = arith.addi %multiple_of3A, %add3A_494 : i32
      "tpu.region"() ({
        %run_scoped3A = tpu.sem_alloc : memref<!tpu.dma_semaphore, #tpu.memory_space<semaphore_mem>>
        %dma_start3A_496 = arith.constant 0 : i32
        %dma_start3A_497 = tpu.memref_slice %arg6[%add3A_495, %dma_start3A_496] : memref<100000x128xf32, #tpu.memory_space<hbm>> -> memref<112x128xf32, #tpu.memory_space<hbm>>
        %dma_start3A_498 = arith.constant 0 : i32
        %dma_start3A_499 = tpu.memref_slice %arg10[%multiple_of3A_493, %dma_start3A_498] : memref<6144x128xf32, #tpu.memory_space<vmem_shared>> -> memref<112x128xf32, #tpu.memory_space<vmem_shared>>
        tpu.enqueue_dma source(%dma_start3A_499 : memref<112x128xf32, #tpu.memory_space<vmem_shared>>) target(%dma_start3A_497 : memref<112x128xf32, #tpu.memory_space<hbm>>) target_semaphore(%run_scoped3A : memref<!tpu.dma_semaphore, #tpu.memory_space<semaphore_mem>>)
        %dma_wait3A_500 = arith.constant 0 : i32
        %dma_wait3A_501 = tpu.memref_slice %arg6[%add3A_495, %dma_wait3A_500] : memref<100000x128xf32, #tpu.memory_space<hbm>> -> memref<112x128xf32, #tpu.memory_space<hbm>>
        %dma_wait3A_502 = arith.constant 0 : i32
        %dma_wait3A_503 = tpu.memref_slice %arg10[%multiple_of3A_493, %dma_wait3A_502] : memref<6144x128xf32, #tpu.memory_space<vmem_shared>> -> memref<112x128xf32, #tpu.memory_space<vmem_shared>>
        tpu.wait_dma2 semaphore(%run_scoped3A : memref<!tpu.dma_semaphore, #tpu.memory_space<semaphore_mem>>) src(%dma_wait3A_503 : memref<112x128xf32, #tpu.memory_space<vmem_shared>>) dst(%dma_wait3A_501 : memref<112x128xf32, #tpu.memory_space<hbm>>)
        tpu.yield
      }) : () -> ()
    } else {
    }
    %not3A_457 = arith.constant true
    %not3A_458 = arith.xori %lt3A_34, %not3A_457 : i1
    %and3A_459 = arith.andi %not3A_458, %eq3A_36 : i1
    %convert_element_type3A_460 = arith.extui %and3A_459 : i1 to i32
    %cond3A_461 = arith.constant 0 : i32
    %cond3A_462 = arith.cmpi ne, %convert_element_type3A_460, %cond3A_461 : i32
    scf.if %cond3A_462 {
      %mul3A_487 = arith.constant 2 : i32
      %mul3A_488 = arith.muli %select_n3A_32, %mul3A_487 : i32
      %add3A_489 = arith.constant 0 : i32
      %add3A_490 = arith.addi %mul3A_488, %add3A_489 : i32
      %mul3A_491 = arith.constant 384 : i32
      %mul3A_492 = arith.muli %add3A_490, %mul3A_491 : i32
      %multiple_of3A_493 = tpu.assume_multiple %mul3A_492, 8 : i32
      %add3A_494 = arith.constant 6144 : i32
      %add3A_495 = arith.addi %multiple_of3A, %add3A_494 : i32
      "tpu.region"() ({
        %run_scoped3A = tpu.sem_alloc : memref<!tpu.dma_semaphore, #tpu.memory_space<semaphore_mem>>
        %dma_start3A_496 = arith.constant 0 : i32
        %dma_start3A_497 = tpu.memref_slice %arg6[%add3A_495, %dma_start3A_496] : memref<100000x128xf32, #tpu.memory_space<hbm>> -> memref<64x128xf32, #tpu.memory_space<hbm>>
        %dma_start3A_498 = arith.constant 0 : i32
        %dma_start3A_499 = tpu.memref_slice %arg10[%multiple_of3A_493, %dma_start3A_498] : memref<6144x128xf32, #tpu.memory_space<vmem_shared>> -> memref<64x128xf32, #tpu.memory_space<vmem_shared>>
        tpu.enqueue_dma source(%dma_start3A_499 : memref<64x128xf32, #tpu.memory_space<vmem_shared>>) target(%dma_start3A_497 : memref<64x128xf32, #tpu.memory_space<hbm>>) target_semaphore(%run_scoped3A : memref<!tpu.dma_semaphore, #tpu.memory_space<semaphore_mem>>)
        %dma_wait3A_500 = arith.constant 0 : i32
        %dma_wait3A_501 = tpu.memref_slice %arg6[%add3A_495, %dma_wait3A_500] : memref<100000x128xf32, #tpu.memory_space<hbm>> -> memref<64x128xf32, #tpu.memory_space<hbm>>
        %dma_wait3A_502 = arith.constant 0 : i32
        %dma_wait3A_503 = tpu.memref_slice %arg10[%multiple_of3A_493, %dma_wait3A_502] : memref<6144x128xf32, #tpu.memory_space<vmem_shared>> -> memref<64x128xf32, #tpu.memory_space<vmem_shared>>
        tpu.wait_dma2 semaphore(%run_scoped3A : memref<!tpu.dma_semaphore, #tpu.memory_space<semaphore_mem>>) src(%dma_wait3A_503 : memref<64x128xf32, #tpu.memory_space<vmem_shared>>) dst(%dma_wait3A_501 : memref<64x128xf32, #tpu.memory_space<hbm>>)
        tpu.yield
      }) : () -> ()
    } else {
    }
    %barrier3A_463 = arith.constant 0 : index
    tpu.barrier barrier_id(%barrier3A_463)
    %dma_wait3A = arith.constant 0 : i32
    %dma_wait3A_464 = arith.constant 0 : i32
    %dma_wait3A_465 = tpu.memref_slice %arg8[%dma_wait3A, %dma_wait3A_464] : memref<4x128xi32, #tpu.memory_space<vmem>> -> memref<1x128xi32, #tpu.memory_space<vmem>>
    %dma_wait3A_466 = tpu.memref_squeeze %dma_wait3A_465 : memref<1x128xi32, #tpu.memory_space<vmem>> -> memref<128xi32, #tpu.memory_space<vmem>>
    %dma_wait3A_467 = arith.constant 0 : i32
    %dma_wait3A_468 = tpu.memref_slice %arg5[%dma_wait3A_467] : memref<100000xf32, #tpu.memory_space<hbm>> -> memref<100000xf32, #tpu.memory_space<hbm>>
    tpu.wait_indirect_dma semaphore(%arg11 : memref<!tpu.dma_semaphore, #tpu.memory_space<semaphore_mem>>) src(%arg9 : memref<128xf32, #tpu.memory_space<vmem>>) dst(%dma_wait3A_468 : memref<100000xf32, #tpu.memory_space<hbm>>)
    %dma_wait3A_469 = arith.constant 1 : i32
    %dma_wait3A_470 = arith.constant 0 : i32
    %dma_wait3A_471 = tpu.memref_slice %arg8[%dma_wait3A_469, %dma_wait3A_470] : memref<4x128xi32, #tpu.memory_space<vmem>> -> memref<1x128xi32, #tpu.memory_space<vmem>>
    %dma_wait3A_472 = tpu.memref_squeeze %dma_wait3A_471 : memref<1x128xi32, #tpu.memory_space<vmem>> -> memref<128xi32, #tpu.memory_space<vmem>>
    %dma_wait3A_473 = arith.constant 0 : i32
    %dma_wait3A_474 = tpu.memref_slice %arg5[%dma_wait3A_473] : memref<100000xf32, #tpu.memory_space<hbm>> -> memref<100000xf32, #tpu.memory_space<hbm>>
    tpu.wait_indirect_dma semaphore(%arg11 : memref<!tpu.dma_semaphore, #tpu.memory_space<semaphore_mem>>) src(%arg9 : memref<128xf32, #tpu.memory_space<vmem>>) dst(%dma_wait3A_474 : memref<100000xf32, #tpu.memory_space<hbm>>)
    %dma_wait3A_475 = arith.constant 2 : i32
    %dma_wait3A_476 = arith.constant 0 : i32
    %dma_wait3A_477 = tpu.memref_slice %arg8[%dma_wait3A_475, %dma_wait3A_476] : memref<4x128xi32, #tpu.memory_space<vmem>> -> memref<1x128xi32, #tpu.memory_space<vmem>>
    %dma_wait3A_478 = tpu.memref_squeeze %dma_wait3A_477 : memref<1x128xi32, #tpu.memory_space<vmem>> -> memref<128xi32, #tpu.memory_space<vmem>>
    %dma_wait3A_479 = arith.constant 0 : i32
    %dma_wait3A_480 = tpu.memref_slice %arg5[%dma_wait3A_479] : memref<100000xf32, #tpu.memory_space<hbm>> -> memref<100000xf32, #tpu.memory_space<hbm>>
    tpu.wait_indirect_dma semaphore(%arg11 : memref<!tpu.dma_semaphore, #tpu.memory_space<semaphore_mem>>) src(%arg9 : memref<128xf32, #tpu.memory_space<vmem>>) dst(%dma_wait3A_480 : memref<100000xf32, #tpu.memory_space<hbm>>)
    %dma_wait3A_481 = arith.constant 3 : i32
    %dma_wait3A_482 = arith.constant 0 : i32
    %dma_wait3A_483 = tpu.memref_slice %arg8[%dma_wait3A_481, %dma_wait3A_482] : memref<4x128xi32, #tpu.memory_space<vmem>> -> memref<1x128xi32, #tpu.memory_space<vmem>>
    %dma_wait3A_484 = tpu.memref_squeeze %dma_wait3A_483 : memref<1x128xi32, #tpu.memory_space<vmem>> -> memref<128xi32, #tpu.memory_space<vmem>>
    %dma_wait3A_485 = arith.constant 0 : i32
    %dma_wait3A_486 = tpu.memref_slice %arg5[%dma_wait3A_485] : memref<100000xf32, #tpu.memory_space<hbm>> -> memref<100000xf32, #tpu.memory_space<hbm>>
    tpu.wait_indirect_dma semaphore(%arg11 : memref<!tpu.dma_semaphore, #tpu.memory_space<semaphore_mem>>) src(%arg9 : memref<128xf32, #tpu.memory_space<vmem>>) dst(%dma_wait3A_486 : memref<100000xf32, #tpu.memory_space<hbm>>)
    return
  }
}

#map = affine_map<(d0, d1) -> (0, 0, 0)>
#map1 = affine_map<(d0, d1) -> (0, 0)>
module attributes {stable_mosaic.version = 14 : i64} {
  func.func @new_body(%arg0: i32, %arg1: i32, %arg2: memref<32x4x128xi32, #tpu.memory_space<hbm>>, %arg3: memref<16384x128xf32, #tpu.memory_space<hbm>>, %arg4: memref<100000x128xf32, #tpu.memory_space<hbm>>, %arg5: memref<100000x128xf32, #tpu.memory_space<hbm>>, %arg6: memref<4x128xi32, #tpu.memory_space<vmem>>, %arg7: memref<512x128xf32, #tpu.memory_space<vmem>>, %arg8: memref<!tpu.dma_semaphore, #tpu.memory_space<semaphore_mem>>, %arg9: memref<!tpu.dma_semaphore, #tpu.memory_space<semaphore_mem>>, %arg10: memref<!tpu.dma_semaphore, #tpu.memory_space<semaphore_mem>>, %arg11: memref<!tpu.dma_semaphore, #tpu.memory_space<semaphore_mem>>, %arg12: memref<!tpu.dma_semaphore, #tpu.memory_space<semaphore_mem>>) attributes {dimension_semantics = [#tpu.dimension_semantics<core_parallel>, #tpu.dimension_semantics<subcore_parallel>], iteration_bounds = array<i64: 2, 16>, scalar_prefetch = 0 : i64, scratch_operands = 7 : i64, tpu.core_type = #tpu.core_type<sc_vector_subcore>, window_params = [{transform_indices = #map}, {transform_indices = #map1}, {transform_indices = #map1}, {transform_indices = #map1}]} {
    %mul3A = arith.constant 2 : i32
    %mul3A_0 = arith.muli %arg1, %mul3A : i32
    %add3A = arith.addi %mul3A_0, %arg0 : i32
    %mul3A_1 = arith.constant 512 : i32
    %mul3A_2 = arith.muli %add3A, %mul3A_1 : i32
    "tpu.region"() ({
      %run_scoped3A = tpu.sem_alloc : memref<!tpu.dma_semaphore, #tpu.memory_space<semaphore_mem>>
      %dma_start3A_169 = arith.constant 0 : i32
      %dma_start3A_170 = arith.constant 0 : i32
      %dma_start3A_171 = tpu.memref_slice %arg2[%add3A, %dma_start3A_169, %dma_start3A_170] : memref<32x4x128xi32, #tpu.memory_space<hbm>> -> memref<1x4x128xi32, #tpu.memory_space<hbm>>
      %dma_start3A_172 = tpu.memref_squeeze %dma_start3A_171 : memref<1x4x128xi32, #tpu.memory_space<hbm>> -> memref<4x128xi32, #tpu.memory_space<hbm>>
      %dma_start3A_173 = arith.constant 0 : i32
      %dma_start3A_174 = arith.constant 0 : i32
      %dma_start3A_175 = tpu.memref_slice %arg2[%add3A, %dma_start3A_173, %dma_start3A_174] : memref<32x4x128xi32, #tpu.memory_space<hbm>> -> memref<1x4x128xi32, #tpu.memory_space<hbm>>
      %dma_start3A_176 = tpu.memref_squeeze %dma_start3A_175 : memref<1x4x128xi32, #tpu.memory_space<hbm>> -> memref<4x128xi32, #tpu.memory_space<hbm>>
      tpu.enqueue_dma source(%dma_start3A_176 : memref<4x128xi32, #tpu.memory_space<hbm>>) target(%arg6 : memref<4x128xi32, #tpu.memory_space<vmem>>) target_semaphore(%run_scoped3A : memref<!tpu.dma_semaphore, #tpu.memory_space<semaphore_mem>>)
      %dma_wait3A_177 = arith.constant 0 : i32
      %dma_wait3A_178 = arith.constant 0 : i32
      %dma_wait3A_179 = tpu.memref_slice %arg2[%add3A, %dma_wait3A_177, %dma_wait3A_178] : memref<32x4x128xi32, #tpu.memory_space<hbm>> -> memref<1x4x128xi32, #tpu.memory_space<hbm>>
      %dma_wait3A_180 = tpu.memref_squeeze %dma_wait3A_179 : memref<1x4x128xi32, #tpu.memory_space<hbm>> -> memref<4x128xi32, #tpu.memory_space<hbm>>
      %dma_wait3A_181 = arith.constant 0 : i32
      %dma_wait3A_182 = arith.constant 0 : i32
      %dma_wait3A_183 = tpu.memref_slice %arg2[%add3A, %dma_wait3A_181, %dma_wait3A_182] : memref<32x4x128xi32, #tpu.memory_space<hbm>> -> memref<1x4x128xi32, #tpu.memory_space<hbm>>
      %dma_wait3A_184 = tpu.memref_squeeze %dma_wait3A_183 : memref<1x4x128xi32, #tpu.memory_space<hbm>> -> memref<4x128xi32, #tpu.memory_space<hbm>>
      tpu.wait_dma2 semaphore(%run_scoped3A : memref<!tpu.dma_semaphore, #tpu.memory_space<semaphore_mem>>) src(%dma_wait3A_184 : memref<4x128xi32, #tpu.memory_space<hbm>>) dst(%arg6 : memref<4x128xi32, #tpu.memory_space<vmem>>)
      tpu.yield
    }) : () -> ()
    %add3A_3 = arith.constant 0 : i32
    %add3A_4 = arith.addi %mul3A_2, %add3A_3 : i32
    %dma_start3A = arith.constant 0 : i32
    %dma_start3A_5 = arith.constant 0 : i32
    %dma_start3A_6 = tpu.memref_slice %arg7[%dma_start3A, %dma_start3A_5] : memref<512x128xf32, #tpu.memory_space<vmem>> -> memref<128x128xf32, #tpu.memory_space<vmem>>
    %dma_start3A_7 = arith.constant 0 : i32
    %dma_start3A_8 = tpu.memref_slice %arg3[%add3A_4, %dma_start3A_7] : memref<16384x128xf32, #tpu.memory_space<hbm>> -> memref<128x128xf32, #tpu.memory_space<hbm>>
    %dma_start3A_9 = arith.constant 0 : i32
    %dma_start3A_10 = arith.constant 0 : i32
    %dma_start3A_11 = tpu.memref_slice %arg7[%dma_start3A_9, %dma_start3A_10] : memref<512x128xf32, #tpu.memory_space<vmem>> -> memref<128x128xf32, #tpu.memory_space<vmem>>
    %dma_start3A_12 = arith.constant 0 : i32
    %dma_start3A_13 = tpu.memref_slice %arg3[%add3A_4, %dma_start3A_12] : memref<16384x128xf32, #tpu.memory_space<hbm>> -> memref<128x128xf32, #tpu.memory_space<hbm>>
    tpu.enqueue_dma source(%dma_start3A_13 : memref<128x128xf32, #tpu.memory_space<hbm>>) target(%dma_start3A_11 : memref<128x128xf32, #tpu.memory_space<vmem>>) target_semaphore(%arg8 : memref<!tpu.dma_semaphore, #tpu.memory_space<semaphore_mem>>)
    %add3A_14 = arith.constant 128 : i32
    %add3A_15 = arith.addi %mul3A_2, %add3A_14 : i32
    %dma_start3A_16 = arith.constant 128 : i32
    %dma_start3A_17 = arith.constant 0 : i32
    %dma_start3A_18 = tpu.memref_slice %arg7[%dma_start3A_16, %dma_start3A_17] : memref<512x128xf32, #tpu.memory_space<vmem>> -> memref<128x128xf32, #tpu.memory_space<vmem>>
    %dma_start3A_19 = arith.constant 0 : i32
    %dma_start3A_20 = tpu.memref_slice %arg3[%add3A_15, %dma_start3A_19] : memref<16384x128xf32, #tpu.memory_space<hbm>> -> memref<128x128xf32, #tpu.memory_space<hbm>>
    %dma_start3A_21 = arith.constant 128 : i32
    %dma_start3A_22 = arith.constant 0 : i32
    %dma_start3A_23 = tpu.memref_slice %arg7[%dma_start3A_21, %dma_start3A_22] : memref<512x128xf32, #tpu.memory_space<vmem>> -> memref<128x128xf32, #tpu.memory_space<vmem>>
    %dma_start3A_24 = arith.constant 0 : i32
    %dma_start3A_25 = tpu.memref_slice %arg3[%add3A_15, %dma_start3A_24] : memref<16384x128xf32, #tpu.memory_space<hbm>> -> memref<128x128xf32, #tpu.memory_space<hbm>>
    tpu.enqueue_dma source(%dma_start3A_25 : memref<128x128xf32, #tpu.memory_space<hbm>>) target(%dma_start3A_23 : memref<128x128xf32, #tpu.memory_space<vmem>>) target_semaphore(%arg9 : memref<!tpu.dma_semaphore, #tpu.memory_space<semaphore_mem>>)
    %add3A_26 = arith.constant 256 : i32
    %add3A_27 = arith.addi %mul3A_2, %add3A_26 : i32
    %dma_start3A_28 = arith.constant 256 : i32
    %dma_start3A_29 = arith.constant 0 : i32
    %dma_start3A_30 = tpu.memref_slice %arg7[%dma_start3A_28, %dma_start3A_29] : memref<512x128xf32, #tpu.memory_space<vmem>> -> memref<128x128xf32, #tpu.memory_space<vmem>>
    %dma_start3A_31 = arith.constant 0 : i32
    %dma_start3A_32 = tpu.memref_slice %arg3[%add3A_27, %dma_start3A_31] : memref<16384x128xf32, #tpu.memory_space<hbm>> -> memref<128x128xf32, #tpu.memory_space<hbm>>
    %dma_start3A_33 = arith.constant 256 : i32
    %dma_start3A_34 = arith.constant 0 : i32
    %dma_start3A_35 = tpu.memref_slice %arg7[%dma_start3A_33, %dma_start3A_34] : memref<512x128xf32, #tpu.memory_space<vmem>> -> memref<128x128xf32, #tpu.memory_space<vmem>>
    %dma_start3A_36 = arith.constant 0 : i32
    %dma_start3A_37 = tpu.memref_slice %arg3[%add3A_27, %dma_start3A_36] : memref<16384x128xf32, #tpu.memory_space<hbm>> -> memref<128x128xf32, #tpu.memory_space<hbm>>
    tpu.enqueue_dma source(%dma_start3A_37 : memref<128x128xf32, #tpu.memory_space<hbm>>) target(%dma_start3A_35 : memref<128x128xf32, #tpu.memory_space<vmem>>) target_semaphore(%arg10 : memref<!tpu.dma_semaphore, #tpu.memory_space<semaphore_mem>>)
    %add3A_38 = arith.constant 384 : i32
    %add3A_39 = arith.addi %mul3A_2, %add3A_38 : i32
    %dma_start3A_40 = arith.constant 384 : i32
    %dma_start3A_41 = arith.constant 0 : i32
    %dma_start3A_42 = tpu.memref_slice %arg7[%dma_start3A_40, %dma_start3A_41] : memref<512x128xf32, #tpu.memory_space<vmem>> -> memref<128x128xf32, #tpu.memory_space<vmem>>
    %dma_start3A_43 = arith.constant 0 : i32
    %dma_start3A_44 = tpu.memref_slice %arg3[%add3A_39, %dma_start3A_43] : memref<16384x128xf32, #tpu.memory_space<hbm>> -> memref<128x128xf32, #tpu.memory_space<hbm>>
    %dma_start3A_45 = arith.constant 384 : i32
    %dma_start3A_46 = arith.constant 0 : i32
    %dma_start3A_47 = tpu.memref_slice %arg7[%dma_start3A_45, %dma_start3A_46] : memref<512x128xf32, #tpu.memory_space<vmem>> -> memref<128x128xf32, #tpu.memory_space<vmem>>
    %dma_start3A_48 = arith.constant 0 : i32
    %dma_start3A_49 = tpu.memref_slice %arg3[%add3A_39, %dma_start3A_48] : memref<16384x128xf32, #tpu.memory_space<hbm>> -> memref<128x128xf32, #tpu.memory_space<hbm>>
    tpu.enqueue_dma source(%dma_start3A_49 : memref<128x128xf32, #tpu.memory_space<hbm>>) target(%dma_start3A_47 : memref<128x128xf32, #tpu.memory_space<vmem>>) target_semaphore(%arg11 : memref<!tpu.dma_semaphore, #tpu.memory_space<semaphore_mem>>)
    %dma_wait3A = arith.constant 0 : i32
    %dma_wait3A_50 = arith.constant 0 : i32
    %dma_wait3A_51 = tpu.memref_slice %arg7[%dma_wait3A, %dma_wait3A_50] : memref<512x128xf32, #tpu.memory_space<vmem>> -> memref<128x128xf32, #tpu.memory_space<vmem>>
    %dma_wait3A_52 = arith.constant 0 : i32
    %dma_wait3A_53 = tpu.memref_slice %arg3[%add3A_4, %dma_wait3A_52] : memref<16384x128xf32, #tpu.memory_space<hbm>> -> memref<128x128xf32, #tpu.memory_space<hbm>>
    %dma_wait3A_54 = arith.constant 0 : i32
    %dma_wait3A_55 = arith.constant 0 : i32
    %dma_wait3A_56 = tpu.memref_slice %arg7[%dma_wait3A_54, %dma_wait3A_55] : memref<512x128xf32, #tpu.memory_space<vmem>> -> memref<128x128xf32, #tpu.memory_space<vmem>>
    %dma_wait3A_57 = arith.constant 0 : i32
    %dma_wait3A_58 = tpu.memref_slice %arg3[%add3A_4, %dma_wait3A_57] : memref<16384x128xf32, #tpu.memory_space<hbm>> -> memref<128x128xf32, #tpu.memory_space<hbm>>
    tpu.wait_dma2 semaphore(%arg8 : memref<!tpu.dma_semaphore, #tpu.memory_space<semaphore_mem>>) src(%dma_wait3A_58 : memref<128x128xf32, #tpu.memory_space<hbm>>) dst(%dma_wait3A_56 : memref<128x128xf32, #tpu.memory_space<vmem>>)
    %dma_start3A_59 = arith.constant 0 : i32
    %dma_start3A_60 = arith.constant 0 : i32
    %dma_start3A_61 = arith.constant 0 : i32
    %dma_start3A_62 = tpu.memref_slice %arg7[%dma_start3A_60, %dma_start3A_61] : memref<512x128xf32, #tpu.memory_space<vmem>> -> memref<128x128xf32, #tpu.memory_space<vmem>>
    %dma_start3A_63 = arith.constant 0 : i32
    %dma_start3A_64 = tpu.memref_slice %arg6[%dma_start3A_59, %dma_start3A_63] : memref<4x128xi32, #tpu.memory_space<vmem>> -> memref<1x128xi32, #tpu.memory_space<vmem>>
    %dma_start3A_65 = tpu.memref_squeeze %dma_start3A_64 : memref<1x128xi32, #tpu.memory_space<vmem>> -> memref<128xi32, #tpu.memory_space<vmem>>
    %dma_start3A_66 = arith.constant 0 : i32
    %dma_start3A_67 = arith.constant 0 : i32
    %dma_start3A_68 = tpu.memref_slice %arg4[%dma_start3A_66, %dma_start3A_67] : memref<100000x128xf32, #tpu.memory_space<hbm>> -> memref<100000x128xf32, #tpu.memory_space<hbm>>
    tpu.enqueue_indirect_dma source(%dma_start3A_62 : memref<128x128xf32, #tpu.memory_space<vmem>>) target(%dma_start3A_68 : memref<100000x128xf32, #tpu.memory_space<hbm>>) offsets(%dma_start3A_65 : memref<128xi32, #tpu.memory_space<vmem>>) semaphore(%arg12 : memref<!tpu.dma_semaphore, #tpu.memory_space<semaphore_mem>>)
    %dma_wait3A_69 = arith.constant 128 : i32
    %dma_wait3A_70 = arith.constant 0 : i32
    %dma_wait3A_71 = tpu.memref_slice %arg7[%dma_wait3A_69, %dma_wait3A_70] : memref<512x128xf32, #tpu.memory_space<vmem>> -> memref<128x128xf32, #tpu.memory_space<vmem>>
    %dma_wait3A_72 = arith.constant 0 : i32
    %dma_wait3A_73 = tpu.memref_slice %arg3[%add3A_15, %dma_wait3A_72] : memref<16384x128xf32, #tpu.memory_space<hbm>> -> memref<128x128xf32, #tpu.memory_space<hbm>>
    %dma_wait3A_74 = arith.constant 128 : i32
    %dma_wait3A_75 = arith.constant 0 : i32
    %dma_wait3A_76 = tpu.memref_slice %arg7[%dma_wait3A_74, %dma_wait3A_75] : memref<512x128xf32, #tpu.memory_space<vmem>> -> memref<128x128xf32, #tpu.memory_space<vmem>>
    %dma_wait3A_77 = arith.constant 0 : i32
    %dma_wait3A_78 = tpu.memref_slice %arg3[%add3A_15, %dma_wait3A_77] : memref<16384x128xf32, #tpu.memory_space<hbm>> -> memref<128x128xf32, #tpu.memory_space<hbm>>
    tpu.wait_dma2 semaphore(%arg9 : memref<!tpu.dma_semaphore, #tpu.memory_space<semaphore_mem>>) src(%dma_wait3A_78 : memref<128x128xf32, #tpu.memory_space<hbm>>) dst(%dma_wait3A_76 : memref<128x128xf32, #tpu.memory_space<vmem>>)
    %dma_start3A_79 = arith.constant 1 : i32
    %dma_start3A_80 = arith.constant 128 : i32
    %dma_start3A_81 = arith.constant 0 : i32
    %dma_start3A_82 = tpu.memref_slice %arg7[%dma_start3A_80, %dma_start3A_81] : memref<512x128xf32, #tpu.memory_space<vmem>> -> memref<128x128xf32, #tpu.memory_space<vmem>>
    %dma_start3A_83 = arith.constant 0 : i32
    %dma_start3A_84 = tpu.memref_slice %arg6[%dma_start3A_79, %dma_start3A_83] : memref<4x128xi32, #tpu.memory_space<vmem>> -> memref<1x128xi32, #tpu.memory_space<vmem>>
    %dma_start3A_85 = tpu.memref_squeeze %dma_start3A_84 : memref<1x128xi32, #tpu.memory_space<vmem>> -> memref<128xi32, #tpu.memory_space<vmem>>
    %dma_start3A_86 = arith.constant 0 : i32
    %dma_start3A_87 = arith.constant 0 : i32
    %dma_start3A_88 = tpu.memref_slice %arg4[%dma_start3A_86, %dma_start3A_87] : memref<100000x128xf32, #tpu.memory_space<hbm>> -> memref<100000x128xf32, #tpu.memory_space<hbm>>
    tpu.enqueue_indirect_dma source(%dma_start3A_82 : memref<128x128xf32, #tpu.memory_space<vmem>>) target(%dma_start3A_88 : memref<100000x128xf32, #tpu.memory_space<hbm>>) offsets(%dma_start3A_85 : memref<128xi32, #tpu.memory_space<vmem>>) semaphore(%arg12 : memref<!tpu.dma_semaphore, #tpu.memory_space<semaphore_mem>>)
    %dma_wait3A_89 = arith.constant 256 : i32
    %dma_wait3A_90 = arith.constant 0 : i32
    %dma_wait3A_91 = tpu.memref_slice %arg7[%dma_wait3A_89, %dma_wait3A_90] : memref<512x128xf32, #tpu.memory_space<vmem>> -> memref<128x128xf32, #tpu.memory_space<vmem>>
    %dma_wait3A_92 = arith.constant 0 : i32
    %dma_wait3A_93 = tpu.memref_slice %arg3[%add3A_27, %dma_wait3A_92] : memref<16384x128xf32, #tpu.memory_space<hbm>> -> memref<128x128xf32, #tpu.memory_space<hbm>>
    %dma_wait3A_94 = arith.constant 256 : i32
    %dma_wait3A_95 = arith.constant 0 : i32
    %dma_wait3A_96 = tpu.memref_slice %arg7[%dma_wait3A_94, %dma_wait3A_95] : memref<512x128xf32, #tpu.memory_space<vmem>> -> memref<128x128xf32, #tpu.memory_space<vmem>>
    %dma_wait3A_97 = arith.constant 0 : i32
    %dma_wait3A_98 = tpu.memref_slice %arg3[%add3A_27, %dma_wait3A_97] : memref<16384x128xf32, #tpu.memory_space<hbm>> -> memref<128x128xf32, #tpu.memory_space<hbm>>
    tpu.wait_dma2 semaphore(%arg10 : memref<!tpu.dma_semaphore, #tpu.memory_space<semaphore_mem>>) src(%dma_wait3A_98 : memref<128x128xf32, #tpu.memory_space<hbm>>) dst(%dma_wait3A_96 : memref<128x128xf32, #tpu.memory_space<vmem>>)
    %dma_start3A_99 = arith.constant 2 : i32
    %dma_start3A_100 = arith.constant 256 : i32
    %dma_start3A_101 = arith.constant 0 : i32
    %dma_start3A_102 = tpu.memref_slice %arg7[%dma_start3A_100, %dma_start3A_101] : memref<512x128xf32, #tpu.memory_space<vmem>> -> memref<128x128xf32, #tpu.memory_space<vmem>>
    %dma_start3A_103 = arith.constant 0 : i32
    %dma_start3A_104 = tpu.memref_slice %arg6[%dma_start3A_99, %dma_start3A_103] : memref<4x128xi32, #tpu.memory_space<vmem>> -> memref<1x128xi32, #tpu.memory_space<vmem>>
    %dma_start3A_105 = tpu.memref_squeeze %dma_start3A_104 : memref<1x128xi32, #tpu.memory_space<vmem>> -> memref<128xi32, #tpu.memory_space<vmem>>
    %dma_start3A_106 = arith.constant 0 : i32
    %dma_start3A_107 = arith.constant 0 : i32
    %dma_start3A_108 = tpu.memref_slice %arg4[%dma_start3A_106, %dma_start3A_107] : memref<100000x128xf32, #tpu.memory_space<hbm>> -> memref<100000x128xf32, #tpu.memory_space<hbm>>
    tpu.enqueue_indirect_dma source(%dma_start3A_102 : memref<128x128xf32, #tpu.memory_space<vmem>>) target(%dma_start3A_108 : memref<100000x128xf32, #tpu.memory_space<hbm>>) offsets(%dma_start3A_105 : memref<128xi32, #tpu.memory_space<vmem>>) semaphore(%arg12 : memref<!tpu.dma_semaphore, #tpu.memory_space<semaphore_mem>>)
    %dma_wait3A_109 = arith.constant 384 : i32
    %dma_wait3A_110 = arith.constant 0 : i32
    %dma_wait3A_111 = tpu.memref_slice %arg7[%dma_wait3A_109, %dma_wait3A_110] : memref<512x128xf32, #tpu.memory_space<vmem>> -> memref<128x128xf32, #tpu.memory_space<vmem>>
    %dma_wait3A_112 = arith.constant 0 : i32
    %dma_wait3A_113 = tpu.memref_slice %arg3[%add3A_39, %dma_wait3A_112] : memref<16384x128xf32, #tpu.memory_space<hbm>> -> memref<128x128xf32, #tpu.memory_space<hbm>>
    %dma_wait3A_114 = arith.constant 384 : i32
    %dma_wait3A_115 = arith.constant 0 : i32
    %dma_wait3A_116 = tpu.memref_slice %arg7[%dma_wait3A_114, %dma_wait3A_115] : memref<512x128xf32, #tpu.memory_space<vmem>> -> memref<128x128xf32, #tpu.memory_space<vmem>>
    %dma_wait3A_117 = arith.constant 0 : i32
    %dma_wait3A_118 = tpu.memref_slice %arg3[%add3A_39, %dma_wait3A_117] : memref<16384x128xf32, #tpu.memory_space<hbm>> -> memref<128x128xf32, #tpu.memory_space<hbm>>
    tpu.wait_dma2 semaphore(%arg11 : memref<!tpu.dma_semaphore, #tpu.memory_space<semaphore_mem>>) src(%dma_wait3A_118 : memref<128x128xf32, #tpu.memory_space<hbm>>) dst(%dma_wait3A_116 : memref<128x128xf32, #tpu.memory_space<vmem>>)
    %dma_start3A_119 = arith.constant 3 : i32
    %dma_start3A_120 = arith.constant 384 : i32
    %dma_start3A_121 = arith.constant 0 : i32
    %dma_start3A_122 = tpu.memref_slice %arg7[%dma_start3A_120, %dma_start3A_121] : memref<512x128xf32, #tpu.memory_space<vmem>> -> memref<128x128xf32, #tpu.memory_space<vmem>>
    %dma_start3A_123 = arith.constant 0 : i32
    %dma_start3A_124 = tpu.memref_slice %arg6[%dma_start3A_119, %dma_start3A_123] : memref<4x128xi32, #tpu.memory_space<vmem>> -> memref<1x128xi32, #tpu.memory_space<vmem>>
    %dma_start3A_125 = tpu.memref_squeeze %dma_start3A_124 : memref<1x128xi32, #tpu.memory_space<vmem>> -> memref<128xi32, #tpu.memory_space<vmem>>
    %dma_start3A_126 = arith.constant 0 : i32
    %dma_start3A_127 = arith.constant 0 : i32
    %dma_start3A_128 = tpu.memref_slice %arg4[%dma_start3A_126, %dma_start3A_127] : memref<100000x128xf32, #tpu.memory_space<hbm>> -> memref<100000x128xf32, #tpu.memory_space<hbm>>
    tpu.enqueue_indirect_dma source(%dma_start3A_122 : memref<128x128xf32, #tpu.memory_space<vmem>>) target(%dma_start3A_128 : memref<100000x128xf32, #tpu.memory_space<hbm>>) offsets(%dma_start3A_125 : memref<128xi32, #tpu.memory_space<vmem>>) semaphore(%arg12 : memref<!tpu.dma_semaphore, #tpu.memory_space<semaphore_mem>>)
    %dma_wait3A_129 = arith.constant 0 : i32
    %dma_wait3A_130 = arith.constant 0 : i32
    %dma_wait3A_131 = arith.constant 0 : i32
    %dma_wait3A_132 = tpu.memref_slice %arg7[%dma_wait3A_130, %dma_wait3A_131] : memref<512x128xf32, #tpu.memory_space<vmem>> -> memref<128x128xf32, #tpu.memory_space<vmem>>
    %dma_wait3A_133 = arith.constant 0 : i32
    %dma_wait3A_134 = tpu.memref_slice %arg6[%dma_wait3A_129, %dma_wait3A_133] : memref<4x128xi32, #tpu.memory_space<vmem>> -> memref<1x128xi32, #tpu.memory_space<vmem>>
    %dma_wait3A_135 = tpu.memref_squeeze %dma_wait3A_134 : memref<1x128xi32, #tpu.memory_space<vmem>> -> memref<128xi32, #tpu.memory_space<vmem>>
    %dma_wait3A_136 = arith.constant 0 : i32
    %dma_wait3A_137 = arith.constant 0 : i32
    %dma_wait3A_138 = tpu.memref_slice %arg4[%dma_wait3A_136, %dma_wait3A_137] : memref<100000x128xf32, #tpu.memory_space<hbm>> -> memref<100000x128xf32, #tpu.memory_space<hbm>>
    tpu.wait_indirect_dma semaphore(%arg12 : memref<!tpu.dma_semaphore, #tpu.memory_space<semaphore_mem>>) src(%dma_wait3A_132 : memref<128x128xf32, #tpu.memory_space<vmem>>) dst(%dma_wait3A_138 : memref<100000x128xf32, #tpu.memory_space<hbm>>)
    %dma_wait3A_139 = arith.constant 1 : i32
    %dma_wait3A_140 = arith.constant 128 : i32
    %dma_wait3A_141 = arith.constant 0 : i32
    %dma_wait3A_142 = tpu.memref_slice %arg7[%dma_wait3A_140, %dma_wait3A_141] : memref<512x128xf32, #tpu.memory_space<vmem>> -> memref<128x128xf32, #tpu.memory_space<vmem>>
    %dma_wait3A_143 = arith.constant 0 : i32
    %dma_wait3A_144 = tpu.memref_slice %arg6[%dma_wait3A_139, %dma_wait3A_143] : memref<4x128xi32, #tpu.memory_space<vmem>> -> memref<1x128xi32, #tpu.memory_space<vmem>>
    %dma_wait3A_145 = tpu.memref_squeeze %dma_wait3A_144 : memref<1x128xi32, #tpu.memory_space<vmem>> -> memref<128xi32, #tpu.memory_space<vmem>>
    %dma_wait3A_146 = arith.constant 0 : i32
    %dma_wait3A_147 = arith.constant 0 : i32
    %dma_wait3A_148 = tpu.memref_slice %arg4[%dma_wait3A_146, %dma_wait3A_147] : memref<100000x128xf32, #tpu.memory_space<hbm>> -> memref<100000x128xf32, #tpu.memory_space<hbm>>
    tpu.wait_indirect_dma semaphore(%arg12 : memref<!tpu.dma_semaphore, #tpu.memory_space<semaphore_mem>>) src(%dma_wait3A_142 : memref<128x128xf32, #tpu.memory_space<vmem>>) dst(%dma_wait3A_148 : memref<100000x128xf32, #tpu.memory_space<hbm>>)
    %dma_wait3A_149 = arith.constant 2 : i32
    %dma_wait3A_150 = arith.constant 256 : i32
    %dma_wait3A_151 = arith.constant 0 : i32
    %dma_wait3A_152 = tpu.memref_slice %arg7[%dma_wait3A_150, %dma_wait3A_151] : memref<512x128xf32, #tpu.memory_space<vmem>> -> memref<128x128xf32, #tpu.memory_space<vmem>>
    %dma_wait3A_153 = arith.constant 0 : i32
    %dma_wait3A_154 = tpu.memref_slice %arg6[%dma_wait3A_149, %dma_wait3A_153] : memref<4x128xi32, #tpu.memory_space<vmem>> -> memref<1x128xi32, #tpu.memory_space<vmem>>
    %dma_wait3A_155 = tpu.memref_squeeze %dma_wait3A_154 : memref<1x128xi32, #tpu.memory_space<vmem>> -> memref<128xi32, #tpu.memory_space<vmem>>
    %dma_wait3A_156 = arith.constant 0 : i32
    %dma_wait3A_157 = arith.constant 0 : i32
    %dma_wait3A_158 = tpu.memref_slice %arg4[%dma_wait3A_156, %dma_wait3A_157] : memref<100000x128xf32, #tpu.memory_space<hbm>> -> memref<100000x128xf32, #tpu.memory_space<hbm>>
    tpu.wait_indirect_dma semaphore(%arg12 : memref<!tpu.dma_semaphore, #tpu.memory_space<semaphore_mem>>) src(%dma_wait3A_152 : memref<128x128xf32, #tpu.memory_space<vmem>>) dst(%dma_wait3A_158 : memref<100000x128xf32, #tpu.memory_space<hbm>>)
    %dma_wait3A_159 = arith.constant 3 : i32
    %dma_wait3A_160 = arith.constant 384 : i32
    %dma_wait3A_161 = arith.constant 0 : i32
    %dma_wait3A_162 = tpu.memref_slice %arg7[%dma_wait3A_160, %dma_wait3A_161] : memref<512x128xf32, #tpu.memory_space<vmem>> -> memref<128x128xf32, #tpu.memory_space<vmem>>
    %dma_wait3A_163 = arith.constant 0 : i32
    %dma_wait3A_164 = tpu.memref_slice %arg6[%dma_wait3A_159, %dma_wait3A_163] : memref<4x128xi32, #tpu.memory_space<vmem>> -> memref<1x128xi32, #tpu.memory_space<vmem>>
    %dma_wait3A_165 = tpu.memref_squeeze %dma_wait3A_164 : memref<1x128xi32, #tpu.memory_space<vmem>> -> memref<128xi32, #tpu.memory_space<vmem>>
    %dma_wait3A_166 = arith.constant 0 : i32
    %dma_wait3A_167 = arith.constant 0 : i32
    %dma_wait3A_168 = tpu.memref_slice %arg4[%dma_wait3A_166, %dma_wait3A_167] : memref<100000x128xf32, #tpu.memory_space<hbm>> -> memref<100000x128xf32, #tpu.memory_space<hbm>>
    tpu.wait_indirect_dma semaphore(%arg12 : memref<!tpu.dma_semaphore, #tpu.memory_space<semaphore_mem>>) src(%dma_wait3A_162 : memref<128x128xf32, #tpu.memory_space<vmem>>) dst(%dma_wait3A_168 : memref<100000x128xf32, #tpu.memory_space<hbm>>)
    return
  }
}

#map = affine_map<(d0, d1) -> (0, 0)>
#map1 = affine_map<(d0, d1) -> (0, 0, 0)>
module attributes {stable_mosaic.version = 14 : i64} {
  func.func @_sc_gather(%arg0: i32, %arg1: i32, %arg2: memref<100000x128xf32, #tpu.memory_space<hbm>>, %arg3: memref<32x4x128xi32, #tpu.memory_space<hbm>>, %arg4: memref<16384x128xf32, #tpu.memory_space<hbm>>, %arg5: memref<4x128xi32, #tpu.memory_space<vmem>>, %arg6: memref<512x128xf32, #tpu.memory_space<vmem>>, %arg7: memref<!tpu.dma_semaphore, #tpu.memory_space<semaphore_mem>>, %arg8: memref<!tpu.dma_semaphore, #tpu.memory_space<semaphore_mem>>, %arg9: memref<!tpu.dma_semaphore, #tpu.memory_space<semaphore_mem>>, %arg10: memref<!tpu.dma_semaphore, #tpu.memory_space<semaphore_mem>>, %arg11: memref<!tpu.dma_semaphore, #tpu.memory_space<semaphore_mem>>) attributes {dimension_semantics = [#tpu.dimension_semantics<core_parallel>, #tpu.dimension_semantics<subcore_parallel>], iteration_bounds = array<i64: 2, 16>, scalar_prefetch = 0 : i64, scratch_operands = 7 : i64, tpu.core_type = #tpu.core_type<sc_vector_subcore>, window_params = [{transform_indices = #map}, {transform_indices = #map1}, {transform_indices = #map}]} {
    %mul3A = arith.constant 2 : i32
    %mul3A_0 = arith.muli %arg1, %mul3A : i32
    %add3A = arith.addi %mul3A_0, %arg0 : i32
    %mul3A_1 = arith.constant 512 : i32
    %mul3A_2 = arith.muli %add3A, %mul3A_1 : i32
    "tpu.region"() ({
      %run_scoped3A = tpu.sem_alloc : memref<!tpu.dma_semaphore, #tpu.memory_space<semaphore_mem>>
      %dma_start3A_169 = arith.constant 0 : i32
      %dma_start3A_170 = arith.constant 0 : i32
      %dma_start3A_171 = tpu.memref_slice %arg3[%add3A, %dma_start3A_169, %dma_start3A_170] : memref<32x4x128xi32, #tpu.memory_space<hbm>> -> memref<1x4x128xi32, #tpu.memory_space<hbm>>
      %dma_start3A_172 = tpu.memref_squeeze %dma_start3A_171 : memref<1x4x128xi32, #tpu.memory_space<hbm>> -> memref<4x128xi32, #tpu.memory_space<hbm>>
      %dma_start3A_173 = arith.constant 0 : i32
      %dma_start3A_174 = arith.constant 0 : i32
      %dma_start3A_175 = tpu.memref_slice %arg3[%add3A, %dma_start3A_173, %dma_start3A_174] : memref<32x4x128xi32, #tpu.memory_space<hbm>> -> memref<1x4x128xi32, #tpu.memory_space<hbm>>
      %dma_start3A_176 = tpu.memref_squeeze %dma_start3A_175 : memref<1x4x128xi32, #tpu.memory_space<hbm>> -> memref<4x128xi32, #tpu.memory_space<hbm>>
      tpu.enqueue_dma source(%dma_start3A_176 : memref<4x128xi32, #tpu.memory_space<hbm>>) target(%arg5 : memref<4x128xi32, #tpu.memory_space<vmem>>) target_semaphore(%run_scoped3A : memref<!tpu.dma_semaphore, #tpu.memory_space<semaphore_mem>>)
      %dma_wait3A_177 = arith.constant 0 : i32
      %dma_wait3A_178 = arith.constant 0 : i32
      %dma_wait3A_179 = tpu.memref_slice %arg3[%add3A, %dma_wait3A_177, %dma_wait3A_178] : memref<32x4x128xi32, #tpu.memory_space<hbm>> -> memref<1x4x128xi32, #tpu.memory_space<hbm>>
      %dma_wait3A_180 = tpu.memref_squeeze %dma_wait3A_179 : memref<1x4x128xi32, #tpu.memory_space<hbm>> -> memref<4x128xi32, #tpu.memory_space<hbm>>
      %dma_wait3A_181 = arith.constant 0 : i32
      %dma_wait3A_182 = arith.constant 0 : i32
      %dma_wait3A_183 = tpu.memref_slice %arg3[%add3A, %dma_wait3A_181, %dma_wait3A_182] : memref<32x4x128xi32, #tpu.memory_space<hbm>> -> memref<1x4x128xi32, #tpu.memory_space<hbm>>
      %dma_wait3A_184 = tpu.memref_squeeze %dma_wait3A_183 : memref<1x4x128xi32, #tpu.memory_space<hbm>> -> memref<4x128xi32, #tpu.memory_space<hbm>>
      tpu.wait_dma2 semaphore(%run_scoped3A : memref<!tpu.dma_semaphore, #tpu.memory_space<semaphore_mem>>) src(%dma_wait3A_184 : memref<4x128xi32, #tpu.memory_space<hbm>>) dst(%arg5 : memref<4x128xi32, #tpu.memory_space<vmem>>)
      tpu.yield
    }) : () -> ()
    %dma_start3A = arith.constant 0 : i32
    %dma_start3A_3 = arith.constant 0 : i32
    %dma_start3A_4 = arith.constant 0 : i32
    %dma_start3A_5 = tpu.memref_slice %arg6[%dma_start3A_3, %dma_start3A_4] : memref<512x128xf32, #tpu.memory_space<vmem>> -> memref<128x128xf32, #tpu.memory_space<vmem>>
    %dma_start3A_6 = arith.constant 0 : i32
    %dma_start3A_7 = tpu.memref_slice %arg5[%dma_start3A, %dma_start3A_6] : memref<4x128xi32, #tpu.memory_space<vmem>> -> memref<1x128xi32, #tpu.memory_space<vmem>>
    %dma_start3A_8 = tpu.memref_squeeze %dma_start3A_7 : memref<1x128xi32, #tpu.memory_space<vmem>> -> memref<128xi32, #tpu.memory_space<vmem>>
    %dma_start3A_9 = arith.constant 0 : i32
    %dma_start3A_10 = arith.constant 0 : i32
    %dma_start3A_11 = tpu.memref_slice %arg2[%dma_start3A_9, %dma_start3A_10] : memref<100000x128xf32, #tpu.memory_space<hbm>> -> memref<100000x128xf32, #tpu.memory_space<hbm>>
    tpu.enqueue_indirect_dma source(%dma_start3A_11 : memref<100000x128xf32, #tpu.memory_space<hbm>>) target(%dma_start3A_5 : memref<128x128xf32, #tpu.memory_space<vmem>>) offsets(%dma_start3A_8 : memref<128xi32, #tpu.memory_space<vmem>>) semaphore(%arg7 : memref<!tpu.dma_semaphore, #tpu.memory_space<semaphore_mem>>)
    %dma_start3A_12 = arith.constant 1 : i32
    %dma_start3A_13 = arith.constant 128 : i32
    %dma_start3A_14 = arith.constant 0 : i32
    %dma_start3A_15 = tpu.memref_slice %arg6[%dma_start3A_13, %dma_start3A_14] : memref<512x128xf32, #tpu.memory_space<vmem>> -> memref<128x128xf32, #tpu.memory_space<vmem>>
    %dma_start3A_16 = arith.constant 0 : i32
    %dma_start3A_17 = tpu.memref_slice %arg5[%dma_start3A_12, %dma_start3A_16] : memref<4x128xi32, #tpu.memory_space<vmem>> -> memref<1x128xi32, #tpu.memory_space<vmem>>
    %dma_start3A_18 = tpu.memref_squeeze %dma_start3A_17 : memref<1x128xi32, #tpu.memory_space<vmem>> -> memref<128xi32, #tpu.memory_space<vmem>>
    %dma_start3A_19 = arith.constant 0 : i32
    %dma_start3A_20 = arith.constant 0 : i32
    %dma_start3A_21 = tpu.memref_slice %arg2[%dma_start3A_19, %dma_start3A_20] : memref<100000x128xf32, #tpu.memory_space<hbm>> -> memref<100000x128xf32, #tpu.memory_space<hbm>>
    tpu.enqueue_indirect_dma source(%dma_start3A_21 : memref<100000x128xf32, #tpu.memory_space<hbm>>) target(%dma_start3A_15 : memref<128x128xf32, #tpu.memory_space<vmem>>) offsets(%dma_start3A_18 : memref<128xi32, #tpu.memory_space<vmem>>) semaphore(%arg8 : memref<!tpu.dma_semaphore, #tpu.memory_space<semaphore_mem>>)
    %dma_start3A_22 = arith.constant 2 : i32
    %dma_start3A_23 = arith.constant 256 : i32
    %dma_start3A_24 = arith.constant 0 : i32
    %dma_start3A_25 = tpu.memref_slice %arg6[%dma_start3A_23, %dma_start3A_24] : memref<512x128xf32, #tpu.memory_space<vmem>> -> memref<128x128xf32, #tpu.memory_space<vmem>>
    %dma_start3A_26 = arith.constant 0 : i32
    %dma_start3A_27 = tpu.memref_slice %arg5[%dma_start3A_22, %dma_start3A_26] : memref<4x128xi32, #tpu.memory_space<vmem>> -> memref<1x128xi32, #tpu.memory_space<vmem>>
    %dma_start3A_28 = tpu.memref_squeeze %dma_start3A_27 : memref<1x128xi32, #tpu.memory_space<vmem>> -> memref<128xi32, #tpu.memory_space<vmem>>
    %dma_start3A_29 = arith.constant 0 : i32
    %dma_start3A_30 = arith.constant 0 : i32
    %dma_start3A_31 = tpu.memref_slice %arg2[%dma_start3A_29, %dma_start3A_30] : memref<100000x128xf32, #tpu.memory_space<hbm>> -> memref<100000x128xf32, #tpu.memory_space<hbm>>
    tpu.enqueue_indirect_dma source(%dma_start3A_31 : memref<100000x128xf32, #tpu.memory_space<hbm>>) target(%dma_start3A_25 : memref<128x128xf32, #tpu.memory_space<vmem>>) offsets(%dma_start3A_28 : memref<128xi32, #tpu.memory_space<vmem>>) semaphore(%arg9 : memref<!tpu.dma_semaphore, #tpu.memory_space<semaphore_mem>>)
    %dma_start3A_32 = arith.constant 3 : i32
    %dma_start3A_33 = arith.constant 384 : i32
    %dma_start3A_34 = arith.constant 0 : i32
    %dma_start3A_35 = tpu.memref_slice %arg6[%dma_start3A_33, %dma_start3A_34] : memref<512x128xf32, #tpu.memory_space<vmem>> -> memref<128x128xf32, #tpu.memory_space<vmem>>
    %dma_start3A_36 = arith.constant 0 : i32
    %dma_start3A_37 = tpu.memref_slice %arg5[%dma_start3A_32, %dma_start3A_36] : memref<4x128xi32, #tpu.memory_space<vmem>> -> memref<1x128xi32, #tpu.memory_space<vmem>>
    %dma_start3A_38 = tpu.memref_squeeze %dma_start3A_37 : memref<1x128xi32, #tpu.memory_space<vmem>> -> memref<128xi32, #tpu.memory_space<vmem>>
    %dma_start3A_39 = arith.constant 0 : i32
    %dma_start3A_40 = arith.constant 0 : i32
    %dma_start3A_41 = tpu.memref_slice %arg2[%dma_start3A_39, %dma_start3A_40] : memref<100000x128xf32, #tpu.memory_space<hbm>> -> memref<100000x128xf32, #tpu.memory_space<hbm>>
    tpu.enqueue_indirect_dma source(%dma_start3A_41 : memref<100000x128xf32, #tpu.memory_space<hbm>>) target(%dma_start3A_35 : memref<128x128xf32, #tpu.memory_space<vmem>>) offsets(%dma_start3A_38 : memref<128xi32, #tpu.memory_space<vmem>>) semaphore(%arg10 : memref<!tpu.dma_semaphore, #tpu.memory_space<semaphore_mem>>)
    %dma_wait3A = arith.constant 0 : i32
    %dma_wait3A_42 = arith.constant 0 : i32
    %dma_wait3A_43 = arith.constant 0 : i32
    %dma_wait3A_44 = tpu.memref_slice %arg6[%dma_wait3A_42, %dma_wait3A_43] : memref<512x128xf32, #tpu.memory_space<vmem>> -> memref<128x128xf32, #tpu.memory_space<vmem>>
    %dma_wait3A_45 = arith.constant 0 : i32
    %dma_wait3A_46 = tpu.memref_slice %arg5[%dma_wait3A, %dma_wait3A_45] : memref<4x128xi32, #tpu.memory_space<vmem>> -> memref<1x128xi32, #tpu.memory_space<vmem>>
    %dma_wait3A_47 = tpu.memref_squeeze %dma_wait3A_46 : memref<1x128xi32, #tpu.memory_space<vmem>> -> memref<128xi32, #tpu.memory_space<vmem>>
    %dma_wait3A_48 = arith.constant 0 : i32
    %dma_wait3A_49 = arith.constant 0 : i32
    %dma_wait3A_50 = tpu.memref_slice %arg2[%dma_wait3A_48, %dma_wait3A_49] : memref<100000x128xf32, #tpu.memory_space<hbm>> -> memref<100000x128xf32, #tpu.memory_space<hbm>>
    tpu.wait_indirect_dma semaphore(%arg7 : memref<!tpu.dma_semaphore, #tpu.memory_space<semaphore_mem>>) src(%dma_wait3A_50 : memref<100000x128xf32, #tpu.memory_space<hbm>>) dst(%dma_wait3A_44 : memref<128x128xf32, #tpu.memory_space<vmem>>)
    %add3A_51 = arith.constant 0 : i32
    %add3A_52 = arith.addi %mul3A_2, %add3A_51 : i32
    %dma_start3A_53 = arith.constant 0 : i32
    %dma_start3A_54 = arith.constant 0 : i32
    %dma_start3A_55 = tpu.memref_slice %arg6[%dma_start3A_53, %dma_start3A_54] : memref<512x128xf32, #tpu.memory_space<vmem>> -> memref<128x128xf32, #tpu.memory_space<vmem>>
    %dma_start3A_56 = arith.constant 0 : i32
    %dma_start3A_57 = tpu.memref_slice %arg4[%add3A_52, %dma_start3A_56] : memref<16384x128xf32, #tpu.memory_space<hbm>> -> memref<128x128xf32, #tpu.memory_space<hbm>>
    %dma_start3A_58 = arith.constant 0 : i32
    %dma_start3A_59 = tpu.memref_slice %arg4[%add3A_52, %dma_start3A_58] : memref<16384x128xf32, #tpu.memory_space<hbm>> -> memref<128x128xf32, #tpu.memory_space<hbm>>
    %dma_start3A_60 = arith.constant 0 : i32
    %dma_start3A_61 = arith.constant 0 : i32
    %dma_start3A_62 = tpu.memref_slice %arg6[%dma_start3A_60, %dma_start3A_61] : memref<512x128xf32, #tpu.memory_space<vmem>> -> memref<128x128xf32, #tpu.memory_space<vmem>>
    tpu.enqueue_dma source(%dma_start3A_62 : memref<128x128xf32, #tpu.memory_space<vmem>>) target(%dma_start3A_59 : memref<128x128xf32, #tpu.memory_space<hbm>>) target_semaphore(%arg11 : memref<!tpu.dma_semaphore, #tpu.memory_space<semaphore_mem>>)
    %dma_wait3A_63 = arith.constant 1 : i32
    %dma_wait3A_64 = arith.constant 128 : i32
    %dma_wait3A_65 = arith.constant 0 : i32
    %dma_wait3A_66 = tpu.memref_slice %arg6[%dma_wait3A_64, %dma_wait3A_65] : memref<512x128xf32, #tpu.memory_space<vmem>> -> memref<128x128xf32, #tpu.memory_space<vmem>>
    %dma_wait3A_67 = arith.constant 0 : i32
    %dma_wait3A_68 = tpu.memref_slice %arg5[%dma_wait3A_63, %dma_wait3A_67] : memref<4x128xi32, #tpu.memory_space<vmem>> -> memref<1x128xi32, #tpu.memory_space<vmem>>
    %dma_wait3A_69 = tpu.memref_squeeze %dma_wait3A_68 : memref<1x128xi32, #tpu.memory_space<vmem>> -> memref<128xi32, #tpu.memory_space<vmem>>
    %dma_wait3A_70 = arith.constant 0 : i32
    %dma_wait3A_71 = arith.constant 0 : i32
    %dma_wait3A_72 = tpu.memref_slice %arg2[%dma_wait3A_70, %dma_wait3A_71] : memref<100000x128xf32, #tpu.memory_space<hbm>> -> memref<100000x128xf32, #tpu.memory_space<hbm>>
    tpu.wait_indirect_dma semaphore(%arg8 : memref<!tpu.dma_semaphore, #tpu.memory_space<semaphore_mem>>) src(%dma_wait3A_72 : memref<100000x128xf32, #tpu.memory_space<hbm>>) dst(%dma_wait3A_66 : memref<128x128xf32, #tpu.memory_space<vmem>>)
    %add3A_73 = arith.constant 128 : i32
    %add3A_74 = arith.addi %mul3A_2, %add3A_73 : i32
    %dma_start3A_75 = arith.constant 128 : i32
    %dma_start3A_76 = arith.constant 0 : i32
    %dma_start3A_77 = tpu.memref_slice %arg6[%dma_start3A_75, %dma_start3A_76] : memref<512x128xf32, #tpu.memory_space<vmem>> -> memref<128x128xf32, #tpu.memory_space<vmem>>
    %dma_start3A_78 = arith.constant 0 : i32
    %dma_start3A_79 = tpu.memref_slice %arg4[%add3A_74, %dma_start3A_78] : memref<16384x128xf32, #tpu.memory_space<hbm>> -> memref<128x128xf32, #tpu.memory_space<hbm>>
    %dma_start3A_80 = arith.constant 0 : i32
    %dma_start3A_81 = tpu.memref_slice %arg4[%add3A_74, %dma_start3A_80] : memref<16384x128xf32, #tpu.memory_space<hbm>> -> memref<128x128xf32, #tpu.memory_space<hbm>>
    %dma_start3A_82 = arith.constant 128 : i32
    %dma_start3A_83 = arith.constant 0 : i32
    %dma_start3A_84 = tpu.memref_slice %arg6[%dma_start3A_82, %dma_start3A_83] : memref<512x128xf32, #tpu.memory_space<vmem>> -> memref<128x128xf32, #tpu.memory_space<vmem>>
    tpu.enqueue_dma source(%dma_start3A_84 : memref<128x128xf32, #tpu.memory_space<vmem>>) target(%dma_start3A_81 : memref<128x128xf32, #tpu.memory_space<hbm>>) target_semaphore(%arg11 : memref<!tpu.dma_semaphore, #tpu.memory_space<semaphore_mem>>)
    %dma_wait3A_85 = arith.constant 2 : i32
    %dma_wait3A_86 = arith.constant 256 : i32
    %dma_wait3A_87 = arith.constant 0 : i32
    %dma_wait3A_88 = tpu.memref_slice %arg6[%dma_wait3A_86, %dma_wait3A_87] : memref<512x128xf32, #tpu.memory_space<vmem>> -> memref<128x128xf32, #tpu.memory_space<vmem>>
    %dma_wait3A_89 = arith.constant 0 : i32
    %dma_wait3A_90 = tpu.memref_slice %arg5[%dma_wait3A_85, %dma_wait3A_89] : memref<4x128xi32, #tpu.memory_space<vmem>> -> memref<1x128xi32, #tpu.memory_space<vmem>>
    %dma_wait3A_91 = tpu.memref_squeeze %dma_wait3A_90 : memref<1x128xi32, #tpu.memory_space<vmem>> -> memref<128xi32, #tpu.memory_space<vmem>>
    %dma_wait3A_92 = arith.constant 0 : i32
    %dma_wait3A_93 = arith.constant 0 : i32
    %dma_wait3A_94 = tpu.memref_slice %arg2[%dma_wait3A_92, %dma_wait3A_93] : memref<100000x128xf32, #tpu.memory_space<hbm>> -> memref<100000x128xf32, #tpu.memory_space<hbm>>
    tpu.wait_indirect_dma semaphore(%arg9 : memref<!tpu.dma_semaphore, #tpu.memory_space<semaphore_mem>>) src(%dma_wait3A_94 : memref<100000x128xf32, #tpu.memory_space<hbm>>) dst(%dma_wait3A_88 : memref<128x128xf32, #tpu.memory_space<vmem>>)
    %add3A_95 = arith.constant 256 : i32
    %add3A_96 = arith.addi %mul3A_2, %add3A_95 : i32
    %dma_start3A_97 = arith.constant 256 : i32
    %dma_start3A_98 = arith.constant 0 : i32
    %dma_start3A_99 = tpu.memref_slice %arg6[%dma_start3A_97, %dma_start3A_98] : memref<512x128xf32, #tpu.memory_space<vmem>> -> memref<128x128xf32, #tpu.memory_space<vmem>>
    %dma_start3A_100 = arith.constant 0 : i32
    %dma_start3A_101 = tpu.memref_slice %arg4[%add3A_96, %dma_start3A_100] : memref<16384x128xf32, #tpu.memory_space<hbm>> -> memref<128x128xf32, #tpu.memory_space<hbm>>
    %dma_start3A_102 = arith.constant 0 : i32
    %dma_start3A_103 = tpu.memref_slice %arg4[%add3A_96, %dma_start3A_102] : memref<16384x128xf32, #tpu.memory_space<hbm>> -> memref<128x128xf32, #tpu.memory_space<hbm>>
    %dma_start3A_104 = arith.constant 256 : i32
    %dma_start3A_105 = arith.constant 0 : i32
    %dma_start3A_106 = tpu.memref_slice %arg6[%dma_start3A_104, %dma_start3A_105] : memref<512x128xf32, #tpu.memory_space<vmem>> -> memref<128x128xf32, #tpu.memory_space<vmem>>
    tpu.enqueue_dma source(%dma_start3A_106 : memref<128x128xf32, #tpu.memory_space<vmem>>) target(%dma_start3A_103 : memref<128x128xf32, #tpu.memory_space<hbm>>) target_semaphore(%arg11 : memref<!tpu.dma_semaphore, #tpu.memory_space<semaphore_mem>>)
    %dma_wait3A_107 = arith.constant 3 : i32
    %dma_wait3A_108 = arith.constant 384 : i32
    %dma_wait3A_109 = arith.constant 0 : i32
    %dma_wait3A_110 = tpu.memref_slice %arg6[%dma_wait3A_108, %dma_wait3A_109] : memref<512x128xf32, #tpu.memory_space<vmem>> -> memref<128x128xf32, #tpu.memory_space<vmem>>
    %dma_wait3A_111 = arith.constant 0 : i32
    %dma_wait3A_112 = tpu.memref_slice %arg5[%dma_wait3A_107, %dma_wait3A_111] : memref<4x128xi32, #tpu.memory_space<vmem>> -> memref<1x128xi32, #tpu.memory_space<vmem>>
    %dma_wait3A_113 = tpu.memref_squeeze %dma_wait3A_112 : memref<1x128xi32, #tpu.memory_space<vmem>> -> memref<128xi32, #tpu.memory_space<vmem>>
    %dma_wait3A_114 = arith.constant 0 : i32
    %dma_wait3A_115 = arith.constant 0 : i32
    %dma_wait3A_116 = tpu.memref_slice %arg2[%dma_wait3A_114, %dma_wait3A_115] : memref<100000x128xf32, #tpu.memory_space<hbm>> -> memref<100000x128xf32, #tpu.memory_space<hbm>>
    tpu.wait_indirect_dma semaphore(%arg10 : memref<!tpu.dma_semaphore, #tpu.memory_space<semaphore_mem>>) src(%dma_wait3A_116 : memref<100000x128xf32, #tpu.memory_space<hbm>>) dst(%dma_wait3A_110 : memref<128x128xf32, #tpu.memory_space<vmem>>)
    %add3A_117 = arith.constant 384 : i32
    %add3A_118 = arith.addi %mul3A_2, %add3A_117 : i32
    %dma_start3A_119 = arith.constant 384 : i32
    %dma_start3A_120 = arith.constant 0 : i32
    %dma_start3A_121 = tpu.memref_slice %arg6[%dma_start3A_119, %dma_start3A_120] : memref<512x128xf32, #tpu.memory_space<vmem>> -> memref<128x128xf32, #tpu.memory_space<vmem>>
    %dma_start3A_122 = arith.constant 0 : i32
    %dma_start3A_123 = tpu.memref_slice %arg4[%add3A_118, %dma_start3A_122] : memref<16384x128xf32, #tpu.memory_space<hbm>> -> memref<128x128xf32, #tpu.memory_space<hbm>>
    %dma_start3A_124 = arith.constant 0 : i32
    %dma_start3A_125 = tpu.memref_slice %arg4[%add3A_118, %dma_start3A_124] : memref<16384x128xf32, #tpu.memory_space<hbm>> -> memref<128x128xf32, #tpu.memory_space<hbm>>
    %dma_start3A_126 = arith.constant 384 : i32
    %dma_start3A_127 = arith.constant 0 : i32
    %dma_start3A_128 = tpu.memref_slice %arg6[%dma_start3A_126, %dma_start3A_127] : memref<512x128xf32, #tpu.memory_space<vmem>> -> memref<128x128xf32, #tpu.memory_space<vmem>>
    tpu.enqueue_dma source(%dma_start3A_128 : memref<128x128xf32, #tpu.memory_space<vmem>>) target(%dma_start3A_125 : memref<128x128xf32, #tpu.memory_space<hbm>>) target_semaphore(%arg11 : memref<!tpu.dma_semaphore, #tpu.memory_space<semaphore_mem>>)
    %dma_wait3A_129 = arith.constant 0 : i32
    %dma_wait3A_130 = arith.constant 0 : i32
    %dma_wait3A_131 = tpu.memref_slice %arg6[%dma_wait3A_129, %dma_wait3A_130] : memref<512x128xf32, #tpu.memory_space<vmem>> -> memref<128x128xf32, #tpu.memory_space<vmem>>
    %dma_wait3A_132 = arith.constant 0 : i32
    %dma_wait3A_133 = tpu.memref_slice %arg4[%add3A_52, %dma_wait3A_132] : memref<16384x128xf32, #tpu.memory_space<hbm>> -> memref<128x128xf32, #tpu.memory_space<hbm>>
    %dma_wait3A_134 = arith.constant 0 : i32
    %dma_wait3A_135 = tpu.memref_slice %arg4[%add3A_52, %dma_wait3A_134] : memref<16384x128xf32, #tpu.memory_space<hbm>> -> memref<128x128xf32, #tpu.memory_space<hbm>>
    %dma_wait3A_136 = arith.constant 0 : i32
    %dma_wait3A_137 = arith.constant 0 : i32
    %dma_wait3A_138 = tpu.memref_slice %arg6[%dma_wait3A_136, %dma_wait3A_137] : memref<512x128xf32, #tpu.memory_space<vmem>> -> memref<128x128xf32, #tpu.memory_space<vmem>>
    tpu.wait_dma2 semaphore(%arg11 : memref<!tpu.dma_semaphore, #tpu.memory_space<semaphore_mem>>) src(%dma_wait3A_138 : memref<128x128xf32, #tpu.memory_space<vmem>>) dst(%dma_wait3A_135 : memref<128x128xf32, #tpu.memory_space<hbm>>)
    %dma_wait3A_139 = arith.constant 128 : i32
    %dma_wait3A_140 = arith.constant 0 : i32
    %dma_wait3A_141 = tpu.memref_slice %arg6[%dma_wait3A_139, %dma_wait3A_140] : memref<512x128xf32, #tpu.memory_space<vmem>> -> memref<128x128xf32, #tpu.memory_space<vmem>>
    %dma_wait3A_142 = arith.constant 0 : i32
    %dma_wait3A_143 = tpu.memref_slice %arg4[%add3A_74, %dma_wait3A_142] : memref<16384x128xf32, #tpu.memory_space<hbm>> -> memref<128x128xf32, #tpu.memory_space<hbm>>
    %dma_wait3A_144 = arith.constant 0 : i32
    %dma_wait3A_145 = tpu.memref_slice %arg4[%add3A_74, %dma_wait3A_144] : memref<16384x128xf32, #tpu.memory_space<hbm>> -> memref<128x128xf32, #tpu.memory_space<hbm>>
    %dma_wait3A_146 = arith.constant 128 : i32
    %dma_wait3A_147 = arith.constant 0 : i32
    %dma_wait3A_148 = tpu.memref_slice %arg6[%dma_wait3A_146, %dma_wait3A_147] : memref<512x128xf32, #tpu.memory_space<vmem>> -> memref<128x128xf32, #tpu.memory_space<vmem>>
    tpu.wait_dma2 semaphore(%arg11 : memref<!tpu.dma_semaphore, #tpu.memory_space<semaphore_mem>>) src(%dma_wait3A_148 : memref<128x128xf32, #tpu.memory_space<vmem>>) dst(%dma_wait3A_145 : memref<128x128xf32, #tpu.memory_space<hbm>>)
    %dma_wait3A_149 = arith.constant 256 : i32
    %dma_wait3A_150 = arith.constant 0 : i32
    %dma_wait3A_151 = tpu.memref_slice %arg6[%dma_wait3A_149, %dma_wait3A_150] : memref<512x128xf32, #tpu.memory_space<vmem>> -> memref<128x128xf32, #tpu.memory_space<vmem>>
    %dma_wait3A_152 = arith.constant 0 : i32
    %dma_wait3A_153 = tpu.memref_slice %arg4[%add3A_96, %dma_wait3A_152] : memref<16384x128xf32, #tpu.memory_space<hbm>> -> memref<128x128xf32, #tpu.memory_space<hbm>>
    %dma_wait3A_154 = arith.constant 0 : i32
    %dma_wait3A_155 = tpu.memref_slice %arg4[%add3A_96, %dma_wait3A_154] : memref<16384x128xf32, #tpu.memory_space<hbm>> -> memref<128x128xf32, #tpu.memory_space<hbm>>
    %dma_wait3A_156 = arith.constant 256 : i32
    %dma_wait3A_157 = arith.constant 0 : i32
    %dma_wait3A_158 = tpu.memref_slice %arg6[%dma_wait3A_156, %dma_wait3A_157] : memref<512x128xf32, #tpu.memory_space<vmem>> -> memref<128x128xf32, #tpu.memory_space<vmem>>
    tpu.wait_dma2 semaphore(%arg11 : memref<!tpu.dma_semaphore, #tpu.memory_space<semaphore_mem>>) src(%dma_wait3A_158 : memref<128x128xf32, #tpu.memory_space<vmem>>) dst(%dma_wait3A_155 : memref<128x128xf32, #tpu.memory_space<hbm>>)
    %dma_wait3A_159 = arith.constant 384 : i32
    %dma_wait3A_160 = arith.constant 0 : i32
    %dma_wait3A_161 = tpu.memref_slice %arg6[%dma_wait3A_159, %dma_wait3A_160] : memref<512x128xf32, #tpu.memory_space<vmem>> -> memref<128x128xf32, #tpu.memory_space<vmem>>
    %dma_wait3A_162 = arith.constant 0 : i32
    %dma_wait3A_163 = tpu.memref_slice %arg4[%add3A_118, %dma_wait3A_162] : memref<16384x128xf32, #tpu.memory_space<hbm>> -> memref<128x128xf32, #tpu.memory_space<hbm>>
    %dma_wait3A_164 = arith.constant 0 : i32
    %dma_wait3A_165 = tpu.memref_slice %arg4[%add3A_118, %dma_wait3A_164] : memref<16384x128xf32, #tpu.memory_space<hbm>> -> memref<128x128xf32, #tpu.memory_space<hbm>>
    %dma_wait3A_166 = arith.constant 384 : i32
    %dma_wait3A_167 = arith.constant 0 : i32
    %dma_wait3A_168 = tpu.memref_slice %arg6[%dma_wait3A_166, %dma_wait3A_167] : memref<512x128xf32, #tpu.memory_space<vmem>> -> memref<128x128xf32, #tpu.memory_space<vmem>>
    tpu.wait_dma2 semaphore(%arg11 : memref<!tpu.dma_semaphore, #tpu.memory_space<semaphore_mem>>) src(%dma_wait3A_168 : memref<128x128xf32, #tpu.memory_space<vmem>>) dst(%dma_wait3A_165 : memref<128x128xf32, #tpu.memory_space<hbm>>)
    return
  }
}

module attributes {stable_mosaic.version = 14 : i64} {
  func.func @_gru_body(%arg0: i32, %arg1: memref<1024x256xf32, #tpu.memory_space<vmem>>, %arg2: memref<1024x128xf32, #tpu.memory_space<vmem>>, %arg3: memref<256x384xf32, #tpu.memory_space<vmem>>, %arg4: memref<128x384xf32, #tpu.memory_space<vmem>>, %arg5: memref<1x384xf32, #tpu.memory_space<vmem>>, %arg6: memref<1x384xf32, #tpu.memory_space<vmem>>, %arg7: memref<1024x128xf32, #tpu.memory_space<vmem>>) attributes {dimension_semantics = [#tpu.dimension_semantics<arbitrary>], iteration_bounds = array<i64: 16>, scalar_prefetch = 0 : i64, scratch_operands = 0 : i64, tpu.core_type = #tpu.core_type<tc>, window_params = [{transform_indices = @transform_0, window_bounds = array<i64: 1024, 256>}, {transform_indices = @transform_1, window_bounds = array<i64: 1024, 128>}, {pipeline_mode = #tpu.pipeline_mode<synchronous>, transform_indices = @transform_2, window_bounds = array<i64: 256, 384>}, {pipeline_mode = #tpu.pipeline_mode<synchronous>, transform_indices = @transform_3, window_bounds = array<i64: 128, 384>}, {pipeline_mode = #tpu.pipeline_mode<synchronous>, transform_indices = @transform_4, window_bounds = array<i64: 1, 384>}, {pipeline_mode = #tpu.pipeline_mode<synchronous>, transform_indices = @transform_5, window_bounds = array<i64: 1, 384>}, {transform_indices = @transform_6, window_bounds = array<i64: 1024, 128>}]} {
    %get3A = arith.constant 0 : index
    %get3A_0 = arith.constant 0 : index
    %get3A_1 = vector.load %arg1[%get3A, %get3A_0] : memref<1024x256xf32, #tpu.memory_space<vmem>>, vector<1024x256xf32>
    %get3A_2 = arith.constant 0 : index
    %get3A_3 = arith.constant 0 : index
    %get3A_4 = vector.load %arg3[%get3A_2, %get3A_3] : memref<256x384xf32, #tpu.memory_space<vmem>>, vector<256x384xf32>
    %dot_general3A = arith.constant dense<0.000000e+00> : vector<1024x384xf32>
    %dot_general3A_5 = tpu.matmul %get3A_1, %get3A_4, %dot_general3A {dimension_numbers = #tpu.dot_dimension_numbers<[1], [0], [0], [1], [0, 0, 1, 1], [], []>, transpose_lhs_hint = false} : vector<1024x256xf32>, vector<256x384xf32>, vector<1024x384xf32> -> vector<1024x384xf32>
    %get3A_6 = arith.constant 0 : index
    %get3A_7 = arith.constant 0 : index
    %get3A_8 = vector.load %arg5[%get3A_6, %get3A_7] : memref<1x384xf32, #tpu.memory_space<vmem>>, vector<1x384xf32>
    %add3A = vector.broadcast %get3A_8 : vector<1x384xf32> to vector<1024x384xf32>
    %add3A_9 = arith.addf %dot_general3A_5, %add3A : vector<1024x384xf32>
    %get3A_10 = arith.constant 0 : index
    %get3A_11 = arith.constant 0 : index
    %get3A_12 = vector.load %arg2[%get3A_10, %get3A_11] : memref<1024x128xf32, #tpu.memory_space<vmem>>, vector<1024x128xf32>
    %get3A_13 = arith.constant 0 : index
    %get3A_14 = arith.constant 0 : index
    %get3A_15 = vector.load %arg4[%get3A_13, %get3A_14] : memref<128x384xf32, #tpu.memory_space<vmem>>, vector<128x384xf32>
    %dot_general3A_16 = arith.constant dense<0.000000e+00> : vector<1024x384xf32>
    %dot_general3A_17 = tpu.matmul %get3A_12, %get3A_15, %dot_general3A_16 {dimension_numbers = #tpu.dot_dimension_numbers<[1], [0], [0], [1], [0, 0, 1, 1], [], []>, transpose_lhs_hint = false} : vector<1024x128xf32>, vector<128x384xf32>, vector<1024x384xf32> -> vector<1024x384xf32>
    %get3A_18 = arith.constant 0 : index
    %get3A_19 = arith.constant 0 : index
    %get3A_20 = vector.load %arg6[%get3A_18, %get3A_19] : memref<1x384xf32, #tpu.memory_space<vmem>>, vector<1x384xf32>
    %add3A_21 = vector.broadcast %get3A_20 : vector<1x384xf32> to vector<1024x384xf32>
    %add3A_22 = arith.addf %dot_general3A_17, %add3A_21 : vector<1024x384xf32>
    %slice3A = vector.extract_strided_slice %add3A_9 {offsets = [0, 0], sizes = [1024, 128], strides = [1, 1]} : vector<1024x384xf32> to vector<1024x128xf32>
    %slice3A_23 = vector.extract_strided_slice %add3A_22 {offsets = [0, 0], sizes = [1024, 128], strides = [1, 1]} : vector<1024x384xf32> to vector<1024x128xf32>
    %add3A_24 = arith.addf %slice3A, %slice3A_23 : vector<1024x128xf32>
    %logistic3A = arith.negf %add3A_24 : vector<1024x128xf32>
    %logistic3A_25 = math.exp %logistic3A : vector<1024x128xf32>
    %logistic3A_26 = arith.constant 1.000000e+00 : f32
    %logistic3A_27 = vector.broadcast %logistic3A_26 : f32 to vector<1024x128xf32>
    %logistic3A_28 = arith.addf %logistic3A_27, %logistic3A_25 : vector<1024x128xf32>
    %logistic3A_29 = arith.divf %logistic3A_27, %logistic3A_28 : vector<1024x128xf32>
    %slice3A_30 = vector.extract_strided_slice %add3A_9 {offsets = [0, 128], sizes = [1024, 128], strides = [1, 1]} : vector<1024x384xf32> to vector<1024x128xf32>
    %slice3A_31 = vector.extract_strided_slice %add3A_22 {offsets = [0, 128], sizes = [1024, 128], strides = [1, 1]} : vector<1024x384xf32> to vector<1024x128xf32>
    %add3A_32 = arith.addf %slice3A_30, %slice3A_31 : vector<1024x128xf32>
    %logistic3A_33 = arith.negf %add3A_32 : vector<1024x128xf32>
    %logistic3A_34 = math.exp %logistic3A_33 : vector<1024x128xf32>
    %logistic3A_35 = arith.constant 1.000000e+00 : f32
    %logistic3A_36 = vector.broadcast %logistic3A_35 : f32 to vector<1024x128xf32>
    %logistic3A_37 = arith.addf %logistic3A_36, %logistic3A_34 : vector<1024x128xf32>
    %logistic3A_38 = arith.divf %logistic3A_36, %logistic3A_37 : vector<1024x128xf32>
    %slice3A_39 = vector.extract_strided_slice %add3A_9 {offsets = [0, 256], sizes = [1024, 128], strides = [1, 1]} : vector<1024x384xf32> to vector<1024x128xf32>
    %slice3A_40 = vector.extract_strided_slice %add3A_22 {offsets = [0, 256], sizes = [1024, 128], strides = [1, 1]} : vector<1024x384xf32> to vector<1024x128xf32>
    %mul3A = arith.mulf %logistic3A_29, %slice3A_40 : vector<1024x128xf32>
    %add3A_41 = arith.addf %slice3A_39, %mul3A : vector<1024x128xf32>
    %tanh3A = math.tanh %add3A_41 : vector<1024x128xf32>
    %sub3A = arith.constant 1.000000e+00 : f32
    %sub3A_42 = vector.broadcast %sub3A : f32 to vector<1024x128xf32>
    %sub3A_43 = arith.subf %sub3A_42, %logistic3A_38 : vector<1024x128xf32>
    %mul3A_44 = arith.mulf %sub3A_43, %tanh3A : vector<1024x128xf32>
    %get3A_45 = arith.constant 0 : index
    %get3A_46 = arith.constant 0 : index
    %get3A_47 = vector.load %arg2[%get3A_45, %get3A_46] : memref<1024x128xf32, #tpu.memory_space<vmem>>, vector<1024x128xf32>
    %mul3A_48 = arith.mulf %logistic3A_38, %get3A_47 : vector<1024x128xf32>
    %add3A_49 = arith.addf %mul3A_44, %mul3A_48 : vector<1024x128xf32>
    %swap3A = arith.constant 0 : index
    %swap3A_50 = arith.constant 0 : index
    %swap3A_51 = vector.load %arg7[%swap3A, %swap3A_50] : memref<1024x128xf32, #tpu.memory_space<vmem>>, vector<1024x128xf32>
    tpu.vector_store %arg7[%swap3A, %swap3A_50], %add3A_49 {strides = array<i32>} : memref<1024x128xf32, #tpu.memory_space<vmem>>, vector<1024x128xf32>,
    return
  }
  func.func @transform_0(%arg0: i32) -> (i32, i32) {
    %c0_i32 = arith.constant 0 : i32
    %c0_i32_0 = arith.constant 0 : i32
    return %arg0, %c0_i32 : i32, i32
  }
  func.func @transform_1(%arg0: i32) -> (i32, i32) {
    %c0_i32 = arith.constant 0 : i32
    %c0_i32_0 = arith.constant 0 : i32
    return %arg0, %c0_i32 : i32, i32
  }
  func.func @transform_2(%arg0: i32) -> (i32, i32) {
    %c0_i32 = arith.constant 0 : i32
    %c0_i32_0 = arith.constant 0 : i32
    %c0_i32_1 = arith.constant 0 : i32
    return %c0_i32, %c0_i32_0 : i32, i32
  }
  func.func @transform_3(%arg0: i32) -> (i32, i32) {
    %c0_i32 = arith.constant 0 : i32
    %c0_i32_0 = arith.constant 0 : i32
    %c0_i32_1 = arith.constant 0 : i32
    return %c0_i32, %c0_i32_0 : i32, i32
  }
  func.func @transform_4(%arg0: i32) -> (i32, i32) {
    %c0_i32 = arith.constant 0 : i32
    %c0_i32_0 = arith.constant 0 : i32
    %c0_i32_1 = arith.constant 0 : i32
    return %c0_i32, %c0_i32_0 : i32, i32
  }
  func.func @transform_5(%arg0: i32) -> (i32, i32) {
    %c0_i32 = arith.constant 0 : i32
    %c0_i32_0 = arith.constant 0 : i32
    %c0_i32_1 = arith.constant 0 : i32
    return %c0_i32, %c0_i32_0 : i32, i32
  }
  func.func @transform_6(%arg0: i32) -> (i32, i32) {
    %c0_i32 = arith.constant 0 : i32
    %c0_i32_0 = arith.constant 0 : i32
    return %arg0, %c0_i32 : i32, i32
  }
}

</mosaic_0001>

<sc_bundles>
// kernel: kernel.12.cloned.1.call-start
scs
__scs_entry_jumppad:
0x0: {  	(pc) =	sbr.rel $0x88, $3  }
0x1: {  	(tag) =	ssettag $0x0;
	lr =	simm.s32 $0x1  }
0x2: {  	[smem:$0x3F98] =	sst lr;
	_ =	strace $0xD0000000  }
0x3: {  	_ = 	snop  }
0x4: {  	_ = 	snop  }
0x5: {  	_ = 	snop  }
0x6: {  	_ = 	snop  }
0x7: {  	_ = 	snop  }
__scs_overlays_trampoline_lowered:
0x8: {  	[smem:$0x3FA7] =	sst s0  }
0x9: {  	[smem:$0x3FA8] =	sst s1  }
0xa: {  	[smem:$0x3FA9] =	sst s2  }
0xb: {  	[smem:$0x3FAA] =	sst s3  }
0xc: {  	[smem:$0x3FAB] =	sst s4  }
0xd: {  	[smem:$0x3FAC] =	sst s5  }
0xe: {  	[smem:$0x3FAD] =	sst s6  }
0xf: {  	[smem:$0x3FAE] =	sst s7  }
0x10: {  	[smem:$0x3FAF] =	sst s8  }
0x11: {  	[smem:$0x3FB0] =	sst s9;
	s0 =	simm.s32 @!p0 $0x0  }
0x12: {  	s1 =	sld [smem:$0x3F96];
	s0 =	simm.s32 @p0 $0x1  }
0x13: {  	[smem:$0x3FB1] =	sst s0;
	s0 =	simm.s32 @!p1 $0x0  }
0x14: {  	s2 =	sld [smem:$0x3F95];
	s0 =	simm.s32 @p1 $0x1  }
0x15: {  	[smem:$0x3FB2] =	sst s0;
	s0 =	simm.s32 @!p2 $0x0  }
0x16: {  	s3 =	sld [smem:$0x3FDB];
	s0 =	simm.s32 @p2 $0x1  }
0x17: {  	s4 =	simm.s32 $0x1BF5;
	[smem:$0x3FB4] =	sst s0  }
0x18: {  	s0 =	sld [smem:$0x3F97];
	_ =	swait.ge [sflag:s4], $0x0  }
0x19: {  	s7 =	sld [smem:$0x3F98]  }
0x1a: {  	s8 =	sadd.s32 $0xFFFFE003, lr  }
0x1b: {  	s9 =	sadd.s32 $0xFFFFFEF7, lr;
	s5 =	simm.s32 $0xFFFFFFFF;
	p2 =	slt.u32 s8, $0xFFFFF086  }
0x1c: {  	p1 =	slt.u32 s9, $0xF7A;
	s5 =	simm.s32 @!p2 $0x0  }
0x1d: {  	s5 =	simm.s32 @p1 $0x1;
	p0 =	seq.s32 s7, s2  }
0x1e: {  	s7 =	smul.u32 @!p0 $0xF7A, s2;
	p2 =	seq.s32 @!p0 s5, $0x0  }
0x1f: {  	s9 =	smul.u32 $0xF7A, s1;
	s8 =	simm.s32 @!p0 $0x1BF5;
	p2 =	por !p2, p0  }
0x20: {  	[sflag:s8] =	ssyncset.s32 @!p0 $0xFFFFF086;
	s6 =	sadd.s32 @!p0 s3, s7;
	s7 =	simm.s32 @!p0 $0x108  }
0x21: {  	s3 =	sadd.s32 s3, s9;
	s6 =	sadd.s32 @!p0 $0x88, s6;
	s7 =	simm.s32 @p2 $0x1082  }
0x22: {  	[simem:s7], [sflag:s8] =	dma.local @!p0 [hbm:s6], $0xF7A  }
0x23: {  	s9 =	sor.u32 $0xD0000000, s2;
	s6 =	simm.s32 $0x108;
	_ =	swait.ge @!p0 [sflag:s8], $0x0  }
0x24: {  	s3 =	sadd.s32 $0x88, s3;
	s6 =	simm.s32 @!p1 $0x1082;
	[sflag:s4] =	ssyncset.s32 $0xFFFFF086  }
0x25: {  	[simem:s6], [sflag:s4] =	dma.local [hbm:s3], $0xF7A  }
0x26: {  	[smem:$0x3F98] =	sst s1;
	(tag) =	ssettag s2;
	_ =	strace s9  }
0x27: {  	s1 =	sld [smem:$0x3FA8]  }
0x28: {  	s2 =	sld [smem:$0x3FA9]  }
0x29: {  	s4 =	sld [smem:$0x3FAB]  }
0x2a: {  	p0 =	seq.s32 s5, $0x0;
	s5 =	sld [smem:$0x3FAC]  }
0x2b: {  	s6 =	sld [smem:$0x3FAD]  }
0x2c: {  	s7 =	sld [smem:$0x3FAE]  }
0x2d: {  	s3 =	simm.s32 $0x108;
	s8 =	sld [smem:$0x3FAF]  }
0x2e: {  	s3 =	simm.s32 @!p0 $0x1082;
	s9 =	sld [smem:$0x3FB0]  }
0x2f: {  	lr =	sadd.s32 s0, s3;
	s0 =	sld [smem:$0x3FA7]  }
0x30: {  	s3 =	sld [smem:$0x3FAA]  }
0x31: {  	[smem:$0x3FB3] =	sst s10  }
0x32: {  	s10 =	sld [smem:$0x3FB1];
	_ =	sdelay $0x3  }
0x33: {  	p0 =	seq.s32 s10, $0x1;
	s10 =	sld [smem:$0x3FB3];
	_ =	sdelay $0x3  }
0x34: {  	[smem:$0x3FB3] =	sst s10  }
0x35: {  	s10 =	sld [smem:$0x3FB2];
	_ =	sdelay $0x3  }
0x36: {  	p1 =	seq.s32 s10, $0x1;
	s10 =	sld [smem:$0x3FB3];
	_ =	sdelay $0x3  }
0x37: {  	[smem:$0x3FB3] =	sst s10  }
0x38: {  	s10 =	sld [smem:$0x3FB4]  }
0x39: {  	_ = 	snop;
	(pc) =	sbr.ind lr, $3  }
0x3a: {  	_ = 	snop  }
0x3b: {  	_ = 	snop  }
0x3c: {  	p2 =	seq.s32 s10, $0x1;
	s10 =	sld [smem:$0x3FB3]  }
0x3d: {  	_ =	shalt  }
0x3e: {  	_ =	shalt  }
0x3f: {  	_ =	shalt  }
0x40: {  	_ =	shalt  }
0x41: {  	_ =	shalt  }
0x42: {  	_ =	shalt  }
0x43: {  	_ =	shalt  }
0x44: {  	_ =	shalt  }
0x45: {  	_ =	shalt  }
0x46: {  	_ =	shalt  }
0x47: {  	_ =	shalt  }
0x48: {  	_ =	shalt  }
0x49: {  	_ =	shalt  }
0x4a: {  	_ =	shalt  }
0x4b: {  	_ =	shalt  }
0x4c: {  	_ =	shalt  }
0x4d: {  	_ =	shalt  }
0x4e: {  	_ =	shalt  }
0x4f: {  	_ =	shalt  }
0x50: {  	_ =	shalt  }
0x51: {  	_ =	shalt  }
0x52: {  	_ =	shalt  }
0x53: {  	_ =	shalt  }
0x54: {  	_ =	shalt  }
0x55: {  	_ =	shalt  }
0x56: {  	_ =	shalt  }
0x57: {  	_ =	shalt  }
0x58: {  	_ =	shalt  }
0x59: {  	_ =	shalt  }
0x5a: {  	_ =	shalt  }
0x5b: {  	_ =	shalt  }
0x5c: {  	_ =	shalt  }
0x5d: {  	_ =	shalt  }
0x5e: {  	_ =	shalt  }
0x5f: {  	_ =	shalt  }
0x60: {  	_ =	shalt  }
0x61: {  	_ =	shalt  }
0x62: {  	_ =	shalt  }
0x63: {  	_ =	shalt  }
0x64: {  	_ =	shalt  }
0x65: {  	_ =	shalt  }
0x66: {  	_ =	shalt  }
0x67: {  	_ =	shalt  }
0x68: {  	_ =	shalt  }
0x69: {  	_ =	shalt  }
0x6a: {  	_ =	shalt  }
0x6b: {  	_ =	shalt  }
0x6c: {  	_ =	shalt  }
0x6d: {  	_ =	shalt  }
0x6e: {  	_ =	shalt  }
0x6f: {  	_ =	shalt  }
0x70: {  	_ =	shalt  }
0x71: {  	_ =	shalt  }
0x72: {  	_ =	shalt  }
0x73: {  	_ =	shalt  }
0x74: {  	_ =	shalt  }
0x75: {  	_ =	shalt  }
0x76: {  	_ =	shalt  }
0x77: {  	_ =	shalt  }
0x78: {  	_ =	shalt  }
0x79: {  	_ =	shalt  }
0x7a: {  	_ =	shalt  }
0x7b: {  	_ =	shalt  }
0x7c: {  	_ =	shalt  }
0x7d: {  	_ =	shalt  }
0x7e: {  	_ =	shalt  }
0x7f: {  	_ =	shalt  }
0x80: {  	_ =	shalt  }
0x81: {  	_ =	shalt  }
0x82: {  	_ =	shalt  }
0x83: {  	_ =	shalt  }
0x84: {  	_ =	shalt  }
0x85: {  	_ =	shalt  }
0x86: {  	_ =	shalt  }
0x87: {  	_ =	shalt  }
.Lfunc_end0:
.L_simem_size_0:
called_computation.2_lowered:
.L_overlay_start_0:
0x88: {  	s2 =	sld [smem:$0x3FD9]  }
0x89: {  	s3 =	sld [smem:$0x3FFE];
	_ =	sdelay $0x1  }
0x8a: {  	s1 =	srdreg.scid  }
0x8b: {  	s0 =	sand.u32 $0x1, s1  }
0x8c: {  	s14 =	sshll.u32 s0, $0xA;
	s2 =	sadd.s32 s3, s2  }
0x8d: {  	s2 =	sadd.s32 s2, s14  }
0x8e: {  	[smem:$0x3FBF] =	sst s2  }
0x8f: {  	_ = 	snop  }
0x90: {  	s2 =	sld [smem:$0x3FD0];
	_ =	sdelay $0x2  }
0x91: {  	s4 =	simm.s32 $0xB;
	s5 =	simm.s32 $0x10;
	s15 =	sld [smem:$0x3FC9]  }
0x92: {  	[smem:s5], [sflag:s4] =	dma.local [hbm:s2], $0x1  }
0x93: {  	_ =	swait.eq [sflag:s4], $0x1  }
0x94: {  	[sflag:s4] =	ssyncset.done $0x0  }
0x95: {  	[sflag:s4] =	ssyncadd.s32 $0xFFFFFFFF  }
0x96: {  	s16 =	sld [smem:$0x10];
	(tm) =	ssettm $0x1  }
0x97: {  	s17 =	sld [smem:$0x3FFB];
	_ =	sdelay $0x3  }
0x98: {  	_ =	strace s17  }
0x99: {  	s4 =	sld [smem:$0x3FFC];
	_ =	sdelay $0x3  }
0x9a: {  	_ =	strace s4  }
0x9b: {  	s4 =	sld [smem:$0x3FFD];
	_ =	sdelay $0x3  }
0x9c: {  	_ =	strace s4  }
0x9d: {  	_ =	strace $0x8FFFFFFF  }
0x9e: {  	s18 =	sld [smem:$0x3FDB];
	_ =	sdelay $0x1  }
0x9f: {  	s19 =	simm.s32 $_scs_section_size  }
0xa0: {  	s6 =	simm.s32 $_size__tile_overlayer_lowered;
	s7 =	simm.s32 $_tile_overlayer_lowered  }
0xa1: {  	s22 =	simm.s32 $0x1BFF;
	s21 =	sshll.u32 s7, $0x1;
	s4 =	sadd.s32 s19, s18  }
0xa2: {  	s8 =	simm.s32 $0x0;
	s20 =	sshll.u32 s6, $0x1;
	s6 =	sadd.s32 s21, s4  }
0xa3: {  	[timem:s8], [sflag:s22] =	dma.local [hbm:s6], s20  }
0xa4: {  	_ =	swait.ge [sflag:s22], s20  }
0xa5: {  	s5 =	ssub.s32 $0x0, s20;
	[sflag:s22] =	ssyncset.done $0x0  }
0xa6: {  	[sflag:s22] =	ssyncadd.s32 s5;
	_ =	sdelay $0x1  }
0xa7: {  	s23 =	simm.s32 $0x1B8B  }
0xa8: {  	_ =	swait.ge [sflag:s23], $0x1  }
0xa9: {  	[sflag:s23] =	ssyncset.done $0x0  }
0xaa: {  	s25 =	simm.s32 $0x1B8E;
	s24 =	sld [smem:$0x3FFE];
	[sflag:s23] =	ssyncadd.s32 $0xFFFFFFFF  }
0xab: {  	s26 =	simm.s32 $execute0_lowered;
	[smem:$0x3FD2] =	sst s25  }
0xac: {  	s6 =	sshll.u32 s26, $0x1;
	_ =	strace $0x8000004C;
	[dreg:$0x1] =	wrdreg $0xFFFFFFFF  }
0xad: {  	s28 =	simm.s32 $_size_execute0_lowered;
	s4 =	sadd.s32 s4, s6;
	[dreg:$0x0] =	wrdreg $0x0  }
0xae: {  	s6 =	sshll.u32 s28, $0x1;
	[dreg:$0x2] =	wrdreg s4  }
0xaf: {  	[dreg:$0x3] =	wrdreg s6  }
0xb0: {  	[dreg:$0x4] =	wrdreg $0xC0  }
0xb1: {  	_ =	task [dreg:s8], $0x5FFFF  }
0xb2: {  	[dreg:$0x1] =	wrdreg $0xFFFFFFFF  }
0xb3: {  	[dreg:$0x0] =	wrdreg $0x60  }
0xb4: {  	[dreg:$0x2] =	wrdreg s15  }
0xb5: {  	[dreg:$0x3] =	wrdreg s24  }
0xb6: {  	[dreg:$0x4] =	wrdreg s16  }
0xb7: {  	[dreg:$0x5] =	wrdreg $0x9  }
0xb8: {  	_ =	task.clear_ibuf [dreg:s8], $0x6FFFF;
	_ =	strace $0x9000004C  }
0xb9: {  	s29 =	simm.s32 $0x9;
	_ =	strace $0x8000004E  }
0xba: {  	_ =	swait.ge [sflag:s29], $0x1  }
0xbb: {  	[sflag:s29] =	ssyncadd.s32 $0xFFFFFFFF  }
0xbc: {  	_ =	strace $0x9000004E  }
0xbd: {  	_ =	sfence  }
0xbe: {  	s30 =	sld [smem:$0x0];
	_ =	sdelay $0x2  }
0xbf: {  	s31 =	sshll.u32 s1, $0xD;
	s1 =	sshrl.u32 s1, $0x2  }
0xc0: {  	s3 =	sand.u32 $0x4000, s31;
	s1 =	sadd.s32 s1, s30  }
0xc1: {  	s0 =	sor.u32 s3, s0;
	s1 =	sshll.u32 s1, $0x11  }
0xc2: {  	s0 =	sor.u32 s1, s0  }
0xc3: {  	s0 =	sadd.s32 $0x8F2B, s0  }
0xc4: {  	[sflag:s0] =	ssyncadd.remote.s32 $0x1  }
0xc5: {  	_ =	sfence.sel $0xFFFF  }
0xc6: {  	[dreg:$0x0] =	wrdreg $0xFFFFFFFF;
	(pc) =	sbr.abs _section_cstart, $3  }
0xc7: {  	[dreg:$0x1] =	wrdreg $0xFFFFFFFF  }
0xc8: {  	_ =	task.clear_ibuf [dreg:s8], $0x2FFFF;
	_ =	strace $0x9FFFFFFF  }
0xc9: {  	(tm) =	ssettm $0x7FFFFFFF  }
tec
execute0_lowered:
.L_overlay_start_1:
0x0: {  	(tag) =	ssettag $0x1  }
0x1: {  	s4 =	rddreg [dreg:$0x0];
	s1 =	srdreg.scid  }
0x2: {  	s6 =	rddreg [dreg:$0x1];
	s0 =	stileid.u32;
	s22 =	sand.u32 $0x1, s1  }
0x3: {  	s2 =	rddreg [dreg:$0x2];
	s5 =	sshll.u32 s0, $0xA;
	s7 =	sshll.u32 s22, $0x9  }
0x4: {  	s3 =	simm.s32 $0x0;
	s1 =	rddreg [dreg:$0x3];
	s7 =	sor.u32 s7, s5  }
0x5: {  	[smem:$0x7FF] =	sst s3;
	s5 =	sshrl.u32 s7, $0x3  }
0x6: {  	_ =	strace $0x8000004D;
	s4 =	sadd.s32 s4, s5;
	s5 =	simm.s32 $0x6  }
0x7: {  	[tilespmem:s3], [sflag:$0x6] =	stream.linear.gather [hbm4b:s4+s3], $0x200, $0x38;
	[tilespmem:$0x10200] =	vst v63  }
0x8: {  	s7 =	sshll.u32 s7, $0x4;
	_ =	swait.ge [sflag:s5], $0x200  }
0x9: {  	s12 =	sadd.s32 s7, s6;
	[sflag:s5] =	ssyncset.done $0x0  }
0xa: {  	s7 =	simm.s32 $0x200;
	s6 =	sadd.s32 $0x1C00, s12;
	[sflag:s5] =	ssyncadd.s32 $0xFFFFFE00  }
0xb: {  	[tilespmem:s7], [sflag:$0x1] =	stream.linear.gather [hbm4b:s6+s3], $0x4000, $0x38;
	[tilespmem:$0x10200] =	vst v63  }
0xc: {  	s9 =	simm.s32 $0x4200;
	s8 =	sadd.s32 $0x2400, s12  }
0xd: {  	[tilespmem:s9], [sflag:$0x2] =	stream.linear.gather [hbm4b:s8+s3], $0x4000, $0x38;
	[tilespmem:$0x10200] =	vst v63  }
0xe: {  	s11 =	simm.s32 $0x8200;
	s10 =	sadd.s32 $0x2C00, s12  }
0xf: {  	[tilespmem:s11], [sflag:$0x3] =	stream.linear.gather [hbm4b:s10+s3], $0x4000, $0x38;
	[tilespmem:$0x10200] =	vst v63  }
0x10: {  	s13 =	simm.s32 $0xC200;
	s14 =	simm.s32 $0x1;
	s12 =	sadd.s32 $0x3400, s12  }
0x11: {  	[tilespmem:s13], [sflag:$0x4] =	stream.linear.gather [hbm4b:s12+s3], $0x4000, $0x38;
	[tilespmem:$0x10200] =	vst v63  }
0x12: {  	_ =	swait.ge [sflag:s14], $0x4000  }
0x13: {  	[sflag:s14] =	ssyncset.done $0x0  }
0x14: {  	s15 =	simm.s32 $0x80;
	s16 =	simm.s32 $0x2;
	[sflag:s14] =	ssyncadd.s32 $0xFFFFC000  }
0x15: {  	[hbm4b:s2+s15] =	stream.indirect.scatter [tilespmem:s7], [sflag:$0x5], $0x80, s3, s15, $0xb8;
	[tilespmem:$0x10200] =	vst v63  }
0x16: {  	_ =	swait.ge [sflag:s16], $0x4000  }
0x17: {  	[sflag:s16] =	ssyncset.done $0x0  }
0x18: {  	s17 =	simm.s32 $0x3;
	[sflag:s16] =	ssyncadd.s32 $0xFFFFC000  }
0x19: {  	[hbm4b:s2+s15] =	stream.indirect.scatter [tilespmem:s9], [sflag:$0x5], $0x80, s15, s15, $0xb8;
	[tilespmem:$0x10200] =	vst v63  }
0x1a: {  	_ =	swait.ge [sflag:s17], $0x4000  }
0x1b: {  	[sflag:s17] =	ssyncset.done $0x0  }
0x1c: {  	s18 =	simm.s32 $0x100;
	s19 =	simm.s32 $0x4;
	[sflag:s17] =	ssyncadd.s32 $0xFFFFC000  }
0x1d: {  	[hbm4b:s2+s15] =	stream.indirect.scatter [tilespmem:s11], [sflag:$0x5], $0x80, s18, s15, $0xb8;
	[tilespmem:$0x10200] =	vst v63  }
0x1e: {  	_ =	swait.ge [sflag:s19], $0x4000  }
0x1f: {  	[sflag:s19] =	ssyncset.done $0x0  }
0x20: {  	s21 =	simm.s32 $0x180;
	s20 =	simm.s32 $0x5;
	[sflag:s19] =	ssyncadd.s32 $0xFFFFC000  }
0x21: {  	[hbm4b:s2+s15] =	stream.indirect.scatter [tilespmem:s13], [sflag:$0x5], $0x80, s21, s15, $0xb8;
	[tilespmem:$0x10200] =	vst v63  }
0x22: {  	_ =	swait.ge [sflag:s20], $0x4000  }
0x23: {  	s22 =	ssub.s32 $0x2, s22;
	[sflag:s20] =	ssyncset.done $0x0  }
0x24: {  	s23 =	sshrl.u32 s22, $0x1;
	[sflag:s20] =	ssyncadd.s32 $0xFFFFC000  }
0x25: {  	s22 =	ssub.s32 s22, s23;
	_ =	swait.ge [sflag:s20], $0x4000  }
0x26: {  	s22 =	smax.u32 s22, $0x1;
	[sflag:s20] =	ssyncset.done $0x0  }
0x27: {  	p0 =	sne.s32 s22, $0x1;
	[sflag:s20] =	ssyncadd.s32 $0xFFFFC000  }
.Ltmp0:
0x28: {  	_ =	swait.ge [sflag:s20], $0x4000;
	(pc) =	sbr.rel @!p0 .LBB2_2-.Ltmp0, $4  }
0x29: {  	[sflag:s20] =	ssyncset.done $0x0  }
0x2a: {  	[sflag:s20] =	ssyncadd.s32 $0xFFFFC000  }
0x2b: {  	_ =	swait.ge [sflag:s20], $0x4000  }
0x2c: {  	s22 =	sadd.s32 $0xFFFFFFFF, s22;
	[sflag:s20] =	ssyncset.done $0x0  }
.LBB2_1:
0x2d: {  	p0 =	sne.s32 s22, $0x1;
	s22 =	sadd.s32 $0xFFFFFFFF, s22;
	[sflag:s20] =	ssyncadd.s32 $0xFFFFC000  }
0x2e: {  	[tilespmem:s3], [sflag:$0x6] =	stream.linear.gather [hbm4b:s4+s3], $0x200, $0x38;
	[tilespmem:$0x10200] =	vst v63  }
0x2f: {  	_ =	swait.ge [sflag:s5], $0x200  }
0x30: {  	[sflag:s5] =	ssyncset.done $0x0  }
0x31: {  	[sflag:s5] =	ssyncadd.s32 $0xFFFFFE00  }
0x32: {  	[tilespmem:s7], [sflag:$0x1] =	stream.linear.gather [hbm4b:s6+s3], $0x4000, $0x38;
	[tilespmem:$0x10200] =	vst v63  }
0x33: {  	_ = 	snop  }
0x34: {  	[tilespmem:s9], [sflag:$0x2] =	stream.linear.gather [hbm4b:s8+s3], $0x4000, $0x38;
	[tilespmem:$0x10200] =	vst v63  }
0x35: {  	_ = 	snop  }
0x36: {  	[tilespmem:s11], [sflag:$0x3] =	stream.linear.gather [hbm4b:s10+s3], $0x4000, $0x38;
	[tilespmem:$0x10200] =	vst v63  }
0x37: {  	_ = 	snop  }
0x38: {  	[tilespmem:s13], [sflag:$0x4] =	stream.linear.gather [hbm4b:s12+s3], $0x4000, $0x38;
	[tilespmem:$0x10200] =	vst v63  }
0x39: {  	_ =	swait.ge [sflag:s14], $0x4000  }
0x3a: {  	[sflag:s14] =	ssyncset.done $0x0  }
0x3b: {  	[sflag:s14] =	ssyncadd.s32 $0xFFFFC000  }
0x3c: {  	[hbm4b:s2+s15] =	stream.indirect.scatter [tilespmem:s7], [sflag:$0x5], $0x80, s3, s15, $0xb8;
	[tilespmem:$0x10200] =	vst v63  }
0x3d: {  	_ =	swait.ge [sflag:s16], $0x4000  }
0x3e: {  	[sflag:s16] =	ssyncset.done $0x0  }
0x3f: {  	[sflag:s16] =	ssyncadd.s32 $0xFFFFC000  }
0x40: {  	[hbm4b:s2+s15] =	stream.indirect.scatter [tilespmem:s9], [sflag:$0x5], $0x80, s15, s15, $0xb8;
	[tilespmem:$0x10200] =	vst v63  }
0x41: {  	_ =	swait.ge [sflag:s17], $0x4000  }
0x42: {  	[sflag:s17] =	ssyncset.done $0x0  }
0x43: {  	[sflag:s17] =	ssyncadd.s32 $0xFFFFC000  }
0x44: {  	[hbm4b:s2+s15] =	stream.indirect.scatter [tilespmem:s11], [sflag:$0x5], $0x80, s18, s15, $0xb8;
	[tilespmem:$0x10200] =	vst v63  }
0x45: {  	_ =	swait.ge [sflag:s19], $0x4000  }
0x46: {  	[sflag:s19] =	ssyncset.done $0x0  }
0x47: {  	[sflag:s19] =	ssyncadd.s32 $0xFFFFC000  }
0x48: {  	[hbm4b:s2+s15] =	stream.indirect.scatter [tilespmem:s13], [sflag:$0x5], $0x80, s21, s15, $0xb8;
	[tilespmem:$0x10200] =	vst v63  }
0x49: {  	_ =	swait.ge [sflag:s20], $0x4000  }
0x4a: {  	[sflag:s20] =	ssyncset.done $0x0  }
0x4b: {  	[sflag:s20] =	ssyncadd.s32 $0xFFFFC000  }
0x4c: {  	_ =	swait.ge [sflag:s20], $0x4000  }
0x4d: {  	[sflag:s20] =	ssyncset.done $0x0  }
0x4e: {  	[sflag:s20] =	ssyncadd.s32 $0xFFFFC000  }
.Ltmp1:
0x4f: {  	_ =	swait.ge [sflag:s20], $0x4000;
	(pc) =	sbr.rel @p0 .LBB2_1-.Ltmp1, $4  }
0x50: {  	[sflag:s20] =	ssyncset.done $0x0  }
0x51: {  	[sflag:s20] =	ssyncadd.s32 $0xFFFFC000  }
0x52: {  	_ =	swait.ge [sflag:s20], $0x4000  }
0x53: {  	[sflag:s20] =	ssyncset.done $0x0  }
.LBB2_2:
0x54: {  	[sflag:s20] =	ssyncadd.s32 $0xFFFFC000  }
0x55: {  	_ =	sfence.sel $0x180000  }
0x56: {  	[bflag:$0x0] =	sbarrier.arrive $0xFFFF  }
0x57: {  	p0 =	sne.s32 s0, $0x0;
	_ =	strace $0x9000004D  }
0x58: {  	s0 =	sadd.s32 @!p0 $0x100000, s1;
	[bflag:$0x2] =	sbarrier.arrive $0xFFFF  }
0x59: {  	[sflag:s0] =	ssyncadd.tile.s32 @!p0 $0x1;
	_ =	shalt  }
.Lfunc_end2:
_tile_overlayer_lowered:
.L_overlay_start_2:
0x5a: {  	(tag) =	ssettag $0x2  }
0x5b: {  	s0 =	rddreg [dreg:$0x0];
	s2 =	stileid.u32  }
0x5c: {  	s1 =	rddreg [dreg:$0x1];
	p0 =	sne.s32 s2, $0x0  }
0x5d: {  	s3 =	rddreg [dreg:$0x2];
	[bflag:$0x3] =	sbarrier.arrive $0xFFFF;
	s2 =	simm.s32 @!p0 $0x1C06  }
0x5e: {  	[timem:s3], [sflag:s2] =	dma.local @!p0 [hbm:s0], s1  }
0x5f: {  	s0 =	simm.s32 @!p0 $0x6  }
0x60: {  	_ =	swait.ge @!p0 [sflag:s0], s1  }
0x61: {  	s1 =	ssub.s32 @!p0 $0x0, s1;
	[sflag:s0] =	ssyncset.done @!p0 $0x0  }
0x62: {  	[sflag:s0] =	ssyncadd.s32 @!p0 s1  }
0x63: {  	[bflag:$0x3] =	sbarrier.arrive $0xFFFF  }
0x64: {  	_ =	shalt  }

// kernel: kernel.6.cloned.1.call-start
scs
__scs_entry_jumppad:
0x0: {  	(pc) =	sbr.rel $0x88, $3  }
0x1: {  	(tag) =	ssettag $0x0;
	lr =	simm.s32 $0x1  }
0x2: {  	[smem:$0x3F98] =	sst lr;
	_ =	strace $0xD0000000  }
0x3: {  	_ = 	snop  }
0x4: {  	_ = 	snop  }
0x5: {  	_ = 	snop  }
0x6: {  	_ = 	snop  }
0x7: {  	_ = 	snop  }
__scs_overlays_trampoline_lowered:
0x8: {  	[smem:$0x3FA7] =	sst s0  }
0x9: {  	[smem:$0x3FA8] =	sst s1  }
0xa: {  	[smem:$0x3FA9] =	sst s2  }
0xb: {  	[smem:$0x3FAA] =	sst s3  }
0xc: {  	[smem:$0x3FAB] =	sst s4  }
0xd: {  	[smem:$0x3FAC] =	sst s5  }
0xe: {  	[smem:$0x3FAD] =	sst s6  }
0xf: {  	[smem:$0x3FAE] =	sst s7  }
0x10: {  	[smem:$0x3FAF] =	sst s8  }
0x11: {  	[smem:$0x3FB0] =	sst s9;
	s0 =	simm.s32 @!p0 $0x0  }
0x12: {  	s1 =	sld [smem:$0x3F96];
	s0 =	simm.s32 @p0 $0x1  }
0x13: {  	[smem:$0x3FB1] =	sst s0;
	s0 =	simm.s32 @!p1 $0x0  }
0x14: {  	s2 =	sld [smem:$0x3F95];
	s0 =	simm.s32 @p1 $0x1  }
0x15: {  	[smem:$0x3FB2] =	sst s0;
	s0 =	simm.s32 @!p2 $0x0  }
0x16: {  	s3 =	sld [smem:$0x3FDB];
	s0 =	simm.s32 @p2 $0x1  }
0x17: {  	s4 =	simm.s32 $0x1BF5;
	[smem:$0x3FB4] =	sst s0  }
0x18: {  	s0 =	sld [smem:$0x3F97];
	_ =	swait.ge [sflag:s4], $0x0  }
0x19: {  	s7 =	sld [smem:$0x3F98]  }
0x1a: {  	s8 =	sadd.s32 $0xFFFFE003, lr  }
0x1b: {  	s9 =	sadd.s32 $0xFFFFFEF7, lr;
	s5 =	simm.s32 $0xFFFFFFFF;
	p2 =	slt.u32 s8, $0xFFFFF086  }
0x1c: {  	p1 =	slt.u32 s9, $0xF7A;
	s5 =	simm.s32 @!p2 $0x0  }
0x1d: {  	s5 =	simm.s32 @p1 $0x1;
	p0 =	seq.s32 s7, s2  }
0x1e: {  	s7 =	smul.u32 @!p0 $0xF7A, s2;
	p2 =	seq.s32 @!p0 s5, $0x0  }
0x1f: {  	s9 =	smul.u32 $0xF7A, s1;
	s8 =	simm.s32 @!p0 $0x1BF5;
	p2 =	por !p2, p0  }
0x20: {  	[sflag:s8] =	ssyncset.s32 @!p0 $0xFFFFF086;
	s6 =	sadd.s32 @!p0 s3, s7;
	s7 =	simm.s32 @!p0 $0x108  }
0x21: {  	s3 =	sadd.s32 s3, s9;
	s6 =	sadd.s32 @!p0 $0x88, s6;
	s7 =	simm.s32 @p2 $0x1082  }
0x22: {  	[simem:s7], [sflag:s8] =	dma.local @!p0 [hbm:s6], $0xF7A  }
0x23: {  	s9 =	sor.u32 $0xD0000000, s2;
	s6 =	simm.s32 $0x108;
	_ =	swait.ge @!p0 [sflag:s8], $0x0  }
0x24: {  	s3 =	sadd.s32 $0x88, s3;
	s6 =	simm.s32 @!p1 $0x1082;
	[sflag:s4] =	ssyncset.s32 $0xFFFFF086  }
0x25: {  	[simem:s6], [sflag:s4] =	dma.local [hbm:s3], $0xF7A  }
0x26: {  	[smem:$0x3F98] =	sst s1;
	(tag) =	ssettag s2;
	_ =	strace s9  }
0x27: {  	s1 =	sld [smem:$0x3FA8]  }
0x28: {  	s2 =	sld [smem:$0x3FA9]  }
0x29: {  	s4 =	sld [smem:$0x3FAB]  }
0x2a: {  	p0 =	seq.s32 s5, $0x0;
	s5 =	sld [smem:$0x3FAC]  }
0x2b: {  	s6 =	sld [smem:$0x3FAD]  }
0x2c: {  	s7 =	sld [smem:$0x3FAE]  }
0x2d: {  	s3 =	simm.s32 $0x108;
	s8 =	sld [smem:$0x3FAF]  }
0x2e: {  	s3 =	simm.s32 @!p0 $0x1082;
	s9 =	sld [smem:$0x3FB0]  }
0x2f: {  	lr =	sadd.s32 s0, s3;
	s0 =	sld [smem:$0x3FA7]  }
0x30: {  	s3 =	sld [smem:$0x3FAA]  }
0x31: {  	[smem:$0x3FB3] =	sst s10  }
0x32: {  	s10 =	sld [smem:$0x3FB1];
	_ =	sdelay $0x3  }
0x33: {  	p0 =	seq.s32 s10, $0x1;
	s10 =	sld [smem:$0x3FB3];
	_ =	sdelay $0x3  }
0x34: {  	[smem:$0x3FB3] =	sst s10  }
0x35: {  	s10 =	sld [smem:$0x3FB2];
	_ =	sdelay $0x3  }
0x36: {  	p1 =	seq.s32 s10, $0x1;
	s10 =	sld [smem:$0x3FB3];
	_ =	sdelay $0x3  }
0x37: {  	[smem:$0x3FB3] =	sst s10  }
0x38: {  	s10 =	sld [smem:$0x3FB4]  }
0x39: {  	_ = 	snop;
	(pc) =	sbr.ind lr, $3  }
0x3a: {  	_ = 	snop  }
0x3b: {  	_ = 	snop  }
0x3c: {  	p2 =	seq.s32 s10, $0x1;
	s10 =	sld [smem:$0x3FB3]  }
0x3d: {  	_ =	shalt  }
0x3e: {  	_ =	shalt  }
0x3f: {  	_ =	shalt  }
0x40: {  	_ =	shalt  }
0x41: {  	_ =	shalt  }
0x42: {  	_ =	shalt  }
0x43: {  	_ =	shalt  }
0x44: {  	_ =	shalt  }
0x45: {  	_ =	shalt  }
0x46: {  	_ =	shalt  }
0x47: {  	_ =	shalt  }
0x48: {  	_ =	shalt  }
0x49: {  	_ =	shalt  }
0x4a: {  	_ =	shalt  }
0x4b: {  	_ =	shalt  }
0x4c: {  	_ =	shalt  }
0x4d: {  	_ =	shalt  }
0x4e: {  	_ =	shalt  }
0x4f: {  	_ =	shalt  }
0x50: {  	_ =	shalt  }
0x51: {  	_ =	shalt  }
0x52: {  	_ =	shalt  }
0x53: {  	_ =	shalt  }
0x54: {  	_ =	shalt  }
0x55: {  	_ =	shalt  }
0x56: {  	_ =	shalt  }
0x57: {  	_ =	shalt  }
0x58: {  	_ =	shalt  }
0x59: {  	_ =	shalt  }
0x5a: {  	_ =	shalt  }
0x5b: {  	_ =	shalt  }
0x5c: {  	_ =	shalt  }
0x5d: {  	_ =	shalt  }
0x5e: {  	_ =	shalt  }
0x5f: {  	_ =	shalt  }
0x60: {  	_ =	shalt  }
0x61: {  	_ =	shalt  }
0x62: {  	_ =	shalt  }
0x63: {  	_ =	shalt  }
0x64: {  	_ =	shalt  }
0x65: {  	_ =	shalt  }
0x66: {  	_ =	shalt  }
0x67: {  	_ =	shalt  }
0x68: {  	_ =	shalt  }
0x69: {  	_ =	shalt  }
0x6a: {  	_ =	shalt  }
0x6b: {  	_ =	shalt  }
0x6c: {  	_ =	shalt  }
0x6d: {  	_ =	shalt  }
0x6e: {  	_ =	shalt  }
0x6f: {  	_ =	shalt  }
0x70: {  	_ =	shalt  }
0x71: {  	_ =	shalt  }
0x72: {  	_ =	shalt  }
0x73: {  	_ =	shalt  }
0x74: {  	_ =	shalt  }
0x75: {  	_ =	shalt  }
0x76: {  	_ =	shalt  }
0x77: {  	_ =	shalt  }
0x78: {  	_ =	shalt  }
0x79: {  	_ =	shalt  }
0x7a: {  	_ =	shalt  }
0x7b: {  	_ =	shalt  }
0x7c: {  	_ =	shalt  }
0x7d: {  	_ =	shalt  }
0x7e: {  	_ =	shalt  }
0x7f: {  	_ =	shalt  }
0x80: {  	_ =	shalt  }
0x81: {  	_ =	shalt  }
0x82: {  	_ =	shalt  }
0x83: {  	_ =	shalt  }
0x84: {  	_ =	shalt  }
0x85: {  	_ =	shalt  }
0x86: {  	_ =	shalt  }
0x87: {  	_ =	shalt  }
.Lfunc_end0:
.L_simem_size_0:
called_computation_lowered:
.L_overlay_start_0:
0x88: {  	s2 =	sld [smem:$0x3FD9]  }
0x89: {  	s3 =	sld [smem:$0x3FFE];
	_ =	sdelay $0x1  }
0x8a: {  	s1 =	srdreg.scid  }
0x8b: {  	s0 =	sand.u32 $0x1, s1  }
0x8c: {  	s17 =	sshll.u32 s0, $0xA;
	s2 =	sadd.s32 s3, s2  }
0x8d: {  	s2 =	sadd.s32 s2, s17  }
0x8e: {  	[smem:$0x3FBF] =	sst s2  }
0x8f: {  	_ = 	snop  }
0x90: {  	s2 =	sld [smem:$0x3FC9]  }
0x91: {  	s18 =	sld [smem:$0x3FC6];
	(tm) =	ssettm $0x1  }
0x92: {  	s4 =	sld [smem:$0x3FFB];
	_ =	sdelay $0x3  }
0x93: {  	_ =	strace s4  }
0x94: {  	s4 =	sld [smem:$0x3FFC];
	_ =	sdelay $0x3  }
0x95: {  	_ =	strace s4  }
0x96: {  	s4 =	sld [smem:$0x3FFD];
	_ =	sdelay $0x3  }
0x97: {  	_ =	strace s4  }
0x98: {  	_ =	strace $0x8FFFFFFF  }
0x99: {  	s19 =	sld [smem:$0x3FDB];
	_ =	sdelay $0x1  }
0x9a: {  	s5 =	simm.s32 $_scs_section_size  }
0x9b: {  	s6 =	simm.s32 $_size__tile_overlayer_lowered;
	s7 =	simm.s32 $_tile_overlayer_lowered  }
0x9c: {  	s22 =	simm.s32 $0x1BFF;
	s21 =	sshll.u32 s7, $0x1;
	s4 =	sadd.s32 s5, s19  }
0x9d: {  	s8 =	simm.s32 $0x0;
	s20 =	sshll.u32 s6, $0x1;
	s6 =	sadd.s32 s21, s4  }
0x9e: {  	[timem:s8], [sflag:s22] =	dma.local [hbm:s6], s20  }
0x9f: {  	_ =	swait.ge [sflag:s22], s20  }
0xa0: {  	s5 =	ssub.s32 $0x0, s20;
	[sflag:s22] =	ssyncset.done $0x0  }
0xa1: {  	[sflag:s22] =	ssyncadd.s32 s5;
	_ =	sdelay $0x1  }
0xa2: {  	s23 =	simm.s32 $0x1B8B  }
0xa3: {  	_ =	swait.ge [sflag:s23], $0x1  }
0xa4: {  	[sflag:s23] =	ssyncset.done $0x0  }
0xa5: {  	s25 =	simm.s32 $0x1B8E;
	s24 =	sld [smem:$0x3FFE];
	[sflag:s23] =	ssyncadd.s32 $0xFFFFFFFF  }
0xa6: {  	s26 =	simm.s32 $execute0_lowered;
	[smem:$0x3FD2] =	sst s25  }
0xa7: {  	s6 =	sshll.u32 s26, $0x1;
	_ =	strace $0x80000046;
	[dreg:$0x1] =	wrdreg $0xFFFFFFFF  }
0xa8: {  	s28 =	simm.s32 $_size_execute0_lowered;
	s4 =	sadd.s32 s4, s6;
	[dreg:$0x0] =	wrdreg $0x0  }
0xa9: {  	s6 =	sshll.u32 s28, $0x1;
	[dreg:$0x2] =	wrdreg s4  }
0xaa: {  	[dreg:$0x3] =	wrdreg s6  }
0xab: {  	[dreg:$0x4] =	wrdreg $0xC0  }
0xac: {  	_ =	task [dreg:s8], $0x5FFFF  }
0xad: {  	[dreg:$0x1] =	wrdreg $0xFFFFFFFF  }
0xae: {  	[dreg:$0x0] =	wrdreg $0x60  }
0xaf: {  	[dreg:$0x2] =	wrdreg s18  }
0xb0: {  	[dreg:$0x3] =	wrdreg s2  }
0xb1: {  	[dreg:$0x4] =	wrdreg s24  }
0xb2: {  	[dreg:$0x5] =	wrdreg $0x9  }
0xb3: {  	_ =	task.clear_ibuf [dreg:s8], $0x6FFFF;
	_ =	strace $0x90000046  }
0xb4: {  	s29 =	simm.s32 $0x9;
	_ =	strace $0x80000048  }
0xb5: {  	_ =	swait.ge [sflag:s29], $0x1  }
0xb6: {  	[sflag:s29] =	ssyncadd.s32 $0xFFFFFFFF  }
0xb7: {  	_ =	strace $0x90000048  }
0xb8: {  	_ =	sfence  }
0xb9: {  	s30 =	sld [smem:$0x0];
	_ =	sdelay $0x2  }
0xba: {  	s31 =	sshll.u32 s1, $0xD;
	s1 =	sshrl.u32 s1, $0x2  }
0xbb: {  	s3 =	sand.u32 $0x4000, s31;
	s1 =	sadd.s32 s1, s30  }
0xbc: {  	s0 =	sor.u32 s3, s0;
	s1 =	sshll.u32 s1, $0x11  }
0xbd: {  	s0 =	sor.u32 s1, s0  }
0xbe: {  	s0 =	sadd.s32 $0x8F2B, s0  }
0xbf: {  	[sflag:s0] =	ssyncadd.remote.s32 $0x1  }
0xc0: {  	_ =	sfence.sel $0xFFFF  }
0xc1: {  	[dreg:$0x0] =	wrdreg $0xFFFFFFFF;
	(pc) =	sbr.abs _section_cstart, $3  }
0xc2: {  	[dreg:$0x1] =	wrdreg $0xFFFFFFFF  }
0xc3: {  	_ =	task.clear_ibuf [dreg:s8], $0x2FFFF;
	_ =	strace $0x9FFFFFFF  }
0xc4: {  	(tm) =	ssettm $0x7FFFFFFF  }
0xc5: {  	_ =	shalt  }
tec
execute0_lowered:
.L_overlay_start_1:
0x0: {  	(tag) =	ssettag $0x1  }
0x1: {  	s1 =	rddreg [dreg:$0x0];
	s2 =	srdreg.scid  }
0x2: {  	s4 =	rddreg [dreg:$0x1];
	s0 =	stileid.u32;
	s22 =	sand.u32 $0x1, s2  }
0x3: {  	s14 =	rddreg [dreg:$0x2];
	s5 =	sshll.u32 s0, $0xA;
	s6 =	sshll.u32 s22, $0x9  }
0x4: {  	s3 =	simm.s32 $0x0;
	s2 =	rddreg [dreg:$0x3];
	s15 =	sor.u32 s6, s5  }
0x5: {  	[smem:$0x7FF] =	sst s3;
	s5 =	sshrl.u32 s15, $0x3  }
0x6: {  	_ =	strace $0x80000047;
	s4 =	sadd.s32 s4, s5;
	s5 =	simm.s32 $0x6  }
0x7: {  	[tilespmem:s3], [sflag:$0x6] =	stream.linear.gather [hbm4b:s4+s3], $0x200, $0x38;
	[tilespmem:$0x10200] =	vst v63  }
0x8: {  	_ =	swait.ge [sflag:s5], $0x200  }
0x9: {  	[sflag:s5] =	ssyncset.done $0x0  }
0xa: {  	s7 =	simm.s32 $0x200;
	s6 =	simm.s32 $0x80;
	[sflag:s5] =	ssyncadd.s32 $0xFFFFFE00  }
0xb: {  	[tilespmem:s7], [sflag:$0x1] =	stream.indirect.gather [hbm4b:s1+s6], $0x80, s3, s6, $0xb8;
	[tilespmem:$0x10200] =	vst v63  }
0xc: {  	s8 =	simm.s32 $0x4200  }
0xd: {  	[tilespmem:s8], [sflag:$0x2] =	stream.indirect.gather [hbm4b:s1+s6], $0x80, s6, s6, $0xb8;
	[tilespmem:$0x10200] =	vst v63  }
0xe: {  	s9 =	simm.s32 $0x100;
	s10 =	simm.s32 $0x8200  }
0xf: {  	[tilespmem:s10], [sflag:$0x3] =	stream.indirect.gather [hbm4b:s1+s6], $0x80, s9, s6, $0xb8;
	[tilespmem:$0x10200] =	vst v63  }
0x10: {  	s11 =	simm.s32 $0x180;
	s12 =	simm.s32 $0xC200;
	s13 =	simm.s32 $0x1  }
0x11: {  	[tilespmem:s12], [sflag:$0x4] =	stream.indirect.gather [hbm4b:s1+s6], $0x80, s11, s6, $0xb8;
	[tilespmem:$0x10200] =	vst v63  }
0x12: {  	s15 =	sshll.u32 s15, $0x4;
	_ =	swait.ge [sflag:s13], $0x4000  }
0x13: {  	s20 =	sadd.s32 s15, s14;
	[sflag:s13] =	ssyncset.done $0x0  }
0x14: {  	s15 =	simm.s32 $0x2;
	s14 =	sadd.s32 $0x1C00, s20;
	[sflag:s13] =	ssyncadd.s32 $0xFFFFC000  }
0x15: {  	[hbm4b:s14+s3] =	stream.linear.scatter [tilespmem:s7], [sflag:$0x5], $0x4000, $0x38;
	[tilespmem:$0x10200] =	vst v63  }
0x16: {  	_ =	swait.ge [sflag:s15], $0x4000  }
0x17: {  	[sflag:s15] =	ssyncset.done $0x0  }
0x18: {  	s17 =	simm.s32 $0x3;
	s16 =	sadd.s32 $0x2400, s20;
	[sflag:s15] =	ssyncadd.s32 $0xFFFFC000  }
0x19: {  	[hbm4b:s16+s3] =	stream.linear.scatter [tilespmem:s8], [sflag:$0x5], $0x4000, $0x38;
	[tilespmem:$0x10200] =	vst v63  }
0x1a: {  	_ =	swait.ge [sflag:s17], $0x4000  }
0x1b: {  	[sflag:s17] =	ssyncset.done $0x0  }
0x1c: {  	s19 =	simm.s32 $0x4;
	s18 =	sadd.s32 $0x2C00, s20;
	[sflag:s17] =	ssyncadd.s32 $0xFFFFC000  }
0x1d: {  	[hbm4b:s18+s3] =	stream.linear.scatter [tilespmem:s10], [sflag:$0x5], $0x4000, $0x38;
	[tilespmem:$0x10200] =	vst v63  }
0x1e: {  	_ =	swait.ge [sflag:s19], $0x4000  }
0x1f: {  	[sflag:s19] =	ssyncset.done $0x0  }
0x20: {  	s21 =	sadd.s32 $0x3400, s20;
	s20 =	simm.s32 $0x5;
	[sflag:s19] =	ssyncadd.s32 $0xFFFFC000  }
0x21: {  	[hbm4b:s21+s3] =	stream.linear.scatter [tilespmem:s12], [sflag:$0x5], $0x4000, $0x38;
	[tilespmem:$0x10200] =	vst v63  }
0x22: {  	_ =	swait.ge [sflag:s20], $0x4000  }
0x23: {  	s22 =	ssub.s32 $0x2, s22;
	[sflag:s20] =	ssyncset.done $0x0  }
0x24: {  	s23 =	sshrl.u32 s22, $0x1;
	[sflag:s20] =	ssyncadd.s32 $0xFFFFC000  }
0x25: {  	s22 =	ssub.s32 s22, s23;
	_ =	swait.ge [sflag:s20], $0x4000  }
0x26: {  	s22 =	smax.u32 s22, $0x1;
	[sflag:s20] =	ssyncset.done $0x0  }
0x27: {  	p0 =	sne.s32 s22, $0x1;
	[sflag:s20] =	ssyncadd.s32 $0xFFFFC000  }
.Ltmp0:
0x28: {  	_ =	swait.ge [sflag:s20], $0x4000;
	(pc) =	sbr.rel @!p0 .LBB2_2-.Ltmp0, $4  }
0x29: {  	[sflag:s20] =	ssyncset.done $0x0  }
0x2a: {  	[sflag:s20] =	ssyncadd.s32 $0xFFFFC000  }
0x2b: {  	_ =	swait.ge [sflag:s20], $0x4000  }
0x2c: {  	s22 =	sadd.s32 $0xFFFFFFFF, s22;
	[sflag:s20] =	ssyncset.done $0x0  }
.LBB2_1:
0x2d: {  	p0 =	sne.s32 s22, $0x1;
	s22 =	sadd.s32 $0xFFFFFFFF, s22;
	[sflag:s20] =	ssyncadd.s32 $0xFFFFC000  }
0x2e: {  	[tilespmem:s3], [sflag:$0x6] =	stream.linear.gather [hbm4b:s4+s3], $0x200, $0x38;
	[tilespmem:$0x10200] =	vst v63  }
0x2f: {  	_ =	swait.ge [sflag:s5], $0x200  }
0x30: {  	[sflag:s5] =	ssyncset.done $0x0  }
0x31: {  	[sflag:s5] =	ssyncadd.s32 $0xFFFFFE00  }
0x32: {  	[tilespmem:s7], [sflag:$0x1] =	stream.indirect.gather [hbm4b:s1+s6], $0x80, s3, s6, $0xb8;
	[tilespmem:$0x10200] =	vst v63  }
0x33: {  	_ = 	snop  }
0x34: {  	[tilespmem:s8], [sflag:$0x2] =	stream.indirect.gather [hbm4b:s1+s6], $0x80, s6, s6, $0xb8;
	[tilespmem:$0x10200] =	vst v63  }
0x35: {  	_ = 	snop  }
0x36: {  	[tilespmem:s10], [sflag:$0x3] =	stream.indirect.gather [hbm4b:s1+s6], $0x80, s9, s6, $0xb8;
	[tilespmem:$0x10200] =	vst v63  }
0x37: {  	_ = 	snop  }
0x38: {  	[tilespmem:s12], [sflag:$0x4] =	stream.indirect.gather [hbm4b:s1+s6], $0x80, s11, s6, $0xb8;
	[tilespmem:$0x10200] =	vst v63  }
0x39: {  	_ =	swait.ge [sflag:s13], $0x4000  }
0x3a: {  	[sflag:s13] =	ssyncset.done $0x0  }
0x3b: {  	[sflag:s13] =	ssyncadd.s32 $0xFFFFC000  }
0x3c: {  	[hbm4b:s14+s3] =	stream.linear.scatter [tilespmem:s7], [sflag:$0x5], $0x4000, $0x38;
	[tilespmem:$0x10200] =	vst v63  }
0x3d: {  	_ =	swait.ge [sflag:s15], $0x4000  }
0x3e: {  	[sflag:s15] =	ssyncset.done $0x0  }
0x3f: {  	[sflag:s15] =	ssyncadd.s32 $0xFFFFC000  }
0x40: {  	[hbm4b:s16+s3] =	stream.linear.scatter [tilespmem:s8], [sflag:$0x5], $0x4000, $0x38;
	[tilespmem:$0x10200] =	vst v63  }
0x41: {  	_ =	swait.ge [sflag:s17], $0x4000  }
0x42: {  	[sflag:s17] =	ssyncset.done $0x0  }
0x43: {  	[sflag:s17] =	ssyncadd.s32 $0xFFFFC000  }
0x44: {  	[hbm4b:s18+s3] =	stream.linear.scatter [tilespmem:s10], [sflag:$0x5], $0x4000, $0x38;
	[tilespmem:$0x10200] =	vst v63  }
0x45: {  	_ =	swait.ge [sflag:s19], $0x4000  }
0x46: {  	[sflag:s19] =	ssyncset.done $0x0  }
0x47: {  	[sflag:s19] =	ssyncadd.s32 $0xFFFFC000  }
0x48: {  	[hbm4b:s21+s3] =	stream.linear.scatter [tilespmem:s12], [sflag:$0x5], $0x4000, $0x38;
	[tilespmem:$0x10200] =	vst v63  }
0x49: {  	_ =	swait.ge [sflag:s20], $0x4000  }
0x4a: {  	[sflag:s20] =	ssyncset.done $0x0  }
0x4b: {  	[sflag:s20] =	ssyncadd.s32 $0xFFFFC000  }
0x4c: {  	_ =	swait.ge [sflag:s20], $0x4000  }
0x4d: {  	[sflag:s20] =	ssyncset.done $0x0  }
0x4e: {  	[sflag:s20] =	ssyncadd.s32 $0xFFFFC000  }
.Ltmp1:
0x4f: {  	_ =	swait.ge [sflag:s20], $0x4000;
	(pc) =	sbr.rel @p0 .LBB2_1-.Ltmp1, $4  }
0x50: {  	[sflag:s20] =	ssyncset.done $0x0  }
0x51: {  	[sflag:s20] =	ssyncadd.s32 $0xFFFFC000  }
0x52: {  	_ =	swait.ge [sflag:s20], $0x4000  }
0x53: {  	[sflag:s20] =	ssyncset.done $0x0  }
.LBB2_2:
0x54: {  	[sflag:s20] =	ssyncadd.s32 $0xFFFFC000  }
0x55: {  	_ =	sfence.sel $0x180000  }
0x56: {  	[bflag:$0x0] =	sbarrier.arrive $0xFFFF  }
0x57: {  	p0 =	sne.s32 s0, $0x0;
	_ =	strace $0x90000047  }
0x58: {  	s0 =	sadd.s32 @!p0 $0x100000, s2;
	[bflag:$0x2] =	sbarrier.arrive $0xFFFF  }
0x59: {  	[sflag:s0] =	ssyncadd.tile.s32 @!p0 $0x1;
	_ =	shalt  }
.Lfunc_end2:
_tile_overlayer_lowered:
.L_overlay_start_2:
0x5a: {  	(tag) =	ssettag $0x2  }
0x5b: {  	s0 =	rddreg [dreg:$0x0];
	s2 =	stileid.u32  }
0x5c: {  	s1 =	rddreg [dreg:$0x1];
	p0 =	sne.s32 s2, $0x0  }
0x5d: {  	s3 =	rddreg [dreg:$0x2];
	[bflag:$0x3] =	sbarrier.arrive $0xFFFF;
	s2 =	simm.s32 @!p0 $0x1C06  }
0x5e: {  	[timem:s3], [sflag:s2] =	dma.local @!p0 [hbm:s0], s1  }
0x5f: {  	s0 =	simm.s32 @!p0 $0x6  }
0x60: {  	_ =	swait.ge @!p0 [sflag:s0], s1  }
0x61: {  	s1 =	ssub.s32 @!p0 $0x0, s1;
	[sflag:s0] =	ssyncset.done @!p0 $0x0  }
0x62: {  	[sflag:s0] =	ssyncadd.s32 @!p0 s1  }
0x63: {  	[bflag:$0x3] =	sbarrier.arrive $0xFFFF  }
0x64: {  	_ =	shalt  }

// kernel: kernel.9.cloned.1.call-start
scs
__scs_entry_jumppad:
0x0: {  	(pc) =	sbr.rel $0x88, $3  }
0x1: {  	(tag) =	ssettag $0x0;
	lr =	simm.s32 $0x1  }
0x2: {  	[smem:$0x3F98] =	sst lr;
	_ =	strace $0xD0000000  }
0x3: {  	_ = 	snop  }
0x4: {  	_ = 	snop  }
0x5: {  	_ = 	snop  }
0x6: {  	_ = 	snop  }
0x7: {  	_ = 	snop  }
__scs_overlays_trampoline_lowered:
0x8: {  	[smem:$0x3FA7] =	sst s0  }
0x9: {  	[smem:$0x3FA8] =	sst s1  }
0xa: {  	[smem:$0x3FA9] =	sst s2  }
0xb: {  	[smem:$0x3FAA] =	sst s3  }
0xc: {  	[smem:$0x3FAB] =	sst s4  }
0xd: {  	[smem:$0x3FAC] =	sst s5  }
0xe: {  	[smem:$0x3FAD] =	sst s6  }
0xf: {  	[smem:$0x3FAE] =	sst s7  }
0x10: {  	[smem:$0x3FAF] =	sst s8  }
0x11: {  	[smem:$0x3FB0] =	sst s9;
	s0 =	simm.s32 @!p0 $0x0  }
0x12: {  	s1 =	sld [smem:$0x3F96];
	s0 =	simm.s32 @p0 $0x1  }
0x13: {  	[smem:$0x3FB1] =	sst s0;
	s0 =	simm.s32 @!p1 $0x0  }
0x14: {  	s2 =	sld [smem:$0x3F95];
	s0 =	simm.s32 @p1 $0x1  }
0x15: {  	[smem:$0x3FB2] =	sst s0;
	s0 =	simm.s32 @!p2 $0x0  }
0x16: {  	s3 =	sld [smem:$0x3FDB];
	s0 =	simm.s32 @p2 $0x1  }
0x17: {  	s4 =	simm.s32 $0x1BF5;
	[smem:$0x3FB4] =	sst s0  }
0x18: {  	s0 =	sld [smem:$0x3F97];
	_ =	swait.ge [sflag:s4], $0x0  }
0x19: {  	s7 =	sld [smem:$0x3F98]  }
0x1a: {  	s8 =	sadd.s32 $0xFFFFE003, lr  }
0x1b: {  	s9 =	sadd.s32 $0xFFFFFEF7, lr;
	s5 =	simm.s32 $0xFFFFFFFF;
	p2 =	slt.u32 s8, $0xFFFFF086  }
0x1c: {  	p1 =	slt.u32 s9, $0xF7A;
	s5 =	simm.s32 @!p2 $0x0  }
0x1d: {  	s5 =	simm.s32 @p1 $0x1;
	p0 =	seq.s32 s7, s2  }
0x1e: {  	s7 =	smul.u32 @!p0 $0xF7A, s2;
	p2 =	seq.s32 @!p0 s5, $0x0  }
0x1f: {  	s9 =	smul.u32 $0xF7A, s1;
	s8 =	simm.s32 @!p0 $0x1BF5;
	p2 =	por !p2, p0  }
0x20: {  	[sflag:s8] =	ssyncset.s32 @!p0 $0xFFFFF086;
	s6 =	sadd.s32 @!p0 s3, s7;
	s7 =	simm.s32 @!p0 $0x108  }
0x21: {  	s3 =	sadd.s32 s3, s9;
	s6 =	sadd.s32 @!p0 $0x88, s6;
	s7 =	simm.s32 @p2 $0x1082  }
0x22: {  	[simem:s7], [sflag:s8] =	dma.local @!p0 [hbm:s6], $0xF7A  }
0x23: {  	s9 =	sor.u32 $0xD0000000, s2;
	s6 =	simm.s32 $0x108;
	_ =	swait.ge @!p0 [sflag:s8], $0x0  }
0x24: {  	s3 =	sadd.s32 $0x88, s3;
	s6 =	simm.s32 @!p1 $0x1082;
	[sflag:s4] =	ssyncset.s32 $0xFFFFF086  }
0x25: {  	[simem:s6], [sflag:s4] =	dma.local [hbm:s3], $0xF7A  }
0x26: {  	[smem:$0x3F98] =	sst s1;
	(tag) =	ssettag s2;
	_ =	strace s9  }
0x27: {  	s1 =	sld [smem:$0x3FA8]  }
0x28: {  	s2 =	sld [smem:$0x3FA9]  }
0x29: {  	s4 =	sld [smem:$0x3FAB]  }
0x2a: {  	p0 =	seq.s32 s5, $0x0;
	s5 =	sld [smem:$0x3FAC]  }
0x2b: {  	s6 =	sld [smem:$0x3FAD]  }
0x2c: {  	s7 =	sld [smem:$0x3FAE]  }
0x2d: {  	s3 =	simm.s32 $0x108;
	s8 =	sld [smem:$0x3FAF]  }
0x2e: {  	s3 =	simm.s32 @!p0 $0x1082;
	s9 =	sld [smem:$0x3FB0]  }
0x2f: {  	lr =	sadd.s32 s0, s3;
	s0 =	sld [smem:$0x3FA7]  }
0x30: {  	s3 =	sld [smem:$0x3FAA]  }
0x31: {  	[smem:$0x3FB3] =	sst s10  }
0x32: {  	s10 =	sld [smem:$0x3FB1];
	_ =	sdelay $0x3  }
0x33: {  	p0 =	seq.s32 s10, $0x1;
	s10 =	sld [smem:$0x3FB3];
	_ =	sdelay $0x3  }
0x34: {  	[smem:$0x3FB3] =	sst s10  }
0x35: {  	s10 =	sld [smem:$0x3FB2];
	_ =	sdelay $0x3  }
0x36: {  	p1 =	seq.s32 s10, $0x1;
	s10 =	sld [smem:$0x3FB3];
	_ =	sdelay $0x3  }
0x37: {  	[smem:$0x3FB3] =	sst s10  }
0x38: {  	s10 =	sld [smem:$0x3FB4]  }
0x39: {  	_ = 	snop;
	(pc) =	sbr.ind lr, $3  }
0x3a: {  	_ = 	snop  }
0x3b: {  	_ = 	snop  }
0x3c: {  	p2 =	seq.s32 s10, $0x1;
	s10 =	sld [smem:$0x3FB3]  }
0x3d: {  	_ =	shalt  }
0x3e: {  	_ =	shalt  }
0x3f: {  	_ =	shalt  }
0x40: {  	_ =	shalt  }
0x41: {  	_ =	shalt  }
0x42: {  	_ =	shalt  }
0x43: {  	_ =	shalt  }
0x44: {  	_ =	shalt  }
0x45: {  	_ =	shalt  }
0x46: {  	_ =	shalt  }
0x47: {  	_ =	shalt  }
0x48: {  	_ =	shalt  }
0x49: {  	_ =	shalt  }
0x4a: {  	_ =	shalt  }
0x4b: {  	_ =	shalt  }
0x4c: {  	_ =	shalt  }
0x4d: {  	_ =	shalt  }
0x4e: {  	_ =	shalt  }
0x4f: {  	_ =	shalt  }
0x50: {  	_ =	shalt  }
0x51: {  	_ =	shalt  }
0x52: {  	_ =	shalt  }
0x53: {  	_ =	shalt  }
0x54: {  	_ =	shalt  }
0x55: {  	_ =	shalt  }
0x56: {  	_ =	shalt  }
0x57: {  	_ =	shalt  }
0x58: {  	_ =	shalt  }
0x59: {  	_ =	shalt  }
0x5a: {  	_ =	shalt  }
0x5b: {  	_ =	shalt  }
0x5c: {  	_ =	shalt  }
0x5d: {  	_ =	shalt  }
0x5e: {  	_ =	shalt  }
0x5f: {  	_ =	shalt  }
0x60: {  	_ =	shalt  }
0x61: {  	_ =	shalt  }
0x62: {  	_ =	shalt  }
0x63: {  	_ =	shalt  }
0x64: {  	_ =	shalt  }
0x65: {  	_ =	shalt  }
0x66: {  	_ =	shalt  }
0x67: {  	_ =	shalt  }
0x68: {  	_ =	shalt  }
0x69: {  	_ =	shalt  }
0x6a: {  	_ =	shalt  }
0x6b: {  	_ =	shalt  }
0x6c: {  	_ =	shalt  }
0x6d: {  	_ =	shalt  }
0x6e: {  	_ =	shalt  }
0x6f: {  	_ =	shalt  }
0x70: {  	_ =	shalt  }
0x71: {  	_ =	shalt  }
0x72: {  	_ =	shalt  }
0x73: {  	_ =	shalt  }
0x74: {  	_ =	shalt  }
0x75: {  	_ =	shalt  }
0x76: {  	_ =	shalt  }
0x77: {  	_ =	shalt  }
0x78: {  	_ =	shalt  }
0x79: {  	_ =	shalt  }
0x7a: {  	_ =	shalt  }
0x7b: {  	_ =	shalt  }
0x7c: {  	_ =	shalt  }
0x7d: {  	_ =	shalt  }
0x7e: {  	_ =	shalt  }
0x7f: {  	_ =	shalt  }
0x80: {  	_ =	shalt  }
0x81: {  	_ =	shalt  }
0x82: {  	_ =	shalt  }
0x83: {  	_ =	shalt  }
0x84: {  	_ =	shalt  }
0x85: {  	_ =	shalt  }
0x86: {  	_ =	shalt  }
0x87: {  	_ =	shalt  }
.Lfunc_end0:
.L_simem_size_0:
called_computation.1_lowered:
.L_overlay_start_0:
0x88: {  	s2 =	sld [smem:$0x3FD9]  }
0x89: {  	s3 =	sld [smem:$0x3FFE];
	_ =	sdelay $0x1  }
0x8a: {  	s1 =	srdreg.scid  }
0x8b: {  	s0 =	sand.u32 $0x1, s1  }
0x8c: {  	s15 =	sshll.u32 s0, $0xA;
	s2 =	sadd.s32 s3, s2  }
0x8d: {  	s2 =	sadd.s32 s2, s15  }
0x8e: {  	[smem:$0x3FBF] =	sst s2  }
0x8f: {  	_ = 	snop  }
0x90: {  	s16 =	sld [smem:$0x3FD0];
	_ =	sdelay $0x1  }
0x91: {  	s2 =	sld [smem:$0x3FC9]  }
0x92: {  	s6 =	simm.s32 $0xB;
	s5 =	simm.s32 $0x10;
	s4 =	sld [smem:$0x3FC6]  }
0x93: {  	[smem:s5], [sflag:s6] =	dma.local [hbm:s16], $0x1  }
0x94: {  	_ =	swait.eq [sflag:s6], $0x1  }
0x95: {  	[sflag:s6] =	ssyncset.done $0x0  }
0x96: {  	s17 =	sld [smem:$0x10];
	[sflag:s6] =	ssyncadd.s32 $0xFFFFFFFF  }
0x97: {  	s18 =	sld [smem:$0x11];
	(tm) =	ssettm $0x1  }
0x98: {  	s19 =	sld [smem:$0x3FFB];
	_ =	sdelay $0x3  }
0x99: {  	_ =	strace s19  }
0x9a: {  	s3 =	sld [smem:$0x3FFC];
	_ =	sdelay $0x3  }
0x9b: {  	_ =	strace s3  }
0x9c: {  	s3 =	sld [smem:$0x3FFD];
	_ =	sdelay $0x3  }
0x9d: {  	_ =	strace s3  }
0x9e: {  	_ =	strace $0x8FFFFFFF  }
0x9f: {  	s20 =	sld [smem:$0x3FDB];
	_ =	sdelay $0x1  }
0xa0: {  	s7 =	simm.s32 $_scs_section_size  }
0xa1: {  	s8 =	simm.s32 $_size__tile_overlayer_lowered;
	s9 =	simm.s32 $_tile_overlayer_lowered  }
0xa2: {  	s10 =	simm.s32 $0x1BFF;
	s21 =	sshll.u32 s9, $0x1;
	s7 =	sadd.s32 s7, s20  }
0xa3: {  	s22 =	simm.s32 $0x0;
	s8 =	sshll.u32 s8, $0x1;
	s9 =	sadd.s32 s21, s7  }
0xa4: {  	[timem:s22], [sflag:s10] =	dma.local [hbm:s9], s8  }
0xa5: {  	_ =	swait.ge [sflag:s10], s8  }
0xa6: {  	s8 =	ssub.s32 $0x0, s8;
	[sflag:s10] =	ssyncset.done $0x0  }
0xa7: {  	[sflag:s10] =	ssyncadd.s32 s8;
	_ =	sdelay $0x1  }
0xa8: {  	s23 =	simm.s32 $0x1B8B  }
0xa9: {  	_ =	swait.ge [sflag:s23], $0x1  }
0xaa: {  	[sflag:s23] =	ssyncset.done $0x0  }
0xab: {  	[sflag:s23] =	ssyncadd.s32 $0xFFFFFFFF  }
0xac: {  	s8 =	sld [smem:$0x0]  }
0xad: {  	s9 =	sand.u32 $0xFFFFFFFE, s1  }
0xae: {  	p0 =	sne.s32 s1, s9  }
0xaf: {  	s9 =	sshll.u32 @p0 s9, $0xE  }
0xb0: {  	s9 =	sadd.s32 @p0 $0x11B8D, s9;
	s10 =	sshll.u32 @p0 s8, $0x11  }
0xb1: {  	s9 =	sor.u32 @p0 s10, s9  }
0xb2: {  	[sflag:s9] =	ssyncadd.remote.s32 @p0 $0x1;
	_ =	sdelay $0x1  }
0xb3: {  	s9 =	simm.s32 @p0 $0x1B8D  }
0xb4: {  	_ =	swait.eq @p0 [sflag:s9], $0x1  }
0xb5: {  	[sflag:s9] =	ssyncadd.s32 @p0 $0xFFFFFFFF  }
0xb6: {  	s10 =	sshll.u32 @!p0 s1, $0xE  }
0xb7: {  	s10 =	sor.u32 @!p0 $0x4000, s10;
	s9 =	simm.s32 @!p0 $0x1B8D  }
0xb8: {  	s8 =	sshll.u32 @!p0 s8, $0x11;
	s10 =	sadd.s32 @!p0 $0x11B8D, s10;
	_ =	swait.eq @!p0 [sflag:s9], $0x1  }
0xb9: {  	s8 =	sor.u32 @!p0 s8, s10;
	[sflag:s9] =	ssyncadd.s32 @!p0 $0xFFFFFFFF  }
0xba: {  	s25 =	simm.s32 $0x1B8E;
	s24 =	sld [smem:$0x3FFE];
	[sflag:s8] =	ssyncadd.remote.s32 @!p0 $0x1  }
0xbb: {  	s26 =	simm.s32 $execute0_lowered;
	[smem:$0x3FD2] =	sst s25  }
0xbc: {  	s9 =	sshll.u32 s26, $0x1;
	_ =	strace $0x80000049;
	[dreg:$0x1] =	wrdreg $0xFFFFFFFF  }
0xbd: {  	s28 =	simm.s32 $_size_execute0_lowered;
	s7 =	sadd.s32 s7, s9;
	[dreg:$0x0] =	wrdreg $0x0  }
0xbe: {  	s9 =	sshll.u32 s28, $0x1;
	[dreg:$0x2] =	wrdreg s7  }
0xbf: {  	[dreg:$0x3] =	wrdreg s9  }
0xc0: {  	[dreg:$0x4] =	wrdreg $0xC0  }
0xc1: {  	_ =	task [dreg:s22], $0x5FFFF  }
0xc2: {  	[dreg:$0x1] =	wrdreg $0xFFFFFFFF  }
0xc3: {  	[dreg:$0x0] =	wrdreg $0x60  }
0xc4: {  	[dreg:$0x2] =	wrdreg s4  }
0xc5: {  	[dreg:$0x3] =	wrdreg s2  }
0xc6: {  	[dreg:$0x4] =	wrdreg s24  }
0xc7: {  	[dreg:$0x5] =	wrdreg s18  }
0xc8: {  	[dreg:$0x6] =	wrdreg s17  }
0xc9: {  	[dreg:$0x7] =	wrdreg $0x2800  }
0xca: {  	[dreg:$0x8] =	wrdreg $0xA  }
0xcb: {  	_ =	task.clear_ibuf [dreg:s22], $0x9FFFF;
	_ =	strace $0x90000049  }
0xcc: {  	s29 =	simm.s32 $0xA;
	_ =	strace $0x8000004B  }
0xcd: {  	_ =	swait.ge [sflag:s29], $0x1  }
0xce: {  	[sflag:s29] =	ssyncadd.s32 $0xFFFFFFFF  }
0xcf: {  	_ =	strace $0x9000004B  }
0xd0: {  	_ =	sfence  }
0xd1: {  	s30 =	sld [smem:$0x0];
	_ =	sdelay $0x2  }
0xd2: {  	s31 =	sshll.u32 s1, $0xD;
	s1 =	sshrl.u32 s1, $0x2  }
0xd3: {  	s4 =	sand.u32 $0x4000, s31;
	s1 =	sadd.s32 s1, s30  }
0xd4: {  	s0 =	sor.u32 s4, s0;
	s1 =	sshll.u32 s1, $0x11  }
0xd5: {  	s0 =	sor.u32 s1, s0  }
0xd6: {  	s0 =	sadd.s32 $0x8F2B, s0  }
0xd7: {  	[sflag:s0] =	ssyncadd.remote.s32 $0x1  }
0xd8: {  	_ =	sfence.sel $0xFFFF  }
0xd9: {  	[dreg:$0x0] =	wrdreg $0xFFFFFFFF;
	(pc) =	sbr.abs _section_cstart, $3  }
0xda: {  	[dreg:$0x1] =	wrdreg $0xFFFFFFFF  }
0xdb: {  	_ =	task.clear_ibuf [dreg:s22], $0x2FFFF;
	_ =	strace $0x9FFFFFFF  }
0xdc: {  	(tm) =	ssettm $0x7FFFFFFF  }
0xdd: {  	_ =	shalt  }
tec
execute0_lowered:
.L_overlay_start_1:
0x0: {  	(tag) =	ssettag $0x1  }
0x1: {  	s0 =	rddreg [dreg:$0x0]  }
0x2: {  	s2 =	rddreg [dreg:$0x1];
	s6 =	srdreg.scid  }
0x3: {  	s4 =	rddreg [dreg:$0x2];
	s14 =	stileid.u32;
	s6 =	sand.u32 $0x1, s6  }
0x4: {  	s1 =	rddreg [dreg:$0x3];
	s9 =	sand.u32 $0x7, s14;
	s7 =	smul.u32 $0xC350, s6  }
0x5: {  	s5 =	rddreg [dreg:$0x4];
	s13 =	smul.u32 $0x60000, s9  }
0x6: {  	s8 =	rddreg [dreg:$0x5];
	s3 =	simm.s32 $0x0;
	s11 =	smul.u32 $0x1870, s9  }
0x7: {  	[smem:$0x7FF] =	sst s3;
	s19 =	sshrl.u32 s13, $0x2  }
0x8: {  	_ =	strace $0x8000004A;
	s7 =	sadd.s32 s7, s11;
	s11 =	sadd.s32 s19, s8  }
0x9: {  	s20 =	sshll.u32 s7, $0x4;
	[dreg:$0x7] =	wrdreg s11;
	s21 =	sadd.s32 $0xC000, s11  }
0xa: {  	s28 =	simm.s32 $0x200;
	s5 =	sadd.s32 s5, s20;
	[dreg:$0x8] =	wrdreg s21  }
0xb: {  	s29 =	simm.s32 $0x80;
	s22 =	sadd.s32 $0x1800, s5;
	[dreg:$0xa] =	wrdreg s5  }
0xc: {  	s4 =	sadd.s32 $0x41C00, s4;
	s23 =	sadd.s32 $0x3000, s5;
	[dreg:$0x9] =	wrdreg s22  }
0xd: {  	s18 =	sshll.u32 s14, $0x7;
	s24 =	sadd.s32 $0x4800, s5;
	[dreg:$0xb] =	wrdreg s23  }
0xe: {  	s10 =	ssub.s32 $0x2, s6;
	s25 =	sadd.s32 $0x6000, s5;
	[dreg:$0xc] =	wrdreg s24  }
0xf: {  	s6 =	sshll.u32 s6, $0x6;
	s26 =	sadd.s32 $0x7800, s5;
	[dreg:$0xd] =	wrdreg s25  }
0x10: {  	s2 =	sadd.s32 s2, s6;
	s6 =	sadd.s32 $0x9000, s5;
	[dreg:$0xe] =	wrdreg s26  }
0x11: {  	s12 =	sshrl.u32 s10, $0x1;
	s11 =	sadd.s32 $0xA800, s5;
	[dreg:$0xf] =	wrdreg s6  }
0x12: {  	s10 =	ssub.s32 s10, s12;
	s12 =	sadd.s32 $0xC000, s5;
	[dreg:$0x10] =	wrdreg s11  }
0x13: {  	p1 =	slt.u32 s14, $0x7;
	s15 =	sadd.s32 $0xD800, s5;
	[dreg:$0x11] =	wrdreg s12  }
0x14: {  	p2 =	seq.s32 s14, $0x7;
	s16 =	sadd.s32 $0xF000, s5;
	[dreg:$0x12] =	wrdreg s15  }
0x15: {  	p0 =	seq.s32 s9, $0x7;
	s17 =	sadd.s32 $0x10800, s5;
	[dreg:$0x13] =	wrdreg s16  }
0x16: {  	s7 =	sadd.s32 s18, s2;
	s18 =	sadd.s32 $0x12000, s5;
	[dreg:$0x14] =	wrdreg s17  }
0x17: {  	s2 =	simm.s32 $0x1;
	s19 =	sadd.s32 $0x13800, s5;
	[dreg:$0x15] =	wrdreg s18  }
0x18: {  	s21 =	sadd.s32 s0, s20;
	s20 =	sadd.s32 $0xA8000, s8;
	[dreg:$0x16] =	wrdreg s19  }
0x19: {  	[dreg:$0x17] =	wrdreg s20;
	s22 =	sadd.s32 $0xB4000, s8;
	s25 =	smax.u32 s10, $0x1  }
0x1a: {  	s23 =	sadd.s32 $0x15000, s5;
	s24 =	sadd.s32 $0x16800, s5;
	s26 =	sadd.s32 $0x18000, s5  }
0x1b: {  	s30 =	sadd.s32 $0x1800, s21;
	s31 =	sadd.s32 $0x3000, s21;
	s0 =	sadd.s32 $0x4800, s21  }
0x1c: {  	s9 =	sadd.s32 $0x6000, s21;
	s10 =	sadd.s32 $0x7800, s21;
	s11 =	sadd.s32 $0x9000, s21  }
0x1d: {  	s12 =	sadd.s32 $0xA800, s21;
	s13 =	sadd.s32 $0xC000, s21;
	s14 =	sadd.s32 $0xD800, s21  }
.Ltmp0:
0x1e: {  	s15 =	sadd.s32 $0xF000, s21;
	[dreg:$0x18] =	wrdreg s22;
	(pc) =	sbr.rel .LBB2_1-.Ltmp0, $4  }
0x1f: {  	s16 =	sadd.s32 $0x10800, s21;
	s17 =	sadd.s32 $0x12000, s21;
	[dreg:$0x19] =	wrdreg s23  }
0x20: {  	s18 =	sadd.s32 $0x13800, s21;
	s19 =	sadd.s32 $0x15000, s21;
	[dreg:$0x1a] =	wrdreg s24  }
0x21: {  	s20 =	sadd.s32 $0x16800, s21;
	s6 =	simm.s32 $0x100;
	[dreg:$0x1b] =	wrdreg s26  }
0x22: {  	s22 =	sadd.s32 $0x18000, s21;
	s26 =	simm.s32 $0x2;
	s23 =	simm.s32 $0x1DC2  }
.LBB2_5:
0x23: {  	s5 =	stileid.u32  }
0x24: {  	s8 =	rddreg [dreg:$0x7];
	s5 =	sshll.u32 s5, $0x6  }
0x25: {  	s8 =	sshrl.u32 s8, $0x3;
	s24 =	sor.u32 $0x1C02, s5  }
0x26: {  	[spmem:s8], [sflag:s24] =	dma.local [hbm:s21], $0x1800  }
0x27: {  	_ =	swait.ge [sflag:s26], $0x1800  }
0x28: {  	[sflag:s26] =	ssyncset.done $0x0  }
0x29: {  	[sflag:s26] =	ssyncadd.s32 $0xFFFFE800  }
0x2a: {  	[bflag:$0x0] =	sbarrier.arrive $0xFFFF  }
0x2b: {  	s5 =	rddreg [dreg:$0x8]  }
0x2c: {  	s5 =	sshrl.u32 s5, $0x3  }
0x2d: {  	[spmem:s5], [sflag:s24] =	dma.local [hbm:s30], $0x1800  }
0x2e: {  	_ =	swait.ge [sflag:s26], $0x1800  }
0x2f: {  	[sflag:s26] =	ssyncset.done $0x0  }
0x30: {  	[sflag:s26] =	ssyncadd.s32 $0xFFFFE800  }
0x31: {  	[bflag:$0x0] =	sbarrier.arrive $0xFFFF  }
0x32: {  	[spmem:s8], [sflag:s24] =	dma.local [hbm:s31], $0x1800  }
0x33: {  	_ =	swait.ge [sflag:s26], $0x1800  }
0x34: {  	[sflag:s26] =	ssyncset.done $0x0  }
0x35: {  	[sflag:s26] =	ssyncadd.s32 $0xFFFFE800  }
0x36: {  	[bflag:$0x0] =	sbarrier.arrive $0xFFFF  }
0x37: {  	[spmem:s5], [sflag:s24] =	dma.local [hbm:s0], $0x1800  }
0x38: {  	_ =	swait.ge [sflag:s26], $0x1800  }
0x39: {  	[sflag:s26] =	ssyncset.done $0x0  }
0x3a: {  	[sflag:s26] =	ssyncadd.s32 $0xFFFFE800  }
0x3b: {  	[bflag:$0x0] =	sbarrier.arrive $0xFFFF  }
0x3c: {  	[spmem:s8], [sflag:s24] =	dma.local [hbm:s9], $0x1800  }
0x3d: {  	_ =	swait.ge [sflag:s26], $0x1800  }
0x3e: {  	[sflag:s26] =	ssyncset.done $0x0  }
0x3f: {  	[sflag:s26] =	ssyncadd.s32 $0xFFFFE800  }
0x40: {  	[bflag:$0x0] =	sbarrier.arrive $0xFFFF  }
0x41: {  	[spmem:s5], [sflag:s24] =	dma.local [hbm:s10], $0x1800  }
0x42: {  	_ =	swait.ge [sflag:s26], $0x1800  }
0x43: {  	[sflag:s26] =	ssyncset.done $0x0  }
0x44: {  	[sflag:s26] =	ssyncadd.s32 $0xFFFFE800  }
0x45: {  	[bflag:$0x0] =	sbarrier.arrive $0xFFFF  }
0x46: {  	[spmem:s8], [sflag:s24] =	dma.local [hbm:s11], $0x1800  }
0x47: {  	_ =	swait.ge [sflag:s26], $0x1800  }
0x48: {  	[sflag:s26] =	ssyncset.done $0x0  }
0x49: {  	[sflag:s26] =	ssyncadd.s32 $0xFFFFE800  }
0x4a: {  	[bflag:$0x0] =	sbarrier.arrive $0xFFFF  }
0x4b: {  	[spmem:s5], [sflag:s24] =	dma.local [hbm:s12], $0x1800  }
0x4c: {  	_ =	swait.ge [sflag:s26], $0x1800  }
0x4d: {  	[sflag:s26] =	ssyncset.done $0x0  }
0x4e: {  	[sflag:s26] =	ssyncadd.s32 $0xFFFFE800  }
0x4f: {  	[bflag:$0x0] =	sbarrier.arrive $0xFFFF  }
0x50: {  	[spmem:s8], [sflag:s24] =	dma.local [hbm:s13], $0x1800  }
0x51: {  	_ =	swait.ge [sflag:s26], $0x1800  }
0x52: {  	[sflag:s26] =	ssyncset.done $0x0  }
0x53: {  	[sflag:s26] =	ssyncadd.s32 $0xFFFFE800  }
0x54: {  	[bflag:$0x0] =	sbarrier.arrive $0xFFFF  }
0x55: {  	[spmem:s5], [sflag:s24] =	dma.local [hbm:s14], $0x1800  }
0x56: {  	_ =	swait.ge [sflag:s26], $0x1800  }
0x57: {  	[sflag:s26] =	ssyncset.done $0x0  }
0x58: {  	[sflag:s26] =	ssyncadd.s32 $0xFFFFE800  }
0x59: {  	[bflag:$0x0] =	sbarrier.arrive $0xFFFF  }
0x5a: {  	[spmem:s8], [sflag:s24] =	dma.local [hbm:s15], $0x1800  }
0x5b: {  	_ =	swait.ge [sflag:s26], $0x1800  }
0x5c: {  	[sflag:s26] =	ssyncset.done $0x0  }
0x5d: {  	[sflag:s26] =	ssyncadd.s32 $0xFFFFE800  }
0x5e: {  	[bflag:$0x0] =	sbarrier.arrive $0xFFFF  }
0x5f: {  	[spmem:s5], [sflag:s24] =	dma.local [hbm:s16], $0x1800  }
0x60: {  	_ =	swait.ge [sflag:s26], $0x1800  }
0x61: {  	[sflag:s26] =	ssyncset.done $0x0  }
0x62: {  	[sflag:s26] =	ssyncadd.s32 $0xFFFFE800  }
0x63: {  	[bflag:$0x0] =	sbarrier.arrive $0xFFFF  }
0x64: {  	[spmem:s8], [sflag:s24] =	dma.local [hbm:s17], $0x1800  }
0x65: {  	_ =	swait.ge [sflag:s26], $0x1800  }
0x66: {  	[sflag:s26] =	ssyncset.done $0x0  }
0x67: {  	[sflag:s26] =	ssyncadd.s32 $0xFFFFE800  }
0x68: {  	[bflag:$0x0] =	sbarrier.arrive $0xFFFF  }
0x69: {  	[spmem:s5], [sflag:s24] =	dma.local [hbm:s18], $0x1800  }
0x6a: {  	_ =	swait.ge [sflag:s26], $0x1800  }
0x6b: {  	[sflag:s26] =	ssyncset.done $0x0  }
0x6c: {  	[sflag:s26] =	ssyncadd.s32 $0xFFFFE800  }
0x6d: {  	[bflag:$0x0] =	sbarrier.arrive $0xFFFF  }
0x6e: {  	[spmem:s8], [sflag:s24] =	dma.local [hbm:s19], $0x1800  }
0x6f: {  	_ =	swait.ge [sflag:s26], $0x1800  }
0x70: {  	[sflag:s26] =	ssyncset.done $0x0  }
0x71: {  	[sflag:s26] =	ssyncadd.s32 $0xFFFFE800  }
0x72: {  	[bflag:$0x0] =	sbarrier.arrive $0xFFFF  }
0x73: {  	[spmem:s5], [sflag:s24] =	dma.local [hbm:s20], $0x1800  }
0x74: {  	_ =	swait.ge [sflag:s26], $0x1800  }
0x75: {  	[sflag:s26] =	ssyncset.done $0x0  }
0x76: {  	[sflag:s26] =	ssyncadd.s32 $0xFFFFE800  }
0x77: {  	[bflag:$0x0] =	sbarrier.arrive $0xFFFF  }
0x78: {  	[spmem:s8], [sflag:s24] =	dma.local [hbm:s22], $0x700  }
0x79: {  	_ =	swait.ge [sflag:s26], $0x700  }
0x7a: {  	[sflag:s26] =	ssyncset.done $0x0  }
0x7b: {  	[sflag:s26] =	ssyncadd.s32 $0xFFFFF900  }
0x7c: {  	[bflag:$0x0] =	sbarrier.arrive $0xFFFF  }
.LBB2_8:
0x7d: {  	[bflag:$0x0] =	sbarrier.arrive $0xFFFF  }
0x7e: {  	_ =	swait.ge [sflag:s2], $0x80  }
0x7f: {  	[sflag:s2] =	ssyncset.done $0x0  }
0x80: {  	[sflag:s2] =	ssyncadd.s32 $0xFFFFFF80  }
0x81: {  	_ =	swait.ge [sflag:s2], $0x80  }
0x82: {  	[sflag:s2] =	ssyncset.done $0x0  }
0x83: {  	s25 =	sadd.s32 $0xFFFFFFFF, s25;
	[sflag:s2] =	ssyncadd.s32 $0xFFFFFF80  }
0x84: {  	p3 =	sne.s32 s25, $0x0;
	_ =	swait.ge [sflag:s2], $0x80  }
.Ltmp1:
0x85: {  	[sflag:s2] =	ssyncset.done $0x0;
	(pc) =	sbr.rel @!p3 .LBB2_9-.Ltmp1, $4  }
0x86: {  	[sflag:s2] =	ssyncadd.s32 $0xFFFFFF80  }
0x87: {  	_ =	swait.ge [sflag:s2], $0x80  }
0x88: {  	[sflag:s2] =	ssyncset.done $0x0  }
0x89: {  	[sflag:s2] =	ssyncadd.s32 $0xFFFFFF80  }
.LBB2_1:
0x8a: {  	[tilespmem:s3], [sflag:$0x2] =	stream.linear.gather [hbm4b:s7+s3], $0x200, $0x38;
	[tilespmem:$0xC280] =	vst v63  }
0x8b: {  	_ =	swait.ge [sflag:s26], $0x200  }
0x8c: {  	[sflag:s26] =	ssyncset.done $0x0  }
0x8d: {  	[sflag:s26] =	ssyncadd.s32 $0xFFFFFE00  }
0x8e: {  	[tilespmem:s28], [sflag:$0x2] =	stream.linear.gather [hbm4b:s4+s3], $0x80, $0x38;
	[tilespmem:$0xC280] =	vst v63  }
0x8f: {  	_ =	swait.ge [sflag:s26], $0x80  }
0x90: {  	[sflag:s26] =	ssyncset.done $0x0  }
0x91: {  	[sflag:s26] =	ssyncadd.s32 $0xFFFFFF80  }
0x92: {  	[hbm4b:s1+s29] =	stream.indirect.scatter [tilespmem:s28], [sflag:$0x1], $0x1, s3, s29, $0xb8;
	[tilespmem:$0xC280] =	vst v63  }
0x93: {  	_ = 	snop  }
0x94: {  	[hbm4b:s1+s29] =	stream.indirect.scatter [tilespmem:s28], [sflag:$0x1], $0x1, s29, s29, $0xb8;
	[tilespmem:$0xC280] =	vst v63  }
.Ltmp2:
0x95: {  	_ = 	snop;
	(pc) =	sbr.rel @p1 .LBB2_5-.Ltmp2, $4  }
0x96: {  	_ = 	snop  }
0x97: {  	[hbm4b:s1+s29] =	stream.indirect.scatter [tilespmem:s28], [sflag:$0x1], $0x1, s6, s29, $0xb8;
	[tilespmem:$0xC280] =	vst v63  }
0x98: {  	s5 =	simm.s32 $0x180  }
0x99: {  	[hbm4b:s1+s29] =	stream.indirect.scatter [tilespmem:s28], [sflag:$0x1], $0x1, s5, s29, $0xb8;
	[tilespmem:$0xC280] =	vst v63  }
.Ltmp3:
0x9a: {  	(pc) =	sbr.rel @!p2 .LBB2_3-.Ltmp3, $1  }
0x9b: {  	_ =	sdelay $0x3  }
0x9c: {  	s5 =	rddreg [dreg:$0x17]  }
0x9d: {  	s8 =	sshrl.u32 s5, $0x3  }
0x9e: {  	[spmem:s8], [sflag:s23] =	dma.local [hbm:s21], $0x1800  }
0x9f: {  	_ =	swait.ge [sflag:s26], $0x1800  }
0xa0: {  	[sflag:s26] =	ssyncset.done $0x0  }
0xa1: {  	[sflag:s26] =	ssyncadd.s32 $0xFFFFE800  }
0xa2: {  	[bflag:$0x0] =	sbarrier.arrive $0xFFFF  }
0xa3: {  	s24 =	rddreg [dreg:$0x18]  }
0xa4: {  	s5 =	sshrl.u32 s24, $0x3  }
0xa5: {  	[spmem:s5], [sflag:s23] =	dma.local [hbm:s30], $0x1800  }
0xa6: {  	_ =	swait.ge [sflag:s26], $0x1800  }
0xa7: {  	[sflag:s26] =	ssyncset.done $0x0  }
0xa8: {  	[sflag:s26] =	ssyncadd.s32 $0xFFFFE800  }
0xa9: {  	[bflag:$0x0] =	sbarrier.arrive $0xFFFF  }
0xaa: {  	[spmem:s8], [sflag:s23] =	dma.local [hbm:s31], $0x1800  }
0xab: {  	_ =	swait.ge [sflag:s26], $0x1800  }
0xac: {  	[sflag:s26] =	ssyncset.done $0x0  }
0xad: {  	[sflag:s26] =	ssyncadd.s32 $0xFFFFE800  }
0xae: {  	[bflag:$0x0] =	sbarrier.arrive $0xFFFF  }
0xaf: {  	[spmem:s5], [sflag:s23] =	dma.local [hbm:s0], $0x1800  }
0xb0: {  	_ =	swait.ge [sflag:s26], $0x1800  }
0xb1: {  	[sflag:s26] =	ssyncset.done $0x0  }
0xb2: {  	[sflag:s26] =	ssyncadd.s32 $0xFFFFE800  }
0xb3: {  	[bflag:$0x0] =	sbarrier.arrive $0xFFFF  }
0xb4: {  	[spmem:s8], [sflag:s23] =	dma.local [hbm:s9], $0x1800  }
0xb5: {  	_ =	swait.ge [sflag:s26], $0x1800  }
0xb6: {  	[sflag:s26] =	ssyncset.done $0x0  }
0xb7: {  	[sflag:s26] =	ssyncadd.s32 $0xFFFFE800  }
0xb8: {  	[bflag:$0x0] =	sbarrier.arrive $0xFFFF  }
0xb9: {  	[spmem:s5], [sflag:s23] =	dma.local [hbm:s10], $0x1800  }
0xba: {  	_ =	swait.ge [sflag:s26], $0x1800  }
0xbb: {  	[sflag:s26] =	ssyncset.done $0x0  }
0xbc: {  	[sflag:s26] =	ssyncadd.s32 $0xFFFFE800  }
0xbd: {  	[bflag:$0x0] =	sbarrier.arrive $0xFFFF  }
0xbe: {  	[spmem:s8], [sflag:s23] =	dma.local [hbm:s11], $0x1800  }
0xbf: {  	_ =	swait.ge [sflag:s26], $0x1800  }
0xc0: {  	[sflag:s26] =	ssyncset.done $0x0  }
0xc1: {  	[sflag:s26] =	ssyncadd.s32 $0xFFFFE800  }
0xc2: {  	[bflag:$0x0] =	sbarrier.arrive $0xFFFF  }
0xc3: {  	[spmem:s5], [sflag:s23] =	dma.local [hbm:s12], $0x1800  }
0xc4: {  	_ =	swait.ge [sflag:s26], $0x1800  }
0xc5: {  	[sflag:s26] =	ssyncset.done $0x0  }
0xc6: {  	[sflag:s26] =	ssyncadd.s32 $0xFFFFE800  }
0xc7: {  	[bflag:$0x0] =	sbarrier.arrive $0xFFFF  }
0xc8: {  	[spmem:s8], [sflag:s23] =	dma.local [hbm:s13], $0x1800  }
0xc9: {  	_ =	swait.ge [sflag:s26], $0x1800  }
0xca: {  	[sflag:s26] =	ssyncset.done $0x0  }
0xcb: {  	[sflag:s26] =	ssyncadd.s32 $0xFFFFE800  }
0xcc: {  	[bflag:$0x0] =	sbarrier.arrive $0xFFFF  }
0xcd: {  	[spmem:s5], [sflag:s23] =	dma.local [hbm:s14], $0x1800  }
0xce: {  	_ =	swait.ge [sflag:s26], $0x1800  }
0xcf: {  	[sflag:s26] =	ssyncset.done $0x0  }
0xd0: {  	[sflag:s26] =	ssyncadd.s32 $0xFFFFE800  }
0xd1: {  	[bflag:$0x0] =	sbarrier.arrive $0xFFFF  }
0xd2: {  	[spmem:s8], [sflag:s23] =	dma.local [hbm:s15], $0x1800  }
0xd3: {  	_ =	swait.ge [sflag:s26], $0x1800  }
0xd4: {  	[sflag:s26] =	ssyncset.done $0x0  }
0xd5: {  	[sflag:s26] =	ssyncadd.s32 $0xFFFFE800  }
0xd6: {  	[bflag:$0x0] =	sbarrier.arrive $0xFFFF  }
0xd7: {  	[spmem:s5], [sflag:s23] =	dma.local [hbm:s16], $0x1800  }
0xd8: {  	_ =	swait.ge [sflag:s26], $0x1800  }
0xd9: {  	[sflag:s26] =	ssyncset.done $0x0  }
0xda: {  	[sflag:s26] =	ssyncadd.s32 $0xFFFFE800  }
0xdb: {  	[bflag:$0x0] =	sbarrier.arrive $0xFFFF  }
0xdc: {  	[spmem:s8], [sflag:s23] =	dma.local [hbm:s17], $0x1800  }
0xdd: {  	_ =	swait.ge [sflag:s26], $0x1800  }
0xde: {  	[sflag:s26] =	ssyncset.done $0x0  }
0xdf: {  	[sflag:s26] =	ssyncadd.s32 $0xFFFFE800  }
0xe0: {  	[bflag:$0x0] =	sbarrier.arrive $0xFFFF  }
0xe1: {  	[spmem:s5], [sflag:s23] =	dma.local [hbm:s18], $0x1800  }
0xe2: {  	_ =	swait.ge [sflag:s26], $0x1800  }
0xe3: {  	[sflag:s26] =	ssyncset.done $0x0  }
0xe4: {  	[sflag:s26] =	ssyncadd.s32 $0xFFFFE800  }
0xe5: {  	[bflag:$0x0] =	sbarrier.arrive $0xFFFF  }
0xe6: {  	[spmem:s8], [sflag:s23] =	dma.local [hbm:s19], $0x1800  }
0xe7: {  	_ =	swait.ge [sflag:s26], $0x1800  }
0xe8: {  	[sflag:s26] =	ssyncset.done $0x0  }
0xe9: {  	[sflag:s26] =	ssyncadd.s32 $0xFFFFE800  }
0xea: {  	[bflag:$0x0] =	sbarrier.arrive $0xFFFF  }
0xeb: {  	[spmem:s5], [sflag:s23] =	dma.local [hbm:s20], $0x1800  }
0xec: {  	_ =	swait.ge [sflag:s26], $0x1800  }
0xed: {  	[sflag:s26] =	ssyncset.done $0x0  }
0xee: {  	[sflag:s26] =	ssyncadd.s32 $0xFFFFE800  }
0xef: {  	[bflag:$0x0] =	sbarrier.arrive $0xFFFF  }
0xf0: {  	[spmem:s8], [sflag:s23] =	dma.local [hbm:s22], $0x400  }
.Ltmp4:
0xf1: {  	_ =	swait.ge [sflag:s26], $0x400;
	(pc) =	sbr.rel .LBB2_8-.Ltmp4, $3  }
0xf2: {  	[sflag:s26] =	ssyncset.done $0x0  }
0xf3: {  	[sflag:s26] =	ssyncadd.s32 $0xFFFFFC00  }
0xf4: {  	[bflag:$0x0] =	sbarrier.arrive $0xFFFF;
	_ =	sdelay $0x1  }
.LBB2_3:
.Ltmp5:
0xf5: {  	(pc) =	sbr.rel @!p0 .LBB2_4-.Ltmp5, $4  }
0xf6: {  	_ = 	snop  }
0xf7: {  	s5 =	stileid.u32  }
0xf8: {  	[bflag:$0x0] =	sbarrier.arrive $0xFFFF;
	s5 =	sshll.u32 s5, $0x6  }
0xf9: {  	s24 =	sor.u32 $0x1C02, s5  }
0xfa: {  	s5 =	rddreg [dreg:$0x17]  }
0xfb: {  	s6 =	rddreg [dreg:$0xa];
	s8 =	sshrl.u32 s5, $0x3  }
0xfc: {  	[hbm:s6], [sflag:s24] =	dma.local [spmem:s8], $0x1800  }
0xfd: {  	_ =	swait.ge [sflag:s26], $0x1800  }
0xfe: {  	[sflag:s26] =	ssyncset.done $0x0  }
0xff: {  	[sflag:s26] =	ssyncadd.s32 $0xFFFFE800  }
0x100: {  	[bflag:$0x0] =	sbarrier.arrive $0xFFFF  }
0x101: {  	s6 =	rddreg [dreg:$0x18]  }
0x102: {  	s5 =	sshrl.u32 s6, $0x3;
	s6 =	rddreg [dreg:$0x9]  }
0x103: {  	[hbm:s6], [sflag:s24] =	dma.local [spmem:s5], $0x1800  }
0x104: {  	_ =	swait.ge [sflag:s26], $0x1800  }
0x105: {  	[sflag:s26] =	ssyncset.done $0x0  }
0x106: {  	[sflag:s26] =	ssyncadd.s32 $0xFFFFE800  }
0x107: {  	[bflag:$0x0] =	sbarrier.arrive $0xFFFF  }
0x108: {  	s6 =	rddreg [dreg:$0xb]  }
0x109: {  	[hbm:s6], [sflag:s24] =	dma.local [spmem:s8], $0x1800  }
0x10a: {  	_ =	swait.ge [sflag:s26], $0x1800  }
0x10b: {  	[sflag:s26] =	ssyncset.done $0x0  }
0x10c: {  	[sflag:s26] =	ssyncadd.s32 $0xFFFFE800  }
0x10d: {  	[bflag:$0x0] =	sbarrier.arrive $0xFFFF  }
0x10e: {  	s6 =	rddreg [dreg:$0xc]  }
0x10f: {  	[hbm:s6], [sflag:s24] =	dma.local [spmem:s5], $0x1800  }
0x110: {  	_ =	swait.ge [sflag:s26], $0x1800  }
0x111: {  	[sflag:s26] =	ssyncset.done $0x0  }
0x112: {  	[sflag:s26] =	ssyncadd.s32 $0xFFFFE800  }
0x113: {  	[bflag:$0x0] =	sbarrier.arrive $0xFFFF  }
0x114: {  	s6 =	rddreg [dreg:$0xd]  }
0x115: {  	[hbm:s6], [sflag:s24] =	dma.local [spmem:s8], $0x1800  }
0x116: {  	_ =	swait.ge [sflag:s26], $0x1800  }
0x117: {  	[sflag:s26] =	ssyncset.done $0x0  }
0x118: {  	[sflag:s26] =	ssyncadd.s32 $0xFFFFE800  }
0x119: {  	[bflag:$0x0] =	sbarrier.arrive $0xFFFF  }
0x11a: {  	s6 =	rddreg [dreg:$0xe]  }
0x11b: {  	[hbm:s6], [sflag:s24] =	dma.local [spmem:s5], $0x1800  }
0x11c: {  	_ =	swait.ge [sflag:s26], $0x1800  }
0x11d: {  	[sflag:s26] =	ssyncset.done $0x0  }
0x11e: {  	[sflag:s26] =	ssyncadd.s32 $0xFFFFE800  }
0x11f: {  	[bflag:$0x0] =	sbarrier.arrive $0xFFFF  }
0x120: {  	s6 =	rddreg [dreg:$0xf]  }
0x121: {  	[hbm:s6], [sflag:s24] =	dma.local [spmem:s8], $0x1800  }
0x122: {  	_ =	swait.ge [sflag:s26], $0x1800  }
0x123: {  	[sflag:s26] =	ssyncset.done $0x0  }
0x124: {  	[sflag:s26] =	ssyncadd.s32 $0xFFFFE800  }
0x125: {  	[bflag:$0x0] =	sbarrier.arrive $0xFFFF  }
0x126: {  	s6 =	rddreg [dreg:$0x10]  }
0x127: {  	[hbm:s6], [sflag:s24] =	dma.local [spmem:s5], $0x1800  }
0x128: {  	_ =	swait.ge [sflag:s26], $0x1800  }
0x129: {  	[sflag:s26] =	ssyncset.done $0x0  }
0x12a: {  	[sflag:s26] =	ssyncadd.s32 $0xFFFFE800  }
0x12b: {  	[bflag:$0x0] =	sbarrier.arrive $0xFFFF  }
0x12c: {  	s6 =	rddreg [dreg:$0x11]  }
0x12d: {  	[hbm:s6], [sflag:s24] =	dma.local [spmem:s8], $0x1800  }
0x12e: {  	_ =	swait.ge [sflag:s26], $0x1800  }
0x12f: {  	[sflag:s26] =	ssyncset.done $0x0  }
0x130: {  	[sflag:s26] =	ssyncadd.s32 $0xFFFFE800  }
0x131: {  	[bflag:$0x0] =	sbarrier.arrive $0xFFFF  }
0x132: {  	s6 =	rddreg [dreg:$0x12]  }
0x133: {  	[hbm:s6], [sflag:s24] =	dma.local [spmem:s5], $0x1800  }
0x134: {  	_ =	swait.ge [sflag:s26], $0x1800  }
0x135: {  	[sflag:s26] =	ssyncset.done $0x0  }
0x136: {  	[sflag:s26] =	ssyncadd.s32 $0xFFFFE800  }
0x137: {  	[bflag:$0x0] =	sbarrier.arrive $0xFFFF  }
0x138: {  	s6 =	rddreg [dreg:$0x13]  }
0x139: {  	[hbm:s6], [sflag:s24] =	dma.local [spmem:s8], $0x1800  }
0x13a: {  	_ =	swait.ge [sflag:s26], $0x1800  }
0x13b: {  	[sflag:s26] =	ssyncset.done $0x0  }
0x13c: {  	[sflag:s26] =	ssyncadd.s32 $0xFFFFE800  }
0x13d: {  	[bflag:$0x0] =	sbarrier.arrive $0xFFFF  }
0x13e: {  	s6 =	rddreg [dreg:$0x14]  }
0x13f: {  	[hbm:s6], [sflag:s24] =	dma.local [spmem:s5], $0x1800  }
0x140: {  	_ =	swait.ge [sflag:s26], $0x1800  }
0x141: {  	[sflag:s26] =	ssyncset.done $0x0  }
0x142: {  	[sflag:s26] =	ssyncadd.s32 $0xFFFFE800  }
0x143: {  	[bflag:$0x0] =	sbarrier.arrive $0xFFFF  }
0x144: {  	s6 =	rddreg [dreg:$0x15]  }
0x145: {  	[hbm:s6], [sflag:s24] =	dma.local [spmem:s8], $0x1800  }
0x146: {  	_ =	swait.ge [sflag:s26], $0x1800  }
0x147: {  	[sflag:s26] =	ssyncset.done $0x0  }
0x148: {  	[sflag:s26] =	ssyncadd.s32 $0xFFFFE800  }
0x149: {  	[bflag:$0x0] =	sbarrier.arrive $0xFFFF  }
0x14a: {  	s6 =	rddreg [dreg:$0x16]  }
0x14b: {  	[hbm:s6], [sflag:s24] =	dma.local [spmem:s5], $0x1800  }
0x14c: {  	_ =	swait.ge [sflag:s26], $0x1800  }
0x14d: {  	[sflag:s26] =	ssyncset.done $0x0  }
0x14e: {  	[sflag:s26] =	ssyncadd.s32 $0xFFFFE800  }
0x14f: {  	[bflag:$0x0] =	sbarrier.arrive $0xFFFF  }
0x150: {  	s6 =	rddreg [dreg:$0x19]  }
0x151: {  	[hbm:s6], [sflag:s24] =	dma.local [spmem:s8], $0x1800  }
0x152: {  	_ =	swait.ge [sflag:s26], $0x1800  }
0x153: {  	[sflag:s26] =	ssyncset.done $0x0  }
0x154: {  	[sflag:s26] =	ssyncadd.s32 $0xFFFFE800  }
0x155: {  	[bflag:$0x0] =	sbarrier.arrive $0xFFFF  }
0x156: {  	s6 =	rddreg [dreg:$0x1a]  }
0x157: {  	[hbm:s6], [sflag:s24] =	dma.local [spmem:s5], $0x1800  }
0x158: {  	_ =	swait.ge [sflag:s26], $0x1800  }
0x159: {  	[sflag:s26] =	ssyncset.done $0x0  }
0x15a: {  	[sflag:s26] =	ssyncadd.s32 $0xFFFFE800  }
0x15b: {  	[bflag:$0x0] =	sbarrier.arrive $0xFFFF  }
.Ltmp6:
0x15c: {  	s6 =	rddreg [dreg:$0x1b];
	(pc) =	sbr.rel .LBB2_8-.Ltmp6, $4  }
0x15d: {  	[hbm:s6], [sflag:s24] =	dma.local [spmem:s8], $0x400  }
0x15e: {  	_ =	swait.ge [sflag:s26], $0x400  }
0x15f: {  	[sflag:s26] =	ssyncset.done $0x0  }
0x160: {  	s6 =	simm.s32 $0x100;
	[sflag:s26] =	ssyncadd.s32 $0xFFFFFC00  }
.LBB2_4:
0x161: {  	s5 =	rddreg [dreg:$0x7]  }
0x162: {  	s6 =	rddreg [dreg:$0xa];
	s8 =	sshrl.u32 s5, $0x3  }
0x163: {  	[hbm:s6], [sflag:s24] =	dma.local [spmem:s8], $0x1800  }
0x164: {  	_ =	swait.ge [sflag:s26], $0x1800  }
0x165: {  	[sflag:s26] =	ssyncset.done $0x0  }
0x166: {  	[sflag:s26] =	ssyncadd.s32 $0xFFFFE800  }
0x167: {  	[bflag:$0x0] =	sbarrier.arrive $0xFFFF  }
0x168: {  	s6 =	rddreg [dreg:$0x8]  }
0x169: {  	s5 =	sshrl.u32 s6, $0x3;
	s6 =	rddreg [dreg:$0x9]  }
0x16a: {  	[hbm:s6], [sflag:s24] =	dma.local [spmem:s5], $0x1800  }
0x16b: {  	_ =	swait.ge [sflag:s26], $0x1800  }
0x16c: {  	[sflag:s26] =	ssyncset.done $0x0  }
0x16d: {  	[sflag:s26] =	ssyncadd.s32 $0xFFFFE800  }
0x16e: {  	[bflag:$0x0] =	sbarrier.arrive $0xFFFF  }
0x16f: {  	s6 =	rddreg [dreg:$0xb]  }
0x170: {  	[hbm:s6], [sflag:s24] =	dma.local [spmem:s8], $0x1800  }
0x171: {  	_ =	swait.ge [sflag:s26], $0x1800  }
0x172: {  	[sflag:s26] =	ssyncset.done $0x0  }
0x173: {  	[sflag:s26] =	ssyncadd.s32 $0xFFFFE800  }
0x174: {  	[bflag:$0x0] =	sbarrier.arrive $0xFFFF  }
0x175: {  	s6 =	rddreg [dreg:$0xc]  }
0x176: {  	[hbm:s6], [sflag:s24] =	dma.local [spmem:s5], $0x1800  }
0x177: {  	_ =	swait.ge [sflag:s26], $0x1800  }
0x178: {  	[sflag:s26] =	ssyncset.done $0x0  }
0x179: {  	[sflag:s26] =	ssyncadd.s32 $0xFFFFE800  }
0x17a: {  	[bflag:$0x0] =	sbarrier.arrive $0xFFFF  }
0x17b: {  	s6 =	rddreg [dreg:$0xd]  }
0x17c: {  	[hbm:s6], [sflag:s24] =	dma.local [spmem:s8], $0x1800  }
0x17d: {  	_ =	swait.ge [sflag:s26], $0x1800  }
0x17e: {  	[sflag:s26] =	ssyncset.done $0x0  }
0x17f: {  	[sflag:s26] =	ssyncadd.s32 $0xFFFFE800  }
0x180: {  	[bflag:$0x0] =	sbarrier.arrive $0xFFFF  }
0x181: {  	s6 =	rddreg [dreg:$0xe]  }
0x182: {  	[hbm:s6], [sflag:s24] =	dma.local [spmem:s5], $0x1800  }
0x183: {  	_ =	swait.ge [sflag:s26], $0x1800  }
0x184: {  	[sflag:s26] =	ssyncset.done $0x0  }
0x185: {  	[sflag:s26] =	ssyncadd.s32 $0xFFFFE800  }
0x186: {  	[bflag:$0x0] =	sbarrier.arrive $0xFFFF  }
0x187: {  	s6 =	rddreg [dreg:$0xf]  }
0x188: {  	[hbm:s6], [sflag:s24] =	dma.local [spmem:s8], $0x1800  }
0x189: {  	_ =	swait.ge [sflag:s26], $0x1800  }
0x18a: {  	[sflag:s26] =	ssyncset.done $0x0  }
0x18b: {  	[sflag:s26] =	ssyncadd.s32 $0xFFFFE800  }
0x18c: {  	[bflag:$0x0] =	sbarrier.arrive $0xFFFF  }
0x18d: {  	s6 =	rddreg [dreg:$0x10]  }
0x18e: {  	[hbm:s6], [sflag:s24] =	dma.local [spmem:s5], $0x1800  }
0x18f: {  	_ =	swait.ge [sflag:s26], $0x1800  }
0x190: {  	[sflag:s26] =	ssyncset.done $0x0  }
0x191: {  	[sflag:s26] =	ssyncadd.s32 $0xFFFFE800  }
0x192: {  	[bflag:$0x0] =	sbarrier.arrive $0xFFFF  }
0x193: {  	s6 =	rddreg [dreg:$0x11]  }
0x194: {  	[hbm:s6], [sflag:s24] =	dma.local [spmem:s8], $0x1800  }
0x195: {  	_ =	swait.ge [sflag:s26], $0x1800  }
0x196: {  	[sflag:s26] =	ssyncset.done $0x0  }
0x197: {  	[sflag:s26] =	ssyncadd.s32 $0xFFFFE800  }
0x198: {  	[bflag:$0x0] =	sbarrier.arrive $0xFFFF  }
0x199: {  	s6 =	rddreg [dreg:$0x12]  }
0x19a: {  	[hbm:s6], [sflag:s24] =	dma.local [spmem:s5], $0x1800  }
0x19b: {  	_ =	swait.ge [sflag:s26], $0x1800  }
0x19c: {  	[sflag:s26] =	ssyncset.done $0x0  }
0x19d: {  	[sflag:s26] =	ssyncadd.s32 $0xFFFFE800  }
0x19e: {  	[bflag:$0x0] =	sbarrier.arrive $0xFFFF  }
0x19f: {  	s6 =	rddreg [dreg:$0x13]  }
0x1a0: {  	[hbm:s6], [sflag:s24] =	dma.local [spmem:s8], $0x1800  }
0x1a1: {  	_ =	swait.ge [sflag:s26], $0x1800  }
0x1a2: {  	[sflag:s26] =	ssyncset.done $0x0  }
0x1a3: {  	[sflag:s26] =	ssyncadd.s32 $0xFFFFE800  }
0x1a4: {  	[bflag:$0x0] =	sbarrier.arrive $0xFFFF  }
0x1a5: {  	s6 =	rddreg [dreg:$0x14]  }
0x1a6: {  	[hbm:s6], [sflag:s24] =	dma.local [spmem:s5], $0x1800  }
0x1a7: {  	_ =	swait.ge [sflag:s26], $0x1800  }
0x1a8: {  	[sflag:s26] =	ssyncset.done $0x0  }
0x1a9: {  	[sflag:s26] =	ssyncadd.s32 $0xFFFFE800  }
0x1aa: {  	[bflag:$0x0] =	sbarrier.arrive $0xFFFF  }
0x1ab: {  	s6 =	rddreg [dreg:$0x15]  }
0x1ac: {  	[hbm:s6], [sflag:s24] =	dma.local [spmem:s8], $0x1800  }
0x1ad: {  	_ =	swait.ge [sflag:s26], $0x1800  }
0x1ae: {  	[sflag:s26] =	ssyncset.done $0x0  }
0x1af: {  	[sflag:s26] =	ssyncadd.s32 $0xFFFFE800  }
0x1b0: {  	[bflag:$0x0] =	sbarrier.arrive $0xFFFF  }
0x1b1: {  	s6 =	rddreg [dreg:$0x16]  }
0x1b2: {  	[hbm:s6], [sflag:s24] =	dma.local [spmem:s5], $0x1800  }
0x1b3: {  	_ =	swait.ge [sflag:s26], $0x1800  }
0x1b4: {  	[sflag:s26] =	ssyncset.done $0x0  }
0x1b5: {  	[sflag:s26] =	ssyncadd.s32 $0xFFFFE800  }
0x1b6: {  	[bflag:$0x0] =	sbarrier.arrive $0xFFFF  }
0x1b7: {  	s6 =	rddreg [dreg:$0x19]  }
0x1b8: {  	[hbm:s6], [sflag:s24] =	dma.local [spmem:s8], $0x1800  }
0x1b9: {  	_ =	swait.ge [sflag:s26], $0x1800  }
0x1ba: {  	[sflag:s26] =	ssyncset.done $0x0  }
0x1bb: {  	[sflag:s26] =	ssyncadd.s32 $0xFFFFE800  }
0x1bc: {  	[bflag:$0x0] =	sbarrier.arrive $0xFFFF  }
0x1bd: {  	s6 =	rddreg [dreg:$0x1a]  }
0x1be: {  	[hbm:s6], [sflag:s24] =	dma.local [spmem:s5], $0x1800  }
0x1bf: {  	_ =	swait.ge [sflag:s26], $0x1800  }
0x1c0: {  	[sflag:s26] =	ssyncset.done $0x0  }
0x1c1: {  	[sflag:s26] =	ssyncadd.s32 $0xFFFFE800  }
0x1c2: {  	[bflag:$0x0] =	sbarrier.arrive $0xFFFF  }
.Ltmp7:
0x1c3: {  	s6 =	rddreg [dreg:$0x1b];
	(pc) =	sbr.rel .LBB2_8-.Ltmp7, $4  }
0x1c4: {  	[hbm:s6], [sflag:s24] =	dma.local [spmem:s8], $0x700  }
0x1c5: {  	_ =	swait.ge [sflag:s26], $0x700  }
0x1c6: {  	[sflag:s26] =	ssyncset.done $0x0  }
0x1c7: {  	s6 =	simm.s32 $0x100;
	[sflag:s26] =	ssyncadd.s32 $0xFFFFF900  }
.LBB2_9:
0x1c8: {  	_ =	sfence.sel $0x180000  }
0x1c9: {  	[bflag:$0x0] =	sbarrier.arrive $0xFFFF  }
0x1ca: {  	_ =	strace $0x9000004A  }
0x1cb: {  	s0 =	stileid.u32;
	[bflag:$0x2] =	sbarrier.arrive $0xFFFF  }
0x1cc: {  	p0 =	sne.s32 s0, $0x0;
	s0 =	rddreg [dreg:$0x6]  }
0x1cd: {  	s0 =	sadd.s32 @!p0 $0x100000, s0  }
0x1ce: {  	[sflag:s0] =	ssyncadd.tile.s32 @!p0 $0x1;
	_ =	shalt  }
.Lfunc_end2:
_tile_overlayer_lowered:
.L_overlay_start_2:
0x1cf: {  	(tag) =	ssettag $0x2  }
0x1d0: {  	s0 =	rddreg [dreg:$0x0];
	s2 =	stileid.u32  }
0x1d1: {  	s1 =	rddreg [dreg:$0x1];
	p0 =	sne.s32 s2, $0x0  }
0x1d2: {  	s3 =	rddreg [dreg:$0x2];
	[bflag:$0x3] =	sbarrier.arrive $0xFFFF;
	s2 =	simm.s32 @!p0 $0x1C02  }
0x1d3: {  	[timem:s3], [sflag:s2] =	dma.local @!p0 [hbm:s0], s1  }
0x1d4: {  	s0 =	simm.s32 @!p0 $0x2  }
0x1d5: {  	_ =	swait.ge @!p0 [sflag:s0], s1  }
0x1d6: {  	s1 =	ssub.s32 @!p0 $0x0, s1;
	[sflag:s0] =	ssyncset.done @!p0 $0x0  }
0x1d7: {  	[sflag:s0] =	ssyncadd.s32 @!p0 s1  }
0x1d8: {  	[bflag:$0x3] =	sbarrier.arrive $0xFFFF  }
0x1d9: {  	_ =	shalt  }

</sc_bundles>
